<compile_context>
chip_gen: v7x
topology: tpu7x:2x2x1
jax: 0.10.2.dev20260603
libtpu: 0.0.44.dev20260713+nightly
codegen_flags: <defaults>
</compile_context>

<pallas_src>
import functools

import jax
import jax.numpy as jnp
from jax import lax
from jax.experimental import pallas as pl
from jax.experimental.pallas import tpu as pltpu
from jax.experimental.pallas import tpu_sc as plsc

NC = 2
NS = 16
L = 16
NW = NC * NS
K = 128
NSTR = 2


def _sc_spmm(h, colw, roww, valw):
    N, D = h.shape
    cpw = colw.shape[1]
    ks = K // NSTR
    mesh = plsc.VectorSubcoreMesh(core_axis_name="c", subcore_axis_name="s")
    rps = ((-(-N // NS)) + 7) // 8 * 8

    @functools.partial(
        pl.kernel,
        out_type=jax.ShapeDtypeStruct((NC, N, D), jnp.float32),
        mesh=mesh,
        scratch_types=[
            pltpu.VMEM((cpw, K), jnp.int32),
            pltpu.VMEM((cpw, K), jnp.int32),
            pltpu.VMEM((cpw * K,), jnp.float32),
            pltpu.VMEM((K, D), jnp.float32),
            pltpu.VMEM_SHARED((N, D), jnp.float32),
            [pltpu.SemaphoreType.DMA] * NSTR,
        ],
    )
    def k(h_hbm, col_hbm, row_hbm, val_hbm, out_hbm,
          col_v, dst_v, val_v, rows_v, acc, sems):
        cid = lax.axis_index("c")
        sid = lax.axis_index("s")
        wid = sid * NC + cid

        def zero_body(i, carry):
            for d in range(D // L):
                rows_v[i, pl.ds(d * L, L)] = jnp.zeros((L,), jnp.float32)
            return carry

        lax.fori_loop(0, K, zero_body, 0)
        base = jnp.minimum(sid * rps, N - rps)
        off = 0
        while off < rps:
            sz = min(K, rps - off)
            pltpu.sync_copy(rows_v.at[pl.ds(0, sz)],
                            acc.at[pl.ds(base + off, sz)])
            off += sz
        plsc.subcore_barrier()

        pltpu.sync_copy(col_hbm.at[wid], col_v)
        pltpu.sync_copy(row_hbm.at[wid], dst_v)
        pltpu.sync_copy(val_hbm.at[wid], val_v)

        def chunk_body(g, carry):
            descs = [
                pltpu.async_copy(
                    h_hbm.at[col_v.at[g, pl.ds(s * ks, ks)]],
                    rows_v.at[pl.ds(s * ks, ks)], sems[s])
                for s in range(NSTR)
            ]
            for d in descs:
                d.wait()

            def scale_body(e16, c2):
                va = val_v[pl.ds(g * K + e16 * L, L)]
                for j in range(L):
                    vv = jnp.full((L,), va[j])
                    e = e16 * L + j
                    for d in range(D // L):
                        rows_v[e, pl.ds(d * L, L)] = (
                            rows_v[e, pl.ds(d * L, L)] * vv)
                return c2

            lax.fori_loop(0, K // L, scale_body, 0)

            pltpu.sync_copy(rows_v, acc.at[dst_v.at[g]], add=True)
            return carry

        lax.fori_loop(0, cpw, chunk_body, 0)
        plsc.subcore_barrier()

        pltpu.sync_copy(acc.at[pl.ds(base, rps)],
                        out_hbm.at[cid, pl.ds(base, rps)])

    return k(h, colw, roww, valw)


def _add_partials(p):
    _, N, D = p.shape

    def body(a_ref, b_ref, o_ref):
        o_ref[...] = a_ref[...] + b_ref[...]

    bn = N
    for cand in (2000, 1000, 500, 250, 128, 8):
        if N % cand == 0:
            bn = cand
            break
    grid = N // bn
    spec = pl.BlockSpec((bn, D), lambda i: (i, 0))
    return pl.pallas_call(
        body,
        out_shape=jax.ShapeDtypeStruct((N, D), jnp.float32),
        grid=(grid,),
        in_specs=[spec, spec],
        out_specs=spec,
    )(p[0], p[1])


def kernel(x, edge_index, edge_vals):
    N, D = x.shape
    E = edge_vals.shape[0]
    row = edge_index[0].astype(jnp.int32)
    col = edge_index[1].astype(jnp.int32)
    vals = edge_vals.astype(jnp.float32)

    cpw = -(-E // (NW * K))
    epad = NW * K * cpw
    pad = epad - E
    if pad:
        row = jnp.concatenate([row, jnp.zeros((pad,), jnp.int32)])
        col = jnp.concatenate([col, jnp.zeros((pad,), jnp.int32)])
        vals = jnp.concatenate([vals, jnp.zeros((pad,), jnp.float32)])
    roww = row.reshape(NW, cpw, K)
    colw = col.reshape(NW, cpw, K)
    valw = vals.reshape(NW, cpw * K)

    out = x.astype(jnp.float32)
    for _ in range(2):
        out = _add_partials(_sc_spmm(out, colw, roww, valw))
    return out

# --- scband reference (transcript-rebuilt; emitter-appended) ---
"""Pipeline reference for scband-stack-gcns-71339406786632 (READ-ONLY COPY).

The authoritative reference and input builder live on the scoring server;
editing this copy changes nothing except your own understanding.
"""

import jax, jax.numpy as jnp
import numpy as np

N = 10000
E = 320000
D = 128
NUM_LAYERS = 3  # num_gcn_layers = NUM_LAYERS - 1 = 2


def setup_inputs(seed: int = 0) -> dict:
    key = jax.random.key(seed)
    k1, k2, k3 = jax.random.split(key, 3)
    x = jax.random.normal(k1, (N, D), dtype=jnp.float32)
    edge_index = jax.random.randint(k2, (2, E), 0, N).astype(jnp.int64)
    edge_vals = jax.random.uniform(k3, (E,), dtype=jnp.float32)
    return {"x": x, "edge_index": edge_index, "edge_vals": edge_vals}


def reference(x, edge_index, edge_vals):
    # plainGCN: repeated torch.spmm(adj, h) where adj is a sparse [N, N] matrix
    # represented here in COO form: adj[row, col] = edge_vals.
    # spmm(adj, h)[i] = sum_{e: row[e]==i} edge_vals[e] * h[col[e]]
    row = edge_index[0]
    col = edge_index[1]
    out = x
    for _ in range(NUM_LAYERS - 1):
        msg = edge_vals[:, None] * jnp.take(out, col, axis=0)  # gather
        out = jax.ops.segment_sum(msg, row, num_segments=N)     # scatter-add
    return out

if __name__ == "__main__":
    import jax
    _d = setup_inputs()
    print(jax.jit(kernel)(*tuple(_d.values())))

</pallas_src>

<mosaic_0001>
#map = affine_map<(d0, d1) -> (0, 0)>
#map1 = affine_map<(d0, d1) -> (0, 0, 0)>
module attributes {stable_mosaic.version = 14 : i64} {
  func.func @k(%arg0: i32, %arg1: i32, %arg2: memref<10000x128xf32, #tpu.memory_space<hbm>>, %arg3: memref<32x79x128xi32, #tpu.memory_space<hbm>>, %arg4: memref<32x79x128xi32, #tpu.memory_space<hbm>>, %arg5: memref<32x10112xf32, #tpu.memory_space<hbm>>, %arg6: memref<2x10000x128xf32, #tpu.memory_space<hbm>>, %arg7: memref<79x128xi32, #tpu.memory_space<vmem>>, %arg8: memref<79x128xi32, #tpu.memory_space<vmem>>, %arg9: memref<10112xf32, #tpu.memory_space<vmem>>, %arg10: memref<128x128xf32, #tpu.memory_space<vmem>>, %arg11: memref<10000x128xf32, #tpu.memory_space<vmem_shared>>, %arg12: memref<!tpu.dma_semaphore, #tpu.memory_space<semaphore_mem>>, %arg13: memref<!tpu.dma_semaphore, #tpu.memory_space<semaphore_mem>>) attributes {dimension_semantics = [#tpu.dimension_semantics<core_parallel>, #tpu.dimension_semantics<subcore_parallel>], iteration_bounds = array<i64: 2, 16>, scalar_prefetch = 0 : i64, scratch_operands = 7 : i64, tpu.core_type = #tpu.core_type<sc_vector_subcore>, window_params = [{transform_indices = #map}, {transform_indices = #map1}, {transform_indices = #map1}, {transform_indices = #map}, {transform_indices = #map1}]} {
    %mul3A = arith.constant 2 : i32
    %mul3A_0 = arith.muli %arg1, %mul3A : i32
    %add3A = arith.addi %mul3A_0, %arg0 : i32
    %scan3A = arith.constant 0 : i32
    %scan3A_1 = arith.constant 0 : i32
    %scan3A_2 = arith.constant 128 : i32
    %scan3A_3 = arith.addi %scan3A_1, %scan3A_2 : i32
    %scan3A_4 = arith.constant 1 : i32
    scf.for %scan3A_26 = %scan3A_1 to %scan3A_3 step %scan3A_4  : i32 {
      %broadcast_in_dim3A = arith.constant 0.000000e+00 : f32
      %broadcast_in_dim3A_27 = vector.broadcast %broadcast_in_dim3A : f32 to vector<16xf32>
      %swap3A = arith.index_cast %scan3A_26 : i32 to index
      %swap3A_28 = arith.constant 0 : index
      %swap3A_29 = tpu.vector_load %arg10[%swap3A, %swap3A_28] {strides = array<i32>} : memref<128x128xf32, #tpu.memory_space<vmem>>, vector<1x16xf32>,
      %swap3A_30 = vector.shape_cast %swap3A_29 : vector<1x16xf32> to vector<16xf32>
      %swap3A_31 = vector.shape_cast %broadcast_in_dim3A_27 : vector<16xf32> to vector<1x16xf32>
      tpu.vector_store %arg10[%swap3A, %swap3A_28], %swap3A_31 {strides = array<i32>} : memref<128x128xf32, #tpu.memory_space<vmem>>, vector<1x16xf32>,
      %broadcast_in_dim3A_32 = arith.constant 0.000000e+00 : f32
      %broadcast_in_dim3A_33 = vector.broadcast %broadcast_in_dim3A_32 : f32 to vector<16xf32>
      %swap3A_34 = arith.index_cast %scan3A_26 : i32 to index
      %swap3A_35 = arith.constant 16 : index
      %swap3A_36 = tpu.vector_load %arg10[%swap3A_34, %swap3A_35] {strides = array<i32>} : memref<128x128xf32, #tpu.memory_space<vmem>>, vector<1x16xf32>,
      %swap3A_37 = vector.shape_cast %swap3A_36 : vector<1x16xf32> to vector<16xf32>
      %swap3A_38 = vector.shape_cast %broadcast_in_dim3A_33 : vector<16xf32> to vector<1x16xf32>
      tpu.vector_store %arg10[%swap3A_34, %swap3A_35], %swap3A_38 {strides = array<i32>} : memref<128x128xf32, #tpu.memory_space<vmem>>, vector<1x16xf32>,
      %broadcast_in_dim3A_39 = arith.constant 0.000000e+00 : f32
      %broadcast_in_dim3A_40 = vector.broadcast %broadcast_in_dim3A_39 : f32 to vector<16xf32>
      %swap3A_41 = arith.index_cast %scan3A_26 : i32 to index
      %swap3A_42 = arith.constant 32 : index
      %swap3A_43 = tpu.vector_load %arg10[%swap3A_41, %swap3A_42] {strides = array<i32>} : memref<128x128xf32, #tpu.memory_space<vmem>>, vector<1x16xf32>,
      %swap3A_44 = vector.shape_cast %swap3A_43 : vector<1x16xf32> to vector<16xf32>
      %swap3A_45 = vector.shape_cast %broadcast_in_dim3A_40 : vector<16xf32> to vector<1x16xf32>
      tpu.vector_store %arg10[%swap3A_41, %swap3A_42], %swap3A_45 {strides = array<i32>} : memref<128x128xf32, #tpu.memory_space<vmem>>, vector<1x16xf32>,
      %broadcast_in_dim3A_46 = arith.constant 0.000000e+00 : f32
      %broadcast_in_dim3A_47 = vector.broadcast %broadcast_in_dim3A_46 : f32 to vector<16xf32>
      %swap3A_48 = arith.index_cast %scan3A_26 : i32 to index
      %swap3A_49 = arith.constant 48 : index
      %swap3A_50 = tpu.vector_load %arg10[%swap3A_48, %swap3A_49] {strides = array<i32>} : memref<128x128xf32, #tpu.memory_space<vmem>>, vector<1x16xf32>,
      %swap3A_51 = vector.shape_cast %swap3A_50 : vector<1x16xf32> to vector<16xf32>
      %swap3A_52 = vector.shape_cast %broadcast_in_dim3A_47 : vector<16xf32> to vector<1x16xf32>
      tpu.vector_store %arg10[%swap3A_48, %swap3A_49], %swap3A_52 {strides = array<i32>} : memref<128x128xf32, #tpu.memory_space<vmem>>, vector<1x16xf32>,
      %broadcast_in_dim3A_53 = arith.constant 0.000000e+00 : f32
      %broadcast_in_dim3A_54 = vector.broadcast %broadcast_in_dim3A_53 : f32 to vector<16xf32>
      %swap3A_55 = arith.index_cast %scan3A_26 : i32 to index
      %swap3A_56 = arith.constant 64 : index
      %swap3A_57 = tpu.vector_load %arg10[%swap3A_55, %swap3A_56] {strides = array<i32>} : memref<128x128xf32, #tpu.memory_space<vmem>>, vector<1x16xf32>,
      %swap3A_58 = vector.shape_cast %swap3A_57 : vector<1x16xf32> to vector<16xf32>
      %swap3A_59 = vector.shape_cast %broadcast_in_dim3A_54 : vector<16xf32> to vector<1x16xf32>
      tpu.vector_store %arg10[%swap3A_55, %swap3A_56], %swap3A_59 {strides = array<i32>} : memref<128x128xf32, #tpu.memory_space<vmem>>, vector<1x16xf32>,
      %broadcast_in_dim3A_60 = arith.constant 0.000000e+00 : f32
      %broadcast_in_dim3A_61 = vector.broadcast %broadcast_in_dim3A_60 : f32 to vector<16xf32>
      %swap3A_62 = arith.index_cast %scan3A_26 : i32 to index
      %swap3A_63 = arith.constant 80 : index
      %swap3A_64 = tpu.vector_load %arg10[%swap3A_62, %swap3A_63] {strides = array<i32>} : memref<128x128xf32, #tpu.memory_space<vmem>>, vector<1x16xf32>,
      %swap3A_65 = vector.shape_cast %swap3A_64 : vector<1x16xf32> to vector<16xf32>
      %swap3A_66 = vector.shape_cast %broadcast_in_dim3A_61 : vector<16xf32> to vector<1x16xf32>
      tpu.vector_store %arg10[%swap3A_62, %swap3A_63], %swap3A_66 {strides = array<i32>} : memref<128x128xf32, #tpu.memory_space<vmem>>, vector<1x16xf32>,
      %broadcast_in_dim3A_67 = arith.constant 0.000000e+00 : f32
      %broadcast_in_dim3A_68 = vector.broadcast %broadcast_in_dim3A_67 : f32 to vector<16xf32>
      %swap3A_69 = arith.index_cast %scan3A_26 : i32 to index
      %swap3A_70 = arith.constant 96 : index
      %swap3A_71 = tpu.vector_load %arg10[%swap3A_69, %swap3A_70] {strides = array<i32>} : memref<128x128xf32, #tpu.memory_space<vmem>>, vector<1x16xf32>,
      %swap3A_72 = vector.shape_cast %swap3A_71 : vector<1x16xf32> to vector<16xf32>
      %swap3A_73 = vector.shape_cast %broadcast_in_dim3A_68 : vector<16xf32> to vector<1x16xf32>
      tpu.vector_store %arg10[%swap3A_69, %swap3A_70], %swap3A_73 {strides = array<i32>} : memref<128x128xf32, #tpu.memory_space<vmem>>, vector<1x16xf32>,
      %broadcast_in_dim3A_74 = arith.constant 0.000000e+00 : f32
      %broadcast_in_dim3A_75 = vector.broadcast %broadcast_in_dim3A_74 : f32 to vector<16xf32>
      %swap3A_76 = arith.index_cast %scan3A_26 : i32 to index
      %swap3A_77 = arith.constant 112 : index
      %swap3A_78 = tpu.vector_load %arg10[%swap3A_76, %swap3A_77] {strides = array<i32>} : memref<128x128xf32, #tpu.memory_space<vmem>>, vector<1x16xf32>,
      %swap3A_79 = vector.shape_cast %swap3A_78 : vector<1x16xf32> to vector<16xf32>
      %swap3A_80 = vector.shape_cast %broadcast_in_dim3A_75 : vector<16xf32> to vector<1x16xf32>
      tpu.vector_store %arg10[%swap3A_76, %swap3A_77], %swap3A_80 {strides = array<i32>} : memref<128x128xf32, #tpu.memory_space<vmem>>, vector<1x16xf32>,
    }
    %scan3A_5 = arith.constant 128 : i32
    %mul3A_6 = arith.constant 632 : i32
    %mul3A_7 = arith.muli %arg1, %mul3A_6 : i32
    %min3A = arith.constant 9368 : i32
    %min3A_8 = arith.minsi %mul3A_7, %min3A : i32
    %add3A_9 = arith.constant 0 : i32
    %add3A_10 = arith.addi %min3A_8, %add3A_9 : i32
    "tpu.region"() ({
      %run_scoped3A = tpu.sem_alloc : memref<!tpu.dma_semaphore, #tpu.memory_space<semaphore_mem>>
      %dma_start3A = arith.constant 0 : i32
      %dma_start3A_26 = arith.constant 0 : i32
      %dma_start3A_27 = tpu.memref_slice %arg10[%dma_start3A, %dma_start3A_26] : memref<128x128xf32, #tpu.memory_space<vmem>> -> memref<128x128xf32, #tpu.memory_space<vmem>>
      %dma_start3A_28 = arith.constant 0 : i32
      %dma_start3A_29 = tpu.memref_slice %arg11[%add3A_10, %dma_start3A_28] : memref<10000x128xf32, #tpu.memory_space<vmem_shared>> -> memref<128x128xf32, #tpu.memory_space<vmem_shared>>
      %dma_start3A_30 = arith.constant 0 : i32
      %dma_start3A_31 = tpu.memref_slice %arg11[%add3A_10, %dma_start3A_30] : memref<10000x128xf32, #tpu.memory_space<vmem_shared>> -> memref<128x128xf32, #tpu.memory_space<vmem_shared>>
      %dma_start3A_32 = arith.constant 0 : i32
      %dma_start3A_33 = arith.constant 0 : i32
      %dma_start3A_34 = tpu.memref_slice %arg10[%dma_start3A_32, %dma_start3A_33] : memref<128x128xf32, #tpu.memory_space<vmem>> -> memref<128x128xf32, #tpu.memory_space<vmem>>
      tpu.enqueue_dma source(%dma_start3A_34 : memref<128x128xf32, #tpu.memory_space<vmem>>) target(%dma_start3A_31 : memref<128x128xf32, #tpu.memory_space<vmem_shared>>) target_semaphore(%run_scoped3A : memref<!tpu.dma_semaphore, #tpu.memory_space<semaphore_mem>>)
      %dma_wait3A = arith.constant 0 : i32
      %dma_wait3A_35 = arith.constant 0 : i32
      %dma_wait3A_36 = tpu.memref_slice %arg10[%dma_wait3A, %dma_wait3A_35] : memref<128x128xf32, #tpu.memory_space<vmem>> -> memref<128x128xf32, #tpu.memory_space<vmem>>
      %dma_wait3A_37 = arith.constant 0 : i32
      %dma_wait3A_38 = tpu.memref_slice %arg11[%add3A_10, %dma_wait3A_37] : memref<10000x128xf32, #tpu.memory_space<vmem_shared>> -> memref<128x128xf32, #tpu.memory_space<vmem_shared>>
      %dma_wait3A_39 = arith.constant 0 : i32
      %dma_wait3A_40 = tpu.memref_slice %arg11[%add3A_10, %dma_wait3A_39] : memref<10000x128xf32, #tpu.memory_space<vmem_shared>> -> memref<128x128xf32, #tpu.memory_space<vmem_shared>>
      %dma_wait3A_41 = arith.constant 0 : i32
      %dma_wait3A_42 = arith.constant 0 : i32
      %dma_wait3A_43 = tpu.memref_slice %arg10[%dma_wait3A_41, %dma_wait3A_42] : memref<128x128xf32, #tpu.memory_space<vmem>> -> memref<128x128xf32, #tpu.memory_space<vmem>>
      tpu.wait_dma2 semaphore(%run_scoped3A : memref<!tpu.dma_semaphore, #tpu.memory_space<semaphore_mem>>) src(%dma_wait3A_43 : memref<128x128xf32, #tpu.memory_space<vmem>>) dst(%dma_wait3A_40 : memref<128x128xf32, #tpu.memory_space<vmem_shared>>)
      tpu.yield
    }) : () -> ()
    %add3A_11 = arith.constant 128 : i32
    %add3A_12 = arith.addi %min3A_8, %add3A_11 : i32
    "tpu.region"() ({
      %run_scoped3A = tpu.sem_alloc : memref<!tpu.dma_semaphore, #tpu.memory_space<semaphore_mem>>
      %dma_start3A = arith.constant 0 : i32
      %dma_start3A_26 = arith.constant 0 : i32
      %dma_start3A_27 = tpu.memref_slice %arg10[%dma_start3A, %dma_start3A_26] : memref<128x128xf32, #tpu.memory_space<vmem>> -> memref<128x128xf32, #tpu.memory_space<vmem>>
      %dma_start3A_28 = arith.constant 0 : i32
      %dma_start3A_29 = tpu.memref_slice %arg11[%add3A_12, %dma_start3A_28] : memref<10000x128xf32, #tpu.memory_space<vmem_shared>> -> memref<128x128xf32, #tpu.memory_space<vmem_shared>>
      %dma_start3A_30 = arith.constant 0 : i32
      %dma_start3A_31 = tpu.memref_slice %arg11[%add3A_12, %dma_start3A_30] : memref<10000x128xf32, #tpu.memory_space<vmem_shared>> -> memref<128x128xf32, #tpu.memory_space<vmem_shared>>
      %dma_start3A_32 = arith.constant 0 : i32
      %dma_start3A_33 = arith.constant 0 : i32
      %dma_start3A_34 = tpu.memref_slice %arg10[%dma_start3A_32, %dma_start3A_33] : memref<128x128xf32, #tpu.memory_space<vmem>> -> memref<128x128xf32, #tpu.memory_space<vmem>>
      tpu.enqueue_dma source(%dma_start3A_34 : memref<128x128xf32, #tpu.memory_space<vmem>>) target(%dma_start3A_31 : memref<128x128xf32, #tpu.memory_space<vmem_shared>>) target_semaphore(%run_scoped3A : memref<!tpu.dma_semaphore, #tpu.memory_space<semaphore_mem>>)
      %dma_wait3A = arith.constant 0 : i32
      %dma_wait3A_35 = arith.constant 0 : i32
      %dma_wait3A_36 = tpu.memref_slice %arg10[%dma_wait3A, %dma_wait3A_35] : memref<128x128xf32, #tpu.memory_space<vmem>> -> memref<128x128xf32, #tpu.memory_space<vmem>>
      %dma_wait3A_37 = arith.constant 0 : i32
      %dma_wait3A_38 = tpu.memref_slice %arg11[%add3A_12, %dma_wait3A_37] : memref<10000x128xf32, #tpu.memory_space<vmem_shared>> -> memref<128x128xf32, #tpu.memory_space<vmem_shared>>
      %dma_wait3A_39 = arith.constant 0 : i32
      %dma_wait3A_40 = tpu.memref_slice %arg11[%add3A_12, %dma_wait3A_39] : memref<10000x128xf32, #tpu.memory_space<vmem_shared>> -> memref<128x128xf32, #tpu.memory_space<vmem_shared>>
      %dma_wait3A_41 = arith.constant 0 : i32
      %dma_wait3A_42 = arith.constant 0 : i32
      %dma_wait3A_43 = tpu.memref_slice %arg10[%dma_wait3A_41, %dma_wait3A_42] : memref<128x128xf32, #tpu.memory_space<vmem>> -> memref<128x128xf32, #tpu.memory_space<vmem>>
      tpu.wait_dma2 semaphore(%run_scoped3A : memref<!tpu.dma_semaphore, #tpu.memory_space<semaphore_mem>>) src(%dma_wait3A_43 : memref<128x128xf32, #tpu.memory_space<vmem>>) dst(%dma_wait3A_40 : memref<128x128xf32, #tpu.memory_space<vmem_shared>>)
      tpu.yield
    }) : () -> ()
    %add3A_13 = arith.constant 256 : i32
    %add3A_14 = arith.addi %min3A_8, %add3A_13 : i32
    "tpu.region"() ({
      %run_scoped3A = tpu.sem_alloc : memref<!tpu.dma_semaphore, #tpu.memory_space<semaphore_mem>>
      %dma_start3A = arith.constant 0 : i32
      %dma_start3A_26 = arith.constant 0 : i32
      %dma_start3A_27 = tpu.memref_slice %arg10[%dma_start3A, %dma_start3A_26] : memref<128x128xf32, #tpu.memory_space<vmem>> -> memref<128x128xf32, #tpu.memory_space<vmem>>
      %dma_start3A_28 = arith.constant 0 : i32
      %dma_start3A_29 = tpu.memref_slice %arg11[%add3A_14, %dma_start3A_28] : memref<10000x128xf32, #tpu.memory_space<vmem_shared>> -> memref<128x128xf32, #tpu.memory_space<vmem_shared>>
      %dma_start3A_30 = arith.constant 0 : i32
      %dma_start3A_31 = tpu.memref_slice %arg11[%add3A_14, %dma_start3A_30] : memref<10000x128xf32, #tpu.memory_space<vmem_shared>> -> memref<128x128xf32, #tpu.memory_space<vmem_shared>>
      %dma_start3A_32 = arith.constant 0 : i32
      %dma_start3A_33 = arith.constant 0 : i32
      %dma_start3A_34 = tpu.memref_slice %arg10[%dma_start3A_32, %dma_start3A_33] : memref<128x128xf32, #tpu.memory_space<vmem>> -> memref<128x128xf32, #tpu.memory_space<vmem>>
      tpu.enqueue_dma source(%dma_start3A_34 : memref<128x128xf32, #tpu.memory_space<vmem>>) target(%dma_start3A_31 : memref<128x128xf32, #tpu.memory_space<vmem_shared>>) target_semaphore(%run_scoped3A : memref<!tpu.dma_semaphore, #tpu.memory_space<semaphore_mem>>)
      %dma_wait3A = arith.constant 0 : i32
      %dma_wait3A_35 = arith.constant 0 : i32
      %dma_wait3A_36 = tpu.memref_slice %arg10[%dma_wait3A, %dma_wait3A_35] : memref<128x128xf32, #tpu.memory_space<vmem>> -> memref<128x128xf32, #tpu.memory_space<vmem>>
      %dma_wait3A_37 = arith.constant 0 : i32
      %dma_wait3A_38 = tpu.memref_slice %arg11[%add3A_14, %dma_wait3A_37] : memref<10000x128xf32, #tpu.memory_space<vmem_shared>> -> memref<128x128xf32, #tpu.memory_space<vmem_shared>>
      %dma_wait3A_39 = arith.constant 0 : i32
      %dma_wait3A_40 = tpu.memref_slice %arg11[%add3A_14, %dma_wait3A_39] : memref<10000x128xf32, #tpu.memory_space<vmem_shared>> -> memref<128x128xf32, #tpu.memory_space<vmem_shared>>
      %dma_wait3A_41 = arith.constant 0 : i32
      %dma_wait3A_42 = arith.constant 0 : i32
      %dma_wait3A_43 = tpu.memref_slice %arg10[%dma_wait3A_41, %dma_wait3A_42] : memref<128x128xf32, #tpu.memory_space<vmem>> -> memref<128x128xf32, #tpu.memory_space<vmem>>
      tpu.wait_dma2 semaphore(%run_scoped3A : memref<!tpu.dma_semaphore, #tpu.memory_space<semaphore_mem>>) src(%dma_wait3A_43 : memref<128x128xf32, #tpu.memory_space<vmem>>) dst(%dma_wait3A_40 : memref<128x128xf32, #tpu.memory_space<vmem_shared>>)
      tpu.yield
    }) : () -> ()
    %add3A_15 = arith.constant 384 : i32
    %add3A_16 = arith.addi %min3A_8, %add3A_15 : i32
    "tpu.region"() ({
      %run_scoped3A = tpu.sem_alloc : memref<!tpu.dma_semaphore, #tpu.memory_space<semaphore_mem>>
      %dma_start3A = arith.constant 0 : i32
      %dma_start3A_26 = arith.constant 0 : i32
      %dma_start3A_27 = tpu.memref_slice %arg10[%dma_start3A, %dma_start3A_26] : memref<128x128xf32, #tpu.memory_space<vmem>> -> memref<128x128xf32, #tpu.memory_space<vmem>>
      %dma_start3A_28 = arith.constant 0 : i32
      %dma_start3A_29 = tpu.memref_slice %arg11[%add3A_16, %dma_start3A_28] : memref<10000x128xf32, #tpu.memory_space<vmem_shared>> -> memref<128x128xf32, #tpu.memory_space<vmem_shared>>
      %dma_start3A_30 = arith.constant 0 : i32
      %dma_start3A_31 = tpu.memref_slice %arg11[%add3A_16, %dma_start3A_30] : memref<10000x128xf32, #tpu.memory_space<vmem_shared>> -> memref<128x128xf32, #tpu.memory_space<vmem_shared>>
      %dma_start3A_32 = arith.constant 0 : i32
      %dma_start3A_33 = arith.constant 0 : i32
      %dma_start3A_34 = tpu.memref_slice %arg10[%dma_start3A_32, %dma_start3A_33] : memref<128x128xf32, #tpu.memory_space<vmem>> -> memref<128x128xf32, #tpu.memory_space<vmem>>
      tpu.enqueue_dma source(%dma_start3A_34 : memref<128x128xf32, #tpu.memory_space<vmem>>) target(%dma_start3A_31 : memref<128x128xf32, #tpu.memory_space<vmem_shared>>) target_semaphore(%run_scoped3A : memref<!tpu.dma_semaphore, #tpu.memory_space<semaphore_mem>>)
      %dma_wait3A = arith.constant 0 : i32
      %dma_wait3A_35 = arith.constant 0 : i32
      %dma_wait3A_36 = tpu.memref_slice %arg10[%dma_wait3A, %dma_wait3A_35] : memref<128x128xf32, #tpu.memory_space<vmem>> -> memref<128x128xf32, #tpu.memory_space<vmem>>
      %dma_wait3A_37 = arith.constant 0 : i32
      %dma_wait3A_38 = tpu.memref_slice %arg11[%add3A_16, %dma_wait3A_37] : memref<10000x128xf32, #tpu.memory_space<vmem_shared>> -> memref<128x128xf32, #tpu.memory_space<vmem_shared>>
      %dma_wait3A_39 = arith.constant 0 : i32
      %dma_wait3A_40 = tpu.memref_slice %arg11[%add3A_16, %dma_wait3A_39] : memref<10000x128xf32, #tpu.memory_space<vmem_shared>> -> memref<128x128xf32, #tpu.memory_space<vmem_shared>>
      %dma_wait3A_41 = arith.constant 0 : i32
      %dma_wait3A_42 = arith.constant 0 : i32
      %dma_wait3A_43 = tpu.memref_slice %arg10[%dma_wait3A_41, %dma_wait3A_42] : memref<128x128xf32, #tpu.memory_space<vmem>> -> memref<128x128xf32, #tpu.memory_space<vmem>>
      tpu.wait_dma2 semaphore(%run_scoped3A : memref<!tpu.dma_semaphore, #tpu.memory_space<semaphore_mem>>) src(%dma_wait3A_43 : memref<128x128xf32, #tpu.memory_space<vmem>>) dst(%dma_wait3A_40 : memref<128x128xf32, #tpu.memory_space<vmem_shared>>)
      tpu.yield
    }) : () -> ()
    %add3A_17 = arith.constant 512 : i32
    %add3A_18 = arith.addi %min3A_8, %add3A_17 : i32
    "tpu.region"() ({
      %run_scoped3A = tpu.sem_alloc : memref<!tpu.dma_semaphore, #tpu.memory_space<semaphore_mem>>
      %dma_start3A = arith.constant 0 : i32
      %dma_start3A_26 = arith.constant 0 : i32
      %dma_start3A_27 = tpu.memref_slice %arg10[%dma_start3A, %dma_start3A_26] : memref<128x128xf32, #tpu.memory_space<vmem>> -> memref<120x128xf32, #tpu.memory_space<vmem>>
      %dma_start3A_28 = arith.constant 0 : i32
      %dma_start3A_29 = tpu.memref_slice %arg11[%add3A_18, %dma_start3A_28] : memref<10000x128xf32, #tpu.memory_space<vmem_shared>> -> memref<120x128xf32, #tpu.memory_space<vmem_shared>>
      %dma_start3A_30 = arith.constant 0 : i32
      %dma_start3A_31 = tpu.memref_slice %arg11[%add3A_18, %dma_start3A_30] : memref<10000x128xf32, #tpu.memory_space<vmem_shared>> -> memref<120x128xf32, #tpu.memory_space<vmem_shared>>
      %dma_start3A_32 = arith.constant 0 : i32
      %dma_start3A_33 = arith.constant 0 : i32
      %dma_start3A_34 = tpu.memref_slice %arg10[%dma_start3A_32, %dma_start3A_33] : memref<128x128xf32, #tpu.memory_space<vmem>> -> memref<120x128xf32, #tpu.memory_space<vmem>>
      tpu.enqueue_dma source(%dma_start3A_34 : memref<120x128xf32, #tpu.memory_space<vmem>>) target(%dma_start3A_31 : memref<120x128xf32, #tpu.memory_space<vmem_shared>>) target_semaphore(%run_scoped3A : memref<!tpu.dma_semaphore, #tpu.memory_space<semaphore_mem>>)
      %dma_wait3A = arith.constant 0 : i32
      %dma_wait3A_35 = arith.constant 0 : i32
      %dma_wait3A_36 = tpu.memref_slice %arg10[%dma_wait3A, %dma_wait3A_35] : memref<128x128xf32, #tpu.memory_space<vmem>> -> memref<120x128xf32, #tpu.memory_space<vmem>>
      %dma_wait3A_37 = arith.constant 0 : i32
      %dma_wait3A_38 = tpu.memref_slice %arg11[%add3A_18, %dma_wait3A_37] : memref<10000x128xf32, #tpu.memory_space<vmem_shared>> -> memref<120x128xf32, #tpu.memory_space<vmem_shared>>
      %dma_wait3A_39 = arith.constant 0 : i32
      %dma_wait3A_40 = tpu.memref_slice %arg11[%add3A_18, %dma_wait3A_39] : memref<10000x128xf32, #tpu.memory_space<vmem_shared>> -> memref<120x128xf32, #tpu.memory_space<vmem_shared>>
      %dma_wait3A_41 = arith.constant 0 : i32
      %dma_wait3A_42 = arith.constant 0 : i32
      %dma_wait3A_43 = tpu.memref_slice %arg10[%dma_wait3A_41, %dma_wait3A_42] : memref<128x128xf32, #tpu.memory_space<vmem>> -> memref<120x128xf32, #tpu.memory_space<vmem>>
      tpu.wait_dma2 semaphore(%run_scoped3A : memref<!tpu.dma_semaphore, #tpu.memory_space<semaphore_mem>>) src(%dma_wait3A_43 : memref<120x128xf32, #tpu.memory_space<vmem>>) dst(%dma_wait3A_40 : memref<120x128xf32, #tpu.memory_space<vmem_shared>>)
      tpu.yield
    }) : () -> ()
    %barrier3A = arith.constant 0 : index
    tpu.barrier barrier_id(%barrier3A)
    "tpu.region"() ({
      %run_scoped3A = tpu.sem_alloc : memref<!tpu.dma_semaphore, #tpu.memory_space<semaphore_mem>>
      %dma_start3A = arith.constant 0 : i32
      %dma_start3A_26 = arith.constant 0 : i32
      %dma_start3A_27 = tpu.memref_slice %arg3[%add3A, %dma_start3A, %dma_start3A_26] : memref<32x79x128xi32, #tpu.memory_space<hbm>> -> memref<1x79x128xi32, #tpu.memory_space<hbm>>
      %dma_start3A_28 = tpu.memref_squeeze %dma_start3A_27 : memref<1x79x128xi32, #tpu.memory_space<hbm>> -> memref<79x128xi32, #tpu.memory_space<hbm>>
      %dma_start3A_29 = arith.constant 0 : i32
      %dma_start3A_30 = arith.constant 0 : i32
      %dma_start3A_31 = tpu.memref_slice %arg3[%add3A, %dma_start3A_29, %dma_start3A_30] : memref<32x79x128xi32, #tpu.memory_space<hbm>> -> memref<1x79x128xi32, #tpu.memory_space<hbm>>
      %dma_start3A_32 = tpu.memref_squeeze %dma_start3A_31 : memref<1x79x128xi32, #tpu.memory_space<hbm>> -> memref<79x128xi32, #tpu.memory_space<hbm>>
      tpu.enqueue_dma source(%dma_start3A_32 : memref<79x128xi32, #tpu.memory_space<hbm>>) target(%arg7 : memref<79x128xi32, #tpu.memory_space<vmem>>) target_semaphore(%run_scoped3A : memref<!tpu.dma_semaphore, #tpu.memory_space<semaphore_mem>>)
      %dma_wait3A = arith.constant 0 : i32
      %dma_wait3A_33 = arith.constant 0 : i32
      %dma_wait3A_34 = tpu.memref_slice %arg3[%add3A, %dma_wait3A, %dma_wait3A_33] : memref<32x79x128xi32, #tpu.memory_space<hbm>> -> memref<1x79x128xi32, #tpu.memory_space<hbm>>
      %dma_wait3A_35 = tpu.memref_squeeze %dma_wait3A_34 : memref<1x79x128xi32, #tpu.memory_space<hbm>> -> memref<79x128xi32, #tpu.memory_space<hbm>>
      %dma_wait3A_36 = arith.constant 0 : i32
      %dma_wait3A_37 = arith.constant 0 : i32
      %dma_wait3A_38 = tpu.memref_slice %arg3[%add3A, %dma_wait3A_36, %dma_wait3A_37] : memref<32x79x128xi32, #tpu.memory_space<hbm>> -> memref<1x79x128xi32, #tpu.memory_space<hbm>>
      %dma_wait3A_39 = tpu.memref_squeeze %dma_wait3A_38 : memref<1x79x128xi32, #tpu.memory_space<hbm>> -> memref<79x128xi32, #tpu.memory_space<hbm>>
      tpu.wait_dma2 semaphore(%run_scoped3A : memref<!tpu.dma_semaphore, #tpu.memory_space<semaphore_mem>>) src(%dma_wait3A_39 : memref<79x128xi32, #tpu.memory_space<hbm>>) dst(%arg7 : memref<79x128xi32, #tpu.memory_space<vmem>>)
      tpu.yield
    }) : () -> ()
    "tpu.region"() ({
      %run_scoped3A = tpu.sem_alloc : memref<!tpu.dma_semaphore, #tpu.memory_space<semaphore_mem>>
      %dma_start3A = arith.constant 0 : i32
      %dma_start3A_26 = arith.constant 0 : i32
      %dma_start3A_27 = tpu.memref_slice %arg4[%add3A, %dma_start3A, %dma_start3A_26] : memref<32x79x128xi32, #tpu.memory_space<hbm>> -> memref<1x79x128xi32, #tpu.memory_space<hbm>>
      %dma_start3A_28 = tpu.memref_squeeze %dma_start3A_27 : memref<1x79x128xi32, #tpu.memory_space<hbm>> -> memref<79x128xi32, #tpu.memory_space<hbm>>
      %dma_start3A_29 = arith.constant 0 : i32
      %dma_start3A_30 = arith.constant 0 : i32
      %dma_start3A_31 = tpu.memref_slice %arg4[%add3A, %dma_start3A_29, %dma_start3A_30] : memref<32x79x128xi32, #tpu.memory_space<hbm>> -> memref<1x79x128xi32, #tpu.memory_space<hbm>>
      %dma_start3A_32 = tpu.memref_squeeze %dma_start3A_31 : memref<1x79x128xi32, #tpu.memory_space<hbm>> -> memref<79x128xi32, #tpu.memory_space<hbm>>
      tpu.enqueue_dma source(%dma_start3A_32 : memref<79x128xi32, #tpu.memory_space<hbm>>) target(%arg8 : memref<79x128xi32, #tpu.memory_space<vmem>>) target_semaphore(%run_scoped3A : memref<!tpu.dma_semaphore, #tpu.memory_space<semaphore_mem>>)
      %dma_wait3A = arith.constant 0 : i32
      %dma_wait3A_33 = arith.constant 0 : i32
      %dma_wait3A_34 = tpu.memref_slice %arg4[%add3A, %dma_wait3A, %dma_wait3A_33] : memref<32x79x128xi32, #tpu.memory_space<hbm>> -> memref<1x79x128xi32, #tpu.memory_space<hbm>>
      %dma_wait3A_35 = tpu.memref_squeeze %dma_wait3A_34 : memref<1x79x128xi32, #tpu.memory_space<hbm>> -> memref<79x128xi32, #tpu.memory_space<hbm>>
      %dma_wait3A_36 = arith.constant 0 : i32
      %dma_wait3A_37 = arith.constant 0 : i32
      %dma_wait3A_38 = tpu.memref_slice %arg4[%add3A, %dma_wait3A_36, %dma_wait3A_37] : memref<32x79x128xi32, #tpu.memory_space<hbm>> -> memref<1x79x128xi32, #tpu.memory_space<hbm>>
      %dma_wait3A_39 = tpu.memref_squeeze %dma_wait3A_38 : memref<1x79x128xi32, #tpu.memory_space<hbm>> -> memref<79x128xi32, #tpu.memory_space<hbm>>
      tpu.wait_dma2 semaphore(%run_scoped3A : memref<!tpu.dma_semaphore, #tpu.memory_space<semaphore_mem>>) src(%dma_wait3A_39 : memref<79x128xi32, #tpu.memory_space<hbm>>) dst(%arg8 : memref<79x128xi32, #tpu.memory_space<vmem>>)
      tpu.yield
    }) : () -> ()
    "tpu.region"() ({
      %run_scoped3A = tpu.sem_alloc : memref<!tpu.dma_semaphore, #tpu.memory_space<semaphore_mem>>
      %dma_start3A = arith.constant 0 : i32
      %dma_start3A_26 = tpu.memref_slice %arg5[%add3A, %dma_start3A] : memref<32x10112xf32, #tpu.memory_space<hbm>> -> memref<1x10112xf32, #tpu.memory_space<hbm>>
      %dma_start3A_27 = tpu.memref_squeeze %dma_start3A_26 : memref<1x10112xf32, #tpu.memory_space<hbm>> -> memref<10112xf32, #tpu.memory_space<hbm>>
      %dma_start3A_28 = arith.constant 0 : i32
      %dma_start3A_29 = tpu.memref_slice %arg5[%add3A, %dma_start3A_28] : memref<32x10112xf32, #tpu.memory_space<hbm>> -> memref<1x10112xf32, #tpu.memory_space<hbm>>
      %dma_start3A_30 = tpu.memref_squeeze %dma_start3A_29 : memref<1x10112xf32, #tpu.memory_space<hbm>> -> memref<10112xf32, #tpu.memory_space<hbm>>
      tpu.enqueue_dma source(%dma_start3A_30 : memref<10112xf32, #tpu.memory_space<hbm>>) target(%arg9 : memref<10112xf32, #tpu.memory_space<vmem>>) target_semaphore(%run_scoped3A : memref<!tpu.dma_semaphore, #tpu.memory_space<semaphore_mem>>)
      %dma_wait3A = arith.constant 0 : i32
      %dma_wait3A_31 = tpu.memref_slice %arg5[%add3A, %dma_wait3A] : memref<32x10112xf32, #tpu.memory_space<hbm>> -> memref<1x10112xf32, #tpu.memory_space<hbm>>
      %dma_wait3A_32 = tpu.memref_squeeze %dma_wait3A_31 : memref<1x10112xf32, #tpu.memory_space<hbm>> -> memref<10112xf32, #tpu.memory_space<hbm>>
      %dma_wait3A_33 = arith.constant 0 : i32
      %dma_wait3A_34 = tpu.memref_slice %arg5[%add3A, %dma_wait3A_33] : memref<32x10112xf32, #tpu.memory_space<hbm>> -> memref<1x10112xf32, #tpu.memory_space<hbm>>
      %dma_wait3A_35 = tpu.memref_squeeze %dma_wait3A_34 : memref<1x10112xf32, #tpu.memory_space<hbm>> -> memref<10112xf32, #tpu.memory_space<hbm>>
      tpu.wait_dma2 semaphore(%run_scoped3A : memref<!tpu.dma_semaphore, #tpu.memory_space<semaphore_mem>>) src(%dma_wait3A_35 : memref<10112xf32, #tpu.memory_space<hbm>>) dst(%arg9 : memref<10112xf32, #tpu.memory_space<vmem>>)
      tpu.yield
    }) : () -> ()
    %scan3A_19 = arith.constant 0 : i32
    %scan3A_20 = arith.constant 0 : i32
    %scan3A_21 = arith.constant 79 : i32
    %scan3A_22 = arith.addi %scan3A_20, %scan3A_21 : i32
    %scan3A_23 = arith.constant 1 : i32
    scf.for %scan3A_26 = %scan3A_20 to %scan3A_22 step %scan3A_23  : i32 {
      %dma_start3A = arith.constant 0 : i32
      %dma_start3A_27 = arith.constant 0 : i32
      %dma_start3A_28 = tpu.memref_slice %arg10[%dma_start3A, %dma_start3A_27] : memref<128x128xf32, #tpu.memory_space<vmem>> -> memref<64x128xf32, #tpu.memory_space<vmem>>
      %dma_start3A_29 = arith.constant 0 : i32
      %dma_start3A_30 = tpu.memref_slice %arg7[%scan3A_26, %dma_start3A_29] : memref<79x128xi32, #tpu.memory_space<vmem>> -> memref<1x64xi32, #tpu.memory_space<vmem>>
      %dma_start3A_31 = tpu.memref_squeeze %dma_start3A_30 : memref<1x64xi32, #tpu.memory_space<vmem>> -> memref<64xi32, #tpu.memory_space<vmem>>
      %dma_start3A_32 = arith.constant 0 : i32
      %dma_start3A_33 = arith.constant 0 : i32
      %dma_start3A_34 = tpu.memref_slice %arg2[%dma_start3A_32, %dma_start3A_33] : memref<10000x128xf32, #tpu.memory_space<hbm>> -> memref<10000x128xf32, #tpu.memory_space<hbm>>
      tpu.enqueue_indirect_dma source(%dma_start3A_34 : memref<10000x128xf32, #tpu.memory_space<hbm>>) target(%dma_start3A_28 : memref<64x128xf32, #tpu.memory_space<vmem>>) offsets(%dma_start3A_31 : memref<64xi32, #tpu.memory_space<vmem>>) semaphore(%arg12 : memref<!tpu.dma_semaphore, #tpu.memory_space<semaphore_mem>>)
      %dma_start3A_35 = arith.constant 64 : i32
      %dma_start3A_36 = arith.constant 0 : i32
      %dma_start3A_37 = tpu.memref_slice %arg10[%dma_start3A_35, %dma_start3A_36] : memref<128x128xf32, #tpu.memory_space<vmem>> -> memref<64x128xf32, #tpu.memory_space<vmem>>
      %dma_start3A_38 = arith.constant 64 : i32
      %dma_start3A_39 = tpu.memref_slice %arg7[%scan3A_26, %dma_start3A_38] : memref<79x128xi32, #tpu.memory_space<vmem>> -> memref<1x64xi32, #tpu.memory_space<vmem>>
      %dma_start3A_40 = tpu.memref_squeeze %dma_start3A_39 : memref<1x64xi32, #tpu.memory_space<vmem>> -> memref<64xi32, #tpu.memory_space<vmem>>
      %dma_start3A_41 = arith.constant 0 : i32
      %dma_start3A_42 = arith.constant 0 : i32
      %dma_start3A_43 = tpu.memref_slice %arg2[%dma_start3A_41, %dma_start3A_42] : memref<10000x128xf32, #tpu.memory_space<hbm>> -> memref<10000x128xf32, #tpu.memory_space<hbm>>
      tpu.enqueue_indirect_dma source(%dma_start3A_43 : memref<10000x128xf32, #tpu.memory_space<hbm>>) target(%dma_start3A_37 : memref<64x128xf32, #tpu.memory_space<vmem>>) offsets(%dma_start3A_40 : memref<64xi32, #tpu.memory_space<vmem>>) semaphore(%arg13 : memref<!tpu.dma_semaphore, #tpu.memory_space<semaphore_mem>>)
      %dma_wait3A = arith.constant 0 : i32
      %dma_wait3A_44 = arith.constant 0 : i32
      %dma_wait3A_45 = tpu.memref_slice %arg10[%dma_wait3A, %dma_wait3A_44] : memref<128x128xf32, #tpu.memory_space<vmem>> -> memref<64x128xf32, #tpu.memory_space<vmem>>
      %dma_wait3A_46 = arith.constant 0 : i32
      %dma_wait3A_47 = tpu.memref_slice %arg7[%scan3A_26, %dma_wait3A_46] : memref<79x128xi32, #tpu.memory_space<vmem>> -> memref<1x64xi32, #tpu.memory_space<vmem>>
      %dma_wait3A_48 = tpu.memref_squeeze %dma_wait3A_47 : memref<1x64xi32, #tpu.memory_space<vmem>> -> memref<64xi32, #tpu.memory_space<vmem>>
      %dma_wait3A_49 = arith.constant 0 : i32
      %dma_wait3A_50 = arith.constant 0 : i32
      %dma_wait3A_51 = tpu.memref_slice %arg2[%dma_wait3A_49, %dma_wait3A_50] : memref<10000x128xf32, #tpu.memory_space<hbm>> -> memref<10000x128xf32, #tpu.memory_space<hbm>>
      tpu.wait_indirect_dma semaphore(%arg12 : memref<!tpu.dma_semaphore, #tpu.memory_space<semaphore_mem>>) src(%dma_wait3A_51 : memref<10000x128xf32, #tpu.memory_space<hbm>>) dst(%dma_wait3A_45 : memref<64x128xf32, #tpu.memory_space<vmem>>)
      %dma_wait3A_52 = arith.constant 64 : i32
      %dma_wait3A_53 = arith.constant 0 : i32
      %dma_wait3A_54 = tpu.memref_slice %arg10[%dma_wait3A_52, %dma_wait3A_53] : memref<128x128xf32, #tpu.memory_space<vmem>> -> memref<64x128xf32, #tpu.memory_space<vmem>>
      %dma_wait3A_55 = arith.constant 64 : i32
      %dma_wait3A_56 = tpu.memref_slice %arg7[%scan3A_26, %dma_wait3A_55] : memref<79x128xi32, #tpu.memory_space<vmem>> -> memref<1x64xi32, #tpu.memory_space<vmem>>
      %dma_wait3A_57 = tpu.memref_squeeze %dma_wait3A_56 : memref<1x64xi32, #tpu.memory_space<vmem>> -> memref<64xi32, #tpu.memory_space<vmem>>
      %dma_wait3A_58 = arith.constant 0 : i32
      %dma_wait3A_59 = arith.constant 0 : i32
      %dma_wait3A_60 = tpu.memref_slice %arg2[%dma_wait3A_58, %dma_wait3A_59] : memref<10000x128xf32, #tpu.memory_space<hbm>> -> memref<10000x128xf32, #tpu.memory_space<hbm>>
      tpu.wait_indirect_dma semaphore(%arg13 : memref<!tpu.dma_semaphore, #tpu.memory_space<semaphore_mem>>) src(%dma_wait3A_60 : memref<10000x128xf32, #tpu.memory_space<hbm>>) dst(%dma_wait3A_54 : memref<64x128xf32, #tpu.memory_space<vmem>>)
      %scan3A_61 = arith.constant 0 : i32
      %scan3A_62 = arith.constant 0 : i32
      %scan3A_63 = arith.constant 8 : i32
      %scan3A_64 = arith.addi %scan3A_62, %scan3A_63 : i32
      %scan3A_65 = arith.constant 1 : i32
      scf.for %scan3A_67 = %scan3A_62 to %scan3A_64 step %scan3A_65  : i32 {
        %mul3A_68 = arith.constant 128 : i32
        %mul3A_69 = arith.muli %scan3A_26, %mul3A_68 : i32
        %mul3A_70 = arith.constant 16 : i32
        %mul3A_71 = arith.muli %scan3A_67, %mul3A_70 : i32
        %add3A_72 = arith.addi %mul3A_69, %mul3A_71 : i32
        %get3A = arith.index_cast %add3A_72 : i32 to index
        %get3A_73 = tpu.vector_load %arg9[%get3A] {strides = array<i32>} : memref<10112xf32, #tpu.memory_space<vmem>>, vector<16xf32>,
        %get3A_74 = vector.shape_cast %get3A_73 : vector<16xf32> to vector<16xf32>
        %slice3A = vector.extract_strided_slice %get3A_74 {offsets = [0], sizes = [1], strides = [1]} : vector<16xf32> to vector<1xf32>
        %squeeze3A = vector.extract %slice3A[0] : f32 from vector<1xf32>
        %broadcast_in_dim3A = vector.broadcast %squeeze3A : f32 to vector<16xf32>
        %mul3A_75 = arith.constant 16 : i32
        %mul3A_76 = arith.muli %scan3A_67, %mul3A_75 : i32
        %add3A_77 = arith.constant 0 : i32
        %add3A_78 = arith.addi %mul3A_76, %add3A_77 : i32
        %get3A_79 = arith.index_cast %add3A_78 : i32 to index
        %get3A_80 = arith.constant 0 : index
        %get3A_81 = tpu.vector_load %arg10[%get3A_79, %get3A_80] {strides = array<i32>} : memref<128x128xf32, #tpu.memory_space<vmem>>, vector<1x16xf32>,
        %get3A_82 = vector.shape_cast %get3A_81 : vector<1x16xf32> to vector<16xf32>
        %mul3A_83 = arith.mulf %get3A_82, %broadcast_in_dim3A : vector<16xf32>
        %swap3A = arith.index_cast %add3A_78 : i32 to index
        %swap3A_84 = arith.constant 0 : index
        %swap3A_85 = tpu.vector_load %arg10[%swap3A, %swap3A_84] {strides = array<i32>} : memref<128x128xf32, #tpu.memory_space<vmem>>, vector<1x16xf32>,
        %swap3A_86 = vector.shape_cast %swap3A_85 : vector<1x16xf32> to vector<16xf32>
        %swap3A_87 = vector.shape_cast %mul3A_83 : vector<16xf32> to vector<1x16xf32>
        tpu.vector_store %arg10[%swap3A, %swap3A_84], %swap3A_87 {strides = array<i32>} : memref<128x128xf32, #tpu.memory_space<vmem>>, vector<1x16xf32>,
        %get3A_88 = arith.index_cast %add3A_78 : i32 to index
        %get3A_89 = arith.constant 16 : index
        %get3A_90 = tpu.vector_load %arg10[%get3A_88, %get3A_89] {strides = array<i32>} : memref<128x128xf32, #tpu.memory_space<vmem>>, vector<1x16xf32>,
        %get3A_91 = vector.shape_cast %get3A_90 : vector<1x16xf32> to vector<16xf32>
        %mul3A_92 = arith.mulf %get3A_91, %broadcast_in_dim3A : vector<16xf32>
        %swap3A_93 = arith.index_cast %add3A_78 : i32 to index
        %swap3A_94 = arith.constant 16 : index
        %swap3A_95 = tpu.vector_load %arg10[%swap3A_93, %swap3A_94] {strides = array<i32>} : memref<128x128xf32, #tpu.memory_space<vmem>>, vector<1x16xf32>,
        %swap3A_96 = vector.shape_cast %swap3A_95 : vector<1x16xf32> to vector<16xf32>
        %swap3A_97 = vector.shape_cast %mul3A_92 : vector<16xf32> to vector<1x16xf32>
        tpu.vector_store %arg10[%swap3A_93, %swap3A_94], %swap3A_97 {strides = array<i32>} : memref<128x128xf32, #tpu.memory_space<vmem>>, vector<1x16xf32>,
        %get3A_98 = arith.index_cast %add3A_78 : i32 to index
        %get3A_99 = arith.constant 32 : index
        %get3A_100 = tpu.vector_load %arg10[%get3A_98, %get3A_99] {strides = array<i32>} : memref<128x128xf32, #tpu.memory_space<vmem>>, vector<1x16xf32>,
        %get3A_101 = vector.shape_cast %get3A_100 : vector<1x16xf32> to vector<16xf32>
        %mul3A_102 = arith.mulf %get3A_101, %broadcast_in_dim3A : vector<16xf32>
        %swap3A_103 = arith.index_cast %add3A_78 : i32 to index
        %swap3A_104 = arith.constant 32 : index
        %swap3A_105 = tpu.vector_load %arg10[%swap3A_103, %swap3A_104] {strides = array<i32>} : memref<128x128xf32, #tpu.memory_space<vmem>>, vector<1x16xf32>,
        %swap3A_106 = vector.shape_cast %swap3A_105 : vector<1x16xf32> to vector<16xf32>
        %swap3A_107 = vector.shape_cast %mul3A_102 : vector<16xf32> to vector<1x16xf32>
        tpu.vector_store %arg10[%swap3A_103, %swap3A_104], %swap3A_107 {strides = array<i32>} : memref<128x128xf32, #tpu.memory_space<vmem>>, vector<1x16xf32>,
        %get3A_108 = arith.index_cast %add3A_78 : i32 to index
        %get3A_109 = arith.constant 48 : index
        %get3A_110 = tpu.vector_load %arg10[%get3A_108, %get3A_109] {strides = array<i32>} : memref<128x128xf32, #tpu.memory_space<vmem>>, vector<1x16xf32>,
        %get3A_111 = vector.shape_cast %get3A_110 : vector<1x16xf32> to vector<16xf32>
        %mul3A_112 = arith.mulf %get3A_111, %broadcast_in_dim3A : vector<16xf32>
        %swap3A_113 = arith.index_cast %add3A_78 : i32 to index
        %swap3A_114 = arith.constant 48 : index
        %swap3A_115 = tpu.vector_load %arg10[%swap3A_113, %swap3A_114] {strides = array<i32>} : memref<128x128xf32, #tpu.memory_space<vmem>>, vector<1x16xf32>,
        %swap3A_116 = vector.shape_cast %swap3A_115 : vector<1x16xf32> to vector<16xf32>
        %swap3A_117 = vector.shape_cast %mul3A_112 : vector<16xf32> to vector<1x16xf32>
        tpu.vector_store %arg10[%swap3A_113, %swap3A_114], %swap3A_117 {strides = array<i32>} : memref<128x128xf32, #tpu.memory_space<vmem>>, vector<1x16xf32>,
        %get3A_118 = arith.index_cast %add3A_78 : i32 to index
        %get3A_119 = arith.constant 64 : index
        %get3A_120 = tpu.vector_load %arg10[%get3A_118, %get3A_119] {strides = array<i32>} : memref<128x128xf32, #tpu.memory_space<vmem>>, vector<1x16xf32>,
        %get3A_121 = vector.shape_cast %get3A_120 : vector<1x16xf32> to vector<16xf32>
        %mul3A_122 = arith.mulf %get3A_121, %broadcast_in_dim3A : vector<16xf32>
        %swap3A_123 = arith.index_cast %add3A_78 : i32 to index
        %swap3A_124 = arith.constant 64 : index
        %swap3A_125 = tpu.vector_load %arg10[%swap3A_123, %swap3A_124] {strides = array<i32>} : memref<128x128xf32, #tpu.memory_space<vmem>>, vector<1x16xf32>,
        %swap3A_126 = vector.shape_cast %swap3A_125 : vector<1x16xf32> to vector<16xf32>
        %swap3A_127 = vector.shape_cast %mul3A_122 : vector<16xf32> to vector<1x16xf32>
        tpu.vector_store %arg10[%swap3A_123, %swap3A_124], %swap3A_127 {strides = array<i32>} : memref<128x128xf32, #tpu.memory_space<vmem>>, vector<1x16xf32>,
        %get3A_128 = arith.index_cast %add3A_78 : i32 to index
        %get3A_129 = arith.constant 80 : index
        %get3A_130 = tpu.vector_load %arg10[%get3A_128, %get3A_129] {strides = array<i32>} : memref<128x128xf32, #tpu.memory_space<vmem>>, vector<1x16xf32>,
        %get3A_131 = vector.shape_cast %get3A_130 : vector<1x16xf32> to vector<16xf32>
        %mul3A_132 = arith.mulf %get3A_131, %broadcast_in_dim3A : vector<16xf32>
        %swap3A_133 = arith.index_cast %add3A_78 : i32 to index
        %swap3A_134 = arith.constant 80 : index
        %swap3A_135 = tpu.vector_load %arg10[%swap3A_133, %swap3A_134] {strides = array<i32>} : memref<128x128xf32, #tpu.memory_space<vmem>>, vector<1x16xf32>,
        %swap3A_136 = vector.shape_cast %swap3A_135 : vector<1x16xf32> to vector<16xf32>
        %swap3A_137 = vector.shape_cast %mul3A_132 : vector<16xf32> to vector<1x16xf32>
        tpu.vector_store %arg10[%swap3A_133, %swap3A_134], %swap3A_137 {strides = array<i32>} : memref<128x128xf32, #tpu.memory_space<vmem>>, vector<1x16xf32>,
        %get3A_138 = arith.index_cast %add3A_78 : i32 to index
        %get3A_139 = arith.constant 96 : index
        %get3A_140 = tpu.vector_load %arg10[%get3A_138, %get3A_139] {strides = array<i32>} : memref<128x128xf32, #tpu.memory_space<vmem>>, vector<1x16xf32>,
        %get3A_141 = vector.shape_cast %get3A_140 : vector<1x16xf32> to vector<16xf32>
        %mul3A_142 = arith.mulf %get3A_141, %broadcast_in_dim3A : vector<16xf32>
        %swap3A_143 = arith.index_cast %add3A_78 : i32 to index
        %swap3A_144 = arith.constant 96 : index
        %swap3A_145 = tpu.vector_load %arg10[%swap3A_143, %swap3A_144] {strides = array<i32>} : memref<128x128xf32, #tpu.memory_space<vmem>>, vector<1x16xf32>,
        %swap3A_146 = vector.shape_cast %swap3A_145 : vector<1x16xf32> to vector<16xf32>
        %swap3A_147 = vector.shape_cast %mul3A_142 : vector<16xf32> to vector<1x16xf32>
        tpu.vector_store %arg10[%swap3A_143, %swap3A_144], %swap3A_147 {strides = array<i32>} : memref<128x128xf32, #tpu.memory_space<vmem>>, vector<1x16xf32>,
        %get3A_148 = arith.index_cast %add3A_78 : i32 to index
        %get3A_149 = arith.constant 112 : index
        %get3A_150 = tpu.vector_load %arg10[%get3A_148, %get3A_149] {strides = array<i32>} : memref<128x128xf32, #tpu.memory_space<vmem>>, vector<1x16xf32>,
        %get3A_151 = vector.shape_cast %get3A_150 : vector<1x16xf32> to vector<16xf32>
        %mul3A_152 = arith.mulf %get3A_151, %broadcast_in_dim3A : vector<16xf32>
        %swap3A_153 = arith.index_cast %add3A_78 : i32 to index
        %swap3A_154 = arith.constant 112 : index
        %swap3A_155 = tpu.vector_load %arg10[%swap3A_153, %swap3A_154] {strides = array<i32>} : memref<128x128xf32, #tpu.memory_space<vmem>>, vector<1x16xf32>,
        %swap3A_156 = vector.shape_cast %swap3A_155 : vector<1x16xf32> to vector<16xf32>
        %swap3A_157 = vector.shape_cast %mul3A_152 : vector<16xf32> to vector<1x16xf32>
        tpu.vector_store %arg10[%swap3A_153, %swap3A_154], %swap3A_157 {strides = array<i32>} : memref<128x128xf32, #tpu.memory_space<vmem>>, vector<1x16xf32>,
        %slice3A_158 = vector.extract_strided_slice %get3A_74 {offsets = [1], sizes = [1], strides = [1]} : vector<16xf32> to vector<1xf32>
        %squeeze3A_159 = vector.extract %slice3A_158[0] : f32 from vector<1xf32>
        %broadcast_in_dim3A_160 = vector.broadcast %squeeze3A_159 : f32 to vector<16xf32>
        %mul3A_161 = arith.constant 16 : i32
        %mul3A_162 = arith.muli %scan3A_67, %mul3A_161 : i32
        %add3A_163 = arith.constant 1 : i32
        %add3A_164 = arith.addi %mul3A_162, %add3A_163 : i32
        %get3A_165 = arith.index_cast %add3A_164 : i32 to index
        %get3A_166 = arith.constant 0 : index
        %get3A_167 = tpu.vector_load %arg10[%get3A_165, %get3A_166] {strides = array<i32>} : memref<128x128xf32, #tpu.memory_space<vmem>>, vector<1x16xf32>,
        %get3A_168 = vector.shape_cast %get3A_167 : vector<1x16xf32> to vector<16xf32>
        %mul3A_169 = arith.mulf %get3A_168, %broadcast_in_dim3A_160 : vector<16xf32>
        %swap3A_170 = arith.index_cast %add3A_164 : i32 to index
        %swap3A_171 = arith.constant 0 : index
        %swap3A_172 = tpu.vector_load %arg10[%swap3A_170, %swap3A_171] {strides = array<i32>} : memref<128x128xf32, #tpu.memory_space<vmem>>, vector<1x16xf32>,
        %swap3A_173 = vector.shape_cast %swap3A_172 : vector<1x16xf32> to vector<16xf32>
        %swap3A_174 = vector.shape_cast %mul3A_169 : vector<16xf32> to vector<1x16xf32>
        tpu.vector_store %arg10[%swap3A_170, %swap3A_171], %swap3A_174 {strides = array<i32>} : memref<128x128xf32, #tpu.memory_space<vmem>>, vector<1x16xf32>,
        %get3A_175 = arith.index_cast %add3A_164 : i32 to index
        %get3A_176 = arith.constant 16 : index
        %get3A_177 = tpu.vector_load %arg10[%get3A_175, %get3A_176] {strides = array<i32>} : memref<128x128xf32, #tpu.memory_space<vmem>>, vector<1x16xf32>,
        %get3A_178 = vector.shape_cast %get3A_177 : vector<1x16xf32> to vector<16xf32>
        %mul3A_179 = arith.mulf %get3A_178, %broadcast_in_dim3A_160 : vector<16xf32>
        %swap3A_180 = arith.index_cast %add3A_164 : i32 to index
        %swap3A_181 = arith.constant 16 : index
        %swap3A_182 = tpu.vector_load %arg10[%swap3A_180, %swap3A_181] {strides = array<i32>} : memref<128x128xf32, #tpu.memory_space<vmem>>, vector<1x16xf32>,
        %swap3A_183 = vector.shape_cast %swap3A_182 : vector<1x16xf32> to vector<16xf32>
        %swap3A_184 = vector.shape_cast %mul3A_179 : vector<16xf32> to vector<1x16xf32>
        tpu.vector_store %arg10[%swap3A_180, %swap3A_181], %swap3A_184 {strides = array<i32>} : memref<128x128xf32, #tpu.memory_space<vmem>>, vector<1x16xf32>,
        %get3A_185 = arith.index_cast %add3A_164 : i32 to index
        %get3A_186 = arith.constant 32 : index
        %get3A_187 = tpu.vector_load %arg10[%get3A_185, %get3A_186] {strides = array<i32>} : memref<128x128xf32, #tpu.memory_space<vmem>>, vector<1x16xf32>,
        %get3A_188 = vector.shape_cast %get3A_187 : vector<1x16xf32> to vector<16xf32>
        %mul3A_189 = arith.mulf %get3A_188, %broadcast_in_dim3A_160 : vector<16xf32>
        %swap3A_190 = arith.index_cast %add3A_164 : i32 to index
        %swap3A_191 = arith.constant 32 : index
        %swap3A_192 = tpu.vector_load %arg10[%swap3A_190, %swap3A_191] {strides = array<i32>} : memref<128x128xf32, #tpu.memory_space<vmem>>, vector<1x16xf32>,
        %swap3A_193 = vector.shape_cast %swap3A_192 : vector<1x16xf32> to vector<16xf32>
        %swap3A_194 = vector.shape_cast %mul3A_189 : vector<16xf32> to vector<1x16xf32>
        tpu.vector_store %arg10[%swap3A_190, %swap3A_191], %swap3A_194 {strides = array<i32>} : memref<128x128xf32, #tpu.memory_space<vmem>>, vector<1x16xf32>,
        %get3A_195 = arith.index_cast %add3A_164 : i32 to index
        %get3A_196 = arith.constant 48 : index
        %get3A_197 = tpu.vector_load %arg10[%get3A_195, %get3A_196] {strides = array<i32>} : memref<128x128xf32, #tpu.memory_space<vmem>>, vector<1x16xf32>,
        %get3A_198 = vector.shape_cast %get3A_197 : vector<1x16xf32> to vector<16xf32>
        %mul3A_199 = arith.mulf %get3A_198, %broadcast_in_dim3A_160 : vector<16xf32>
        %swap3A_200 = arith.index_cast %add3A_164 : i32 to index
        %swap3A_201 = arith.constant 48 : index
        %swap3A_202 = tpu.vector_load %arg10[%swap3A_200, %swap3A_201] {strides = array<i32>} : memref<128x128xf32, #tpu.memory_space<vmem>>, vector<1x16xf32>,
        %swap3A_203 = vector.shape_cast %swap3A_202 : vector<1x16xf32> to vector<16xf32>
        %swap3A_204 = vector.shape_cast %mul3A_199 : vector<16xf32> to vector<1x16xf32>
        tpu.vector_store %arg10[%swap3A_200, %swap3A_201], %swap3A_204 {strides = array<i32>} : memref<128x128xf32, #tpu.memory_space<vmem>>, vector<1x16xf32>,
        %get3A_205 = arith.index_cast %add3A_164 : i32 to index
        %get3A_206 = arith.constant 64 : index
        %get3A_207 = tpu.vector_load %arg10[%get3A_205, %get3A_206] {strides = array<i32>} : memref<128x128xf32, #tpu.memory_space<vmem>>, vector<1x16xf32>,
        %get3A_208 = vector.shape_cast %get3A_207 : vector<1x16xf32> to vector<16xf32>
        %mul3A_209 = arith.mulf %get3A_208, %broadcast_in_dim3A_160 : vector<16xf32>
        %swap3A_210 = arith.index_cast %add3A_164 : i32 to index
        %swap3A_211 = arith.constant 64 : index
        %swap3A_212 = tpu.vector_load %arg10[%swap3A_210, %swap3A_211] {strides = array<i32>} : memref<128x128xf32, #tpu.memory_space<vmem>>, vector<1x16xf32>,
        %swap3A_213 = vector.shape_cast %swap3A_212 : vector<1x16xf32> to vector<16xf32>
        %swap3A_214 = vector.shape_cast %mul3A_209 : vector<16xf32> to vector<1x16xf32>
        tpu.vector_store %arg10[%swap3A_210, %swap3A_211], %swap3A_214 {strides = array<i32>} : memref<128x128xf32, #tpu.memory_space<vmem>>, vector<1x16xf32>,
        %get3A_215 = arith.index_cast %add3A_164 : i32 to index
        %get3A_216 = arith.constant 80 : index
        %get3A_217 = tpu.vector_load %arg10[%get3A_215, %get3A_216] {strides = array<i32>} : memref<128x128xf32, #tpu.memory_space<vmem>>, vector<1x16xf32>,
        %get3A_218 = vector.shape_cast %get3A_217 : vector<1x16xf32> to vector<16xf32>
        %mul3A_219 = arith.mulf %get3A_218, %broadcast_in_dim3A_160 : vector<16xf32>
        %swap3A_220 = arith.index_cast %add3A_164 : i32 to index
        %swap3A_221 = arith.constant 80 : index
        %swap3A_222 = tpu.vector_load %arg10[%swap3A_220, %swap3A_221] {strides = array<i32>} : memref<128x128xf32, #tpu.memory_space<vmem>>, vector<1x16xf32>,
        %swap3A_223 = vector.shape_cast %swap3A_222 : vector<1x16xf32> to vector<16xf32>
        %swap3A_224 = vector.shape_cast %mul3A_219 : vector<16xf32> to vector<1x16xf32>
        tpu.vector_store %arg10[%swap3A_220, %swap3A_221], %swap3A_224 {strides = array<i32>} : memref<128x128xf32, #tpu.memory_space<vmem>>, vector<1x16xf32>,
        %get3A_225 = arith.index_cast %add3A_164 : i32 to index
        %get3A_226 = arith.constant 96 : index
        %get3A_227 = tpu.vector_load %arg10[%get3A_225, %get3A_226] {strides = array<i32>} : memref<128x128xf32, #tpu.memory_space<vmem>>, vector<1x16xf32>,
        %get3A_228 = vector.shape_cast %get3A_227 : vector<1x16xf32> to vector<16xf32>
        %mul3A_229 = arith.mulf %get3A_228, %broadcast_in_dim3A_160 : vector<16xf32>
        %swap3A_230 = arith.index_cast %add3A_164 : i32 to index
        %swap3A_231 = arith.constant 96 : index
        %swap3A_232 = tpu.vector_load %arg10[%swap3A_230, %swap3A_231] {strides = array<i32>} : memref<128x128xf32, #tpu.memory_space<vmem>>, vector<1x16xf32>,
        %swap3A_233 = vector.shape_cast %swap3A_232 : vector<1x16xf32> to vector<16xf32>
        %swap3A_234 = vector.shape_cast %mul3A_229 : vector<16xf32> to vector<1x16xf32>
        tpu.vector_store %arg10[%swap3A_230, %swap3A_231], %swap3A_234 {strides = array<i32>} : memref<128x128xf32, #tpu.memory_space<vmem>>, vector<1x16xf32>,
        %get3A_235 = arith.index_cast %add3A_164 : i32 to index
        %get3A_236 = arith.constant 112 : index
        %get3A_237 = tpu.vector_load %arg10[%get3A_235, %get3A_236] {strides = array<i32>} : memref<128x128xf32, #tpu.memory_space<vmem>>, vector<1x16xf32>,
        %get3A_238 = vector.shape_cast %get3A_237 : vector<1x16xf32> to vector<16xf32>
        %mul3A_239 = arith.mulf %get3A_238, %broadcast_in_dim3A_160 : vector<16xf32>
        %swap3A_240 = arith.index_cast %add3A_164 : i32 to index
        %swap3A_241 = arith.constant 112 : index
        %swap3A_242 = tpu.vector_load %arg10[%swap3A_240, %swap3A_241] {strides = array<i32>} : memref<128x128xf32, #tpu.memory_space<vmem>>, vector<1x16xf32>,
        %swap3A_243 = vector.shape_cast %swap3A_242 : vector<1x16xf32> to vector<16xf32>
        %swap3A_244 = vector.shape_cast %mul3A_239 : vector<16xf32> to vector<1x16xf32>
        tpu.vector_store %arg10[%swap3A_240, %swap3A_241], %swap3A_244 {strides = array<i32>} : memref<128x128xf32, #tpu.memory_space<vmem>>, vector<1x16xf32>,
        %slice3A_245 = vector.extract_strided_slice %get3A_74 {offsets = [2], sizes = [1], strides = [1]} : vector<16xf32> to vector<1xf32>
        %squeeze3A_246 = vector.extract %slice3A_245[0] : f32 from vector<1xf32>
        %broadcast_in_dim3A_247 = vector.broadcast %squeeze3A_246 : f32 to vector<16xf32>
        %mul3A_248 = arith.constant 16 : i32
        %mul3A_249 = arith.muli %scan3A_67, %mul3A_248 : i32
        %add3A_250 = arith.constant 2 : i32
        %add3A_251 = arith.addi %mul3A_249, %add3A_250 : i32
        %get3A_252 = arith.index_cast %add3A_251 : i32 to index
        %get3A_253 = arith.constant 0 : index
        %get3A_254 = tpu.vector_load %arg10[%get3A_252, %get3A_253] {strides = array<i32>} : memref<128x128xf32, #tpu.memory_space<vmem>>, vector<1x16xf32>,
        %get3A_255 = vector.shape_cast %get3A_254 : vector<1x16xf32> to vector<16xf32>
        %mul3A_256 = arith.mulf %get3A_255, %broadcast_in_dim3A_247 : vector<16xf32>
        %swap3A_257 = arith.index_cast %add3A_251 : i32 to index
        %swap3A_258 = arith.constant 0 : index
        %swap3A_259 = tpu.vector_load %arg10[%swap3A_257, %swap3A_258] {strides = array<i32>} : memref<128x128xf32, #tpu.memory_space<vmem>>, vector<1x16xf32>,
        %swap3A_260 = vector.shape_cast %swap3A_259 : vector<1x16xf32> to vector<16xf32>
        %swap3A_261 = vector.shape_cast %mul3A_256 : vector<16xf32> to vector<1x16xf32>
        tpu.vector_store %arg10[%swap3A_257, %swap3A_258], %swap3A_261 {strides = array<i32>} : memref<128x128xf32, #tpu.memory_space<vmem>>, vector<1x16xf32>,
        %get3A_262 = arith.index_cast %add3A_251 : i32 to index
        %get3A_263 = arith.constant 16 : index
        %get3A_264 = tpu.vector_load %arg10[%get3A_262, %get3A_263] {strides = array<i32>} : memref<128x128xf32, #tpu.memory_space<vmem>>, vector<1x16xf32>,
        %get3A_265 = vector.shape_cast %get3A_264 : vector<1x16xf32> to vector<16xf32>
        %mul3A_266 = arith.mulf %get3A_265, %broadcast_in_dim3A_247 : vector<16xf32>
        %swap3A_267 = arith.index_cast %add3A_251 : i32 to index
        %swap3A_268 = arith.constant 16 : index
        %swap3A_269 = tpu.vector_load %arg10[%swap3A_267, %swap3A_268] {strides = array<i32>} : memref<128x128xf32, #tpu.memory_space<vmem>>, vector<1x16xf32>,
        %swap3A_270 = vector.shape_cast %swap3A_269 : vector<1x16xf32> to vector<16xf32>
        %swap3A_271 = vector.shape_cast %mul3A_266 : vector<16xf32> to vector<1x16xf32>
        tpu.vector_store %arg10[%swap3A_267, %swap3A_268], %swap3A_271 {strides = array<i32>} : memref<128x128xf32, #tpu.memory_space<vmem>>, vector<1x16xf32>,
        %get3A_272 = arith.index_cast %add3A_251 : i32 to index
        %get3A_273 = arith.constant 32 : index
        %get3A_274 = tpu.vector_load %arg10[%get3A_272, %get3A_273] {strides = array<i32>} : memref<128x128xf32, #tpu.memory_space<vmem>>, vector<1x16xf32>,
        %get3A_275 = vector.shape_cast %get3A_274 : vector<1x16xf32> to vector<16xf32>
        %mul3A_276 = arith.mulf %get3A_275, %broadcast_in_dim3A_247 : vector<16xf32>
        %swap3A_277 = arith.index_cast %add3A_251 : i32 to index
        %swap3A_278 = arith.constant 32 : index
        %swap3A_279 = tpu.vector_load %arg10[%swap3A_277, %swap3A_278] {strides = array<i32>} : memref<128x128xf32, #tpu.memory_space<vmem>>, vector<1x16xf32>,
        %swap3A_280 = vector.shape_cast %swap3A_279 : vector<1x16xf32> to vector<16xf32>
        %swap3A_281 = vector.shape_cast %mul3A_276 : vector<16xf32> to vector<1x16xf32>
        tpu.vector_store %arg10[%swap3A_277, %swap3A_278], %swap3A_281 {strides = array<i32>} : memref<128x128xf32, #tpu.memory_space<vmem>>, vector<1x16xf32>,
        %get3A_282 = arith.index_cast %add3A_251 : i32 to index
        %get3A_283 = arith.constant 48 : index
        %get3A_284 = tpu.vector_load %arg10[%get3A_282, %get3A_283] {strides = array<i32>} : memref<128x128xf32, #tpu.memory_space<vmem>>, vector<1x16xf32>,
        %get3A_285 = vector.shape_cast %get3A_284 : vector<1x16xf32> to vector<16xf32>
        %mul3A_286 = arith.mulf %get3A_285, %broadcast_in_dim3A_247 : vector<16xf32>
        %swap3A_287 = arith.index_cast %add3A_251 : i32 to index
        %swap3A_288 = arith.constant 48 : index
        %swap3A_289 = tpu.vector_load %arg10[%swap3A_287, %swap3A_288] {strides = array<i32>} : memref<128x128xf32, #tpu.memory_space<vmem>>, vector<1x16xf32>,
        %swap3A_290 = vector.shape_cast %swap3A_289 : vector<1x16xf32> to vector<16xf32>
        %swap3A_291 = vector.shape_cast %mul3A_286 : vector<16xf32> to vector<1x16xf32>
        tpu.vector_store %arg10[%swap3A_287, %swap3A_288], %swap3A_291 {strides = array<i32>} : memref<128x128xf32, #tpu.memory_space<vmem>>, vector<1x16xf32>,
        %get3A_292 = arith.index_cast %add3A_251 : i32 to index
        %get3A_293 = arith.constant 64 : index
        %get3A_294 = tpu.vector_load %arg10[%get3A_292, %get3A_293] {strides = array<i32>} : memref<128x128xf32, #tpu.memory_space<vmem>>, vector<1x16xf32>,
        %get3A_295 = vector.shape_cast %get3A_294 : vector<1x16xf32> to vector<16xf32>
        %mul3A_296 = arith.mulf %get3A_295, %broadcast_in_dim3A_247 : vector<16xf32>
        %swap3A_297 = arith.index_cast %add3A_251 : i32 to index
        %swap3A_298 = arith.constant 64 : index
        %swap3A_299 = tpu.vector_load %arg10[%swap3A_297, %swap3A_298] {strides = array<i32>} : memref<128x128xf32, #tpu.memory_space<vmem>>, vector<1x16xf32>,
        %swap3A_300 = vector.shape_cast %swap3A_299 : vector<1x16xf32> to vector<16xf32>
        %swap3A_301 = vector.shape_cast %mul3A_296 : vector<16xf32> to vector<1x16xf32>
        tpu.vector_store %arg10[%swap3A_297, %swap3A_298], %swap3A_301 {strides = array<i32>} : memref<128x128xf32, #tpu.memory_space<vmem>>, vector<1x16xf32>,
        %get3A_302 = arith.index_cast %add3A_251 : i32 to index
        %get3A_303 = arith.constant 80 : index
        %get3A_304 = tpu.vector_load %arg10[%get3A_302, %get3A_303] {strides = array<i32>} : memref<128x128xf32, #tpu.memory_space<vmem>>, vector<1x16xf32>,
        %get3A_305 = vector.shape_cast %get3A_304 : vector<1x16xf32> to vector<16xf32>
        %mul3A_306 = arith.mulf %get3A_305, %broadcast_in_dim3A_247 : vector<16xf32>
        %swap3A_307 = arith.index_cast %add3A_251 : i32 to index
        %swap3A_308 = arith.constant 80 : index
        %swap3A_309 = tpu.vector_load %arg10[%swap3A_307, %swap3A_308] {strides = array<i32>} : memref<128x128xf32, #tpu.memory_space<vmem>>, vector<1x16xf32>,
        %swap3A_310 = vector.shape_cast %swap3A_309 : vector<1x16xf32> to vector<16xf32>
        %swap3A_311 = vector.shape_cast %mul3A_306 : vector<16xf32> to vector<1x16xf32>
        tpu.vector_store %arg10[%swap3A_307, %swap3A_308], %swap3A_311 {strides = array<i32>} : memref<128x128xf32, #tpu.memory_space<vmem>>, vector<1x16xf32>,
        %get3A_312 = arith.index_cast %add3A_251 : i32 to index
        %get3A_313 = arith.constant 96 : index
        %get3A_314 = tpu.vector_load %arg10[%get3A_312, %get3A_313] {strides = array<i32>} : memref<128x128xf32, #tpu.memory_space<vmem>>, vector<1x16xf32>,
        %get3A_315 = vector.shape_cast %get3A_314 : vector<1x16xf32> to vector<16xf32>
        %mul3A_316 = arith.mulf %get3A_315, %broadcast_in_dim3A_247 : vector<16xf32>
        %swap3A_317 = arith.index_cast %add3A_251 : i32 to index
        %swap3A_318 = arith.constant 96 : index
        %swap3A_319 = tpu.vector_load %arg10[%swap3A_317, %swap3A_318] {strides = array<i32>} : memref<128x128xf32, #tpu.memory_space<vmem>>, vector<1x16xf32>,
        %swap3A_320 = vector.shape_cast %swap3A_319 : vector<1x16xf32> to vector<16xf32>
        %swap3A_321 = vector.shape_cast %mul3A_316 : vector<16xf32> to vector<1x16xf32>
        tpu.vector_store %arg10[%swap3A_317, %swap3A_318], %swap3A_321 {strides = array<i32>} : memref<128x128xf32, #tpu.memory_space<vmem>>, vector<1x16xf32>,
        %get3A_322 = arith.index_cast %add3A_251 : i32 to index
        %get3A_323 = arith.constant 112 : index
        %get3A_324 = tpu.vector_load %arg10[%get3A_322, %get3A_323] {strides = array<i32>} : memref<128x128xf32, #tpu.memory_space<vmem>>, vector<1x16xf32>,
        %get3A_325 = vector.shape_cast %get3A_324 : vector<1x16xf32> to vector<16xf32>
        %mul3A_326 = arith.mulf %get3A_325, %broadcast_in_dim3A_247 : vector<16xf32>
        %swap3A_327 = arith.index_cast %add3A_251 : i32 to index
        %swap3A_328 = arith.constant 112 : index
        %swap3A_329 = tpu.vector_load %arg10[%swap3A_327, %swap3A_328] {strides = array<i32>} : memref<128x128xf32, #tpu.memory_space<vmem>>, vector<1x16xf32>,
        %swap3A_330 = vector.shape_cast %swap3A_329 : vector<1x16xf32> to vector<16xf32>
        %swap3A_331 = vector.shape_cast %mul3A_326 : vector<16xf32> to vector<1x16xf32>
        tpu.vector_store %arg10[%swap3A_327, %swap3A_328], %swap3A_331 {strides = array<i32>} : memref<128x128xf32, #tpu.memory_space<vmem>>, vector<1x16xf32>,
        %slice3A_332 = vector.extract_strided_slice %get3A_74 {offsets = [3], sizes = [1], strides = [1]} : vector<16xf32> to vector<1xf32>
        %squeeze3A_333 = vector.extract %slice3A_332[0] : f32 from vector<1xf32>
        %broadcast_in_dim3A_334 = vector.broadcast %squeeze3A_333 : f32 to vector<16xf32>
        %mul3A_335 = arith.constant 16 : i32
        %mul3A_336 = arith.muli %scan3A_67, %mul3A_335 : i32
        %add3A_337 = arith.constant 3 : i32
        %add3A_338 = arith.addi %mul3A_336, %add3A_337 : i32
        %get3A_339 = arith.index_cast %add3A_338 : i32 to index
        %get3A_340 = arith.constant 0 : index
        %get3A_341 = tpu.vector_load %arg10[%get3A_339, %get3A_340] {strides = array<i32>} : memref<128x128xf32, #tpu.memory_space<vmem>>, vector<1x16xf32>,
        %get3A_342 = vector.shape_cast %get3A_341 : vector<1x16xf32> to vector<16xf32>
        %mul3A_343 = arith.mulf %get3A_342, %broadcast_in_dim3A_334 : vector<16xf32>
        %swap3A_344 = arith.index_cast %add3A_338 : i32 to index
        %swap3A_345 = arith.constant 0 : index
        %swap3A_346 = tpu.vector_load %arg10[%swap3A_344, %swap3A_345] {strides = array<i32>} : memref<128x128xf32, #tpu.memory_space<vmem>>, vector<1x16xf32>,
        %swap3A_347 = vector.shape_cast %swap3A_346 : vector<1x16xf32> to vector<16xf32>
        %swap3A_348 = vector.shape_cast %mul3A_343 : vector<16xf32> to vector<1x16xf32>
        tpu.vector_store %arg10[%swap3A_344, %swap3A_345], %swap3A_348 {strides = array<i32>} : memref<128x128xf32, #tpu.memory_space<vmem>>, vector<1x16xf32>,
        %get3A_349 = arith.index_cast %add3A_338 : i32 to index
        %get3A_350 = arith.constant 16 : index
        %get3A_351 = tpu.vector_load %arg10[%get3A_349, %get3A_350] {strides = array<i32>} : memref<128x128xf32, #tpu.memory_space<vmem>>, vector<1x16xf32>,
        %get3A_352 = vector.shape_cast %get3A_351 : vector<1x16xf32> to vector<16xf32>
        %mul3A_353 = arith.mulf %get3A_352, %broadcast_in_dim3A_334 : vector<16xf32>
        %swap3A_354 = arith.index_cast %add3A_338 : i32 to index
        %swap3A_355 = arith.constant 16 : index
        %swap3A_356 = tpu.vector_load %arg10[%swap3A_354, %swap3A_355] {strides = array<i32>} : memref<128x128xf32, #tpu.memory_space<vmem>>, vector<1x16xf32>,
        %swap3A_357 = vector.shape_cast %swap3A_356 : vector<1x16xf32> to vector<16xf32>
        %swap3A_358 = vector.shape_cast %mul3A_353 : vector<16xf32> to vector<1x16xf32>
        tpu.vector_store %arg10[%swap3A_354, %swap3A_355], %swap3A_358 {strides = array<i32>} : memref<128x128xf32, #tpu.memory_space<vmem>>, vector<1x16xf32>,
        %get3A_359 = arith.index_cast %add3A_338 : i32 to index
        %get3A_360 = arith.constant 32 : index
        %get3A_361 = tpu.vector_load %arg10[%get3A_359, %get3A_360] {strides = array<i32>} : memref<128x128xf32, #tpu.memory_space<vmem>>, vector<1x16xf32>,
        %get3A_362 = vector.shape_cast %get3A_361 : vector<1x16xf32> to vector<16xf32>
        %mul3A_363 = arith.mulf %get3A_362, %broadcast_in_dim3A_334 : vector<16xf32>
        %swap3A_364 = arith.index_cast %add3A_338 : i32 to index
        %swap3A_365 = arith.constant 32 : index
        %swap3A_366 = tpu.vector_load %arg10[%swap3A_364, %swap3A_365] {strides = array<i32>} : memref<128x128xf32, #tpu.memory_space<vmem>>, vector<1x16xf32>,
        %swap3A_367 = vector.shape_cast %swap3A_366 : vector<1x16xf32> to vector<16xf32>
        %swap3A_368 = vector.shape_cast %mul3A_363 : vector<16xf32> to vector<1x16xf32>
        tpu.vector_store %arg10[%swap3A_364, %swap3A_365], %swap3A_368 {strides = array<i32>} : memref<128x128xf32, #tpu.memory_space<vmem>>, vector<1x16xf32>,
        %get3A_369 = arith.index_cast %add3A_338 : i32 to index
        %get3A_370 = arith.constant 48 : index
        %get3A_371 = tpu.vector_load %arg10[%get3A_369, %get3A_370] {strides = array<i32>} : memref<128x128xf32, #tpu.memory_space<vmem>>, vector<1x16xf32>,
        %get3A_372 = vector.shape_cast %get3A_371 : vector<1x16xf32> to vector<16xf32>
        %mul3A_373 = arith.mulf %get3A_372, %broadcast_in_dim3A_334 : vector<16xf32>
        %swap3A_374 = arith.index_cast %add3A_338 : i32 to index
        %swap3A_375 = arith.constant 48 : index
        %swap3A_376 = tpu.vector_load %arg10[%swap3A_374, %swap3A_375] {strides = array<i32>} : memref<128x128xf32, #tpu.memory_space<vmem>>, vector<1x16xf32>,
        %swap3A_377 = vector.shape_cast %swap3A_376 : vector<1x16xf32> to vector<16xf32>
        %swap3A_378 = vector.shape_cast %mul3A_373 : vector<16xf32> to vector<1x16xf32>
        tpu.vector_store %arg10[%swap3A_374, %swap3A_375], %swap3A_378 {strides = array<i32>} : memref<128x128xf32, #tpu.memory_space<vmem>>, vector<1x16xf32>,
        %get3A_379 = arith.index_cast %add3A_338 : i32 to index
        %get3A_380 = arith.constant 64 : index
        %get3A_381 = tpu.vector_load %arg10[%get3A_379, %get3A_380] {strides = array<i32>} : memref<128x128xf32, #tpu.memory_space<vmem>>, vector<1x16xf32>,
        %get3A_382 = vector.shape_cast %get3A_381 : vector<1x16xf32> to vector<16xf32>
        %mul3A_383 = arith.mulf %get3A_382, %broadcast_in_dim3A_334 : vector<16xf32>
        %swap3A_384 = arith.index_cast %add3A_338 : i32 to index
        %swap3A_385 = arith.constant 64 : index
        %swap3A_386 = tpu.vector_load %arg10[%swap3A_384, %swap3A_385] {strides = array<i32>} : memref<128x128xf32, #tpu.memory_space<vmem>>, vector<1x16xf32>,
        %swap3A_387 = vector.shape_cast %swap3A_386 : vector<1x16xf32> to vector<16xf32>
        %swap3A_388 = vector.shape_cast %mul3A_383 : vector<16xf32> to vector<1x16xf32>
        tpu.vector_store %arg10[%swap3A_384, %swap3A_385], %swap3A_388 {strides = array<i32>} : memref<128x128xf32, #tpu.memory_space<vmem>>, vector<1x16xf32>,
        %get3A_389 = arith.index_cast %add3A_338 : i32 to index
        %get3A_390 = arith.constant 80 : index
        %get3A_391 = tpu.vector_load %arg10[%get3A_389, %get3A_390] {strides = array<i32>} : memref<128x128xf32, #tpu.memory_space<vmem>>, vector<1x16xf32>,
        %get3A_392 = vector.shape_cast %get3A_391 : vector<1x16xf32> to vector<16xf32>
        %mul3A_393 = arith.mulf %get3A_392, %broadcast_in_dim3A_334 : vector<16xf32>
        %swap3A_394 = arith.index_cast %add3A_338 : i32 to index
        %swap3A_395 = arith.constant 80 : index
        %swap3A_396 = tpu.vector_load %arg10[%swap3A_394, %swap3A_395] {strides = array<i32>} : memref<128x128xf32, #tpu.memory_space<vmem>>, vector<1x16xf32>,
        %swap3A_397 = vector.shape_cast %swap3A_396 : vector<1x16xf32> to vector<16xf32>
        %swap3A_398 = vector.shape_cast %mul3A_393 : vector<16xf32> to vector<1x16xf32>
        tpu.vector_store %arg10[%swap3A_394, %swap3A_395], %swap3A_398 {strides = array<i32>} : memref<128x128xf32, #tpu.memory_space<vmem>>, vector<1x16xf32>,
        %get3A_399 = arith.index_cast %add3A_338 : i32 to index
        %get3A_400 = arith.constant 96 : index
        %get3A_401 = tpu.vector_load %arg10[%get3A_399, %get3A_400] {strides = array<i32>} : memref<128x128xf32, #tpu.memory_space<vmem>>, vector<1x16xf32>,
        %get3A_402 = vector.shape_cast %get3A_401 : vector<1x16xf32> to vector<16xf32>
        %mul3A_403 = arith.mulf %get3A_402, %broadcast_in_dim3A_334 : vector<16xf32>
        %swap3A_404 = arith.index_cast %add3A_338 : i32 to index
        %swap3A_405 = arith.constant 96 : index
        %swap3A_406 = tpu.vector_load %arg10[%swap3A_404, %swap3A_405] {strides = array<i32>} : memref<128x128xf32, #tpu.memory_space<vmem>>, vector<1x16xf32>,
        %swap3A_407 = vector.shape_cast %swap3A_406 : vector<1x16xf32> to vector<16xf32>
        %swap3A_408 = vector.shape_cast %mul3A_403 : vector<16xf32> to vector<1x16xf32>
        tpu.vector_store %arg10[%swap3A_404, %swap3A_405], %swap3A_408 {strides = array<i32>} : memref<128x128xf32, #tpu.memory_space<vmem>>, vector<1x16xf32>,
        %get3A_409 = arith.index_cast %add3A_338 : i32 to index
        %get3A_410 = arith.constant 112 : index
        %get3A_411 = tpu.vector_load %arg10[%get3A_409, %get3A_410] {strides = array<i32>} : memref<128x128xf32, #tpu.memory_space<vmem>>, vector<1x16xf32>,
        %get3A_412 = vector.shape_cast %get3A_411 : vector<1x16xf32> to vector<16xf32>
        %mul3A_413 = arith.mulf %get3A_412, %broadcast_in_dim3A_334 : vector<16xf32>
        %swap3A_414 = arith.index_cast %add3A_338 : i32 to index
        %swap3A_415 = arith.constant 112 : index
        %swap3A_416 = tpu.vector_load %arg10[%swap3A_414, %swap3A_415] {strides = array<i32>} : memref<128x128xf32, #tpu.memory_space<vmem>>, vector<1x16xf32>,
        %swap3A_417 = vector.shape_cast %swap3A_416 : vector<1x16xf32> to vector<16xf32>
        %swap3A_418 = vector.shape_cast %mul3A_413 : vector<16xf32> to vector<1x16xf32>
        tpu.vector_store %arg10[%swap3A_414, %swap3A_415], %swap3A_418 {strides = array<i32>} : memref<128x128xf32, #tpu.memory_space<vmem>>, vector<1x16xf32>,
        %slice3A_419 = vector.extract_strided_slice %get3A_74 {offsets = [4], sizes = [1], strides = [1]} : vector<16xf32> to vector<1xf32>
        %squeeze3A_420 = vector.extract %slice3A_419[0] : f32 from vector<1xf32>
        %broadcast_in_dim3A_421 = vector.broadcast %squeeze3A_420 : f32 to vector<16xf32>
        %mul3A_422 = arith.constant 16 : i32
        %mul3A_423 = arith.muli %scan3A_67, %mul3A_422 : i32
        %add3A_424 = arith.constant 4 : i32
        %add3A_425 = arith.addi %mul3A_423, %add3A_424 : i32
        %get3A_426 = arith.index_cast %add3A_425 : i32 to index
        %get3A_427 = arith.constant 0 : index
        %get3A_428 = tpu.vector_load %arg10[%get3A_426, %get3A_427] {strides = array<i32>} : memref<128x128xf32, #tpu.memory_space<vmem>>, vector<1x16xf32>,
        %get3A_429 = vector.shape_cast %get3A_428 : vector<1x16xf32> to vector<16xf32>
        %mul3A_430 = arith.mulf %get3A_429, %broadcast_in_dim3A_421 : vector<16xf32>
        %swap3A_431 = arith.index_cast %add3A_425 : i32 to index
        %swap3A_432 = arith.constant 0 : index
        %swap3A_433 = tpu.vector_load %arg10[%swap3A_431, %swap3A_432] {strides = array<i32>} : memref<128x128xf32, #tpu.memory_space<vmem>>, vector<1x16xf32>,
        %swap3A_434 = vector.shape_cast %swap3A_433 : vector<1x16xf32> to vector<16xf32>
        %swap3A_435 = vector.shape_cast %mul3A_430 : vector<16xf32> to vector<1x16xf32>
        tpu.vector_store %arg10[%swap3A_431, %swap3A_432], %swap3A_435 {strides = array<i32>} : memref<128x128xf32, #tpu.memory_space<vmem>>, vector<1x16xf32>,
        %get3A_436 = arith.index_cast %add3A_425 : i32 to index
        %get3A_437 = arith.constant 16 : index
        %get3A_438 = tpu.vector_load %arg10[%get3A_436, %get3A_437] {strides = array<i32>} : memref<128x128xf32, #tpu.memory_space<vmem>>, vector<1x16xf32>,
        %get3A_439 = vector.shape_cast %get3A_438 : vector<1x16xf32> to vector<16xf32>
        %mul3A_440 = arith.mulf %get3A_439, %broadcast_in_dim3A_421 : vector<16xf32>
        %swap3A_441 = arith.index_cast %add3A_425 : i32 to index
        %swap3A_442 = arith.constant 16 : index
        %swap3A_443 = tpu.vector_load %arg10[%swap3A_441, %swap3A_442] {strides = array<i32>} : memref<128x128xf32, #tpu.memory_space<vmem>>, vector<1x16xf32>,
        %swap3A_444 = vector.shape_cast %swap3A_443 : vector<1x16xf32> to vector<16xf32>
        %swap3A_445 = vector.shape_cast %mul3A_440 : vector<16xf32> to vector<1x16xf32>
        tpu.vector_store %arg10[%swap3A_441, %swap3A_442], %swap3A_445 {strides = array<i32>} : memref<128x128xf32, #tpu.memory_space<vmem>>, vector<1x16xf32>,
        %get3A_446 = arith.index_cast %add3A_425 : i32 to index
        %get3A_447 = arith.constant 32 : index
        %get3A_448 = tpu.vector_load %arg10[%get3A_446, %get3A_447] {strides = array<i32>} : memref<128x128xf32, #tpu.memory_space<vmem>>, vector<1x16xf32>,
        %get3A_449 = vector.shape_cast %get3A_448 : vector<1x16xf32> to vector<16xf32>
        %mul3A_450 = arith.mulf %get3A_449, %broadcast_in_dim3A_421 : vector<16xf32>
        %swap3A_451 = arith.index_cast %add3A_425 : i32 to index
        %swap3A_452 = arith.constant 32 : index
        %swap3A_453 = tpu.vector_load %arg10[%swap3A_451, %swap3A_452] {strides = array<i32>} : memref<128x128xf32, #tpu.memory_space<vmem>>, vector<1x16xf32>,
        %swap3A_454 = vector.shape_cast %swap3A_453 : vector<1x16xf32> to vector<16xf32>
        %swap3A_455 = vector.shape_cast %mul3A_450 : vector<16xf32> to vector<1x16xf32>
        tpu.vector_store %arg10[%swap3A_451, %swap3A_452], %swap3A_455 {strides = array<i32>} : memref<128x128xf32, #tpu.memory_space<vmem>>, vector<1x16xf32>,
        %get3A_456 = arith.index_cast %add3A_425 : i32 to index
        %get3A_457 = arith.constant 48 : index
        %get3A_458 = tpu.vector_load %arg10[%get3A_456, %get3A_457] {strides = array<i32>} : memref<128x128xf32, #tpu.memory_space<vmem>>, vector<1x16xf32>,
        %get3A_459 = vector.shape_cast %get3A_458 : vector<1x16xf32> to vector<16xf32>
        %mul3A_460 = arith.mulf %get3A_459, %broadcast_in_dim3A_421 : vector<16xf32>
        %swap3A_461 = arith.index_cast %add3A_425 : i32 to index
        %swap3A_462 = arith.constant 48 : index
        %swap3A_463 = tpu.vector_load %arg10[%swap3A_461, %swap3A_462] {strides = array<i32>} : memref<128x128xf32, #tpu.memory_space<vmem>>, vector<1x16xf32>,
        %swap3A_464 = vector.shape_cast %swap3A_463 : vector<1x16xf32> to vector<16xf32>
        %swap3A_465 = vector.shape_cast %mul3A_460 : vector<16xf32> to vector<1x16xf32>
        tpu.vector_store %arg10[%swap3A_461, %swap3A_462], %swap3A_465 {strides = array<i32>} : memref<128x128xf32, #tpu.memory_space<vmem>>, vector<1x16xf32>,
        %get3A_466 = arith.index_cast %add3A_425 : i32 to index
        %get3A_467 = arith.constant 64 : index
        %get3A_468 = tpu.vector_load %arg10[%get3A_466, %get3A_467] {strides = array<i32>} : memref<128x128xf32, #tpu.memory_space<vmem>>, vector<1x16xf32>,
        %get3A_469 = vector.shape_cast %get3A_468 : vector<1x16xf32> to vector<16xf32>
        %mul3A_470 = arith.mulf %get3A_469, %broadcast_in_dim3A_421 : vector<16xf32>
        %swap3A_471 = arith.index_cast %add3A_425 : i32 to index
        %swap3A_472 = arith.constant 64 : index
        %swap3A_473 = tpu.vector_load %arg10[%swap3A_471, %swap3A_472] {strides = array<i32>} : memref<128x128xf32, #tpu.memory_space<vmem>>, vector<1x16xf32>,
        %swap3A_474 = vector.shape_cast %swap3A_473 : vector<1x16xf32> to vector<16xf32>
        %swap3A_475 = vector.shape_cast %mul3A_470 : vector<16xf32> to vector<1x16xf32>
        tpu.vector_store %arg10[%swap3A_471, %swap3A_472], %swap3A_475 {strides = array<i32>} : memref<128x128xf32, #tpu.memory_space<vmem>>, vector<1x16xf32>,
        %get3A_476 = arith.index_cast %add3A_425 : i32 to index
        %get3A_477 = arith.constant 80 : index
        %get3A_478 = tpu.vector_load %arg10[%get3A_476, %get3A_477] {strides = array<i32>} : memref<128x128xf32, #tpu.memory_space<vmem>>, vector<1x16xf32>,
        %get3A_479 = vector.shape_cast %get3A_478 : vector<1x16xf32> to vector<16xf32>
        %mul3A_480 = arith.mulf %get3A_479, %broadcast_in_dim3A_421 : vector<16xf32>
        %swap3A_481 = arith.index_cast %add3A_425 : i32 to index
        %swap3A_482 = arith.constant 80 : index
        %swap3A_483 = tpu.vector_load %arg10[%swap3A_481, %swap3A_482] {strides = array<i32>} : memref<128x128xf32, #tpu.memory_space<vmem>>, vector<1x16xf32>,
        %swap3A_484 = vector.shape_cast %swap3A_483 : vector<1x16xf32> to vector<16xf32>
        %swap3A_485 = vector.shape_cast %mul3A_480 : vector<16xf32> to vector<1x16xf32>
        tpu.vector_store %arg10[%swap3A_481, %swap3A_482], %swap3A_485 {strides = array<i32>} : memref<128x128xf32, #tpu.memory_space<vmem>>, vector<1x16xf32>,
        %get3A_486 = arith.index_cast %add3A_425 : i32 to index
        %get3A_487 = arith.constant 96 : index
        %get3A_488 = tpu.vector_load %arg10[%get3A_486, %get3A_487] {strides = array<i32>} : memref<128x128xf32, #tpu.memory_space<vmem>>, vector<1x16xf32>,
        %get3A_489 = vector.shape_cast %get3A_488 : vector<1x16xf32> to vector<16xf32>
        %mul3A_490 = arith.mulf %get3A_489, %broadcast_in_dim3A_421 : vector<16xf32>
        %swap3A_491 = arith.index_cast %add3A_425 : i32 to index
        %swap3A_492 = arith.constant 96 : index
        %swap3A_493 = tpu.vector_load %arg10[%swap3A_491, %swap3A_492] {strides = array<i32>} : memref<128x128xf32, #tpu.memory_space<vmem>>, vector<1x16xf32>,
        %swap3A_494 = vector.shape_cast %swap3A_493 : vector<1x16xf32> to vector<16xf32>
        %swap3A_495 = vector.shape_cast %mul3A_490 : vector<16xf32> to vector<1x16xf32>
        tpu.vector_store %arg10[%swap3A_491, %swap3A_492], %swap3A_495 {strides = array<i32>} : memref<128x128xf32, #tpu.memory_space<vmem>>, vector<1x16xf32>,
        %get3A_496 = arith.index_cast %add3A_425 : i32 to index
        %get3A_497 = arith.constant 112 : index
        %get3A_498 = tpu.vector_load %arg10[%get3A_496, %get3A_497] {strides = array<i32>} : memref<128x128xf32, #tpu.memory_space<vmem>>, vector<1x16xf32>,
        %get3A_499 = vector.shape_cast %get3A_498 : vector<1x16xf32> to vector<16xf32>
        %mul3A_500 = arith.mulf %get3A_499, %broadcast_in_dim3A_421 : vector<16xf32>
        %swap3A_501 = arith.index_cast %add3A_425 : i32 to index
        %swap3A_502 = arith.constant 112 : index
        %swap3A_503 = tpu.vector_load %arg10[%swap3A_501, %swap3A_502] {strides = array<i32>} : memref<128x128xf32, #tpu.memory_space<vmem>>, vector<1x16xf32>,
        %swap3A_504 = vector.shape_cast %swap3A_503 : vector<1x16xf32> to vector<16xf32>
        %swap3A_505 = vector.shape_cast %mul3A_500 : vector<16xf32> to vector<1x16xf32>
        tpu.vector_store %arg10[%swap3A_501, %swap3A_502], %swap3A_505 {strides = array<i32>} : memref<128x128xf32, #tpu.memory_space<vmem>>, vector<1x16xf32>,
        %slice3A_506 = vector.extract_strided_slice %get3A_74 {offsets = [5], sizes = [1], strides = [1]} : vector<16xf32> to vector<1xf32>
        %squeeze3A_507 = vector.extract %slice3A_506[0] : f32 from vector<1xf32>
        %broadcast_in_dim3A_508 = vector.broadcast %squeeze3A_507 : f32 to vector<16xf32>
        %mul3A_509 = arith.constant 16 : i32
        %mul3A_510 = arith.muli %scan3A_67, %mul3A_509 : i32
        %add3A_511 = arith.constant 5 : i32
        %add3A_512 = arith.addi %mul3A_510, %add3A_511 : i32
        %get3A_513 = arith.index_cast %add3A_512 : i32 to index
        %get3A_514 = arith.constant 0 : index
        %get3A_515 = tpu.vector_load %arg10[%get3A_513, %get3A_514] {strides = array<i32>} : memref<128x128xf32, #tpu.memory_space<vmem>>, vector<1x16xf32>,
        %get3A_516 = vector.shape_cast %get3A_515 : vector<1x16xf32> to vector<16xf32>
        %mul3A_517 = arith.mulf %get3A_516, %broadcast_in_dim3A_508 : vector<16xf32>
        %swap3A_518 = arith.index_cast %add3A_512 : i32 to index
        %swap3A_519 = arith.constant 0 : index
        %swap3A_520 = tpu.vector_load %arg10[%swap3A_518, %swap3A_519] {strides = array<i32>} : memref<128x128xf32, #tpu.memory_space<vmem>>, vector<1x16xf32>,
        %swap3A_521 = vector.shape_cast %swap3A_520 : vector<1x16xf32> to vector<16xf32>
        %swap3A_522 = vector.shape_cast %mul3A_517 : vector<16xf32> to vector<1x16xf32>
        tpu.vector_store %arg10[%swap3A_518, %swap3A_519], %swap3A_522 {strides = array<i32>} : memref<128x128xf32, #tpu.memory_space<vmem>>, vector<1x16xf32>,
        %get3A_523 = arith.index_cast %add3A_512 : i32 to index
        %get3A_524 = arith.constant 16 : index
        %get3A_525 = tpu.vector_load %arg10[%get3A_523, %get3A_524] {strides = array<i32>} : memref<128x128xf32, #tpu.memory_space<vmem>>, vector<1x16xf32>,
        %get3A_526 = vector.shape_cast %get3A_525 : vector<1x16xf32> to vector<16xf32>
        %mul3A_527 = arith.mulf %get3A_526, %broadcast_in_dim3A_508 : vector<16xf32>
        %swap3A_528 = arith.index_cast %add3A_512 : i32 to index
        %swap3A_529 = arith.constant 16 : index
        %swap3A_530 = tpu.vector_load %arg10[%swap3A_528, %swap3A_529] {strides = array<i32>} : memref<128x128xf32, #tpu.memory_space<vmem>>, vector<1x16xf32>,
        %swap3A_531 = vector.shape_cast %swap3A_530 : vector<1x16xf32> to vector<16xf32>
        %swap3A_532 = vector.shape_cast %mul3A_527 : vector<16xf32> to vector<1x16xf32>
        tpu.vector_store %arg10[%swap3A_528, %swap3A_529], %swap3A_532 {strides = array<i32>} : memref<128x128xf32, #tpu.memory_space<vmem>>, vector<1x16xf32>,
        %get3A_533 = arith.index_cast %add3A_512 : i32 to index
        %get3A_534 = arith.constant 32 : index
        %get3A_535 = tpu.vector_load %arg10[%get3A_533, %get3A_534] {strides = array<i32>} : memref<128x128xf32, #tpu.memory_space<vmem>>, vector<1x16xf32>,
        %get3A_536 = vector.shape_cast %get3A_535 : vector<1x16xf32> to vector<16xf32>
        %mul3A_537 = arith.mulf %get3A_536, %broadcast_in_dim3A_508 : vector<16xf32>
        %swap3A_538 = arith.index_cast %add3A_512 : i32 to index
        %swap3A_539 = arith.constant 32 : index
        %swap3A_540 = tpu.vector_load %arg10[%swap3A_538, %swap3A_539] {strides = array<i32>} : memref<128x128xf32, #tpu.memory_space<vmem>>, vector<1x16xf32>,
        %swap3A_541 = vector.shape_cast %swap3A_540 : vector<1x16xf32> to vector<16xf32>
        %swap3A_542 = vector.shape_cast %mul3A_537 : vector<16xf32> to vector<1x16xf32>
        tpu.vector_store %arg10[%swap3A_538, %swap3A_539], %swap3A_542 {strides = array<i32>} : memref<128x128xf32, #tpu.memory_space<vmem>>, vector<1x16xf32>,
        %get3A_543 = arith.index_cast %add3A_512 : i32 to index
        %get3A_544 = arith.constant 48 : index
        %get3A_545 = tpu.vector_load %arg10[%get3A_543, %get3A_544] {strides = array<i32>} : memref<128x128xf32, #tpu.memory_space<vmem>>, vector<1x16xf32>,
        %get3A_546 = vector.shape_cast %get3A_545 : vector<1x16xf32> to vector<16xf32>
        %mul3A_547 = arith.mulf %get3A_546, %broadcast_in_dim3A_508 : vector<16xf32>
        %swap3A_548 = arith.index_cast %add3A_512 : i32 to index
        %swap3A_549 = arith.constant 48 : index
        %swap3A_550 = tpu.vector_load %arg10[%swap3A_548, %swap3A_549] {strides = array<i32>} : memref<128x128xf32, #tpu.memory_space<vmem>>, vector<1x16xf32>,
        %swap3A_551 = vector.shape_cast %swap3A_550 : vector<1x16xf32> to vector<16xf32>
        %swap3A_552 = vector.shape_cast %mul3A_547 : vector<16xf32> to vector<1x16xf32>
        tpu.vector_store %arg10[%swap3A_548, %swap3A_549], %swap3A_552 {strides = array<i32>} : memref<128x128xf32, #tpu.memory_space<vmem>>, vector<1x16xf32>,
        %get3A_553 = arith.index_cast %add3A_512 : i32 to index
        %get3A_554 = arith.constant 64 : index
        %get3A_555 = tpu.vector_load %arg10[%get3A_553, %get3A_554] {strides = array<i32>} : memref<128x128xf32, #tpu.memory_space<vmem>>, vector<1x16xf32>,
        %get3A_556 = vector.shape_cast %get3A_555 : vector<1x16xf32> to vector<16xf32>
        %mul3A_557 = arith.mulf %get3A_556, %broadcast_in_dim3A_508 : vector<16xf32>
        %swap3A_558 = arith.index_cast %add3A_512 : i32 to index
        %swap3A_559 = arith.constant 64 : index
        %swap3A_560 = tpu.vector_load %arg10[%swap3A_558, %swap3A_559] {strides = array<i32>} : memref<128x128xf32, #tpu.memory_space<vmem>>, vector<1x16xf32>,
        %swap3A_561 = vector.shape_cast %swap3A_560 : vector<1x16xf32> to vector<16xf32>
        %swap3A_562 = vector.shape_cast %mul3A_557 : vector<16xf32> to vector<1x16xf32>
        tpu.vector_store %arg10[%swap3A_558, %swap3A_559], %swap3A_562 {strides = array<i32>} : memref<128x128xf32, #tpu.memory_space<vmem>>, vector<1x16xf32>,
        %get3A_563 = arith.index_cast %add3A_512 : i32 to index
        %get3A_564 = arith.constant 80 : index
        %get3A_565 = tpu.vector_load %arg10[%get3A_563, %get3A_564] {strides = array<i32>} : memref<128x128xf32, #tpu.memory_space<vmem>>, vector<1x16xf32>,
        %get3A_566 = vector.shape_cast %get3A_565 : vector<1x16xf32> to vector<16xf32>
        %mul3A_567 = arith.mulf %get3A_566, %broadcast_in_dim3A_508 : vector<16xf32>
        %swap3A_568 = arith.index_cast %add3A_512 : i32 to index
        %swap3A_569 = arith.constant 80 : index
        %swap3A_570 = tpu.vector_load %arg10[%swap3A_568, %swap3A_569] {strides = array<i32>} : memref<128x128xf32, #tpu.memory_space<vmem>>, vector<1x16xf32>,
        %swap3A_571 = vector.shape_cast %swap3A_570 : vector<1x16xf32> to vector<16xf32>
        %swap3A_572 = vector.shape_cast %mul3A_567 : vector<16xf32> to vector<1x16xf32>
        tpu.vector_store %arg10[%swap3A_568, %swap3A_569], %swap3A_572 {strides = array<i32>} : memref<128x128xf32, #tpu.memory_space<vmem>>, vector<1x16xf32>,
        %get3A_573 = arith.index_cast %add3A_512 : i32 to index
        %get3A_574 = arith.constant 96 : index
        %get3A_575 = tpu.vector_load %arg10[%get3A_573, %get3A_574] {strides = array<i32>} : memref<128x128xf32, #tpu.memory_space<vmem>>, vector<1x16xf32>,
        %get3A_576 = vector.shape_cast %get3A_575 : vector<1x16xf32> to vector<16xf32>
        %mul3A_577 = arith.mulf %get3A_576, %broadcast_in_dim3A_508 : vector<16xf32>
        %swap3A_578 = arith.index_cast %add3A_512 : i32 to index
        %swap3A_579 = arith.constant 96 : index
        %swap3A_580 = tpu.vector_load %arg10[%swap3A_578, %swap3A_579] {strides = array<i32>} : memref<128x128xf32, #tpu.memory_space<vmem>>, vector<1x16xf32>,
        %swap3A_581 = vector.shape_cast %swap3A_580 : vector<1x16xf32> to vector<16xf32>
        %swap3A_582 = vector.shape_cast %mul3A_577 : vector<16xf32> to vector<1x16xf32>
        tpu.vector_store %arg10[%swap3A_578, %swap3A_579], %swap3A_582 {strides = array<i32>} : memref<128x128xf32, #tpu.memory_space<vmem>>, vector<1x16xf32>,
        %get3A_583 = arith.index_cast %add3A_512 : i32 to index
        %get3A_584 = arith.constant 112 : index
        %get3A_585 = tpu.vector_load %arg10[%get3A_583, %get3A_584] {strides = array<i32>} : memref<128x128xf32, #tpu.memory_space<vmem>>, vector<1x16xf32>,
        %get3A_586 = vector.shape_cast %get3A_585 : vector<1x16xf32> to vector<16xf32>
        %mul3A_587 = arith.mulf %get3A_586, %broadcast_in_dim3A_508 : vector<16xf32>
        %swap3A_588 = arith.index_cast %add3A_512 : i32 to index
        %swap3A_589 = arith.constant 112 : index
        %swap3A_590 = tpu.vector_load %arg10[%swap3A_588, %swap3A_589] {strides = array<i32>} : memref<128x128xf32, #tpu.memory_space<vmem>>, vector<1x16xf32>,
        %swap3A_591 = vector.shape_cast %swap3A_590 : vector<1x16xf32> to vector<16xf32>
        %swap3A_592 = vector.shape_cast %mul3A_587 : vector<16xf32> to vector<1x16xf32>
        tpu.vector_store %arg10[%swap3A_588, %swap3A_589], %swap3A_592 {strides = array<i32>} : memref<128x128xf32, #tpu.memory_space<vmem>>, vector<1x16xf32>,
        %slice3A_593 = vector.extract_strided_slice %get3A_74 {offsets = [6], sizes = [1], strides = [1]} : vector<16xf32> to vector<1xf32>
        %squeeze3A_594 = vector.extract %slice3A_593[0] : f32 from vector<1xf32>
        %broadcast_in_dim3A_595 = vector.broadcast %squeeze3A_594 : f32 to vector<16xf32>
        %mul3A_596 = arith.constant 16 : i32
        %mul3A_597 = arith.muli %scan3A_67, %mul3A_596 : i32
        %add3A_598 = arith.constant 6 : i32
        %add3A_599 = arith.addi %mul3A_597, %add3A_598 : i32
        %get3A_600 = arith.index_cast %add3A_599 : i32 to index
        %get3A_601 = arith.constant 0 : index
        %get3A_602 = tpu.vector_load %arg10[%get3A_600, %get3A_601] {strides = array<i32>} : memref<128x128xf32, #tpu.memory_space<vmem>>, vector<1x16xf32>,
        %get3A_603 = vector.shape_cast %get3A_602 : vector<1x16xf32> to vector<16xf32>
        %mul3A_604 = arith.mulf %get3A_603, %broadcast_in_dim3A_595 : vector<16xf32>
        %swap3A_605 = arith.index_cast %add3A_599 : i32 to index
        %swap3A_606 = arith.constant 0 : index
        %swap3A_607 = tpu.vector_load %arg10[%swap3A_605, %swap3A_606] {strides = array<i32>} : memref<128x128xf32, #tpu.memory_space<vmem>>, vector<1x16xf32>,
        %swap3A_608 = vector.shape_cast %swap3A_607 : vector<1x16xf32> to vector<16xf32>
        %swap3A_609 = vector.shape_cast %mul3A_604 : vector<16xf32> to vector<1x16xf32>
        tpu.vector_store %arg10[%swap3A_605, %swap3A_606], %swap3A_609 {strides = array<i32>} : memref<128x128xf32, #tpu.memory_space<vmem>>, vector<1x16xf32>,
        %get3A_610 = arith.index_cast %add3A_599 : i32 to index
        %get3A_611 = arith.constant 16 : index
        %get3A_612 = tpu.vector_load %arg10[%get3A_610, %get3A_611] {strides = array<i32>} : memref<128x128xf32, #tpu.memory_space<vmem>>, vector<1x16xf32>,
        %get3A_613 = vector.shape_cast %get3A_612 : vector<1x16xf32> to vector<16xf32>
        %mul3A_614 = arith.mulf %get3A_613, %broadcast_in_dim3A_595 : vector<16xf32>
        %swap3A_615 = arith.index_cast %add3A_599 : i32 to index
        %swap3A_616 = arith.constant 16 : index
        %swap3A_617 = tpu.vector_load %arg10[%swap3A_615, %swap3A_616] {strides = array<i32>} : memref<128x128xf32, #tpu.memory_space<vmem>>, vector<1x16xf32>,
        %swap3A_618 = vector.shape_cast %swap3A_617 : vector<1x16xf32> to vector<16xf32>
        %swap3A_619 = vector.shape_cast %mul3A_614 : vector<16xf32> to vector<1x16xf32>
        tpu.vector_store %arg10[%swap3A_615, %swap3A_616], %swap3A_619 {strides = array<i32>} : memref<128x128xf32, #tpu.memory_space<vmem>>, vector<1x16xf32>,
        %get3A_620 = arith.index_cast %add3A_599 : i32 to index
        %get3A_621 = arith.constant 32 : index
        %get3A_622 = tpu.vector_load %arg10[%get3A_620, %get3A_621] {strides = array<i32>} : memref<128x128xf32, #tpu.memory_space<vmem>>, vector<1x16xf32>,
        %get3A_623 = vector.shape_cast %get3A_622 : vector<1x16xf32> to vector<16xf32>
        %mul3A_624 = arith.mulf %get3A_623, %broadcast_in_dim3A_595 : vector<16xf32>
        %swap3A_625 = arith.index_cast %add3A_599 : i32 to index
        %swap3A_626 = arith.constant 32 : index
        %swap3A_627 = tpu.vector_load %arg10[%swap3A_625, %swap3A_626] {strides = array<i32>} : memref<128x128xf32, #tpu.memory_space<vmem>>, vector<1x16xf32>,
        %swap3A_628 = vector.shape_cast %swap3A_627 : vector<1x16xf32> to vector<16xf32>
        %swap3A_629 = vector.shape_cast %mul3A_624 : vector<16xf32> to vector<1x16xf32>
        tpu.vector_store %arg10[%swap3A_625, %swap3A_626], %swap3A_629 {strides = array<i32>} : memref<128x128xf32, #tpu.memory_space<vmem>>, vector<1x16xf32>,
        %get3A_630 = arith.index_cast %add3A_599 : i32 to index
        %get3A_631 = arith.constant 48 : index
        %get3A_632 = tpu.vector_load %arg10[%get3A_630, %get3A_631] {strides = array<i32>} : memref<128x128xf32, #tpu.memory_space<vmem>>, vector<1x16xf32>,
        %get3A_633 = vector.shape_cast %get3A_632 : vector<1x16xf32> to vector<16xf32>
        %mul3A_634 = arith.mulf %get3A_633, %broadcast_in_dim3A_595 : vector<16xf32>
        %swap3A_635 = arith.index_cast %add3A_599 : i32 to index
        %swap3A_636 = arith.constant 48 : index
        %swap3A_637 = tpu.vector_load %arg10[%swap3A_635, %swap3A_636] {strides = array<i32>} : memref<128x128xf32, #tpu.memory_space<vmem>>, vector<1x16xf32>,
        %swap3A_638 = vector.shape_cast %swap3A_637 : vector<1x16xf32> to vector<16xf32>
        %swap3A_639 = vector.shape_cast %mul3A_634 : vector<16xf32> to vector<1x16xf32>
        tpu.vector_store %arg10[%swap3A_635, %swap3A_636], %swap3A_639 {strides = array<i32>} : memref<128x128xf32, #tpu.memory_space<vmem>>, vector<1x16xf32>,
        %get3A_640 = arith.index_cast %add3A_599 : i32 to index
        %get3A_641 = arith.constant 64 : index
        %get3A_642 = tpu.vector_load %arg10[%get3A_640, %get3A_641] {strides = array<i32>} : memref<128x128xf32, #tpu.memory_space<vmem>>, vector<1x16xf32>,
        %get3A_643 = vector.shape_cast %get3A_642 : vector<1x16xf32> to vector<16xf32>
        %mul3A_644 = arith.mulf %get3A_643, %broadcast_in_dim3A_595 : vector<16xf32>
        %swap3A_645 = arith.index_cast %add3A_599 : i32 to index
        %swap3A_646 = arith.constant 64 : index
        %swap3A_647 = tpu.vector_load %arg10[%swap3A_645, %swap3A_646] {strides = array<i32>} : memref<128x128xf32, #tpu.memory_space<vmem>>, vector<1x16xf32>,
        %swap3A_648 = vector.shape_cast %swap3A_647 : vector<1x16xf32> to vector<16xf32>
        %swap3A_649 = vector.shape_cast %mul3A_644 : vector<16xf32> to vector<1x16xf32>
        tpu.vector_store %arg10[%swap3A_645, %swap3A_646], %swap3A_649 {strides = array<i32>} : memref<128x128xf32, #tpu.memory_space<vmem>>, vector<1x16xf32>,
        %get3A_650 = arith.index_cast %add3A_599 : i32 to index
        %get3A_651 = arith.constant 80 : index
        %get3A_652 = tpu.vector_load %arg10[%get3A_650, %get3A_651] {strides = array<i32>} : memref<128x128xf32, #tpu.memory_space<vmem>>, vector<1x16xf32>,
        %get3A_653 = vector.shape_cast %get3A_652 : vector<1x16xf32> to vector<16xf32>
        %mul3A_654 = arith.mulf %get3A_653, %broadcast_in_dim3A_595 : vector<16xf32>
        %swap3A_655 = arith.index_cast %add3A_599 : i32 to index
        %swap3A_656 = arith.constant 80 : index
        %swap3A_657 = tpu.vector_load %arg10[%swap3A_655, %swap3A_656] {strides = array<i32>} : memref<128x128xf32, #tpu.memory_space<vmem>>, vector<1x16xf32>,
        %swap3A_658 = vector.shape_cast %swap3A_657 : vector<1x16xf32> to vector<16xf32>
        %swap3A_659 = vector.shape_cast %mul3A_654 : vector<16xf32> to vector<1x16xf32>
        tpu.vector_store %arg10[%swap3A_655, %swap3A_656], %swap3A_659 {strides = array<i32>} : memref<128x128xf32, #tpu.memory_space<vmem>>, vector<1x16xf32>,
        %get3A_660 = arith.index_cast %add3A_599 : i32 to index
        %get3A_661 = arith.constant 96 : index
        %get3A_662 = tpu.vector_load %arg10[%get3A_660, %get3A_661] {strides = array<i32>} : memref<128x128xf32, #tpu.memory_space<vmem>>, vector<1x16xf32>,
        %get3A_663 = vector.shape_cast %get3A_662 : vector<1x16xf32> to vector<16xf32>
        %mul3A_664 = arith.mulf %get3A_663, %broadcast_in_dim3A_595 : vector<16xf32>
        %swap3A_665 = arith.index_cast %add3A_599 : i32 to index
        %swap3A_666 = arith.constant 96 : index
        %swap3A_667 = tpu.vector_load %arg10[%swap3A_665, %swap3A_666] {strides = array<i32>} : memref<128x128xf32, #tpu.memory_space<vmem>>, vector<1x16xf32>,
        %swap3A_668 = vector.shape_cast %swap3A_667 : vector<1x16xf32> to vector<16xf32>
        %swap3A_669 = vector.shape_cast %mul3A_664 : vector<16xf32> to vector<1x16xf32>
        tpu.vector_store %arg10[%swap3A_665, %swap3A_666], %swap3A_669 {strides = array<i32>} : memref<128x128xf32, #tpu.memory_space<vmem>>, vector<1x16xf32>,
        %get3A_670 = arith.index_cast %add3A_599 : i32 to index
        %get3A_671 = arith.constant 112 : index
        %get3A_672 = tpu.vector_load %arg10[%get3A_670, %get3A_671] {strides = array<i32>} : memref<128x128xf32, #tpu.memory_space<vmem>>, vector<1x16xf32>,
        %get3A_673 = vector.shape_cast %get3A_672 : vector<1x16xf32> to vector<16xf32>
        %mul3A_674 = arith.mulf %get3A_673, %broadcast_in_dim3A_595 : vector<16xf32>
        %swap3A_675 = arith.index_cast %add3A_599 : i32 to index
        %swap3A_676 = arith.constant 112 : index
        %swap3A_677 = tpu.vector_load %arg10[%swap3A_675, %swap3A_676] {strides = array<i32>} : memref<128x128xf32, #tpu.memory_space<vmem>>, vector<1x16xf32>,
        %swap3A_678 = vector.shape_cast %swap3A_677 : vector<1x16xf32> to vector<16xf32>
        %swap3A_679 = vector.shape_cast %mul3A_674 : vector<16xf32> to vector<1x16xf32>
        tpu.vector_store %arg10[%swap3A_675, %swap3A_676], %swap3A_679 {strides = array<i32>} : memref<128x128xf32, #tpu.memory_space<vmem>>, vector<1x16xf32>,
        %slice3A_680 = vector.extract_strided_slice %get3A_74 {offsets = [7], sizes = [1], strides = [1]} : vector<16xf32> to vector<1xf32>
        %squeeze3A_681 = vector.extract %slice3A_680[0] : f32 from vector<1xf32>
        %broadcast_in_dim3A_682 = vector.broadcast %squeeze3A_681 : f32 to vector<16xf32>
        %mul3A_683 = arith.constant 16 : i32
        %mul3A_684 = arith.muli %scan3A_67, %mul3A_683 : i32
        %add3A_685 = arith.constant 7 : i32
        %add3A_686 = arith.addi %mul3A_684, %add3A_685 : i32
        %get3A_687 = arith.index_cast %add3A_686 : i32 to index
        %get3A_688 = arith.constant 0 : index
        %get3A_689 = tpu.vector_load %arg10[%get3A_687, %get3A_688] {strides = array<i32>} : memref<128x128xf32, #tpu.memory_space<vmem>>, vector<1x16xf32>,
        %get3A_690 = vector.shape_cast %get3A_689 : vector<1x16xf32> to vector<16xf32>
        %mul3A_691 = arith.mulf %get3A_690, %broadcast_in_dim3A_682 : vector<16xf32>
        %swap3A_692 = arith.index_cast %add3A_686 : i32 to index
        %swap3A_693 = arith.constant 0 : index
        %swap3A_694 = tpu.vector_load %arg10[%swap3A_692, %swap3A_693] {strides = array<i32>} : memref<128x128xf32, #tpu.memory_space<vmem>>, vector<1x16xf32>,
        %swap3A_695 = vector.shape_cast %swap3A_694 : vector<1x16xf32> to vector<16xf32>
        %swap3A_696 = vector.shape_cast %mul3A_691 : vector<16xf32> to vector<1x16xf32>
        tpu.vector_store %arg10[%swap3A_692, %swap3A_693], %swap3A_696 {strides = array<i32>} : memref<128x128xf32, #tpu.memory_space<vmem>>, vector<1x16xf32>,
        %get3A_697 = arith.index_cast %add3A_686 : i32 to index
        %get3A_698 = arith.constant 16 : index
        %get3A_699 = tpu.vector_load %arg10[%get3A_697, %get3A_698] {strides = array<i32>} : memref<128x128xf32, #tpu.memory_space<vmem>>, vector<1x16xf32>,
        %get3A_700 = vector.shape_cast %get3A_699 : vector<1x16xf32> to vector<16xf32>
        %mul3A_701 = arith.mulf %get3A_700, %broadcast_in_dim3A_682 : vector<16xf32>
        %swap3A_702 = arith.index_cast %add3A_686 : i32 to index
        %swap3A_703 = arith.constant 16 : index
        %swap3A_704 = tpu.vector_load %arg10[%swap3A_702, %swap3A_703] {strides = array<i32>} : memref<128x128xf32, #tpu.memory_space<vmem>>, vector<1x16xf32>,
        %swap3A_705 = vector.shape_cast %swap3A_704 : vector<1x16xf32> to vector<16xf32>
        %swap3A_706 = vector.shape_cast %mul3A_701 : vector<16xf32> to vector<1x16xf32>
        tpu.vector_store %arg10[%swap3A_702, %swap3A_703], %swap3A_706 {strides = array<i32>} : memref<128x128xf32, #tpu.memory_space<vmem>>, vector<1x16xf32>,
        %get3A_707 = arith.index_cast %add3A_686 : i32 to index
        %get3A_708 = arith.constant 32 : index
        %get3A_709 = tpu.vector_load %arg10[%get3A_707, %get3A_708] {strides = array<i32>} : memref<128x128xf32, #tpu.memory_space<vmem>>, vector<1x16xf32>,
        %get3A_710 = vector.shape_cast %get3A_709 : vector<1x16xf32> to vector<16xf32>
        %mul3A_711 = arith.mulf %get3A_710, %broadcast_in_dim3A_682 : vector<16xf32>
        %swap3A_712 = arith.index_cast %add3A_686 : i32 to index
        %swap3A_713 = arith.constant 32 : index
        %swap3A_714 = tpu.vector_load %arg10[%swap3A_712, %swap3A_713] {strides = array<i32>} : memref<128x128xf32, #tpu.memory_space<vmem>>, vector<1x16xf32>,
        %swap3A_715 = vector.shape_cast %swap3A_714 : vector<1x16xf32> to vector<16xf32>
        %swap3A_716 = vector.shape_cast %mul3A_711 : vector<16xf32> to vector<1x16xf32>
        tpu.vector_store %arg10[%swap3A_712, %swap3A_713], %swap3A_716 {strides = array<i32>} : memref<128x128xf32, #tpu.memory_space<vmem>>, vector<1x16xf32>,
        %get3A_717 = arith.index_cast %add3A_686 : i32 to index
        %get3A_718 = arith.constant 48 : index
        %get3A_719 = tpu.vector_load %arg10[%get3A_717, %get3A_718] {strides = array<i32>} : memref<128x128xf32, #tpu.memory_space<vmem>>, vector<1x16xf32>,
        %get3A_720 = vector.shape_cast %get3A_719 : vector<1x16xf32> to vector<16xf32>
        %mul3A_721 = arith.mulf %get3A_720, %broadcast_in_dim3A_682 : vector<16xf32>
        %swap3A_722 = arith.index_cast %add3A_686 : i32 to index
        %swap3A_723 = arith.constant 48 : index
        %swap3A_724 = tpu.vector_load %arg10[%swap3A_722, %swap3A_723] {strides = array<i32>} : memref<128x128xf32, #tpu.memory_space<vmem>>, vector<1x16xf32>,
        %swap3A_725 = vector.shape_cast %swap3A_724 : vector<1x16xf32> to vector<16xf32>
        %swap3A_726 = vector.shape_cast %mul3A_721 : vector<16xf32> to vector<1x16xf32>
        tpu.vector_store %arg10[%swap3A_722, %swap3A_723], %swap3A_726 {strides = array<i32>} : memref<128x128xf32, #tpu.memory_space<vmem>>, vector<1x16xf32>,
        %get3A_727 = arith.index_cast %add3A_686 : i32 to index
        %get3A_728 = arith.constant 64 : index
        %get3A_729 = tpu.vector_load %arg10[%get3A_727, %get3A_728] {strides = array<i32>} : memref<128x128xf32, #tpu.memory_space<vmem>>, vector<1x16xf32>,
        %get3A_730 = vector.shape_cast %get3A_729 : vector<1x16xf32> to vector<16xf32>
        %mul3A_731 = arith.mulf %get3A_730, %broadcast_in_dim3A_682 : vector<16xf32>
        %swap3A_732 = arith.index_cast %add3A_686 : i32 to index
        %swap3A_733 = arith.constant 64 : index
        %swap3A_734 = tpu.vector_load %arg10[%swap3A_732, %swap3A_733] {strides = array<i32>} : memref<128x128xf32, #tpu.memory_space<vmem>>, vector<1x16xf32>,
        %swap3A_735 = vector.shape_cast %swap3A_734 : vector<1x16xf32> to vector<16xf32>
        %swap3A_736 = vector.shape_cast %mul3A_731 : vector<16xf32> to vector<1x16xf32>
        tpu.vector_store %arg10[%swap3A_732, %swap3A_733], %swap3A_736 {strides = array<i32>} : memref<128x128xf32, #tpu.memory_space<vmem>>, vector<1x16xf32>,
        %get3A_737 = arith.index_cast %add3A_686 : i32 to index
        %get3A_738 = arith.constant 80 : index
        %get3A_739 = tpu.vector_load %arg10[%get3A_737, %get3A_738] {strides = array<i32>} : memref<128x128xf32, #tpu.memory_space<vmem>>, vector<1x16xf32>,
        %get3A_740 = vector.shape_cast %get3A_739 : vector<1x16xf32> to vector<16xf32>
        %mul3A_741 = arith.mulf %get3A_740, %broadcast_in_dim3A_682 : vector<16xf32>
        %swap3A_742 = arith.index_cast %add3A_686 : i32 to index
        %swap3A_743 = arith.constant 80 : index
        %swap3A_744 = tpu.vector_load %arg10[%swap3A_742, %swap3A_743] {strides = array<i32>} : memref<128x128xf32, #tpu.memory_space<vmem>>, vector<1x16xf32>,
        %swap3A_745 = vector.shape_cast %swap3A_744 : vector<1x16xf32> to vector<16xf32>
        %swap3A_746 = vector.shape_cast %mul3A_741 : vector<16xf32> to vector<1x16xf32>
        tpu.vector_store %arg10[%swap3A_742, %swap3A_743], %swap3A_746 {strides = array<i32>} : memref<128x128xf32, #tpu.memory_space<vmem>>, vector<1x16xf32>,
        %get3A_747 = arith.index_cast %add3A_686 : i32 to index
        %get3A_748 = arith.constant 96 : index
        %get3A_749 = tpu.vector_load %arg10[%get3A_747, %get3A_748] {strides = array<i32>} : memref<128x128xf32, #tpu.memory_space<vmem>>, vector<1x16xf32>,
        %get3A_750 = vector.shape_cast %get3A_749 : vector<1x16xf32> to vector<16xf32>
        %mul3A_751 = arith.mulf %get3A_750, %broadcast_in_dim3A_682 : vector<16xf32>
        %swap3A_752 = arith.index_cast %add3A_686 : i32 to index
        %swap3A_753 = arith.constant 96 : index
        %swap3A_754 = tpu.vector_load %arg10[%swap3A_752, %swap3A_753] {strides = array<i32>} : memref<128x128xf32, #tpu.memory_space<vmem>>, vector<1x16xf32>,
        %swap3A_755 = vector.shape_cast %swap3A_754 : vector<1x16xf32> to vector<16xf32>
        %swap3A_756 = vector.shape_cast %mul3A_751 : vector<16xf32> to vector<1x16xf32>
        tpu.vector_store %arg10[%swap3A_752, %swap3A_753], %swap3A_756 {strides = array<i32>} : memref<128x128xf32, #tpu.memory_space<vmem>>, vector<1x16xf32>,
        %get3A_757 = arith.index_cast %add3A_686 : i32 to index
        %get3A_758 = arith.constant 112 : index
        %get3A_759 = tpu.vector_load %arg10[%get3A_757, %get3A_758] {strides = array<i32>} : memref<128x128xf32, #tpu.memory_space<vmem>>, vector<1x16xf32>,
        %get3A_760 = vector.shape_cast %get3A_759 : vector<1x16xf32> to vector<16xf32>
        %mul3A_761 = arith.mulf %get3A_760, %broadcast_in_dim3A_682 : vector<16xf32>
        %swap3A_762 = arith.index_cast %add3A_686 : i32 to index
        %swap3A_763 = arith.constant 112 : index
        %swap3A_764 = tpu.vector_load %arg10[%swap3A_762, %swap3A_763] {strides = array<i32>} : memref<128x128xf32, #tpu.memory_space<vmem>>, vector<1x16xf32>,
        %swap3A_765 = vector.shape_cast %swap3A_764 : vector<1x16xf32> to vector<16xf32>
        %swap3A_766 = vector.shape_cast %mul3A_761 : vector<16xf32> to vector<1x16xf32>
        tpu.vector_store %arg10[%swap3A_762, %swap3A_763], %swap3A_766 {strides = array<i32>} : memref<128x128xf32, #tpu.memory_space<vmem>>, vector<1x16xf32>,
        %slice3A_767 = vector.extract_strided_slice %get3A_74 {offsets = [8], sizes = [1], strides = [1]} : vector<16xf32> to vector<1xf32>
        %squeeze3A_768 = vector.extract %slice3A_767[0] : f32 from vector<1xf32>
        %broadcast_in_dim3A_769 = vector.broadcast %squeeze3A_768 : f32 to vector<16xf32>
        %mul3A_770 = arith.constant 16 : i32
        %mul3A_771 = arith.muli %scan3A_67, %mul3A_770 : i32
        %add3A_772 = arith.constant 8 : i32
        %add3A_773 = arith.addi %mul3A_771, %add3A_772 : i32
        %get3A_774 = arith.index_cast %add3A_773 : i32 to index
        %get3A_775 = arith.constant 0 : index
        %get3A_776 = tpu.vector_load %arg10[%get3A_774, %get3A_775] {strides = array<i32>} : memref<128x128xf32, #tpu.memory_space<vmem>>, vector<1x16xf32>,
        %get3A_777 = vector.shape_cast %get3A_776 : vector<1x16xf32> to vector<16xf32>
        %mul3A_778 = arith.mulf %get3A_777, %broadcast_in_dim3A_769 : vector<16xf32>
        %swap3A_779 = arith.index_cast %add3A_773 : i32 to index
        %swap3A_780 = arith.constant 0 : index
        %swap3A_781 = tpu.vector_load %arg10[%swap3A_779, %swap3A_780] {strides = array<i32>} : memref<128x128xf32, #tpu.memory_space<vmem>>, vector<1x16xf32>,
        %swap3A_782 = vector.shape_cast %swap3A_781 : vector<1x16xf32> to vector<16xf32>
        %swap3A_783 = vector.shape_cast %mul3A_778 : vector<16xf32> to vector<1x16xf32>
        tpu.vector_store %arg10[%swap3A_779, %swap3A_780], %swap3A_783 {strides = array<i32>} : memref<128x128xf32, #tpu.memory_space<vmem>>, vector<1x16xf32>,
        %get3A_784 = arith.index_cast %add3A_773 : i32 to index
        %get3A_785 = arith.constant 16 : index
        %get3A_786 = tpu.vector_load %arg10[%get3A_784, %get3A_785] {strides = array<i32>} : memref<128x128xf32, #tpu.memory_space<vmem>>, vector<1x16xf32>,
        %get3A_787 = vector.shape_cast %get3A_786 : vector<1x16xf32> to vector<16xf32>
        %mul3A_788 = arith.mulf %get3A_787, %broadcast_in_dim3A_769 : vector<16xf32>
        %swap3A_789 = arith.index_cast %add3A_773 : i32 to index
        %swap3A_790 = arith.constant 16 : index
        %swap3A_791 = tpu.vector_load %arg10[%swap3A_789, %swap3A_790] {strides = array<i32>} : memref<128x128xf32, #tpu.memory_space<vmem>>, vector<1x16xf32>,
        %swap3A_792 = vector.shape_cast %swap3A_791 : vector<1x16xf32> to vector<16xf32>
        %swap3A_793 = vector.shape_cast %mul3A_788 : vector<16xf32> to vector<1x16xf32>
        tpu.vector_store %arg10[%swap3A_789, %swap3A_790], %swap3A_793 {strides = array<i32>} : memref<128x128xf32, #tpu.memory_space<vmem>>, vector<1x16xf32>,
        %get3A_794 = arith.index_cast %add3A_773 : i32 to index
        %get3A_795 = arith.constant 32 : index
        %get3A_796 = tpu.vector_load %arg10[%get3A_794, %get3A_795] {strides = array<i32>} : memref<128x128xf32, #tpu.memory_space<vmem>>, vector<1x16xf32>,
        %get3A_797 = vector.shape_cast %get3A_796 : vector<1x16xf32> to vector<16xf32>
        %mul3A_798 = arith.mulf %get3A_797, %broadcast_in_dim3A_769 : vector<16xf32>
        %swap3A_799 = arith.index_cast %add3A_773 : i32 to index
        %swap3A_800 = arith.constant 32 : index
        %swap3A_801 = tpu.vector_load %arg10[%swap3A_799, %swap3A_800] {strides = array<i32>} : memref<128x128xf32, #tpu.memory_space<vmem>>, vector<1x16xf32>,
        %swap3A_802 = vector.shape_cast %swap3A_801 : vector<1x16xf32> to vector<16xf32>
        %swap3A_803 = vector.shape_cast %mul3A_798 : vector<16xf32> to vector<1x16xf32>
        tpu.vector_store %arg10[%swap3A_799, %swap3A_800], %swap3A_803 {strides = array<i32>} : memref<128x128xf32, #tpu.memory_space<vmem>>, vector<1x16xf32>,
        %get3A_804 = arith.index_cast %add3A_773 : i32 to index
        %get3A_805 = arith.constant 48 : index
        %get3A_806 = tpu.vector_load %arg10[%get3A_804, %get3A_805] {strides = array<i32>} : memref<128x128xf32, #tpu.memory_space<vmem>>, vector<1x16xf32>,
        %get3A_807 = vector.shape_cast %get3A_806 : vector<1x16xf32> to vector<16xf32>
        %mul3A_808 = arith.mulf %get3A_807, %broadcast_in_dim3A_769 : vector<16xf32>
        %swap3A_809 = arith.index_cast %add3A_773 : i32 to index
        %swap3A_810 = arith.constant 48 : index
        %swap3A_811 = tpu.vector_load %arg10[%swap3A_809, %swap3A_810] {strides = array<i32>} : memref<128x128xf32, #tpu.memory_space<vmem>>, vector<1x16xf32>,
        %swap3A_812 = vector.shape_cast %swap3A_811 : vector<1x16xf32> to vector<16xf32>
        %swap3A_813 = vector.shape_cast %mul3A_808 : vector<16xf32> to vector<1x16xf32>
        tpu.vector_store %arg10[%swap3A_809, %swap3A_810], %swap3A_813 {strides = array<i32>} : memref<128x128xf32, #tpu.memory_space<vmem>>, vector<1x16xf32>,
        %get3A_814 = arith.index_cast %add3A_773 : i32 to index
        %get3A_815 = arith.constant 64 : index
        %get3A_816 = tpu.vector_load %arg10[%get3A_814, %get3A_815] {strides = array<i32>} : memref<128x128xf32, #tpu.memory_space<vmem>>, vector<1x16xf32>,
        %get3A_817 = vector.shape_cast %get3A_816 : vector<1x16xf32> to vector<16xf32>
        %mul3A_818 = arith.mulf %get3A_817, %broadcast_in_dim3A_769 : vector<16xf32>
        %swap3A_819 = arith.index_cast %add3A_773 : i32 to index
        %swap3A_820 = arith.constant 64 : index
        %swap3A_821 = tpu.vector_load %arg10[%swap3A_819, %swap3A_820] {strides = array<i32>} : memref<128x128xf32, #tpu.memory_space<vmem>>, vector<1x16xf32>,
        %swap3A_822 = vector.shape_cast %swap3A_821 : vector<1x16xf32> to vector<16xf32>
        %swap3A_823 = vector.shape_cast %mul3A_818 : vector<16xf32> to vector<1x16xf32>
        tpu.vector_store %arg10[%swap3A_819, %swap3A_820], %swap3A_823 {strides = array<i32>} : memref<128x128xf32, #tpu.memory_space<vmem>>, vector<1x16xf32>,
        %get3A_824 = arith.index_cast %add3A_773 : i32 to index
        %get3A_825 = arith.constant 80 : index
        %get3A_826 = tpu.vector_load %arg10[%get3A_824, %get3A_825] {strides = array<i32>} : memref<128x128xf32, #tpu.memory_space<vmem>>, vector<1x16xf32>,
        %get3A_827 = vector.shape_cast %get3A_826 : vector<1x16xf32> to vector<16xf32>
        %mul3A_828 = arith.mulf %get3A_827, %broadcast_in_dim3A_769 : vector<16xf32>
        %swap3A_829 = arith.index_cast %add3A_773 : i32 to index
        %swap3A_830 = arith.constant 80 : index
        %swap3A_831 = tpu.vector_load %arg10[%swap3A_829, %swap3A_830] {strides = array<i32>} : memref<128x128xf32, #tpu.memory_space<vmem>>, vector<1x16xf32>,
        %swap3A_832 = vector.shape_cast %swap3A_831 : vector<1x16xf32> to vector<16xf32>
        %swap3A_833 = vector.shape_cast %mul3A_828 : vector<16xf32> to vector<1x16xf32>
        tpu.vector_store %arg10[%swap3A_829, %swap3A_830], %swap3A_833 {strides = array<i32>} : memref<128x128xf32, #tpu.memory_space<vmem>>, vector<1x16xf32>,
        %get3A_834 = arith.index_cast %add3A_773 : i32 to index
        %get3A_835 = arith.constant 96 : index
        %get3A_836 = tpu.vector_load %arg10[%get3A_834, %get3A_835] {strides = array<i32>} : memref<128x128xf32, #tpu.memory_space<vmem>>, vector<1x16xf32>,
        %get3A_837 = vector.shape_cast %get3A_836 : vector<1x16xf32> to vector<16xf32>
        %mul3A_838 = arith.mulf %get3A_837, %broadcast_in_dim3A_769 : vector<16xf32>
        %swap3A_839 = arith.index_cast %add3A_773 : i32 to index
        %swap3A_840 = arith.constant 96 : index
        %swap3A_841 = tpu.vector_load %arg10[%swap3A_839, %swap3A_840] {strides = array<i32>} : memref<128x128xf32, #tpu.memory_space<vmem>>, vector<1x16xf32>,
        %swap3A_842 = vector.shape_cast %swap3A_841 : vector<1x16xf32> to vector<16xf32>
        %swap3A_843 = vector.shape_cast %mul3A_838 : vector<16xf32> to vector<1x16xf32>
        tpu.vector_store %arg10[%swap3A_839, %swap3A_840], %swap3A_843 {strides = array<i32>} : memref<128x128xf32, #tpu.memory_space<vmem>>, vector<1x16xf32>,
        %get3A_844 = arith.index_cast %add3A_773 : i32 to index
        %get3A_845 = arith.constant 112 : index
        %get3A_846 = tpu.vector_load %arg10[%get3A_844, %get3A_845] {strides = array<i32>} : memref<128x128xf32, #tpu.memory_space<vmem>>, vector<1x16xf32>,
        %get3A_847 = vector.shape_cast %get3A_846 : vector<1x16xf32> to vector<16xf32>
        %mul3A_848 = arith.mulf %get3A_847, %broadcast_in_dim3A_769 : vector<16xf32>
        %swap3A_849 = arith.index_cast %add3A_773 : i32 to index
        %swap3A_850 = arith.constant 112 : index
        %swap3A_851 = tpu.vector_load %arg10[%swap3A_849, %swap3A_850] {strides = array<i32>} : memref<128x128xf32, #tpu.memory_space<vmem>>, vector<1x16xf32>,
        %swap3A_852 = vector.shape_cast %swap3A_851 : vector<1x16xf32> to vector<16xf32>
        %swap3A_853 = vector.shape_cast %mul3A_848 : vector<16xf32> to vector<1x16xf32>
        tpu.vector_store %arg10[%swap3A_849, %swap3A_850], %swap3A_853 {strides = array<i32>} : memref<128x128xf32, #tpu.memory_space<vmem>>, vector<1x16xf32>,
        %slice3A_854 = vector.extract_strided_slice %get3A_74 {offsets = [9], sizes = [1], strides = [1]} : vector<16xf32> to vector<1xf32>
        %squeeze3A_855 = vector.extract %slice3A_854[0] : f32 from vector<1xf32>
        %broadcast_in_dim3A_856 = vector.broadcast %squeeze3A_855 : f32 to vector<16xf32>
        %mul3A_857 = arith.constant 16 : i32
        %mul3A_858 = arith.muli %scan3A_67, %mul3A_857 : i32
        %add3A_859 = arith.constant 9 : i32
        %add3A_860 = arith.addi %mul3A_858, %add3A_859 : i32
        %get3A_861 = arith.index_cast %add3A_860 : i32 to index
        %get3A_862 = arith.constant 0 : index
        %get3A_863 = tpu.vector_load %arg10[%get3A_861, %get3A_862] {strides = array<i32>} : memref<128x128xf32, #tpu.memory_space<vmem>>, vector<1x16xf32>,
        %get3A_864 = vector.shape_cast %get3A_863 : vector<1x16xf32> to vector<16xf32>
        %mul3A_865 = arith.mulf %get3A_864, %broadcast_in_dim3A_856 : vector<16xf32>
        %swap3A_866 = arith.index_cast %add3A_860 : i32 to index
        %swap3A_867 = arith.constant 0 : index
        %swap3A_868 = tpu.vector_load %arg10[%swap3A_866, %swap3A_867] {strides = array<i32>} : memref<128x128xf32, #tpu.memory_space<vmem>>, vector<1x16xf32>,
        %swap3A_869 = vector.shape_cast %swap3A_868 : vector<1x16xf32> to vector<16xf32>
        %swap3A_870 = vector.shape_cast %mul3A_865 : vector<16xf32> to vector<1x16xf32>
        tpu.vector_store %arg10[%swap3A_866, %swap3A_867], %swap3A_870 {strides = array<i32>} : memref<128x128xf32, #tpu.memory_space<vmem>>, vector<1x16xf32>,
        %get3A_871 = arith.index_cast %add3A_860 : i32 to index
        %get3A_872 = arith.constant 16 : index
        %get3A_873 = tpu.vector_load %arg10[%get3A_871, %get3A_872] {strides = array<i32>} : memref<128x128xf32, #tpu.memory_space<vmem>>, vector<1x16xf32>,
        %get3A_874 = vector.shape_cast %get3A_873 : vector<1x16xf32> to vector<16xf32>
        %mul3A_875 = arith.mulf %get3A_874, %broadcast_in_dim3A_856 : vector<16xf32>
        %swap3A_876 = arith.index_cast %add3A_860 : i32 to index
        %swap3A_877 = arith.constant 16 : index
        %swap3A_878 = tpu.vector_load %arg10[%swap3A_876, %swap3A_877] {strides = array<i32>} : memref<128x128xf32, #tpu.memory_space<vmem>>, vector<1x16xf32>,
        %swap3A_879 = vector.shape_cast %swap3A_878 : vector<1x16xf32> to vector<16xf32>
        %swap3A_880 = vector.shape_cast %mul3A_875 : vector<16xf32> to vector<1x16xf32>
        tpu.vector_store %arg10[%swap3A_876, %swap3A_877], %swap3A_880 {strides = array<i32>} : memref<128x128xf32, #tpu.memory_space<vmem>>, vector<1x16xf32>,
        %get3A_881 = arith.index_cast %add3A_860 : i32 to index
        %get3A_882 = arith.constant 32 : index
        %get3A_883 = tpu.vector_load %arg10[%get3A_881, %get3A_882] {strides = array<i32>} : memref<128x128xf32, #tpu.memory_space<vmem>>, vector<1x16xf32>,
        %get3A_884 = vector.shape_cast %get3A_883 : vector<1x16xf32> to vector<16xf32>
        %mul3A_885 = arith.mulf %get3A_884, %broadcast_in_dim3A_856 : vector<16xf32>
        %swap3A_886 = arith.index_cast %add3A_860 : i32 to index
        %swap3A_887 = arith.constant 32 : index
        %swap3A_888 = tpu.vector_load %arg10[%swap3A_886, %swap3A_887] {strides = array<i32>} : memref<128x128xf32, #tpu.memory_space<vmem>>, vector<1x16xf32>,
        %swap3A_889 = vector.shape_cast %swap3A_888 : vector<1x16xf32> to vector<16xf32>
        %swap3A_890 = vector.shape_cast %mul3A_885 : vector<16xf32> to vector<1x16xf32>
        tpu.vector_store %arg10[%swap3A_886, %swap3A_887], %swap3A_890 {strides = array<i32>} : memref<128x128xf32, #tpu.memory_space<vmem>>, vector<1x16xf32>,
        %get3A_891 = arith.index_cast %add3A_860 : i32 to index
        %get3A_892 = arith.constant 48 : index
        %get3A_893 = tpu.vector_load %arg10[%get3A_891, %get3A_892] {strides = array<i32>} : memref<128x128xf32, #tpu.memory_space<vmem>>, vector<1x16xf32>,
        %get3A_894 = vector.shape_cast %get3A_893 : vector<1x16xf32> to vector<16xf32>
        %mul3A_895 = arith.mulf %get3A_894, %broadcast_in_dim3A_856 : vector<16xf32>
        %swap3A_896 = arith.index_cast %add3A_860 : i32 to index
        %swap3A_897 = arith.constant 48 : index
        %swap3A_898 = tpu.vector_load %arg10[%swap3A_896, %swap3A_897] {strides = array<i32>} : memref<128x128xf32, #tpu.memory_space<vmem>>, vector<1x16xf32>,
        %swap3A_899 = vector.shape_cast %swap3A_898 : vector<1x16xf32> to vector<16xf32>
        %swap3A_900 = vector.shape_cast %mul3A_895 : vector<16xf32> to vector<1x16xf32>
        tpu.vector_store %arg10[%swap3A_896, %swap3A_897], %swap3A_900 {strides = array<i32>} : memref<128x128xf32, #tpu.memory_space<vmem>>, vector<1x16xf32>,
        %get3A_901 = arith.index_cast %add3A_860 : i32 to index
        %get3A_902 = arith.constant 64 : index
        %get3A_903 = tpu.vector_load %arg10[%get3A_901, %get3A_902] {strides = array<i32>} : memref<128x128xf32, #tpu.memory_space<vmem>>, vector<1x16xf32>,
        %get3A_904 = vector.shape_cast %get3A_903 : vector<1x16xf32> to vector<16xf32>
        %mul3A_905 = arith.mulf %get3A_904, %broadcast_in_dim3A_856 : vector<16xf32>
        %swap3A_906 = arith.index_cast %add3A_860 : i32 to index
        %swap3A_907 = arith.constant 64 : index
        %swap3A_908 = tpu.vector_load %arg10[%swap3A_906, %swap3A_907] {strides = array<i32>} : memref<128x128xf32, #tpu.memory_space<vmem>>, vector<1x16xf32>,
        %swap3A_909 = vector.shape_cast %swap3A_908 : vector<1x16xf32> to vector<16xf32>
        %swap3A_910 = vector.shape_cast %mul3A_905 : vector<16xf32> to vector<1x16xf32>
        tpu.vector_store %arg10[%swap3A_906, %swap3A_907], %swap3A_910 {strides = array<i32>} : memref<128x128xf32, #tpu.memory_space<vmem>>, vector<1x16xf32>,
        %get3A_911 = arith.index_cast %add3A_860 : i32 to index
        %get3A_912 = arith.constant 80 : index
        %get3A_913 = tpu.vector_load %arg10[%get3A_911, %get3A_912] {strides = array<i32>} : memref<128x128xf32, #tpu.memory_space<vmem>>, vector<1x16xf32>,
        %get3A_914 = vector.shape_cast %get3A_913 : vector<1x16xf32> to vector<16xf32>
        %mul3A_915 = arith.mulf %get3A_914, %broadcast_in_dim3A_856 : vector<16xf32>
        %swap3A_916 = arith.index_cast %add3A_860 : i32 to index
        %swap3A_917 = arith.constant 80 : index
        %swap3A_918 = tpu.vector_load %arg10[%swap3A_916, %swap3A_917] {strides = array<i32>} : memref<128x128xf32, #tpu.memory_space<vmem>>, vector<1x16xf32>,
        %swap3A_919 = vector.shape_cast %swap3A_918 : vector<1x16xf32> to vector<16xf32>
        %swap3A_920 = vector.shape_cast %mul3A_915 : vector<16xf32> to vector<1x16xf32>
        tpu.vector_store %arg10[%swap3A_916, %swap3A_917], %swap3A_920 {strides = array<i32>} : memref<128x128xf32, #tpu.memory_space<vmem>>, vector<1x16xf32>,
        %get3A_921 = arith.index_cast %add3A_860 : i32 to index
        %get3A_922 = arith.constant 96 : index
        %get3A_923 = tpu.vector_load %arg10[%get3A_921, %get3A_922] {strides = array<i32>} : memref<128x128xf32, #tpu.memory_space<vmem>>, vector<1x16xf32>,
        %get3A_924 = vector.shape_cast %get3A_923 : vector<1x16xf32> to vector<16xf32>
        %mul3A_925 = arith.mulf %get3A_924, %broadcast_in_dim3A_856 : vector<16xf32>
        %swap3A_926 = arith.index_cast %add3A_860 : i32 to index
        %swap3A_927 = arith.constant 96 : index
        %swap3A_928 = tpu.vector_load %arg10[%swap3A_926, %swap3A_927] {strides = array<i32>} : memref<128x128xf32, #tpu.memory_space<vmem>>, vector<1x16xf32>,
        %swap3A_929 = vector.shape_cast %swap3A_928 : vector<1x16xf32> to vector<16xf32>
        %swap3A_930 = vector.shape_cast %mul3A_925 : vector<16xf32> to vector<1x16xf32>
        tpu.vector_store %arg10[%swap3A_926, %swap3A_927], %swap3A_930 {strides = array<i32>} : memref<128x128xf32, #tpu.memory_space<vmem>>, vector<1x16xf32>,
        %get3A_931 = arith.index_cast %add3A_860 : i32 to index
        %get3A_932 = arith.constant 112 : index
        %get3A_933 = tpu.vector_load %arg10[%get3A_931, %get3A_932] {strides = array<i32>} : memref<128x128xf32, #tpu.memory_space<vmem>>, vector<1x16xf32>,
        %get3A_934 = vector.shape_cast %get3A_933 : vector<1x16xf32> to vector<16xf32>
        %mul3A_935 = arith.mulf %get3A_934, %broadcast_in_dim3A_856 : vector<16xf32>
        %swap3A_936 = arith.index_cast %add3A_860 : i32 to index
        %swap3A_937 = arith.constant 112 : index
        %swap3A_938 = tpu.vector_load %arg10[%swap3A_936, %swap3A_937] {strides = array<i32>} : memref<128x128xf32, #tpu.memory_space<vmem>>, vector<1x16xf32>,
        %swap3A_939 = vector.shape_cast %swap3A_938 : vector<1x16xf32> to vector<16xf32>
        %swap3A_940 = vector.shape_cast %mul3A_935 : vector<16xf32> to vector<1x16xf32>
        tpu.vector_store %arg10[%swap3A_936, %swap3A_937], %swap3A_940 {strides = array<i32>} : memref<128x128xf32, #tpu.memory_space<vmem>>, vector<1x16xf32>,
        %slice3A_941 = vector.extract_strided_slice %get3A_74 {offsets = [10], sizes = [1], strides = [1]} : vector<16xf32> to vector<1xf32>
        %squeeze3A_942 = vector.extract %slice3A_941[0] : f32 from vector<1xf32>
        %broadcast_in_dim3A_943 = vector.broadcast %squeeze3A_942 : f32 to vector<16xf32>
        %mul3A_944 = arith.constant 16 : i32
        %mul3A_945 = arith.muli %scan3A_67, %mul3A_944 : i32
        %add3A_946 = arith.constant 10 : i32
        %add3A_947 = arith.addi %mul3A_945, %add3A_946 : i32
        %get3A_948 = arith.index_cast %add3A_947 : i32 to index
        %get3A_949 = arith.constant 0 : index
        %get3A_950 = tpu.vector_load %arg10[%get3A_948, %get3A_949] {strides = array<i32>} : memref<128x128xf32, #tpu.memory_space<vmem>>, vector<1x16xf32>,
        %get3A_951 = vector.shape_cast %get3A_950 : vector<1x16xf32> to vector<16xf32>
        %mul3A_952 = arith.mulf %get3A_951, %broadcast_in_dim3A_943 : vector<16xf32>
        %swap3A_953 = arith.index_cast %add3A_947 : i32 to index
        %swap3A_954 = arith.constant 0 : index
        %swap3A_955 = tpu.vector_load %arg10[%swap3A_953, %swap3A_954] {strides = array<i32>} : memref<128x128xf32, #tpu.memory_space<vmem>>, vector<1x16xf32>,
        %swap3A_956 = vector.shape_cast %swap3A_955 : vector<1x16xf32> to vector<16xf32>
        %swap3A_957 = vector.shape_cast %mul3A_952 : vector<16xf32> to vector<1x16xf32>
        tpu.vector_store %arg10[%swap3A_953, %swap3A_954], %swap3A_957 {strides = array<i32>} : memref<128x128xf32, #tpu.memory_space<vmem>>, vector<1x16xf32>,
        %get3A_958 = arith.index_cast %add3A_947 : i32 to index
        %get3A_959 = arith.constant 16 : index
        %get3A_960 = tpu.vector_load %arg10[%get3A_958, %get3A_959] {strides = array<i32>} : memref<128x128xf32, #tpu.memory_space<vmem>>, vector<1x16xf32>,
        %get3A_961 = vector.shape_cast %get3A_960 : vector<1x16xf32> to vector<16xf32>
        %mul3A_962 = arith.mulf %get3A_961, %broadcast_in_dim3A_943 : vector<16xf32>
        %swap3A_963 = arith.index_cast %add3A_947 : i32 to index
        %swap3A_964 = arith.constant 16 : index
        %swap3A_965 = tpu.vector_load %arg10[%swap3A_963, %swap3A_964] {strides = array<i32>} : memref<128x128xf32, #tpu.memory_space<vmem>>, vector<1x16xf32>,
        %swap3A_966 = vector.shape_cast %swap3A_965 : vector<1x16xf32> to vector<16xf32>
        %swap3A_967 = vector.shape_cast %mul3A_962 : vector<16xf32> to vector<1x16xf32>
        tpu.vector_store %arg10[%swap3A_963, %swap3A_964], %swap3A_967 {strides = array<i32>} : memref<128x128xf32, #tpu.memory_space<vmem>>, vector<1x16xf32>,
        %get3A_968 = arith.index_cast %add3A_947 : i32 to index
        %get3A_969 = arith.constant 32 : index
        %get3A_970 = tpu.vector_load %arg10[%get3A_968, %get3A_969] {strides = array<i32>} : memref<128x128xf32, #tpu.memory_space<vmem>>, vector<1x16xf32>,
        %get3A_971 = vector.shape_cast %get3A_970 : vector<1x16xf32> to vector<16xf32>
        %mul3A_972 = arith.mulf %get3A_971, %broadcast_in_dim3A_943 : vector<16xf32>
        %swap3A_973 = arith.index_cast %add3A_947 : i32 to index
        %swap3A_974 = arith.constant 32 : index
        %swap3A_975 = tpu.vector_load %arg10[%swap3A_973, %swap3A_974] {strides = array<i32>} : memref<128x128xf32, #tpu.memory_space<vmem>>, vector<1x16xf32>,
        %swap3A_976 = vector.shape_cast %swap3A_975 : vector<1x16xf32> to vector<16xf32>
        %swap3A_977 = vector.shape_cast %mul3A_972 : vector<16xf32> to vector<1x16xf32>
        tpu.vector_store %arg10[%swap3A_973, %swap3A_974], %swap3A_977 {strides = array<i32>} : memref<128x128xf32, #tpu.memory_space<vmem>>, vector<1x16xf32>,
        %get3A_978 = arith.index_cast %add3A_947 : i32 to index
        %get3A_979 = arith.constant 48 : index
        %get3A_980 = tpu.vector_load %arg10[%get3A_978, %get3A_979] {strides = array<i32>} : memref<128x128xf32, #tpu.memory_space<vmem>>, vector<1x16xf32>,
        %get3A_981 = vector.shape_cast %get3A_980 : vector<1x16xf32> to vector<16xf32>
        %mul3A_982 = arith.mulf %get3A_981, %broadcast_in_dim3A_943 : vector<16xf32>
        %swap3A_983 = arith.index_cast %add3A_947 : i32 to index
        %swap3A_984 = arith.constant 48 : index
        %swap3A_985 = tpu.vector_load %arg10[%swap3A_983, %swap3A_984] {strides = array<i32>} : memref<128x128xf32, #tpu.memory_space<vmem>>, vector<1x16xf32>,
        %swap3A_986 = vector.shape_cast %swap3A_985 : vector<1x16xf32> to vector<16xf32>
        %swap3A_987 = vector.shape_cast %mul3A_982 : vector<16xf32> to vector<1x16xf32>
        tpu.vector_store %arg10[%swap3A_983, %swap3A_984], %swap3A_987 {strides = array<i32>} : memref<128x128xf32, #tpu.memory_space<vmem>>, vector<1x16xf32>,
        %get3A_988 = arith.index_cast %add3A_947 : i32 to index
        %get3A_989 = arith.constant 64 : index
        %get3A_990 = tpu.vector_load %arg10[%get3A_988, %get3A_989] {strides = array<i32>} : memref<128x128xf32, #tpu.memory_space<vmem>>, vector<1x16xf32>,
        %get3A_991 = vector.shape_cast %get3A_990 : vector<1x16xf32> to vector<16xf32>
        %mul3A_992 = arith.mulf %get3A_991, %broadcast_in_dim3A_943 : vector<16xf32>
        %swap3A_993 = arith.index_cast %add3A_947 : i32 to index
        %swap3A_994 = arith.constant 64 : index
        %swap3A_995 = tpu.vector_load %arg10[%swap3A_993, %swap3A_994] {strides = array<i32>} : memref<128x128xf32, #tpu.memory_space<vmem>>, vector<1x16xf32>,
        %swap3A_996 = vector.shape_cast %swap3A_995 : vector<1x16xf32> to vector<16xf32>
        %swap3A_997 = vector.shape_cast %mul3A_992 : vector<16xf32> to vector<1x16xf32>
        tpu.vector_store %arg10[%swap3A_993, %swap3A_994], %swap3A_997 {strides = array<i32>} : memref<128x128xf32, #tpu.memory_space<vmem>>, vector<1x16xf32>,
        %get3A_998 = arith.index_cast %add3A_947 : i32 to index
        %get3A_999 = arith.constant 80 : index
        %get3A_1000 = tpu.vector_load %arg10[%get3A_998, %get3A_999] {strides = array<i32>} : memref<128x128xf32, #tpu.memory_space<vmem>>, vector<1x16xf32>,
        %get3A_1001 = vector.shape_cast %get3A_1000 : vector<1x16xf32> to vector<16xf32>
        %mul3A_1002 = arith.mulf %get3A_1001, %broadcast_in_dim3A_943 : vector<16xf32>
        %swap3A_1003 = arith.index_cast %add3A_947 : i32 to index
        %swap3A_1004 = arith.constant 80 : index
        %swap3A_1005 = tpu.vector_load %arg10[%swap3A_1003, %swap3A_1004] {strides = array<i32>} : memref<128x128xf32, #tpu.memory_space<vmem>>, vector<1x16xf32>,
        %swap3A_1006 = vector.shape_cast %swap3A_1005 : vector<1x16xf32> to vector<16xf32>
        %swap3A_1007 = vector.shape_cast %mul3A_1002 : vector<16xf32> to vector<1x16xf32>
        tpu.vector_store %arg10[%swap3A_1003, %swap3A_1004], %swap3A_1007 {strides = array<i32>} : memref<128x128xf32, #tpu.memory_space<vmem>>, vector<1x16xf32>,
        %get3A_1008 = arith.index_cast %add3A_947 : i32 to index
        %get3A_1009 = arith.constant 96 : index
        %get3A_1010 = tpu.vector_load %arg10[%get3A_1008, %get3A_1009] {strides = array<i32>} : memref<128x128xf32, #tpu.memory_space<vmem>>, vector<1x16xf32>,
        %get3A_1011 = vector.shape_cast %get3A_1010 : vector<1x16xf32> to vector<16xf32>
        %mul3A_1012 = arith.mulf %get3A_1011, %broadcast_in_dim3A_943 : vector<16xf32>
        %swap3A_1013 = arith.index_cast %add3A_947 : i32 to index
        %swap3A_1014 = arith.constant 96 : index
        %swap3A_1015 = tpu.vector_load %arg10[%swap3A_1013, %swap3A_1014] {strides = array<i32>} : memref<128x128xf32, #tpu.memory_space<vmem>>, vector<1x16xf32>,
        %swap3A_1016 = vector.shape_cast %swap3A_1015 : vector<1x16xf32> to vector<16xf32>
        %swap3A_1017 = vector.shape_cast %mul3A_1012 : vector<16xf32> to vector<1x16xf32>
        tpu.vector_store %arg10[%swap3A_1013, %swap3A_1014], %swap3A_1017 {strides = array<i32>} : memref<128x128xf32, #tpu.memory_space<vmem>>, vector<1x16xf32>,
        %get3A_1018 = arith.index_cast %add3A_947 : i32 to index
        %get3A_1019 = arith.constant 112 : index
        %get3A_1020 = tpu.vector_load %arg10[%get3A_1018, %get3A_1019] {strides = array<i32>} : memref<128x128xf32, #tpu.memory_space<vmem>>, vector<1x16xf32>,
        %get3A_1021 = vector.shape_cast %get3A_1020 : vector<1x16xf32> to vector<16xf32>
        %mul3A_1022 = arith.mulf %get3A_1021, %broadcast_in_dim3A_943 : vector<16xf32>
        %swap3A_1023 = arith.index_cast %add3A_947 : i32 to index
        %swap3A_1024 = arith.constant 112 : index
        %swap3A_1025 = tpu.vector_load %arg10[%swap3A_1023, %swap3A_1024] {strides = array<i32>} : memref<128x128xf32, #tpu.memory_space<vmem>>, vector<1x16xf32>,
        %swap3A_1026 = vector.shape_cast %swap3A_1025 : vector<1x16xf32> to vector<16xf32>
        %swap3A_1027 = vector.shape_cast %mul3A_1022 : vector<16xf32> to vector<1x16xf32>
        tpu.vector_store %arg10[%swap3A_1023, %swap3A_1024], %swap3A_1027 {strides = array<i32>} : memref<128x128xf32, #tpu.memory_space<vmem>>, vector<1x16xf32>,
        %slice3A_1028 = vector.extract_strided_slice %get3A_74 {offsets = [11], sizes = [1], strides = [1]} : vector<16xf32> to vector<1xf32>
        %squeeze3A_1029 = vector.extract %slice3A_1028[0] : f32 from vector<1xf32>
        %broadcast_in_dim3A_1030 = vector.broadcast %squeeze3A_1029 : f32 to vector<16xf32>
        %mul3A_1031 = arith.constant 16 : i32
        %mul3A_1032 = arith.muli %scan3A_67, %mul3A_1031 : i32
        %add3A_1033 = arith.constant 11 : i32
        %add3A_1034 = arith.addi %mul3A_1032, %add3A_1033 : i32
        %get3A_1035 = arith.index_cast %add3A_1034 : i32 to index
        %get3A_1036 = arith.constant 0 : index
        %get3A_1037 = tpu.vector_load %arg10[%get3A_1035, %get3A_1036] {strides = array<i32>} : memref<128x128xf32, #tpu.memory_space<vmem>>, vector<1x16xf32>,
        %get3A_1038 = vector.shape_cast %get3A_1037 : vector<1x16xf32> to vector<16xf32>
        %mul3A_1039 = arith.mulf %get3A_1038, %broadcast_in_dim3A_1030 : vector<16xf32>
        %swap3A_1040 = arith.index_cast %add3A_1034 : i32 to index
        %swap3A_1041 = arith.constant 0 : index
        %swap3A_1042 = tpu.vector_load %arg10[%swap3A_1040, %swap3A_1041] {strides = array<i32>} : memref<128x128xf32, #tpu.memory_space<vmem>>, vector<1x16xf32>,
        %swap3A_1043 = vector.shape_cast %swap3A_1042 : vector<1x16xf32> to vector<16xf32>
        %swap3A_1044 = vector.shape_cast %mul3A_1039 : vector<16xf32> to vector<1x16xf32>
        tpu.vector_store %arg10[%swap3A_1040, %swap3A_1041], %swap3A_1044 {strides = array<i32>} : memref<128x128xf32, #tpu.memory_space<vmem>>, vector<1x16xf32>,
        %get3A_1045 = arith.index_cast %add3A_1034 : i32 to index
        %get3A_1046 = arith.constant 16 : index
        %get3A_1047 = tpu.vector_load %arg10[%get3A_1045, %get3A_1046] {strides = array<i32>} : memref<128x128xf32, #tpu.memory_space<vmem>>, vector<1x16xf32>,
        %get3A_1048 = vector.shape_cast %get3A_1047 : vector<1x16xf32> to vector<16xf32>
        %mul3A_1049 = arith.mulf %get3A_1048, %broadcast_in_dim3A_1030 : vector<16xf32>
        %swap3A_1050 = arith.index_cast %add3A_1034 : i32 to index
        %swap3A_1051 = arith.constant 16 : index
        %swap3A_1052 = tpu.vector_load %arg10[%swap3A_1050, %swap3A_1051] {strides = array<i32>} : memref<128x128xf32, #tpu.memory_space<vmem>>, vector<1x16xf32>,
        %swap3A_1053 = vector.shape_cast %swap3A_1052 : vector<1x16xf32> to vector<16xf32>
        %swap3A_1054 = vector.shape_cast %mul3A_1049 : vector<16xf32> to vector<1x16xf32>
        tpu.vector_store %arg10[%swap3A_1050, %swap3A_1051], %swap3A_1054 {strides = array<i32>} : memref<128x128xf32, #tpu.memory_space<vmem>>, vector<1x16xf32>,
        %get3A_1055 = arith.index_cast %add3A_1034 : i32 to index
        %get3A_1056 = arith.constant 32 : index
        %get3A_1057 = tpu.vector_load %arg10[%get3A_1055, %get3A_1056] {strides = array<i32>} : memref<128x128xf32, #tpu.memory_space<vmem>>, vector<1x16xf32>,
        %get3A_1058 = vector.shape_cast %get3A_1057 : vector<1x16xf32> to vector<16xf32>
        %mul3A_1059 = arith.mulf %get3A_1058, %broadcast_in_dim3A_1030 : vector<16xf32>
        %swap3A_1060 = arith.index_cast %add3A_1034 : i32 to index
        %swap3A_1061 = arith.constant 32 : index
        %swap3A_1062 = tpu.vector_load %arg10[%swap3A_1060, %swap3A_1061] {strides = array<i32>} : memref<128x128xf32, #tpu.memory_space<vmem>>, vector<1x16xf32>,
        %swap3A_1063 = vector.shape_cast %swap3A_1062 : vector<1x16xf32> to vector<16xf32>
        %swap3A_1064 = vector.shape_cast %mul3A_1059 : vector<16xf32> to vector<1x16xf32>
        tpu.vector_store %arg10[%swap3A_1060, %swap3A_1061], %swap3A_1064 {strides = array<i32>} : memref<128x128xf32, #tpu.memory_space<vmem>>, vector<1x16xf32>,
        %get3A_1065 = arith.index_cast %add3A_1034 : i32 to index
        %get3A_1066 = arith.constant 48 : index
        %get3A_1067 = tpu.vector_load %arg10[%get3A_1065, %get3A_1066] {strides = array<i32>} : memref<128x128xf32, #tpu.memory_space<vmem>>, vector<1x16xf32>,
        %get3A_1068 = vector.shape_cast %get3A_1067 : vector<1x16xf32> to vector<16xf32>
        %mul3A_1069 = arith.mulf %get3A_1068, %broadcast_in_dim3A_1030 : vector<16xf32>
        %swap3A_1070 = arith.index_cast %add3A_1034 : i32 to index
        %swap3A_1071 = arith.constant 48 : index
        %swap3A_1072 = tpu.vector_load %arg10[%swap3A_1070, %swap3A_1071] {strides = array<i32>} : memref<128x128xf32, #tpu.memory_space<vmem>>, vector<1x16xf32>,
        %swap3A_1073 = vector.shape_cast %swap3A_1072 : vector<1x16xf32> to vector<16xf32>
        %swap3A_1074 = vector.shape_cast %mul3A_1069 : vector<16xf32> to vector<1x16xf32>
        tpu.vector_store %arg10[%swap3A_1070, %swap3A_1071], %swap3A_1074 {strides = array<i32>} : memref<128x128xf32, #tpu.memory_space<vmem>>, vector<1x16xf32>,
        %get3A_1075 = arith.index_cast %add3A_1034 : i32 to index
        %get3A_1076 = arith.constant 64 : index
        %get3A_1077 = tpu.vector_load %arg10[%get3A_1075, %get3A_1076] {strides = array<i32>} : memref<128x128xf32, #tpu.memory_space<vmem>>, vector<1x16xf32>,
        %get3A_1078 = vector.shape_cast %get3A_1077 : vector<1x16xf32> to vector<16xf32>
        %mul3A_1079 = arith.mulf %get3A_1078, %broadcast_in_dim3A_1030 : vector<16xf32>
        %swap3A_1080 = arith.index_cast %add3A_1034 : i32 to index
        %swap3A_1081 = arith.constant 64 : index
        %swap3A_1082 = tpu.vector_load %arg10[%swap3A_1080, %swap3A_1081] {strides = array<i32>} : memref<128x128xf32, #tpu.memory_space<vmem>>, vector<1x16xf32>,
        %swap3A_1083 = vector.shape_cast %swap3A_1082 : vector<1x16xf32> to vector<16xf32>
        %swap3A_1084 = vector.shape_cast %mul3A_1079 : vector<16xf32> to vector<1x16xf32>
        tpu.vector_store %arg10[%swap3A_1080, %swap3A_1081], %swap3A_1084 {strides = array<i32>} : memref<128x128xf32, #tpu.memory_space<vmem>>, vector<1x16xf32>,
        %get3A_1085 = arith.index_cast %add3A_1034 : i32 to index
        %get3A_1086 = arith.constant 80 : index
        %get3A_1087 = tpu.vector_load %arg10[%get3A_1085, %get3A_1086] {strides = array<i32>} : memref<128x128xf32, #tpu.memory_space<vmem>>, vector<1x16xf32>,
        %get3A_1088 = vector.shape_cast %get3A_1087 : vector<1x16xf32> to vector<16xf32>
        %mul3A_1089 = arith.mulf %get3A_1088, %broadcast_in_dim3A_1030 : vector<16xf32>
        %swap3A_1090 = arith.index_cast %add3A_1034 : i32 to index
        %swap3A_1091 = arith.constant 80 : index
        %swap3A_1092 = tpu.vector_load %arg10[%swap3A_1090, %swap3A_1091] {strides = array<i32>} : memref<128x128xf32, #tpu.memory_space<vmem>>, vector<1x16xf32>,
        %swap3A_1093 = vector.shape_cast %swap3A_1092 : vector<1x16xf32> to vector<16xf32>
        %swap3A_1094 = vector.shape_cast %mul3A_1089 : vector<16xf32> to vector<1x16xf32>
        tpu.vector_store %arg10[%swap3A_1090, %swap3A_1091], %swap3A_1094 {strides = array<i32>} : memref<128x128xf32, #tpu.memory_space<vmem>>, vector<1x16xf32>,
        %get3A_1095 = arith.index_cast %add3A_1034 : i32 to index
        %get3A_1096 = arith.constant 96 : index
        %get3A_1097 = tpu.vector_load %arg10[%get3A_1095, %get3A_1096] {strides = array<i32>} : memref<128x128xf32, #tpu.memory_space<vmem>>, vector<1x16xf32>,
        %get3A_1098 = vector.shape_cast %get3A_1097 : vector<1x16xf32> to vector<16xf32>
        %mul3A_1099 = arith.mulf %get3A_1098, %broadcast_in_dim3A_1030 : vector<16xf32>
        %swap3A_1100 = arith.index_cast %add3A_1034 : i32 to index
        %swap3A_1101 = arith.constant 96 : index
        %swap3A_1102 = tpu.vector_load %arg10[%swap3A_1100, %swap3A_1101] {strides = array<i32>} : memref<128x128xf32, #tpu.memory_space<vmem>>, vector<1x16xf32>,
        %swap3A_1103 = vector.shape_cast %swap3A_1102 : vector<1x16xf32> to vector<16xf32>
        %swap3A_1104 = vector.shape_cast %mul3A_1099 : vector<16xf32> to vector<1x16xf32>
        tpu.vector_store %arg10[%swap3A_1100, %swap3A_1101], %swap3A_1104 {strides = array<i32>} : memref<128x128xf32, #tpu.memory_space<vmem>>, vector<1x16xf32>,
        %get3A_1105 = arith.index_cast %add3A_1034 : i32 to index
        %get3A_1106 = arith.constant 112 : index
        %get3A_1107 = tpu.vector_load %arg10[%get3A_1105, %get3A_1106] {strides = array<i32>} : memref<128x128xf32, #tpu.memory_space<vmem>>, vector<1x16xf32>,
        %get3A_1108 = vector.shape_cast %get3A_1107 : vector<1x16xf32> to vector<16xf32>
        %mul3A_1109 = arith.mulf %get3A_1108, %broadcast_in_dim3A_1030 : vector<16xf32>
        %swap3A_1110 = arith.index_cast %add3A_1034 : i32 to index
        %swap3A_1111 = arith.constant 112 : index
        %swap3A_1112 = tpu.vector_load %arg10[%swap3A_1110, %swap3A_1111] {strides = array<i32>} : memref<128x128xf32, #tpu.memory_space<vmem>>, vector<1x16xf32>,
        %swap3A_1113 = vector.shape_cast %swap3A_1112 : vector<1x16xf32> to vector<16xf32>
        %swap3A_1114 = vector.shape_cast %mul3A_1109 : vector<16xf32> to vector<1x16xf32>
        tpu.vector_store %arg10[%swap3A_1110, %swap3A_1111], %swap3A_1114 {strides = array<i32>} : memref<128x128xf32, #tpu.memory_space<vmem>>, vector<1x16xf32>,
        %slice3A_1115 = vector.extract_strided_slice %get3A_74 {offsets = [12], sizes = [1], strides = [1]} : vector<16xf32> to vector<1xf32>
        %squeeze3A_1116 = vector.extract %slice3A_1115[0] : f32 from vector<1xf32>
        %broadcast_in_dim3A_1117 = vector.broadcast %squeeze3A_1116 : f32 to vector<16xf32>
        %mul3A_1118 = arith.constant 16 : i32
        %mul3A_1119 = arith.muli %scan3A_67, %mul3A_1118 : i32
        %add3A_1120 = arith.constant 12 : i32
        %add3A_1121 = arith.addi %mul3A_1119, %add3A_1120 : i32
        %get3A_1122 = arith.index_cast %add3A_1121 : i32 to index
        %get3A_1123 = arith.constant 0 : index
        %get3A_1124 = tpu.vector_load %arg10[%get3A_1122, %get3A_1123] {strides = array<i32>} : memref<128x128xf32, #tpu.memory_space<vmem>>, vector<1x16xf32>,
        %get3A_1125 = vector.shape_cast %get3A_1124 : vector<1x16xf32> to vector<16xf32>
        %mul3A_1126 = arith.mulf %get3A_1125, %broadcast_in_dim3A_1117 : vector<16xf32>
        %swap3A_1127 = arith.index_cast %add3A_1121 : i32 to index
        %swap3A_1128 = arith.constant 0 : index
        %swap3A_1129 = tpu.vector_load %arg10[%swap3A_1127, %swap3A_1128] {strides = array<i32>} : memref<128x128xf32, #tpu.memory_space<vmem>>, vector<1x16xf32>,
        %swap3A_1130 = vector.shape_cast %swap3A_1129 : vector<1x16xf32> to vector<16xf32>
        %swap3A_1131 = vector.shape_cast %mul3A_1126 : vector<16xf32> to vector<1x16xf32>
        tpu.vector_store %arg10[%swap3A_1127, %swap3A_1128], %swap3A_1131 {strides = array<i32>} : memref<128x128xf32, #tpu.memory_space<vmem>>, vector<1x16xf32>,
        %get3A_1132 = arith.index_cast %add3A_1121 : i32 to index
        %get3A_1133 = arith.constant 16 : index
        %get3A_1134 = tpu.vector_load %arg10[%get3A_1132, %get3A_1133] {strides = array<i32>} : memref<128x128xf32, #tpu.memory_space<vmem>>, vector<1x16xf32>,
        %get3A_1135 = vector.shape_cast %get3A_1134 : vector<1x16xf32> to vector<16xf32>
        %mul3A_1136 = arith.mulf %get3A_1135, %broadcast_in_dim3A_1117 : vector<16xf32>
        %swap3A_1137 = arith.index_cast %add3A_1121 : i32 to index
        %swap3A_1138 = arith.constant 16 : index
        %swap3A_1139 = tpu.vector_load %arg10[%swap3A_1137, %swap3A_1138] {strides = array<i32>} : memref<128x128xf32, #tpu.memory_space<vmem>>, vector<1x16xf32>,
        %swap3A_1140 = vector.shape_cast %swap3A_1139 : vector<1x16xf32> to vector<16xf32>
        %swap3A_1141 = vector.shape_cast %mul3A_1136 : vector<16xf32> to vector<1x16xf32>
        tpu.vector_store %arg10[%swap3A_1137, %swap3A_1138], %swap3A_1141 {strides = array<i32>} : memref<128x128xf32, #tpu.memory_space<vmem>>, vector<1x16xf32>,
        %get3A_1142 = arith.index_cast %add3A_1121 : i32 to index
        %get3A_1143 = arith.constant 32 : index
        %get3A_1144 = tpu.vector_load %arg10[%get3A_1142, %get3A_1143] {strides = array<i32>} : memref<128x128xf32, #tpu.memory_space<vmem>>, vector<1x16xf32>,
        %get3A_1145 = vector.shape_cast %get3A_1144 : vector<1x16xf32> to vector<16xf32>
        %mul3A_1146 = arith.mulf %get3A_1145, %broadcast_in_dim3A_1117 : vector<16xf32>
        %swap3A_1147 = arith.index_cast %add3A_1121 : i32 to index
        %swap3A_1148 = arith.constant 32 : index
        %swap3A_1149 = tpu.vector_load %arg10[%swap3A_1147, %swap3A_1148] {strides = array<i32>} : memref<128x128xf32, #tpu.memory_space<vmem>>, vector<1x16xf32>,
        %swap3A_1150 = vector.shape_cast %swap3A_1149 : vector<1x16xf32> to vector<16xf32>
        %swap3A_1151 = vector.shape_cast %mul3A_1146 : vector<16xf32> to vector<1x16xf32>
        tpu.vector_store %arg10[%swap3A_1147, %swap3A_1148], %swap3A_1151 {strides = array<i32>} : memref<128x128xf32, #tpu.memory_space<vmem>>, vector<1x16xf32>,
        %get3A_1152 = arith.index_cast %add3A_1121 : i32 to index
        %get3A_1153 = arith.constant 48 : index
        %get3A_1154 = tpu.vector_load %arg10[%get3A_1152, %get3A_1153] {strides = array<i32>} : memref<128x128xf32, #tpu.memory_space<vmem>>, vector<1x16xf32>,
        %get3A_1155 = vector.shape_cast %get3A_1154 : vector<1x16xf32> to vector<16xf32>
        %mul3A_1156 = arith.mulf %get3A_1155, %broadcast_in_dim3A_1117 : vector<16xf32>
        %swap3A_1157 = arith.index_cast %add3A_1121 : i32 to index
        %swap3A_1158 = arith.constant 48 : index
        %swap3A_1159 = tpu.vector_load %arg10[%swap3A_1157, %swap3A_1158] {strides = array<i32>} : memref<128x128xf32, #tpu.memory_space<vmem>>, vector<1x16xf32>,
        %swap3A_1160 = vector.shape_cast %swap3A_1159 : vector<1x16xf32> to vector<16xf32>
        %swap3A_1161 = vector.shape_cast %mul3A_1156 : vector<16xf32> to vector<1x16xf32>
        tpu.vector_store %arg10[%swap3A_1157, %swap3A_1158], %swap3A_1161 {strides = array<i32>} : memref<128x128xf32, #tpu.memory_space<vmem>>, vector<1x16xf32>,
        %get3A_1162 = arith.index_cast %add3A_1121 : i32 to index
        %get3A_1163 = arith.constant 64 : index
        %get3A_1164 = tpu.vector_load %arg10[%get3A_1162, %get3A_1163] {strides = array<i32>} : memref<128x128xf32, #tpu.memory_space<vmem>>, vector<1x16xf32>,
        %get3A_1165 = vector.shape_cast %get3A_1164 : vector<1x16xf32> to vector<16xf32>
        %mul3A_1166 = arith.mulf %get3A_1165, %broadcast_in_dim3A_1117 : vector<16xf32>
        %swap3A_1167 = arith.index_cast %add3A_1121 : i32 to index
        %swap3A_1168 = arith.constant 64 : index
        %swap3A_1169 = tpu.vector_load %arg10[%swap3A_1167, %swap3A_1168] {strides = array<i32>} : memref<128x128xf32, #tpu.memory_space<vmem>>, vector<1x16xf32>,
        %swap3A_1170 = vector.shape_cast %swap3A_1169 : vector<1x16xf32> to vector<16xf32>
        %swap3A_1171 = vector.shape_cast %mul3A_1166 : vector<16xf32> to vector<1x16xf32>
        tpu.vector_store %arg10[%swap3A_1167, %swap3A_1168], %swap3A_1171 {strides = array<i32>} : memref<128x128xf32, #tpu.memory_space<vmem>>, vector<1x16xf32>,
        %get3A_1172 = arith.index_cast %add3A_1121 : i32 to index
        %get3A_1173 = arith.constant 80 : index
        %get3A_1174 = tpu.vector_load %arg10[%get3A_1172, %get3A_1173] {strides = array<i32>} : memref<128x128xf32, #tpu.memory_space<vmem>>, vector<1x16xf32>,
        %get3A_1175 = vector.shape_cast %get3A_1174 : vector<1x16xf32> to vector<16xf32>
        %mul3A_1176 = arith.mulf %get3A_1175, %broadcast_in_dim3A_1117 : vector<16xf32>
        %swap3A_1177 = arith.index_cast %add3A_1121 : i32 to index
        %swap3A_1178 = arith.constant 80 : index
        %swap3A_1179 = tpu.vector_load %arg10[%swap3A_1177, %swap3A_1178] {strides = array<i32>} : memref<128x128xf32, #tpu.memory_space<vmem>>, vector<1x16xf32>,
        %swap3A_1180 = vector.shape_cast %swap3A_1179 : vector<1x16xf32> to vector<16xf32>
        %swap3A_1181 = vector.shape_cast %mul3A_1176 : vector<16xf32> to vector<1x16xf32>
        tpu.vector_store %arg10[%swap3A_1177, %swap3A_1178], %swap3A_1181 {strides = array<i32>} : memref<128x128xf32, #tpu.memory_space<vmem>>, vector<1x16xf32>,
        %get3A_1182 = arith.index_cast %add3A_1121 : i32 to index
        %get3A_1183 = arith.constant 96 : index
        %get3A_1184 = tpu.vector_load %arg10[%get3A_1182, %get3A_1183] {strides = array<i32>} : memref<128x128xf32, #tpu.memory_space<vmem>>, vector<1x16xf32>,
        %get3A_1185 = vector.shape_cast %get3A_1184 : vector<1x16xf32> to vector<16xf32>
        %mul3A_1186 = arith.mulf %get3A_1185, %broadcast_in_dim3A_1117 : vector<16xf32>
        %swap3A_1187 = arith.index_cast %add3A_1121 : i32 to index
        %swap3A_1188 = arith.constant 96 : index
        %swap3A_1189 = tpu.vector_load %arg10[%swap3A_1187, %swap3A_1188] {strides = array<i32>} : memref<128x128xf32, #tpu.memory_space<vmem>>, vector<1x16xf32>,
        %swap3A_1190 = vector.shape_cast %swap3A_1189 : vector<1x16xf32> to vector<16xf32>
        %swap3A_1191 = vector.shape_cast %mul3A_1186 : vector<16xf32> to vector<1x16xf32>
        tpu.vector_store %arg10[%swap3A_1187, %swap3A_1188], %swap3A_1191 {strides = array<i32>} : memref<128x128xf32, #tpu.memory_space<vmem>>, vector<1x16xf32>,
        %get3A_1192 = arith.index_cast %add3A_1121 : i32 to index
        %get3A_1193 = arith.constant 112 : index
        %get3A_1194 = tpu.vector_load %arg10[%get3A_1192, %get3A_1193] {strides = array<i32>} : memref<128x128xf32, #tpu.memory_space<vmem>>, vector<1x16xf32>,
        %get3A_1195 = vector.shape_cast %get3A_1194 : vector<1x16xf32> to vector<16xf32>
        %mul3A_1196 = arith.mulf %get3A_1195, %broadcast_in_dim3A_1117 : vector<16xf32>
        %swap3A_1197 = arith.index_cast %add3A_1121 : i32 to index
        %swap3A_1198 = arith.constant 112 : index
        %swap3A_1199 = tpu.vector_load %arg10[%swap3A_1197, %swap3A_1198] {strides = array<i32>} : memref<128x128xf32, #tpu.memory_space<vmem>>, vector<1x16xf32>,
        %swap3A_1200 = vector.shape_cast %swap3A_1199 : vector<1x16xf32> to vector<16xf32>
        %swap3A_1201 = vector.shape_cast %mul3A_1196 : vector<16xf32> to vector<1x16xf32>
        tpu.vector_store %arg10[%swap3A_1197, %swap3A_1198], %swap3A_1201 {strides = array<i32>} : memref<128x128xf32, #tpu.memory_space<vmem>>, vector<1x16xf32>,
        %slice3A_1202 = vector.extract_strided_slice %get3A_74 {offsets = [13], sizes = [1], strides = [1]} : vector<16xf32> to vector<1xf32>
        %squeeze3A_1203 = vector.extract %slice3A_1202[0] : f32 from vector<1xf32>
        %broadcast_in_dim3A_1204 = vector.broadcast %squeeze3A_1203 : f32 to vector<16xf32>
        %mul3A_1205 = arith.constant 16 : i32
        %mul3A_1206 = arith.muli %scan3A_67, %mul3A_1205 : i32
        %add3A_1207 = arith.constant 13 : i32
        %add3A_1208 = arith.addi %mul3A_1206, %add3A_1207 : i32
        %get3A_1209 = arith.index_cast %add3A_1208 : i32 to index
        %get3A_1210 = arith.constant 0 : index
        %get3A_1211 = tpu.vector_load %arg10[%get3A_1209, %get3A_1210] {strides = array<i32>} : memref<128x128xf32, #tpu.memory_space<vmem>>, vector<1x16xf32>,
        %get3A_1212 = vector.shape_cast %get3A_1211 : vector<1x16xf32> to vector<16xf32>
        %mul3A_1213 = arith.mulf %get3A_1212, %broadcast_in_dim3A_1204 : vector<16xf32>
        %swap3A_1214 = arith.index_cast %add3A_1208 : i32 to index
        %swap3A_1215 = arith.constant 0 : index
        %swap3A_1216 = tpu.vector_load %arg10[%swap3A_1214, %swap3A_1215] {strides = array<i32>} : memref<128x128xf32, #tpu.memory_space<vmem>>, vector<1x16xf32>,
        %swap3A_1217 = vector.shape_cast %swap3A_1216 : vector<1x16xf32> to vector<16xf32>
        %swap3A_1218 = vector.shape_cast %mul3A_1213 : vector<16xf32> to vector<1x16xf32>
        tpu.vector_store %arg10[%swap3A_1214, %swap3A_1215], %swap3A_1218 {strides = array<i32>} : memref<128x128xf32, #tpu.memory_space<vmem>>, vector<1x16xf32>,
        %get3A_1219 = arith.index_cast %add3A_1208 : i32 to index
        %get3A_1220 = arith.constant 16 : index
        %get3A_1221 = tpu.vector_load %arg10[%get3A_1219, %get3A_1220] {strides = array<i32>} : memref<128x128xf32, #tpu.memory_space<vmem>>, vector<1x16xf32>,
        %get3A_1222 = vector.shape_cast %get3A_1221 : vector<1x16xf32> to vector<16xf32>
        %mul3A_1223 = arith.mulf %get3A_1222, %broadcast_in_dim3A_1204 : vector<16xf32>
        %swap3A_1224 = arith.index_cast %add3A_1208 : i32 to index
        %swap3A_1225 = arith.constant 16 : index
        %swap3A_1226 = tpu.vector_load %arg10[%swap3A_1224, %swap3A_1225] {strides = array<i32>} : memref<128x128xf32, #tpu.memory_space<vmem>>, vector<1x16xf32>,
        %swap3A_1227 = vector.shape_cast %swap3A_1226 : vector<1x16xf32> to vector<16xf32>
        %swap3A_1228 = vector.shape_cast %mul3A_1223 : vector<16xf32> to vector<1x16xf32>
        tpu.vector_store %arg10[%swap3A_1224, %swap3A_1225], %swap3A_1228 {strides = array<i32>} : memref<128x128xf32, #tpu.memory_space<vmem>>, vector<1x16xf32>,
        %get3A_1229 = arith.index_cast %add3A_1208 : i32 to index
        %get3A_1230 = arith.constant 32 : index
        %get3A_1231 = tpu.vector_load %arg10[%get3A_1229, %get3A_1230] {strides = array<i32>} : memref<128x128xf32, #tpu.memory_space<vmem>>, vector<1x16xf32>,
        %get3A_1232 = vector.shape_cast %get3A_1231 : vector<1x16xf32> to vector<16xf32>
        %mul3A_1233 = arith.mulf %get3A_1232, %broadcast_in_dim3A_1204 : vector<16xf32>
        %swap3A_1234 = arith.index_cast %add3A_1208 : i32 to index
        %swap3A_1235 = arith.constant 32 : index
        %swap3A_1236 = tpu.vector_load %arg10[%swap3A_1234, %swap3A_1235] {strides = array<i32>} : memref<128x128xf32, #tpu.memory_space<vmem>>, vector<1x16xf32>,
        %swap3A_1237 = vector.shape_cast %swap3A_1236 : vector<1x16xf32> to vector<16xf32>
        %swap3A_1238 = vector.shape_cast %mul3A_1233 : vector<16xf32> to vector<1x16xf32>
        tpu.vector_store %arg10[%swap3A_1234, %swap3A_1235], %swap3A_1238 {strides = array<i32>} : memref<128x128xf32, #tpu.memory_space<vmem>>, vector<1x16xf32>,
        %get3A_1239 = arith.index_cast %add3A_1208 : i32 to index
        %get3A_1240 = arith.constant 48 : index
        %get3A_1241 = tpu.vector_load %arg10[%get3A_1239, %get3A_1240] {strides = array<i32>} : memref<128x128xf32, #tpu.memory_space<vmem>>, vector<1x16xf32>,
        %get3A_1242 = vector.shape_cast %get3A_1241 : vector<1x16xf32> to vector<16xf32>
        %mul3A_1243 = arith.mulf %get3A_1242, %broadcast_in_dim3A_1204 : vector<16xf32>
        %swap3A_1244 = arith.index_cast %add3A_1208 : i32 to index
        %swap3A_1245 = arith.constant 48 : index
        %swap3A_1246 = tpu.vector_load %arg10[%swap3A_1244, %swap3A_1245] {strides = array<i32>} : memref<128x128xf32, #tpu.memory_space<vmem>>, vector<1x16xf32>,
        %swap3A_1247 = vector.shape_cast %swap3A_1246 : vector<1x16xf32> to vector<16xf32>
        %swap3A_1248 = vector.shape_cast %mul3A_1243 : vector<16xf32> to vector<1x16xf32>
        tpu.vector_store %arg10[%swap3A_1244, %swap3A_1245], %swap3A_1248 {strides = array<i32>} : memref<128x128xf32, #tpu.memory_space<vmem>>, vector<1x16xf32>,
        %get3A_1249 = arith.index_cast %add3A_1208 : i32 to index
        %get3A_1250 = arith.constant 64 : index
        %get3A_1251 = tpu.vector_load %arg10[%get3A_1249, %get3A_1250] {strides = array<i32>} : memref<128x128xf32, #tpu.memory_space<vmem>>, vector<1x16xf32>,
        %get3A_1252 = vector.shape_cast %get3A_1251 : vector<1x16xf32> to vector<16xf32>
        %mul3A_1253 = arith.mulf %get3A_1252, %broadcast_in_dim3A_1204 : vector<16xf32>
        %swap3A_1254 = arith.index_cast %add3A_1208 : i32 to index
        %swap3A_1255 = arith.constant 64 : index
        %swap3A_1256 = tpu.vector_load %arg10[%swap3A_1254, %swap3A_1255] {strides = array<i32>} : memref<128x128xf32, #tpu.memory_space<vmem>>, vector<1x16xf32>,
        %swap3A_1257 = vector.shape_cast %swap3A_1256 : vector<1x16xf32> to vector<16xf32>
        %swap3A_1258 = vector.shape_cast %mul3A_1253 : vector<16xf32> to vector<1x16xf32>
        tpu.vector_store %arg10[%swap3A_1254, %swap3A_1255], %swap3A_1258 {strides = array<i32>} : memref<128x128xf32, #tpu.memory_space<vmem>>, vector<1x16xf32>,
        %get3A_1259 = arith.index_cast %add3A_1208 : i32 to index
        %get3A_1260 = arith.constant 80 : index
        %get3A_1261 = tpu.vector_load %arg10[%get3A_1259, %get3A_1260] {strides = array<i32>} : memref<128x128xf32, #tpu.memory_space<vmem>>, vector<1x16xf32>,
        %get3A_1262 = vector.shape_cast %get3A_1261 : vector<1x16xf32> to vector<16xf32>
        %mul3A_1263 = arith.mulf %get3A_1262, %broadcast_in_dim3A_1204 : vector<16xf32>
        %swap3A_1264 = arith.index_cast %add3A_1208 : i32 to index
        %swap3A_1265 = arith.constant 80 : index
        %swap3A_1266 = tpu.vector_load %arg10[%swap3A_1264, %swap3A_1265] {strides = array<i32>} : memref<128x128xf32, #tpu.memory_space<vmem>>, vector<1x16xf32>,
        %swap3A_1267 = vector.shape_cast %swap3A_1266 : vector<1x16xf32> to vector<16xf32>
        %swap3A_1268 = vector.shape_cast %mul3A_1263 : vector<16xf32> to vector<1x16xf32>
        tpu.vector_store %arg10[%swap3A_1264, %swap3A_1265], %swap3A_1268 {strides = array<i32>} : memref<128x128xf32, #tpu.memory_space<vmem>>, vector<1x16xf32>,
        %get3A_1269 = arith.index_cast %add3A_1208 : i32 to index
        %get3A_1270 = arith.constant 96 : index
        %get3A_1271 = tpu.vector_load %arg10[%get3A_1269, %get3A_1270] {strides = array<i32>} : memref<128x128xf32, #tpu.memory_space<vmem>>, vector<1x16xf32>,
        %get3A_1272 = vector.shape_cast %get3A_1271 : vector<1x16xf32> to vector<16xf32>
        %mul3A_1273 = arith.mulf %get3A_1272, %broadcast_in_dim3A_1204 : vector<16xf32>
        %swap3A_1274 = arith.index_cast %add3A_1208 : i32 to index
        %swap3A_1275 = arith.constant 96 : index
        %swap3A_1276 = tpu.vector_load %arg10[%swap3A_1274, %swap3A_1275] {strides = array<i32>} : memref<128x128xf32, #tpu.memory_space<vmem>>, vector<1x16xf32>,
        %swap3A_1277 = vector.shape_cast %swap3A_1276 : vector<1x16xf32> to vector<16xf32>
        %swap3A_1278 = vector.shape_cast %mul3A_1273 : vector<16xf32> to vector<1x16xf32>
        tpu.vector_store %arg10[%swap3A_1274, %swap3A_1275], %swap3A_1278 {strides = array<i32>} : memref<128x128xf32, #tpu.memory_space<vmem>>, vector<1x16xf32>,
        %get3A_1279 = arith.index_cast %add3A_1208 : i32 to index
        %get3A_1280 = arith.constant 112 : index
        %get3A_1281 = tpu.vector_load %arg10[%get3A_1279, %get3A_1280] {strides = array<i32>} : memref<128x128xf32, #tpu.memory_space<vmem>>, vector<1x16xf32>,
        %get3A_1282 = vector.shape_cast %get3A_1281 : vector<1x16xf32> to vector<16xf32>
        %mul3A_1283 = arith.mulf %get3A_1282, %broadcast_in_dim3A_1204 : vector<16xf32>
        %swap3A_1284 = arith.index_cast %add3A_1208 : i32 to index
        %swap3A_1285 = arith.constant 112 : index
        %swap3A_1286 = tpu.vector_load %arg10[%swap3A_1284, %swap3A_1285] {strides = array<i32>} : memref<128x128xf32, #tpu.memory_space<vmem>>, vector<1x16xf32>,
        %swap3A_1287 = vector.shape_cast %swap3A_1286 : vector<1x16xf32> to vector<16xf32>
        %swap3A_1288 = vector.shape_cast %mul3A_1283 : vector<16xf32> to vector<1x16xf32>
        tpu.vector_store %arg10[%swap3A_1284, %swap3A_1285], %swap3A_1288 {strides = array<i32>} : memref<128x128xf32, #tpu.memory_space<vmem>>, vector<1x16xf32>,
        %slice3A_1289 = vector.extract_strided_slice %get3A_74 {offsets = [14], sizes = [1], strides = [1]} : vector<16xf32> to vector<1xf32>
        %squeeze3A_1290 = vector.extract %slice3A_1289[0] : f32 from vector<1xf32>
        %broadcast_in_dim3A_1291 = vector.broadcast %squeeze3A_1290 : f32 to vector<16xf32>
        %mul3A_1292 = arith.constant 16 : i32
        %mul3A_1293 = arith.muli %scan3A_67, %mul3A_1292 : i32
        %add3A_1294 = arith.constant 14 : i32
        %add3A_1295 = arith.addi %mul3A_1293, %add3A_1294 : i32
        %get3A_1296 = arith.index_cast %add3A_1295 : i32 to index
        %get3A_1297 = arith.constant 0 : index
        %get3A_1298 = tpu.vector_load %arg10[%get3A_1296, %get3A_1297] {strides = array<i32>} : memref<128x128xf32, #tpu.memory_space<vmem>>, vector<1x16xf32>,
        %get3A_1299 = vector.shape_cast %get3A_1298 : vector<1x16xf32> to vector<16xf32>
        %mul3A_1300 = arith.mulf %get3A_1299, %broadcast_in_dim3A_1291 : vector<16xf32>
        %swap3A_1301 = arith.index_cast %add3A_1295 : i32 to index
        %swap3A_1302 = arith.constant 0 : index
        %swap3A_1303 = tpu.vector_load %arg10[%swap3A_1301, %swap3A_1302] {strides = array<i32>} : memref<128x128xf32, #tpu.memory_space<vmem>>, vector<1x16xf32>,
        %swap3A_1304 = vector.shape_cast %swap3A_1303 : vector<1x16xf32> to vector<16xf32>
        %swap3A_1305 = vector.shape_cast %mul3A_1300 : vector<16xf32> to vector<1x16xf32>
        tpu.vector_store %arg10[%swap3A_1301, %swap3A_1302], %swap3A_1305 {strides = array<i32>} : memref<128x128xf32, #tpu.memory_space<vmem>>, vector<1x16xf32>,
        %get3A_1306 = arith.index_cast %add3A_1295 : i32 to index
        %get3A_1307 = arith.constant 16 : index
        %get3A_1308 = tpu.vector_load %arg10[%get3A_1306, %get3A_1307] {strides = array<i32>} : memref<128x128xf32, #tpu.memory_space<vmem>>, vector<1x16xf32>,
        %get3A_1309 = vector.shape_cast %get3A_1308 : vector<1x16xf32> to vector<16xf32>
        %mul3A_1310 = arith.mulf %get3A_1309, %broadcast_in_dim3A_1291 : vector<16xf32>
        %swap3A_1311 = arith.index_cast %add3A_1295 : i32 to index
        %swap3A_1312 = arith.constant 16 : index
        %swap3A_1313 = tpu.vector_load %arg10[%swap3A_1311, %swap3A_1312] {strides = array<i32>} : memref<128x128xf32, #tpu.memory_space<vmem>>, vector<1x16xf32>,
        %swap3A_1314 = vector.shape_cast %swap3A_1313 : vector<1x16xf32> to vector<16xf32>
        %swap3A_1315 = vector.shape_cast %mul3A_1310 : vector<16xf32> to vector<1x16xf32>
        tpu.vector_store %arg10[%swap3A_1311, %swap3A_1312], %swap3A_1315 {strides = array<i32>} : memref<128x128xf32, #tpu.memory_space<vmem>>, vector<1x16xf32>,
        %get3A_1316 = arith.index_cast %add3A_1295 : i32 to index
        %get3A_1317 = arith.constant 32 : index
        %get3A_1318 = tpu.vector_load %arg10[%get3A_1316, %get3A_1317] {strides = array<i32>} : memref<128x128xf32, #tpu.memory_space<vmem>>, vector<1x16xf32>,
        %get3A_1319 = vector.shape_cast %get3A_1318 : vector<1x16xf32> to vector<16xf32>
        %mul3A_1320 = arith.mulf %get3A_1319, %broadcast_in_dim3A_1291 : vector<16xf32>
        %swap3A_1321 = arith.index_cast %add3A_1295 : i32 to index
        %swap3A_1322 = arith.constant 32 : index
        %swap3A_1323 = tpu.vector_load %arg10[%swap3A_1321, %swap3A_1322] {strides = array<i32>} : memref<128x128xf32, #tpu.memory_space<vmem>>, vector<1x16xf32>,
        %swap3A_1324 = vector.shape_cast %swap3A_1323 : vector<1x16xf32> to vector<16xf32>
        %swap3A_1325 = vector.shape_cast %mul3A_1320 : vector<16xf32> to vector<1x16xf32>
        tpu.vector_store %arg10[%swap3A_1321, %swap3A_1322], %swap3A_1325 {strides = array<i32>} : memref<128x128xf32, #tpu.memory_space<vmem>>, vector<1x16xf32>,
        %get3A_1326 = arith.index_cast %add3A_1295 : i32 to index
        %get3A_1327 = arith.constant 48 : index
        %get3A_1328 = tpu.vector_load %arg10[%get3A_1326, %get3A_1327] {strides = array<i32>} : memref<128x128xf32, #tpu.memory_space<vmem>>, vector<1x16xf32>,
        %get3A_1329 = vector.shape_cast %get3A_1328 : vector<1x16xf32> to vector<16xf32>
        %mul3A_1330 = arith.mulf %get3A_1329, %broadcast_in_dim3A_1291 : vector<16xf32>
        %swap3A_1331 = arith.index_cast %add3A_1295 : i32 to index
        %swap3A_1332 = arith.constant 48 : index
        %swap3A_1333 = tpu.vector_load %arg10[%swap3A_1331, %swap3A_1332] {strides = array<i32>} : memref<128x128xf32, #tpu.memory_space<vmem>>, vector<1x16xf32>,
        %swap3A_1334 = vector.shape_cast %swap3A_1333 : vector<1x16xf32> to vector<16xf32>
        %swap3A_1335 = vector.shape_cast %mul3A_1330 : vector<16xf32> to vector<1x16xf32>
        tpu.vector_store %arg10[%swap3A_1331, %swap3A_1332], %swap3A_1335 {strides = array<i32>} : memref<128x128xf32, #tpu.memory_space<vmem>>, vector<1x16xf32>,
        %get3A_1336 = arith.index_cast %add3A_1295 : i32 to index
        %get3A_1337 = arith.constant 64 : index
        %get3A_1338 = tpu.vector_load %arg10[%get3A_1336, %get3A_1337] {strides = array<i32>} : memref<128x128xf32, #tpu.memory_space<vmem>>, vector<1x16xf32>,
        %get3A_1339 = vector.shape_cast %get3A_1338 : vector<1x16xf32> to vector<16xf32>
        %mul3A_1340 = arith.mulf %get3A_1339, %broadcast_in_dim3A_1291 : vector<16xf32>
        %swap3A_1341 = arith.index_cast %add3A_1295 : i32 to index
        %swap3A_1342 = arith.constant 64 : index
        %swap3A_1343 = tpu.vector_load %arg10[%swap3A_1341, %swap3A_1342] {strides = array<i32>} : memref<128x128xf32, #tpu.memory_space<vmem>>, vector<1x16xf32>,
        %swap3A_1344 = vector.shape_cast %swap3A_1343 : vector<1x16xf32> to vector<16xf32>
        %swap3A_1345 = vector.shape_cast %mul3A_1340 : vector<16xf32> to vector<1x16xf32>
        tpu.vector_store %arg10[%swap3A_1341, %swap3A_1342], %swap3A_1345 {strides = array<i32>} : memref<128x128xf32, #tpu.memory_space<vmem>>, vector<1x16xf32>,
        %get3A_1346 = arith.index_cast %add3A_1295 : i32 to index
        %get3A_1347 = arith.constant 80 : index
        %get3A_1348 = tpu.vector_load %arg10[%get3A_1346, %get3A_1347] {strides = array<i32>} : memref<128x128xf32, #tpu.memory_space<vmem>>, vector<1x16xf32>,
        %get3A_1349 = vector.shape_cast %get3A_1348 : vector<1x16xf32> to vector<16xf32>
        %mul3A_1350 = arith.mulf %get3A_1349, %broadcast_in_dim3A_1291 : vector<16xf32>
        %swap3A_1351 = arith.index_cast %add3A_1295 : i32 to index
        %swap3A_1352 = arith.constant 80 : index
        %swap3A_1353 = tpu.vector_load %arg10[%swap3A_1351, %swap3A_1352] {strides = array<i32>} : memref<128x128xf32, #tpu.memory_space<vmem>>, vector<1x16xf32>,
        %swap3A_1354 = vector.shape_cast %swap3A_1353 : vector<1x16xf32> to vector<16xf32>
        %swap3A_1355 = vector.shape_cast %mul3A_1350 : vector<16xf32> to vector<1x16xf32>
        tpu.vector_store %arg10[%swap3A_1351, %swap3A_1352], %swap3A_1355 {strides = array<i32>} : memref<128x128xf32, #tpu.memory_space<vmem>>, vector<1x16xf32>,
        %get3A_1356 = arith.index_cast %add3A_1295 : i32 to index
        %get3A_1357 = arith.constant 96 : index
        %get3A_1358 = tpu.vector_load %arg10[%get3A_1356, %get3A_1357] {strides = array<i32>} : memref<128x128xf32, #tpu.memory_space<vmem>>, vector<1x16xf32>,
        %get3A_1359 = vector.shape_cast %get3A_1358 : vector<1x16xf32> to vector<16xf32>
        %mul3A_1360 = arith.mulf %get3A_1359, %broadcast_in_dim3A_1291 : vector<16xf32>
        %swap3A_1361 = arith.index_cast %add3A_1295 : i32 to index
        %swap3A_1362 = arith.constant 96 : index
        %swap3A_1363 = tpu.vector_load %arg10[%swap3A_1361, %swap3A_1362] {strides = array<i32>} : memref<128x128xf32, #tpu.memory_space<vmem>>, vector<1x16xf32>,
        %swap3A_1364 = vector.shape_cast %swap3A_1363 : vector<1x16xf32> to vector<16xf32>
        %swap3A_1365 = vector.shape_cast %mul3A_1360 : vector<16xf32> to vector<1x16xf32>
        tpu.vector_store %arg10[%swap3A_1361, %swap3A_1362], %swap3A_1365 {strides = array<i32>} : memref<128x128xf32, #tpu.memory_space<vmem>>, vector<1x16xf32>,
        %get3A_1366 = arith.index_cast %add3A_1295 : i32 to index
        %get3A_1367 = arith.constant 112 : index
        %get3A_1368 = tpu.vector_load %arg10[%get3A_1366, %get3A_1367] {strides = array<i32>} : memref<128x128xf32, #tpu.memory_space<vmem>>, vector<1x16xf32>,
        %get3A_1369 = vector.shape_cast %get3A_1368 : vector<1x16xf32> to vector<16xf32>
        %mul3A_1370 = arith.mulf %get3A_1369, %broadcast_in_dim3A_1291 : vector<16xf32>
        %swap3A_1371 = arith.index_cast %add3A_1295 : i32 to index
        %swap3A_1372 = arith.constant 112 : index
        %swap3A_1373 = tpu.vector_load %arg10[%swap3A_1371, %swap3A_1372] {strides = array<i32>} : memref<128x128xf32, #tpu.memory_space<vmem>>, vector<1x16xf32>,
        %swap3A_1374 = vector.shape_cast %swap3A_1373 : vector<1x16xf32> to vector<16xf32>
        %swap3A_1375 = vector.shape_cast %mul3A_1370 : vector<16xf32> to vector<1x16xf32>
        tpu.vector_store %arg10[%swap3A_1371, %swap3A_1372], %swap3A_1375 {strides = array<i32>} : memref<128x128xf32, #tpu.memory_space<vmem>>, vector<1x16xf32>,
        %slice3A_1376 = vector.extract_strided_slice %get3A_74 {offsets = [15], sizes = [1], strides = [1]} : vector<16xf32> to vector<1xf32>
        %squeeze3A_1377 = vector.extract %slice3A_1376[0] : f32 from vector<1xf32>
        %broadcast_in_dim3A_1378 = vector.broadcast %squeeze3A_1377 : f32 to vector<16xf32>
        %mul3A_1379 = arith.constant 16 : i32
        %mul3A_1380 = arith.muli %scan3A_67, %mul3A_1379 : i32
        %add3A_1381 = arith.constant 15 : i32
        %add3A_1382 = arith.addi %mul3A_1380, %add3A_1381 : i32
        %get3A_1383 = arith.index_cast %add3A_1382 : i32 to index
        %get3A_1384 = arith.constant 0 : index
        %get3A_1385 = tpu.vector_load %arg10[%get3A_1383, %get3A_1384] {strides = array<i32>} : memref<128x128xf32, #tpu.memory_space<vmem>>, vector<1x16xf32>,
        %get3A_1386 = vector.shape_cast %get3A_1385 : vector<1x16xf32> to vector<16xf32>
        %mul3A_1387 = arith.mulf %get3A_1386, %broadcast_in_dim3A_1378 : vector<16xf32>
        %swap3A_1388 = arith.index_cast %add3A_1382 : i32 to index
        %swap3A_1389 = arith.constant 0 : index
        %swap3A_1390 = tpu.vector_load %arg10[%swap3A_1388, %swap3A_1389] {strides = array<i32>} : memref<128x128xf32, #tpu.memory_space<vmem>>, vector<1x16xf32>,
        %swap3A_1391 = vector.shape_cast %swap3A_1390 : vector<1x16xf32> to vector<16xf32>
        %swap3A_1392 = vector.shape_cast %mul3A_1387 : vector<16xf32> to vector<1x16xf32>
        tpu.vector_store %arg10[%swap3A_1388, %swap3A_1389], %swap3A_1392 {strides = array<i32>} : memref<128x128xf32, #tpu.memory_space<vmem>>, vector<1x16xf32>,
        %get3A_1393 = arith.index_cast %add3A_1382 : i32 to index
        %get3A_1394 = arith.constant 16 : index
        %get3A_1395 = tpu.vector_load %arg10[%get3A_1393, %get3A_1394] {strides = array<i32>} : memref<128x128xf32, #tpu.memory_space<vmem>>, vector<1x16xf32>,
        %get3A_1396 = vector.shape_cast %get3A_1395 : vector<1x16xf32> to vector<16xf32>
        %mul3A_1397 = arith.mulf %get3A_1396, %broadcast_in_dim3A_1378 : vector<16xf32>
        %swap3A_1398 = arith.index_cast %add3A_1382 : i32 to index
        %swap3A_1399 = arith.constant 16 : index
        %swap3A_1400 = tpu.vector_load %arg10[%swap3A_1398, %swap3A_1399] {strides = array<i32>} : memref<128x128xf32, #tpu.memory_space<vmem>>, vector<1x16xf32>,
        %swap3A_1401 = vector.shape_cast %swap3A_1400 : vector<1x16xf32> to vector<16xf32>
        %swap3A_1402 = vector.shape_cast %mul3A_1397 : vector<16xf32> to vector<1x16xf32>
        tpu.vector_store %arg10[%swap3A_1398, %swap3A_1399], %swap3A_1402 {strides = array<i32>} : memref<128x128xf32, #tpu.memory_space<vmem>>, vector<1x16xf32>,
        %get3A_1403 = arith.index_cast %add3A_1382 : i32 to index
        %get3A_1404 = arith.constant 32 : index
        %get3A_1405 = tpu.vector_load %arg10[%get3A_1403, %get3A_1404] {strides = array<i32>} : memref<128x128xf32, #tpu.memory_space<vmem>>, vector<1x16xf32>,
        %get3A_1406 = vector.shape_cast %get3A_1405 : vector<1x16xf32> to vector<16xf32>
        %mul3A_1407 = arith.mulf %get3A_1406, %broadcast_in_dim3A_1378 : vector<16xf32>
        %swap3A_1408 = arith.index_cast %add3A_1382 : i32 to index
        %swap3A_1409 = arith.constant 32 : index
        %swap3A_1410 = tpu.vector_load %arg10[%swap3A_1408, %swap3A_1409] {strides = array<i32>} : memref<128x128xf32, #tpu.memory_space<vmem>>, vector<1x16xf32>,
        %swap3A_1411 = vector.shape_cast %swap3A_1410 : vector<1x16xf32> to vector<16xf32>
        %swap3A_1412 = vector.shape_cast %mul3A_1407 : vector<16xf32> to vector<1x16xf32>
        tpu.vector_store %arg10[%swap3A_1408, %swap3A_1409], %swap3A_1412 {strides = array<i32>} : memref<128x128xf32, #tpu.memory_space<vmem>>, vector<1x16xf32>,
        %get3A_1413 = arith.index_cast %add3A_1382 : i32 to index
        %get3A_1414 = arith.constant 48 : index
        %get3A_1415 = tpu.vector_load %arg10[%get3A_1413, %get3A_1414] {strides = array<i32>} : memref<128x128xf32, #tpu.memory_space<vmem>>, vector<1x16xf32>,
        %get3A_1416 = vector.shape_cast %get3A_1415 : vector<1x16xf32> to vector<16xf32>
        %mul3A_1417 = arith.mulf %get3A_1416, %broadcast_in_dim3A_1378 : vector<16xf32>
        %swap3A_1418 = arith.index_cast %add3A_1382 : i32 to index
        %swap3A_1419 = arith.constant 48 : index
        %swap3A_1420 = tpu.vector_load %arg10[%swap3A_1418, %swap3A_1419] {strides = array<i32>} : memref<128x128xf32, #tpu.memory_space<vmem>>, vector<1x16xf32>,
        %swap3A_1421 = vector.shape_cast %swap3A_1420 : vector<1x16xf32> to vector<16xf32>
        %swap3A_1422 = vector.shape_cast %mul3A_1417 : vector<16xf32> to vector<1x16xf32>
        tpu.vector_store %arg10[%swap3A_1418, %swap3A_1419], %swap3A_1422 {strides = array<i32>} : memref<128x128xf32, #tpu.memory_space<vmem>>, vector<1x16xf32>,
        %get3A_1423 = arith.index_cast %add3A_1382 : i32 to index
        %get3A_1424 = arith.constant 64 : index
        %get3A_1425 = tpu.vector_load %arg10[%get3A_1423, %get3A_1424] {strides = array<i32>} : memref<128x128xf32, #tpu.memory_space<vmem>>, vector<1x16xf32>,
        %get3A_1426 = vector.shape_cast %get3A_1425 : vector<1x16xf32> to vector<16xf32>
        %mul3A_1427 = arith.mulf %get3A_1426, %broadcast_in_dim3A_1378 : vector<16xf32>
        %swap3A_1428 = arith.index_cast %add3A_1382 : i32 to index
        %swap3A_1429 = arith.constant 64 : index
        %swap3A_1430 = tpu.vector_load %arg10[%swap3A_1428, %swap3A_1429] {strides = array<i32>} : memref<128x128xf32, #tpu.memory_space<vmem>>, vector<1x16xf32>,
        %swap3A_1431 = vector.shape_cast %swap3A_1430 : vector<1x16xf32> to vector<16xf32>
        %swap3A_1432 = vector.shape_cast %mul3A_1427 : vector<16xf32> to vector<1x16xf32>
        tpu.vector_store %arg10[%swap3A_1428, %swap3A_1429], %swap3A_1432 {strides = array<i32>} : memref<128x128xf32, #tpu.memory_space<vmem>>, vector<1x16xf32>,
        %get3A_1433 = arith.index_cast %add3A_1382 : i32 to index
        %get3A_1434 = arith.constant 80 : index
        %get3A_1435 = tpu.vector_load %arg10[%get3A_1433, %get3A_1434] {strides = array<i32>} : memref<128x128xf32, #tpu.memory_space<vmem>>, vector<1x16xf32>,
        %get3A_1436 = vector.shape_cast %get3A_1435 : vector<1x16xf32> to vector<16xf32>
        %mul3A_1437 = arith.mulf %get3A_1436, %broadcast_in_dim3A_1378 : vector<16xf32>
        %swap3A_1438 = arith.index_cast %add3A_1382 : i32 to index
        %swap3A_1439 = arith.constant 80 : index
        %swap3A_1440 = tpu.vector_load %arg10[%swap3A_1438, %swap3A_1439] {strides = array<i32>} : memref<128x128xf32, #tpu.memory_space<vmem>>, vector<1x16xf32>,
        %swap3A_1441 = vector.shape_cast %swap3A_1440 : vector<1x16xf32> to vector<16xf32>
        %swap3A_1442 = vector.shape_cast %mul3A_1437 : vector<16xf32> to vector<1x16xf32>
        tpu.vector_store %arg10[%swap3A_1438, %swap3A_1439], %swap3A_1442 {strides = array<i32>} : memref<128x128xf32, #tpu.memory_space<vmem>>, vector<1x16xf32>,
        %get3A_1443 = arith.index_cast %add3A_1382 : i32 to index
        %get3A_1444 = arith.constant 96 : index
        %get3A_1445 = tpu.vector_load %arg10[%get3A_1443, %get3A_1444] {strides = array<i32>} : memref<128x128xf32, #tpu.memory_space<vmem>>, vector<1x16xf32>,
        %get3A_1446 = vector.shape_cast %get3A_1445 : vector<1x16xf32> to vector<16xf32>
        %mul3A_1447 = arith.mulf %get3A_1446, %broadcast_in_dim3A_1378 : vector<16xf32>
        %swap3A_1448 = arith.index_cast %add3A_1382 : i32 to index
        %swap3A_1449 = arith.constant 96 : index
        %swap3A_1450 = tpu.vector_load %arg10[%swap3A_1448, %swap3A_1449] {strides = array<i32>} : memref<128x128xf32, #tpu.memory_space<vmem>>, vector<1x16xf32>,
        %swap3A_1451 = vector.shape_cast %swap3A_1450 : vector<1x16xf32> to vector<16xf32>
        %swap3A_1452 = vector.shape_cast %mul3A_1447 : vector<16xf32> to vector<1x16xf32>
        tpu.vector_store %arg10[%swap3A_1448, %swap3A_1449], %swap3A_1452 {strides = array<i32>} : memref<128x128xf32, #tpu.memory_space<vmem>>, vector<1x16xf32>,
        %get3A_1453 = arith.index_cast %add3A_1382 : i32 to index
        %get3A_1454 = arith.constant 112 : index
        %get3A_1455 = tpu.vector_load %arg10[%get3A_1453, %get3A_1454] {strides = array<i32>} : memref<128x128xf32, #tpu.memory_space<vmem>>, vector<1x16xf32>,
        %get3A_1456 = vector.shape_cast %get3A_1455 : vector<1x16xf32> to vector<16xf32>
        %mul3A_1457 = arith.mulf %get3A_1456, %broadcast_in_dim3A_1378 : vector<16xf32>
        %swap3A_1458 = arith.index_cast %add3A_1382 : i32 to index
        %swap3A_1459 = arith.constant 112 : index
        %swap3A_1460 = tpu.vector_load %arg10[%swap3A_1458, %swap3A_1459] {strides = array<i32>} : memref<128x128xf32, #tpu.memory_space<vmem>>, vector<1x16xf32>,
        %swap3A_1461 = vector.shape_cast %swap3A_1460 : vector<1x16xf32> to vector<16xf32>
        %swap3A_1462 = vector.shape_cast %mul3A_1457 : vector<16xf32> to vector<1x16xf32>
        tpu.vector_store %arg10[%swap3A_1458, %swap3A_1459], %swap3A_1462 {strides = array<i32>} : memref<128x128xf32, #tpu.memory_space<vmem>>, vector<1x16xf32>,
      }
      %scan3A_66 = arith.constant 8 : i32
      "tpu.region"() ({
        %run_scoped3A = tpu.sem_alloc : memref<!tpu.dma_semaphore, #tpu.memory_space<semaphore_mem>>
        %dma_start3A_67 = arith.constant 0 : i32
        %dma_start3A_68 = tpu.memref_slice %arg8[%scan3A_26, %dma_start3A_67] : memref<79x128xi32, #tpu.memory_space<vmem>> -> memref<1x128xi32, #tpu.memory_space<vmem>>
        %dma_start3A_69 = tpu.memref_squeeze %dma_start3A_68 : memref<1x128xi32, #tpu.memory_space<vmem>> -> memref<128xi32, #tpu.memory_space<vmem>>
        %dma_start3A_70 = arith.constant 0 : i32
        %dma_start3A_71 = arith.constant 0 : i32
        %dma_start3A_72 = tpu.memref_slice %arg11[%dma_start3A_70, %dma_start3A_71] : memref<10000x128xf32, #tpu.memory_space<vmem_shared>> -> memref<10000x128xf32, #tpu.memory_space<vmem_shared>>
        tpu.enqueue_indirect_dma source(%arg10 : memref<128x128xf32, #tpu.memory_space<vmem>>) target(%dma_start3A_72 : memref<10000x128xf32, #tpu.memory_space<vmem_shared>>) offsets(%dma_start3A_69 : memref<128xi32, #tpu.memory_space<vmem>>) semaphore(%run_scoped3A : memref<!tpu.dma_semaphore, #tpu.memory_space<semaphore_mem>>) {add = true}
        %dma_wait3A_73 = arith.constant 0 : i32
        %dma_wait3A_74 = tpu.memref_slice %arg8[%scan3A_26, %dma_wait3A_73] : memref<79x128xi32, #tpu.memory_space<vmem>> -> memref<1x128xi32, #tpu.memory_space<vmem>>
        %dma_wait3A_75 = tpu.memref_squeeze %dma_wait3A_74 : memref<1x128xi32, #tpu.memory_space<vmem>> -> memref<128xi32, #tpu.memory_space<vmem>>
        %dma_wait3A_76 = arith.constant 0 : i32
        %dma_wait3A_77 = arith.constant 0 : i32
        %dma_wait3A_78 = tpu.memref_slice %arg11[%dma_wait3A_76, %dma_wait3A_77] : memref<10000x128xf32, #tpu.memory_space<vmem_shared>> -> memref<10000x128xf32, #tpu.memory_space<vmem_shared>>
        tpu.wait_indirect_dma semaphore(%run_scoped3A : memref<!tpu.dma_semaphore, #tpu.memory_space<semaphore_mem>>) src(%arg10 : memref<128x128xf32, #tpu.memory_space<vmem>>) dst(%dma_wait3A_78 : memref<10000x128xf32, #tpu.memory_space<vmem_shared>>)
        tpu.yield
      }) : () -> ()
    }
    %scan3A_24 = arith.constant 79 : i32
    %barrier3A_25 = arith.constant 0 : index
    tpu.barrier barrier_id(%barrier3A_25)
    "tpu.region"() ({
      %run_scoped3A = tpu.sem_alloc : memref<!tpu.dma_semaphore, #tpu.memory_space<semaphore_mem>>
      %dma_start3A = arith.constant 0 : i32
      %dma_start3A_26 = tpu.memref_slice %arg6[%arg0, %min3A_8, %dma_start3A] : memref<2x10000x128xf32, #tpu.memory_space<hbm>> -> memref<1x632x128xf32, #tpu.memory_space<hbm>>
      %dma_start3A_27 = tpu.memref_squeeze %dma_start3A_26 : memref<1x632x128xf32, #tpu.memory_space<hbm>> -> memref<632x128xf32, #tpu.memory_space<hbm>>
      %dma_start3A_28 = arith.constant 0 : i32
      %dma_start3A_29 = tpu.memref_slice %arg11[%min3A_8, %dma_start3A_28] : memref<10000x128xf32, #tpu.memory_space<vmem_shared>> -> memref<632x128xf32, #tpu.memory_space<vmem_shared>>
      tpu.enqueue_dma source(%dma_start3A_29 : memref<632x128xf32, #tpu.memory_space<vmem_shared>>) target(%dma_start3A_27 : memref<632x128xf32, #tpu.memory_space<hbm>>) target_semaphore(%run_scoped3A : memref<!tpu.dma_semaphore, #tpu.memory_space<semaphore_mem>>)
      %dma_wait3A = arith.constant 0 : i32
      %dma_wait3A_30 = tpu.memref_slice %arg6[%arg0, %min3A_8, %dma_wait3A] : memref<2x10000x128xf32, #tpu.memory_space<hbm>> -> memref<1x632x128xf32, #tpu.memory_space<hbm>>
      %dma_wait3A_31 = tpu.memref_squeeze %dma_wait3A_30 : memref<1x632x128xf32, #tpu.memory_space<hbm>> -> memref<632x128xf32, #tpu.memory_space<hbm>>
      %dma_wait3A_32 = arith.constant 0 : i32
      %dma_wait3A_33 = tpu.memref_slice %arg11[%min3A_8, %dma_wait3A_32] : memref<10000x128xf32, #tpu.memory_space<vmem_shared>> -> memref<632x128xf32, #tpu.memory_space<vmem_shared>>
      tpu.wait_dma2 semaphore(%run_scoped3A : memref<!tpu.dma_semaphore, #tpu.memory_space<semaphore_mem>>) src(%dma_wait3A_33 : memref<632x128xf32, #tpu.memory_space<vmem_shared>>) dst(%dma_wait3A_31 : memref<632x128xf32, #tpu.memory_space<hbm>>)
      tpu.yield
    }) : () -> ()
    return
  }
}

#map = affine_map<(d0, d1) -> (0, 0)>
#map1 = affine_map<(d0, d1) -> (0, 0, 0)>
module attributes {stable_mosaic.version = 14 : i64} {
  func.func @k(%arg0: i32, %arg1: i32, %arg2: memref<10000x128xf32, #tpu.memory_space<hbm>>, %arg3: memref<32x79x128xi32, #tpu.memory_space<hbm>>, %arg4: memref<32x79x128xi32, #tpu.memory_space<hbm>>, %arg5: memref<32x10112xf32, #tpu.memory_space<hbm>>, %arg6: memref<2x10000x128xf32, #tpu.memory_space<hbm>>, %arg7: memref<79x128xi32, #tpu.memory_space<vmem>>, %arg8: memref<79x128xi32, #tpu.memory_space<vmem>>, %arg9: memref<10112xf32, #tpu.memory_space<vmem>>, %arg10: memref<128x128xf32, #tpu.memory_space<vmem>>, %arg11: memref<10000x128xf32, #tpu.memory_space<vmem_shared>>, %arg12: memref<!tpu.dma_semaphore, #tpu.memory_space<semaphore_mem>>, %arg13: memref<!tpu.dma_semaphore, #tpu.memory_space<semaphore_mem>>) attributes {dimension_semantics = [#tpu.dimension_semantics<core_parallel>, #tpu.dimension_semantics<subcore_parallel>], iteration_bounds = array<i64: 2, 16>, scalar_prefetch = 0 : i64, scratch_operands = 7 : i64, tpu.core_type = #tpu.core_type<sc_vector_subcore>, window_params = [{transform_indices = #map}, {transform_indices = #map1}, {transform_indices = #map1}, {transform_indices = #map}, {transform_indices = #map1}]} {
    %mul3A = arith.constant 2 : i32
    %mul3A_0 = arith.muli %arg1, %mul3A : i32
    %add3A = arith.addi %mul3A_0, %arg0 : i32
    %scan3A = arith.constant 0 : i32
    %scan3A_1 = arith.constant 0 : i32
    %scan3A_2 = arith.constant 128 : i32
    %scan3A_3 = arith.addi %scan3A_1, %scan3A_2 : i32
    %scan3A_4 = arith.constant 1 : i32
    scf.for %scan3A_26 = %scan3A_1 to %scan3A_3 step %scan3A_4  : i32 {
      %broadcast_in_dim3A = arith.constant 0.000000e+00 : f32
      %broadcast_in_dim3A_27 = vector.broadcast %broadcast_in_dim3A : f32 to vector<16xf32>
      %swap3A = arith.index_cast %scan3A_26 : i32 to index
      %swap3A_28 = arith.constant 0 : index
      %swap3A_29 = tpu.vector_load %arg10[%swap3A, %swap3A_28] {strides = array<i32>} : memref<128x128xf32, #tpu.memory_space<vmem>>, vector<1x16xf32>,
      %swap3A_30 = vector.shape_cast %swap3A_29 : vector<1x16xf32> to vector<16xf32>
      %swap3A_31 = vector.shape_cast %broadcast_in_dim3A_27 : vector<16xf32> to vector<1x16xf32>
      tpu.vector_store %arg10[%swap3A, %swap3A_28], %swap3A_31 {strides = array<i32>} : memref<128x128xf32, #tpu.memory_space<vmem>>, vector<1x16xf32>,
      %broadcast_in_dim3A_32 = arith.constant 0.000000e+00 : f32
      %broadcast_in_dim3A_33 = vector.broadcast %broadcast_in_dim3A_32 : f32 to vector<16xf32>
      %swap3A_34 = arith.index_cast %scan3A_26 : i32 to index
      %swap3A_35 = arith.constant 16 : index
      %swap3A_36 = tpu.vector_load %arg10[%swap3A_34, %swap3A_35] {strides = array<i32>} : memref<128x128xf32, #tpu.memory_space<vmem>>, vector<1x16xf32>,
      %swap3A_37 = vector.shape_cast %swap3A_36 : vector<1x16xf32> to vector<16xf32>
      %swap3A_38 = vector.shape_cast %broadcast_in_dim3A_33 : vector<16xf32> to vector<1x16xf32>
      tpu.vector_store %arg10[%swap3A_34, %swap3A_35], %swap3A_38 {strides = array<i32>} : memref<128x128xf32, #tpu.memory_space<vmem>>, vector<1x16xf32>,
      %broadcast_in_dim3A_39 = arith.constant 0.000000e+00 : f32
      %broadcast_in_dim3A_40 = vector.broadcast %broadcast_in_dim3A_39 : f32 to vector<16xf32>
      %swap3A_41 = arith.index_cast %scan3A_26 : i32 to index
      %swap3A_42 = arith.constant 32 : index
      %swap3A_43 = tpu.vector_load %arg10[%swap3A_41, %swap3A_42] {strides = array<i32>} : memref<128x128xf32, #tpu.memory_space<vmem>>, vector<1x16xf32>,
      %swap3A_44 = vector.shape_cast %swap3A_43 : vector<1x16xf32> to vector<16xf32>
      %swap3A_45 = vector.shape_cast %broadcast_in_dim3A_40 : vector<16xf32> to vector<1x16xf32>
      tpu.vector_store %arg10[%swap3A_41, %swap3A_42], %swap3A_45 {strides = array<i32>} : memref<128x128xf32, #tpu.memory_space<vmem>>, vector<1x16xf32>,
      %broadcast_in_dim3A_46 = arith.constant 0.000000e+00 : f32
      %broadcast_in_dim3A_47 = vector.broadcast %broadcast_in_dim3A_46 : f32 to vector<16xf32>
      %swap3A_48 = arith.index_cast %scan3A_26 : i32 to index
      %swap3A_49 = arith.constant 48 : index
      %swap3A_50 = tpu.vector_load %arg10[%swap3A_48, %swap3A_49] {strides = array<i32>} : memref<128x128xf32, #tpu.memory_space<vmem>>, vector<1x16xf32>,
      %swap3A_51 = vector.shape_cast %swap3A_50 : vector<1x16xf32> to vector<16xf32>
      %swap3A_52 = vector.shape_cast %broadcast_in_dim3A_47 : vector<16xf32> to vector<1x16xf32>
      tpu.vector_store %arg10[%swap3A_48, %swap3A_49], %swap3A_52 {strides = array<i32>} : memref<128x128xf32, #tpu.memory_space<vmem>>, vector<1x16xf32>,
      %broadcast_in_dim3A_53 = arith.constant 0.000000e+00 : f32
      %broadcast_in_dim3A_54 = vector.broadcast %broadcast_in_dim3A_53 : f32 to vector<16xf32>
      %swap3A_55 = arith.index_cast %scan3A_26 : i32 to index
      %swap3A_56 = arith.constant 64 : index
      %swap3A_57 = tpu.vector_load %arg10[%swap3A_55, %swap3A_56] {strides = array<i32>} : memref<128x128xf32, #tpu.memory_space<vmem>>, vector<1x16xf32>,
      %swap3A_58 = vector.shape_cast %swap3A_57 : vector<1x16xf32> to vector<16xf32>
      %swap3A_59 = vector.shape_cast %broadcast_in_dim3A_54 : vector<16xf32> to vector<1x16xf32>
      tpu.vector_store %arg10[%swap3A_55, %swap3A_56], %swap3A_59 {strides = array<i32>} : memref<128x128xf32, #tpu.memory_space<vmem>>, vector<1x16xf32>,
      %broadcast_in_dim3A_60 = arith.constant 0.000000e+00 : f32
      %broadcast_in_dim3A_61 = vector.broadcast %broadcast_in_dim3A_60 : f32 to vector<16xf32>
      %swap3A_62 = arith.index_cast %scan3A_26 : i32 to index
      %swap3A_63 = arith.constant 80 : index
      %swap3A_64 = tpu.vector_load %arg10[%swap3A_62, %swap3A_63] {strides = array<i32>} : memref<128x128xf32, #tpu.memory_space<vmem>>, vector<1x16xf32>,
      %swap3A_65 = vector.shape_cast %swap3A_64 : vector<1x16xf32> to vector<16xf32>
      %swap3A_66 = vector.shape_cast %broadcast_in_dim3A_61 : vector<16xf32> to vector<1x16xf32>
      tpu.vector_store %arg10[%swap3A_62, %swap3A_63], %swap3A_66 {strides = array<i32>} : memref<128x128xf32, #tpu.memory_space<vmem>>, vector<1x16xf32>,
      %broadcast_in_dim3A_67 = arith.constant 0.000000e+00 : f32
      %broadcast_in_dim3A_68 = vector.broadcast %broadcast_in_dim3A_67 : f32 to vector<16xf32>
      %swap3A_69 = arith.index_cast %scan3A_26 : i32 to index
      %swap3A_70 = arith.constant 96 : index
      %swap3A_71 = tpu.vector_load %arg10[%swap3A_69, %swap3A_70] {strides = array<i32>} : memref<128x128xf32, #tpu.memory_space<vmem>>, vector<1x16xf32>,
      %swap3A_72 = vector.shape_cast %swap3A_71 : vector<1x16xf32> to vector<16xf32>
      %swap3A_73 = vector.shape_cast %broadcast_in_dim3A_68 : vector<16xf32> to vector<1x16xf32>
      tpu.vector_store %arg10[%swap3A_69, %swap3A_70], %swap3A_73 {strides = array<i32>} : memref<128x128xf32, #tpu.memory_space<vmem>>, vector<1x16xf32>,
      %broadcast_in_dim3A_74 = arith.constant 0.000000e+00 : f32
      %broadcast_in_dim3A_75 = vector.broadcast %broadcast_in_dim3A_74 : f32 to vector<16xf32>
      %swap3A_76 = arith.index_cast %scan3A_26 : i32 to index
      %swap3A_77 = arith.constant 112 : index
      %swap3A_78 = tpu.vector_load %arg10[%swap3A_76, %swap3A_77] {strides = array<i32>} : memref<128x128xf32, #tpu.memory_space<vmem>>, vector<1x16xf32>,
      %swap3A_79 = vector.shape_cast %swap3A_78 : vector<1x16xf32> to vector<16xf32>
      %swap3A_80 = vector.shape_cast %broadcast_in_dim3A_75 : vector<16xf32> to vector<1x16xf32>
      tpu.vector_store %arg10[%swap3A_76, %swap3A_77], %swap3A_80 {strides = array<i32>} : memref<128x128xf32, #tpu.memory_space<vmem>>, vector<1x16xf32>,
    }
    %scan3A_5 = arith.constant 128 : i32
    %mul3A_6 = arith.constant 632 : i32
    %mul3A_7 = arith.muli %arg1, %mul3A_6 : i32
    %min3A = arith.constant 9368 : i32
    %min3A_8 = arith.minsi %mul3A_7, %min3A : i32
    %add3A_9 = arith.constant 0 : i32
    %add3A_10 = arith.addi %min3A_8, %add3A_9 : i32
    "tpu.region"() ({
      %run_scoped3A = tpu.sem_alloc : memref<!tpu.dma_semaphore, #tpu.memory_space<semaphore_mem>>
      %dma_start3A = arith.constant 0 : i32
      %dma_start3A_26 = arith.constant 0 : i32
      %dma_start3A_27 = tpu.memref_slice %arg10[%dma_start3A, %dma_start3A_26] : memref<128x128xf32, #tpu.memory_space<vmem>> -> memref<128x128xf32, #tpu.memory_space<vmem>>
      %dma_start3A_28 = arith.constant 0 : i32
      %dma_start3A_29 = tpu.memref_slice %arg11[%add3A_10, %dma_start3A_28] : memref<10000x128xf32, #tpu.memory_space<vmem_shared>> -> memref<128x128xf32, #tpu.memory_space<vmem_shared>>
      %dma_start3A_30 = arith.constant 0 : i32
      %dma_start3A_31 = tpu.memref_slice %arg11[%add3A_10, %dma_start3A_30] : memref<10000x128xf32, #tpu.memory_space<vmem_shared>> -> memref<128x128xf32, #tpu.memory_space<vmem_shared>>
      %dma_start3A_32 = arith.constant 0 : i32
      %dma_start3A_33 = arith.constant 0 : i32
      %dma_start3A_34 = tpu.memref_slice %arg10[%dma_start3A_32, %dma_start3A_33] : memref<128x128xf32, #tpu.memory_space<vmem>> -> memref<128x128xf32, #tpu.memory_space<vmem>>
      tpu.enqueue_dma source(%dma_start3A_34 : memref<128x128xf32, #tpu.memory_space<vmem>>) target(%dma_start3A_31 : memref<128x128xf32, #tpu.memory_space<vmem_shared>>) target_semaphore(%run_scoped3A : memref<!tpu.dma_semaphore, #tpu.memory_space<semaphore_mem>>)
      %dma_wait3A = arith.constant 0 : i32
      %dma_wait3A_35 = arith.constant 0 : i32
      %dma_wait3A_36 = tpu.memref_slice %arg10[%dma_wait3A, %dma_wait3A_35] : memref<128x128xf32, #tpu.memory_space<vmem>> -> memref<128x128xf32, #tpu.memory_space<vmem>>
      %dma_wait3A_37 = arith.constant 0 : i32
      %dma_wait3A_38 = tpu.memref_slice %arg11[%add3A_10, %dma_wait3A_37] : memref<10000x128xf32, #tpu.memory_space<vmem_shared>> -> memref<128x128xf32, #tpu.memory_space<vmem_shared>>
      %dma_wait3A_39 = arith.constant 0 : i32
      %dma_wait3A_40 = tpu.memref_slice %arg11[%add3A_10, %dma_wait3A_39] : memref<10000x128xf32, #tpu.memory_space<vmem_shared>> -> memref<128x128xf32, #tpu.memory_space<vmem_shared>>
      %dma_wait3A_41 = arith.constant 0 : i32
      %dma_wait3A_42 = arith.constant 0 : i32
      %dma_wait3A_43 = tpu.memref_slice %arg10[%dma_wait3A_41, %dma_wait3A_42] : memref<128x128xf32, #tpu.memory_space<vmem>> -> memref<128x128xf32, #tpu.memory_space<vmem>>
      tpu.wait_dma2 semaphore(%run_scoped3A : memref<!tpu.dma_semaphore, #tpu.memory_space<semaphore_mem>>) src(%dma_wait3A_43 : memref<128x128xf32, #tpu.memory_space<vmem>>) dst(%dma_wait3A_40 : memref<128x128xf32, #tpu.memory_space<vmem_shared>>)
      tpu.yield
    }) : () -> ()
    %add3A_11 = arith.constant 128 : i32
    %add3A_12 = arith.addi %min3A_8, %add3A_11 : i32
    "tpu.region"() ({
      %run_scoped3A = tpu.sem_alloc : memref<!tpu.dma_semaphore, #tpu.memory_space<semaphore_mem>>
      %dma_start3A = arith.constant 0 : i32
      %dma_start3A_26 = arith.constant 0 : i32
      %dma_start3A_27 = tpu.memref_slice %arg10[%dma_start3A, %dma_start3A_26] : memref<128x128xf32, #tpu.memory_space<vmem>> -> memref<128x128xf32, #tpu.memory_space<vmem>>
      %dma_start3A_28 = arith.constant 0 : i32
      %dma_start3A_29 = tpu.memref_slice %arg11[%add3A_12, %dma_start3A_28] : memref<10000x128xf32, #tpu.memory_space<vmem_shared>> -> memref<128x128xf32, #tpu.memory_space<vmem_shared>>
      %dma_start3A_30 = arith.constant 0 : i32
      %dma_start3A_31 = tpu.memref_slice %arg11[%add3A_12, %dma_start3A_30] : memref<10000x128xf32, #tpu.memory_space<vmem_shared>> -> memref<128x128xf32, #tpu.memory_space<vmem_shared>>
      %dma_start3A_32 = arith.constant 0 : i32
      %dma_start3A_33 = arith.constant 0 : i32
      %dma_start3A_34 = tpu.memref_slice %arg10[%dma_start3A_32, %dma_start3A_33] : memref<128x128xf32, #tpu.memory_space<vmem>> -> memref<128x128xf32, #tpu.memory_space<vmem>>
      tpu.enqueue_dma source(%dma_start3A_34 : memref<128x128xf32, #tpu.memory_space<vmem>>) target(%dma_start3A_31 : memref<128x128xf32, #tpu.memory_space<vmem_shared>>) target_semaphore(%run_scoped3A : memref<!tpu.dma_semaphore, #tpu.memory_space<semaphore_mem>>)
      %dma_wait3A = arith.constant 0 : i32
      %dma_wait3A_35 = arith.constant 0 : i32
      %dma_wait3A_36 = tpu.memref_slice %arg10[%dma_wait3A, %dma_wait3A_35] : memref<128x128xf32, #tpu.memory_space<vmem>> -> memref<128x128xf32, #tpu.memory_space<vmem>>
      %dma_wait3A_37 = arith.constant 0 : i32
      %dma_wait3A_38 = tpu.memref_slice %arg11[%add3A_12, %dma_wait3A_37] : memref<10000x128xf32, #tpu.memory_space<vmem_shared>> -> memref<128x128xf32, #tpu.memory_space<vmem_shared>>
      %dma_wait3A_39 = arith.constant 0 : i32
      %dma_wait3A_40 = tpu.memref_slice %arg11[%add3A_12, %dma_wait3A_39] : memref<10000x128xf32, #tpu.memory_space<vmem_shared>> -> memref<128x128xf32, #tpu.memory_space<vmem_shared>>
      %dma_wait3A_41 = arith.constant 0 : i32
      %dma_wait3A_42 = arith.constant 0 : i32
      %dma_wait3A_43 = tpu.memref_slice %arg10[%dma_wait3A_41, %dma_wait3A_42] : memref<128x128xf32, #tpu.memory_space<vmem>> -> memref<128x128xf32, #tpu.memory_space<vmem>>
      tpu.wait_dma2 semaphore(%run_scoped3A : memref<!tpu.dma_semaphore, #tpu.memory_space<semaphore_mem>>) src(%dma_wait3A_43 : memref<128x128xf32, #tpu.memory_space<vmem>>) dst(%dma_wait3A_40 : memref<128x128xf32, #tpu.memory_space<vmem_shared>>)
      tpu.yield
    }) : () -> ()
    %add3A_13 = arith.constant 256 : i32
    %add3A_14 = arith.addi %min3A_8, %add3A_13 : i32
    "tpu.region"() ({
      %run_scoped3A = tpu.sem_alloc : memref<!tpu.dma_semaphore, #tpu.memory_space<semaphore_mem>>
      %dma_start3A = arith.constant 0 : i32
      %dma_start3A_26 = arith.constant 0 : i32
      %dma_start3A_27 = tpu.memref_slice %arg10[%dma_start3A, %dma_start3A_26] : memref<128x128xf32, #tpu.memory_space<vmem>> -> memref<128x128xf32, #tpu.memory_space<vmem>>
      %dma_start3A_28 = arith.constant 0 : i32
      %dma_start3A_29 = tpu.memref_slice %arg11[%add3A_14, %dma_start3A_28] : memref<10000x128xf32, #tpu.memory_space<vmem_shared>> -> memref<128x128xf32, #tpu.memory_space<vmem_shared>>
      %dma_start3A_30 = arith.constant 0 : i32
      %dma_start3A_31 = tpu.memref_slice %arg11[%add3A_14, %dma_start3A_30] : memref<10000x128xf32, #tpu.memory_space<vmem_shared>> -> memref<128x128xf32, #tpu.memory_space<vmem_shared>>
      %dma_start3A_32 = arith.constant 0 : i32
      %dma_start3A_33 = arith.constant 0 : i32
      %dma_start3A_34 = tpu.memref_slice %arg10[%dma_start3A_32, %dma_start3A_33] : memref<128x128xf32, #tpu.memory_space<vmem>> -> memref<128x128xf32, #tpu.memory_space<vmem>>
      tpu.enqueue_dma source(%dma_start3A_34 : memref<128x128xf32, #tpu.memory_space<vmem>>) target(%dma_start3A_31 : memref<128x128xf32, #tpu.memory_space<vmem_shared>>) target_semaphore(%run_scoped3A : memref<!tpu.dma_semaphore, #tpu.memory_space<semaphore_mem>>)
      %dma_wait3A = arith.constant 0 : i32
      %dma_wait3A_35 = arith.constant 0 : i32
      %dma_wait3A_36 = tpu.memref_slice %arg10[%dma_wait3A, %dma_wait3A_35] : memref<128x128xf32, #tpu.memory_space<vmem>> -> memref<128x128xf32, #tpu.memory_space<vmem>>
      %dma_wait3A_37 = arith.constant 0 : i32
      %dma_wait3A_38 = tpu.memref_slice %arg11[%add3A_14, %dma_wait3A_37] : memref<10000x128xf32, #tpu.memory_space<vmem_shared>> -> memref<128x128xf32, #tpu.memory_space<vmem_shared>>
      %dma_wait3A_39 = arith.constant 0 : i32
      %dma_wait3A_40 = tpu.memref_slice %arg11[%add3A_14, %dma_wait3A_39] : memref<10000x128xf32, #tpu.memory_space<vmem_shared>> -> memref<128x128xf32, #tpu.memory_space<vmem_shared>>
      %dma_wait3A_41 = arith.constant 0 : i32
      %dma_wait3A_42 = arith.constant 0 : i32
      %dma_wait3A_43 = tpu.memref_slice %arg10[%dma_wait3A_41, %dma_wait3A_42] : memref<128x128xf32, #tpu.memory_space<vmem>> -> memref<128x128xf32, #tpu.memory_space<vmem>>
      tpu.wait_dma2 semaphore(%run_scoped3A : memref<!tpu.dma_semaphore, #tpu.memory_space<semaphore_mem>>) src(%dma_wait3A_43 : memref<128x128xf32, #tpu.memory_space<vmem>>) dst(%dma_wait3A_40 : memref<128x128xf32, #tpu.memory_space<vmem_shared>>)
      tpu.yield
    }) : () -> ()
    %add3A_15 = arith.constant 384 : i32
    %add3A_16 = arith.addi %min3A_8, %add3A_15 : i32
    "tpu.region"() ({
      %run_scoped3A = tpu.sem_alloc : memref<!tpu.dma_semaphore, #tpu.memory_space<semaphore_mem>>
      %dma_start3A = arith.constant 0 : i32
      %dma_start3A_26 = arith.constant 0 : i32
      %dma_start3A_27 = tpu.memref_slice %arg10[%dma_start3A, %dma_start3A_26] : memref<128x128xf32, #tpu.memory_space<vmem>> -> memref<128x128xf32, #tpu.memory_space<vmem>>
      %dma_start3A_28 = arith.constant 0 : i32
      %dma_start3A_29 = tpu.memref_slice %arg11[%add3A_16, %dma_start3A_28] : memref<10000x128xf32, #tpu.memory_space<vmem_shared>> -> memref<128x128xf32, #tpu.memory_space<vmem_shared>>
      %dma_start3A_30 = arith.constant 0 : i32
      %dma_start3A_31 = tpu.memref_slice %arg11[%add3A_16, %dma_start3A_30] : memref<10000x128xf32, #tpu.memory_space<vmem_shared>> -> memref<128x128xf32, #tpu.memory_space<vmem_shared>>
      %dma_start3A_32 = arith.constant 0 : i32
      %dma_start3A_33 = arith.constant 0 : i32
      %dma_start3A_34 = tpu.memref_slice %arg10[%dma_start3A_32, %dma_start3A_33] : memref<128x128xf32, #tpu.memory_space<vmem>> -> memref<128x128xf32, #tpu.memory_space<vmem>>
      tpu.enqueue_dma source(%dma_start3A_34 : memref<128x128xf32, #tpu.memory_space<vmem>>) target(%dma_start3A_31 : memref<128x128xf32, #tpu.memory_space<vmem_shared>>) target_semaphore(%run_scoped3A : memref<!tpu.dma_semaphore, #tpu.memory_space<semaphore_mem>>)
      %dma_wait3A = arith.constant 0 : i32
      %dma_wait3A_35 = arith.constant 0 : i32
      %dma_wait3A_36 = tpu.memref_slice %arg10[%dma_wait3A, %dma_wait3A_35] : memref<128x128xf32, #tpu.memory_space<vmem>> -> memref<128x128xf32, #tpu.memory_space<vmem>>
      %dma_wait3A_37 = arith.constant 0 : i32
      %dma_wait3A_38 = tpu.memref_slice %arg11[%add3A_16, %dma_wait3A_37] : memref<10000x128xf32, #tpu.memory_space<vmem_shared>> -> memref<128x128xf32, #tpu.memory_space<vmem_shared>>
      %dma_wait3A_39 = arith.constant 0 : i32
      %dma_wait3A_40 = tpu.memref_slice %arg11[%add3A_16, %dma_wait3A_39] : memref<10000x128xf32, #tpu.memory_space<vmem_shared>> -> memref<128x128xf32, #tpu.memory_space<vmem_shared>>
      %dma_wait3A_41 = arith.constant 0 : i32
      %dma_wait3A_42 = arith.constant 0 : i32
      %dma_wait3A_43 = tpu.memref_slice %arg10[%dma_wait3A_41, %dma_wait3A_42] : memref<128x128xf32, #tpu.memory_space<vmem>> -> memref<128x128xf32, #tpu.memory_space<vmem>>
      tpu.wait_dma2 semaphore(%run_scoped3A : memref<!tpu.dma_semaphore, #tpu.memory_space<semaphore_mem>>) src(%dma_wait3A_43 : memref<128x128xf32, #tpu.memory_space<vmem>>) dst(%dma_wait3A_40 : memref<128x128xf32, #tpu.memory_space<vmem_shared>>)
      tpu.yield
    }) : () -> ()
    %add3A_17 = arith.constant 512 : i32
    %add3A_18 = arith.addi %min3A_8, %add3A_17 : i32
    "tpu.region"() ({
      %run_scoped3A = tpu.sem_alloc : memref<!tpu.dma_semaphore, #tpu.memory_space<semaphore_mem>>
      %dma_start3A = arith.constant 0 : i32
      %dma_start3A_26 = arith.constant 0 : i32
      %dma_start3A_27 = tpu.memref_slice %arg10[%dma_start3A, %dma_start3A_26] : memref<128x128xf32, #tpu.memory_space<vmem>> -> memref<120x128xf32, #tpu.memory_space<vmem>>
      %dma_start3A_28 = arith.constant 0 : i32
      %dma_start3A_29 = tpu.memref_slice %arg11[%add3A_18, %dma_start3A_28] : memref<10000x128xf32, #tpu.memory_space<vmem_shared>> -> memref<120x128xf32, #tpu.memory_space<vmem_shared>>
      %dma_start3A_30 = arith.constant 0 : i32
      %dma_start3A_31 = tpu.memref_slice %arg11[%add3A_18, %dma_start3A_30] : memref<10000x128xf32, #tpu.memory_space<vmem_shared>> -> memref<120x128xf32, #tpu.memory_space<vmem_shared>>
      %dma_start3A_32 = arith.constant 0 : i32
      %dma_start3A_33 = arith.constant 0 : i32
      %dma_start3A_34 = tpu.memref_slice %arg10[%dma_start3A_32, %dma_start3A_33] : memref<128x128xf32, #tpu.memory_space<vmem>> -> memref<120x128xf32, #tpu.memory_space<vmem>>
      tpu.enqueue_dma source(%dma_start3A_34 : memref<120x128xf32, #tpu.memory_space<vmem>>) target(%dma_start3A_31 : memref<120x128xf32, #tpu.memory_space<vmem_shared>>) target_semaphore(%run_scoped3A : memref<!tpu.dma_semaphore, #tpu.memory_space<semaphore_mem>>)
      %dma_wait3A = arith.constant 0 : i32
      %dma_wait3A_35 = arith.constant 0 : i32
      %dma_wait3A_36 = tpu.memref_slice %arg10[%dma_wait3A, %dma_wait3A_35] : memref<128x128xf32, #tpu.memory_space<vmem>> -> memref<120x128xf32, #tpu.memory_space<vmem>>
      %dma_wait3A_37 = arith.constant 0 : i32
      %dma_wait3A_38 = tpu.memref_slice %arg11[%add3A_18, %dma_wait3A_37] : memref<10000x128xf32, #tpu.memory_space<vmem_shared>> -> memref<120x128xf32, #tpu.memory_space<vmem_shared>>
      %dma_wait3A_39 = arith.constant 0 : i32
      %dma_wait3A_40 = tpu.memref_slice %arg11[%add3A_18, %dma_wait3A_39] : memref<10000x128xf32, #tpu.memory_space<vmem_shared>> -> memref<120x128xf32, #tpu.memory_space<vmem_shared>>
      %dma_wait3A_41 = arith.constant 0 : i32
      %dma_wait3A_42 = arith.constant 0 : i32
      %dma_wait3A_43 = tpu.memref_slice %arg10[%dma_wait3A_41, %dma_wait3A_42] : memref<128x128xf32, #tpu.memory_space<vmem>> -> memref<120x128xf32, #tpu.memory_space<vmem>>
      tpu.wait_dma2 semaphore(%run_scoped3A : memref<!tpu.dma_semaphore, #tpu.memory_space<semaphore_mem>>) src(%dma_wait3A_43 : memref<120x128xf32, #tpu.memory_space<vmem>>) dst(%dma_wait3A_40 : memref<120x128xf32, #tpu.memory_space<vmem_shared>>)
      tpu.yield
    }) : () -> ()
    %barrier3A = arith.constant 0 : index
    tpu.barrier barrier_id(%barrier3A)
    "tpu.region"() ({
      %run_scoped3A = tpu.sem_alloc : memref<!tpu.dma_semaphore, #tpu.memory_space<semaphore_mem>>
      %dma_start3A = arith.constant 0 : i32
      %dma_start3A_26 = arith.constant 0 : i32
      %dma_start3A_27 = tpu.memref_slice %arg3[%add3A, %dma_start3A, %dma_start3A_26] : memref<32x79x128xi32, #tpu.memory_space<hbm>> -> memref<1x79x128xi32, #tpu.memory_space<hbm>>
      %dma_start3A_28 = tpu.memref_squeeze %dma_start3A_27 : memref<1x79x128xi32, #tpu.memory_space<hbm>> -> memref<79x128xi32, #tpu.memory_space<hbm>>
      %dma_start3A_29 = arith.constant 0 : i32
      %dma_start3A_30 = arith.constant 0 : i32
      %dma_start3A_31 = tpu.memref_slice %arg3[%add3A, %dma_start3A_29, %dma_start3A_30] : memref<32x79x128xi32, #tpu.memory_space<hbm>> -> memref<1x79x128xi32, #tpu.memory_space<hbm>>
      %dma_start3A_32 = tpu.memref_squeeze %dma_start3A_31 : memref<1x79x128xi32, #tpu.memory_space<hbm>> -> memref<79x128xi32, #tpu.memory_space<hbm>>
      tpu.enqueue_dma source(%dma_start3A_32 : memref<79x128xi32, #tpu.memory_space<hbm>>) target(%arg7 : memref<79x128xi32, #tpu.memory_space<vmem>>) target_semaphore(%run_scoped3A : memref<!tpu.dma_semaphore, #tpu.memory_space<semaphore_mem>>)
      %dma_wait3A = arith.constant 0 : i32
      %dma_wait3A_33 = arith.constant 0 : i32
      %dma_wait3A_34 = tpu.memref_slice %arg3[%add3A, %dma_wait3A, %dma_wait3A_33] : memref<32x79x128xi32, #tpu.memory_space<hbm>> -> memref<1x79x128xi32, #tpu.memory_space<hbm>>
      %dma_wait3A_35 = tpu.memref_squeeze %dma_wait3A_34 : memref<1x79x128xi32, #tpu.memory_space<hbm>> -> memref<79x128xi32, #tpu.memory_space<hbm>>
      %dma_wait3A_36 = arith.constant 0 : i32
      %dma_wait3A_37 = arith.constant 0 : i32
      %dma_wait3A_38 = tpu.memref_slice %arg3[%add3A, %dma_wait3A_36, %dma_wait3A_37] : memref<32x79x128xi32, #tpu.memory_space<hbm>> -> memref<1x79x128xi32, #tpu.memory_space<hbm>>
      %dma_wait3A_39 = tpu.memref_squeeze %dma_wait3A_38 : memref<1x79x128xi32, #tpu.memory_space<hbm>> -> memref<79x128xi32, #tpu.memory_space<hbm>>
      tpu.wait_dma2 semaphore(%run_scoped3A : memref<!tpu.dma_semaphore, #tpu.memory_space<semaphore_mem>>) src(%dma_wait3A_39 : memref<79x128xi32, #tpu.memory_space<hbm>>) dst(%arg7 : memref<79x128xi32, #tpu.memory_space<vmem>>)
      tpu.yield
    }) : () -> ()
    "tpu.region"() ({
      %run_scoped3A = tpu.sem_alloc : memref<!tpu.dma_semaphore, #tpu.memory_space<semaphore_mem>>
      %dma_start3A = arith.constant 0 : i32
      %dma_start3A_26 = arith.constant 0 : i32
      %dma_start3A_27 = tpu.memref_slice %arg4[%add3A, %dma_start3A, %dma_start3A_26] : memref<32x79x128xi32, #tpu.memory_space<hbm>> -> memref<1x79x128xi32, #tpu.memory_space<hbm>>
      %dma_start3A_28 = tpu.memref_squeeze %dma_start3A_27 : memref<1x79x128xi32, #tpu.memory_space<hbm>> -> memref<79x128xi32, #tpu.memory_space<hbm>>
      %dma_start3A_29 = arith.constant 0 : i32
      %dma_start3A_30 = arith.constant 0 : i32
      %dma_start3A_31 = tpu.memref_slice %arg4[%add3A, %dma_start3A_29, %dma_start3A_30] : memref<32x79x128xi32, #tpu.memory_space<hbm>> -> memref<1x79x128xi32, #tpu.memory_space<hbm>>
      %dma_start3A_32 = tpu.memref_squeeze %dma_start3A_31 : memref<1x79x128xi32, #tpu.memory_space<hbm>> -> memref<79x128xi32, #tpu.memory_space<hbm>>
      tpu.enqueue_dma source(%dma_start3A_32 : memref<79x128xi32, #tpu.memory_space<hbm>>) target(%arg8 : memref<79x128xi32, #tpu.memory_space<vmem>>) target_semaphore(%run_scoped3A : memref<!tpu.dma_semaphore, #tpu.memory_space<semaphore_mem>>)
      %dma_wait3A = arith.constant 0 : i32
      %dma_wait3A_33 = arith.constant 0 : i32
      %dma_wait3A_34 = tpu.memref_slice %arg4[%add3A, %dma_wait3A, %dma_wait3A_33] : memref<32x79x128xi32, #tpu.memory_space<hbm>> -> memref<1x79x128xi32, #tpu.memory_space<hbm>>
      %dma_wait3A_35 = tpu.memref_squeeze %dma_wait3A_34 : memref<1x79x128xi32, #tpu.memory_space<hbm>> -> memref<79x128xi32, #tpu.memory_space<hbm>>
      %dma_wait3A_36 = arith.constant 0 : i32
      %dma_wait3A_37 = arith.constant 0 : i32
      %dma_wait3A_38 = tpu.memref_slice %arg4[%add3A, %dma_wait3A_36, %dma_wait3A_37] : memref<32x79x128xi32, #tpu.memory_space<hbm>> -> memref<1x79x128xi32, #tpu.memory_space<hbm>>
      %dma_wait3A_39 = tpu.memref_squeeze %dma_wait3A_38 : memref<1x79x128xi32, #tpu.memory_space<hbm>> -> memref<79x128xi32, #tpu.memory_space<hbm>>
      tpu.wait_dma2 semaphore(%run_scoped3A : memref<!tpu.dma_semaphore, #tpu.memory_space<semaphore_mem>>) src(%dma_wait3A_39 : memref<79x128xi32, #tpu.memory_space<hbm>>) dst(%arg8 : memref<79x128xi32, #tpu.memory_space<vmem>>)
      tpu.yield
    }) : () -> ()
    "tpu.region"() ({
      %run_scoped3A = tpu.sem_alloc : memref<!tpu.dma_semaphore, #tpu.memory_space<semaphore_mem>>
      %dma_start3A = arith.constant 0 : i32
      %dma_start3A_26 = tpu.memref_slice %arg5[%add3A, %dma_start3A] : memref<32x10112xf32, #tpu.memory_space<hbm>> -> memref<1x10112xf32, #tpu.memory_space<hbm>>
      %dma_start3A_27 = tpu.memref_squeeze %dma_start3A_26 : memref<1x10112xf32, #tpu.memory_space<hbm>> -> memref<10112xf32, #tpu.memory_space<hbm>>
      %dma_start3A_28 = arith.constant 0 : i32
      %dma_start3A_29 = tpu.memref_slice %arg5[%add3A, %dma_start3A_28] : memref<32x10112xf32, #tpu.memory_space<hbm>> -> memref<1x10112xf32, #tpu.memory_space<hbm>>
      %dma_start3A_30 = tpu.memref_squeeze %dma_start3A_29 : memref<1x10112xf32, #tpu.memory_space<hbm>> -> memref<10112xf32, #tpu.memory_space<hbm>>
      tpu.enqueue_dma source(%dma_start3A_30 : memref<10112xf32, #tpu.memory_space<hbm>>) target(%arg9 : memref<10112xf32, #tpu.memory_space<vmem>>) target_semaphore(%run_scoped3A : memref<!tpu.dma_semaphore, #tpu.memory_space<semaphore_mem>>)
      %dma_wait3A = arith.constant 0 : i32
      %dma_wait3A_31 = tpu.memref_slice %arg5[%add3A, %dma_wait3A] : memref<32x10112xf32, #tpu.memory_space<hbm>> -> memref<1x10112xf32, #tpu.memory_space<hbm>>
      %dma_wait3A_32 = tpu.memref_squeeze %dma_wait3A_31 : memref<1x10112xf32, #tpu.memory_space<hbm>> -> memref<10112xf32, #tpu.memory_space<hbm>>
      %dma_wait3A_33 = arith.constant 0 : i32
      %dma_wait3A_34 = tpu.memref_slice %arg5[%add3A, %dma_wait3A_33] : memref<32x10112xf32, #tpu.memory_space<hbm>> -> memref<1x10112xf32, #tpu.memory_space<hbm>>
      %dma_wait3A_35 = tpu.memref_squeeze %dma_wait3A_34 : memref<1x10112xf32, #tpu.memory_space<hbm>> -> memref<10112xf32, #tpu.memory_space<hbm>>
      tpu.wait_dma2 semaphore(%run_scoped3A : memref<!tpu.dma_semaphore, #tpu.memory_space<semaphore_mem>>) src(%dma_wait3A_35 : memref<10112xf32, #tpu.memory_space<hbm>>) dst(%arg9 : memref<10112xf32, #tpu.memory_space<vmem>>)
      tpu.yield
    }) : () -> ()
    %scan3A_19 = arith.constant 0 : i32
    %scan3A_20 = arith.constant 0 : i32
    %scan3A_21 = arith.constant 79 : i32
    %scan3A_22 = arith.addi %scan3A_20, %scan3A_21 : i32
    %scan3A_23 = arith.constant 1 : i32
    scf.for %scan3A_26 = %scan3A_20 to %scan3A_22 step %scan3A_23  : i32 {
      %dma_start3A = arith.constant 0 : i32
      %dma_start3A_27 = arith.constant 0 : i32
      %dma_start3A_28 = tpu.memref_slice %arg10[%dma_start3A, %dma_start3A_27] : memref<128x128xf32, #tpu.memory_space<vmem>> -> memref<64x128xf32, #tpu.memory_space<vmem>>
      %dma_start3A_29 = arith.constant 0 : i32
      %dma_start3A_30 = tpu.memref_slice %arg7[%scan3A_26, %dma_start3A_29] : memref<79x128xi32, #tpu.memory_space<vmem>> -> memref<1x64xi32, #tpu.memory_space<vmem>>
      %dma_start3A_31 = tpu.memref_squeeze %dma_start3A_30 : memref<1x64xi32, #tpu.memory_space<vmem>> -> memref<64xi32, #tpu.memory_space<vmem>>
      %dma_start3A_32 = arith.constant 0 : i32
      %dma_start3A_33 = arith.constant 0 : i32
      %dma_start3A_34 = tpu.memref_slice %arg2[%dma_start3A_32, %dma_start3A_33] : memref<10000x128xf32, #tpu.memory_space<hbm>> -> memref<10000x128xf32, #tpu.memory_space<hbm>>
      tpu.enqueue_indirect_dma source(%dma_start3A_34 : memref<10000x128xf32, #tpu.memory_space<hbm>>) target(%dma_start3A_28 : memref<64x128xf32, #tpu.memory_space<vmem>>) offsets(%dma_start3A_31 : memref<64xi32, #tpu.memory_space<vmem>>) semaphore(%arg12 : memref<!tpu.dma_semaphore, #tpu.memory_space<semaphore_mem>>)
      %dma_start3A_35 = arith.constant 64 : i32
      %dma_start3A_36 = arith.constant 0 : i32
      %dma_start3A_37 = tpu.memref_slice %arg10[%dma_start3A_35, %dma_start3A_36] : memref<128x128xf32, #tpu.memory_space<vmem>> -> memref<64x128xf32, #tpu.memory_space<vmem>>
      %dma_start3A_38 = arith.constant 64 : i32
      %dma_start3A_39 = tpu.memref_slice %arg7[%scan3A_26, %dma_start3A_38] : memref<79x128xi32, #tpu.memory_space<vmem>> -> memref<1x64xi32, #tpu.memory_space<vmem>>
      %dma_start3A_40 = tpu.memref_squeeze %dma_start3A_39 : memref<1x64xi32, #tpu.memory_space<vmem>> -> memref<64xi32, #tpu.memory_space<vmem>>
      %dma_start3A_41 = arith.constant 0 : i32
      %dma_start3A_42 = arith.constant 0 : i32
      %dma_start3A_43 = tpu.memref_slice %arg2[%dma_start3A_41, %dma_start3A_42] : memref<10000x128xf32, #tpu.memory_space<hbm>> -> memref<10000x128xf32, #tpu.memory_space<hbm>>
      tpu.enqueue_indirect_dma source(%dma_start3A_43 : memref<10000x128xf32, #tpu.memory_space<hbm>>) target(%dma_start3A_37 : memref<64x128xf32, #tpu.memory_space<vmem>>) offsets(%dma_start3A_40 : memref<64xi32, #tpu.memory_space<vmem>>) semaphore(%arg13 : memref<!tpu.dma_semaphore, #tpu.memory_space<semaphore_mem>>)
      %dma_wait3A = arith.constant 0 : i32
      %dma_wait3A_44 = arith.constant 0 : i32
      %dma_wait3A_45 = tpu.memref_slice %arg10[%dma_wait3A, %dma_wait3A_44] : memref<128x128xf32, #tpu.memory_space<vmem>> -> memref<64x128xf32, #tpu.memory_space<vmem>>
      %dma_wait3A_46 = arith.constant 0 : i32
      %dma_wait3A_47 = tpu.memref_slice %arg7[%scan3A_26, %dma_wait3A_46] : memref<79x128xi32, #tpu.memory_space<vmem>> -> memref<1x64xi32, #tpu.memory_space<vmem>>
      %dma_wait3A_48 = tpu.memref_squeeze %dma_wait3A_47 : memref<1x64xi32, #tpu.memory_space<vmem>> -> memref<64xi32, #tpu.memory_space<vmem>>
      %dma_wait3A_49 = arith.constant 0 : i32
      %dma_wait3A_50 = arith.constant 0 : i32
      %dma_wait3A_51 = tpu.memref_slice %arg2[%dma_wait3A_49, %dma_wait3A_50] : memref<10000x128xf32, #tpu.memory_space<hbm>> -> memref<10000x128xf32, #tpu.memory_space<hbm>>
      tpu.wait_indirect_dma semaphore(%arg12 : memref<!tpu.dma_semaphore, #tpu.memory_space<semaphore_mem>>) src(%dma_wait3A_51 : memref<10000x128xf32, #tpu.memory_space<hbm>>) dst(%dma_wait3A_45 : memref<64x128xf32, #tpu.memory_space<vmem>>)
      %dma_wait3A_52 = arith.constant 64 : i32
      %dma_wait3A_53 = arith.constant 0 : i32
      %dma_wait3A_54 = tpu.memref_slice %arg10[%dma_wait3A_52, %dma_wait3A_53] : memref<128x128xf32, #tpu.memory_space<vmem>> -> memref<64x128xf32, #tpu.memory_space<vmem>>
      %dma_wait3A_55 = arith.constant 64 : i32
      %dma_wait3A_56 = tpu.memref_slice %arg7[%scan3A_26, %dma_wait3A_55] : memref<79x128xi32, #tpu.memory_space<vmem>> -> memref<1x64xi32, #tpu.memory_space<vmem>>
      %dma_wait3A_57 = tpu.memref_squeeze %dma_wait3A_56 : memref<1x64xi32, #tpu.memory_space<vmem>> -> memref<64xi32, #tpu.memory_space<vmem>>
      %dma_wait3A_58 = arith.constant 0 : i32
      %dma_wait3A_59 = arith.constant 0 : i32
      %dma_wait3A_60 = tpu.memref_slice %arg2[%dma_wait3A_58, %dma_wait3A_59] : memref<10000x128xf32, #tpu.memory_space<hbm>> -> memref<10000x128xf32, #tpu.memory_space<hbm>>
      tpu.wait_indirect_dma semaphore(%arg13 : memref<!tpu.dma_semaphore, #tpu.memory_space<semaphore_mem>>) src(%dma_wait3A_60 : memref<10000x128xf32, #tpu.memory_space<hbm>>) dst(%dma_wait3A_54 : memref<64x128xf32, #tpu.memory_space<vmem>>)
      %scan3A_61 = arith.constant 0 : i32
      %scan3A_62 = arith.constant 0 : i32
      %scan3A_63 = arith.constant 8 : i32
      %scan3A_64 = arith.addi %scan3A_62, %scan3A_63 : i32
      %scan3A_65 = arith.constant 1 : i32
      scf.for %scan3A_67 = %scan3A_62 to %scan3A_64 step %scan3A_65  : i32 {
        %mul3A_68 = arith.constant 128 : i32
        %mul3A_69 = arith.muli %scan3A_26, %mul3A_68 : i32
        %mul3A_70 = arith.constant 16 : i32
        %mul3A_71 = arith.muli %scan3A_67, %mul3A_70 : i32
        %add3A_72 = arith.addi %mul3A_69, %mul3A_71 : i32
        %get3A = arith.index_cast %add3A_72 : i32 to index
        %get3A_73 = tpu.vector_load %arg9[%get3A] {strides = array<i32>} : memref<10112xf32, #tpu.memory_space<vmem>>, vector<16xf32>,
        %get3A_74 = vector.shape_cast %get3A_73 : vector<16xf32> to vector<16xf32>
        %slice3A = vector.extract_strided_slice %get3A_74 {offsets = [0], sizes = [1], strides = [1]} : vector<16xf32> to vector<1xf32>
        %squeeze3A = vector.extract %slice3A[0] : f32 from vector<1xf32>
        %broadcast_in_dim3A = vector.broadcast %squeeze3A : f32 to vector<16xf32>
        %mul3A_75 = arith.constant 16 : i32
        %mul3A_76 = arith.muli %scan3A_67, %mul3A_75 : i32
        %add3A_77 = arith.constant 0 : i32
        %add3A_78 = arith.addi %mul3A_76, %add3A_77 : i32
        %get3A_79 = arith.index_cast %add3A_78 : i32 to index
        %get3A_80 = arith.constant 0 : index
        %get3A_81 = tpu.vector_load %arg10[%get3A_79, %get3A_80] {strides = array<i32>} : memref<128x128xf32, #tpu.memory_space<vmem>>, vector<1x16xf32>,
        %get3A_82 = vector.shape_cast %get3A_81 : vector<1x16xf32> to vector<16xf32>
        %mul3A_83 = arith.mulf %get3A_82, %broadcast_in_dim3A : vector<16xf32>
        %swap3A = arith.index_cast %add3A_78 : i32 to index
        %swap3A_84 = arith.constant 0 : index
        %swap3A_85 = tpu.vector_load %arg10[%swap3A, %swap3A_84] {strides = array<i32>} : memref<128x128xf32, #tpu.memory_space<vmem>>, vector<1x16xf32>,
        %swap3A_86 = vector.shape_cast %swap3A_85 : vector<1x16xf32> to vector<16xf32>
        %swap3A_87 = vector.shape_cast %mul3A_83 : vector<16xf32> to vector<1x16xf32>
        tpu.vector_store %arg10[%swap3A, %swap3A_84], %swap3A_87 {strides = array<i32>} : memref<128x128xf32, #tpu.memory_space<vmem>>, vector<1x16xf32>,
        %get3A_88 = arith.index_cast %add3A_78 : i32 to index
        %get3A_89 = arith.constant 16 : index
        %get3A_90 = tpu.vector_load %arg10[%get3A_88, %get3A_89] {strides = array<i32>} : memref<128x128xf32, #tpu.memory_space<vmem>>, vector<1x16xf32>,
        %get3A_91 = vector.shape_cast %get3A_90 : vector<1x16xf32> to vector<16xf32>
        %mul3A_92 = arith.mulf %get3A_91, %broadcast_in_dim3A : vector<16xf32>
        %swap3A_93 = arith.index_cast %add3A_78 : i32 to index
        %swap3A_94 = arith.constant 16 : index
        %swap3A_95 = tpu.vector_load %arg10[%swap3A_93, %swap3A_94] {strides = array<i32>} : memref<128x128xf32, #tpu.memory_space<vmem>>, vector<1x16xf32>,
        %swap3A_96 = vector.shape_cast %swap3A_95 : vector<1x16xf32> to vector<16xf32>
        %swap3A_97 = vector.shape_cast %mul3A_92 : vector<16xf32> to vector<1x16xf32>
        tpu.vector_store %arg10[%swap3A_93, %swap3A_94], %swap3A_97 {strides = array<i32>} : memref<128x128xf32, #tpu.memory_space<vmem>>, vector<1x16xf32>,
        %get3A_98 = arith.index_cast %add3A_78 : i32 to index
        %get3A_99 = arith.constant 32 : index
        %get3A_100 = tpu.vector_load %arg10[%get3A_98, %get3A_99] {strides = array<i32>} : memref<128x128xf32, #tpu.memory_space<vmem>>, vector<1x16xf32>,
        %get3A_101 = vector.shape_cast %get3A_100 : vector<1x16xf32> to vector<16xf32>
        %mul3A_102 = arith.mulf %get3A_101, %broadcast_in_dim3A : vector<16xf32>
        %swap3A_103 = arith.index_cast %add3A_78 : i32 to index
        %swap3A_104 = arith.constant 32 : index
        %swap3A_105 = tpu.vector_load %arg10[%swap3A_103, %swap3A_104] {strides = array<i32>} : memref<128x128xf32, #tpu.memory_space<vmem>>, vector<1x16xf32>,
        %swap3A_106 = vector.shape_cast %swap3A_105 : vector<1x16xf32> to vector<16xf32>
        %swap3A_107 = vector.shape_cast %mul3A_102 : vector<16xf32> to vector<1x16xf32>
        tpu.vector_store %arg10[%swap3A_103, %swap3A_104], %swap3A_107 {strides = array<i32>} : memref<128x128xf32, #tpu.memory_space<vmem>>, vector<1x16xf32>,
        %get3A_108 = arith.index_cast %add3A_78 : i32 to index
        %get3A_109 = arith.constant 48 : index
        %get3A_110 = tpu.vector_load %arg10[%get3A_108, %get3A_109] {strides = array<i32>} : memref<128x128xf32, #tpu.memory_space<vmem>>, vector<1x16xf32>,
        %get3A_111 = vector.shape_cast %get3A_110 : vector<1x16xf32> to vector<16xf32>
        %mul3A_112 = arith.mulf %get3A_111, %broadcast_in_dim3A : vector<16xf32>
        %swap3A_113 = arith.index_cast %add3A_78 : i32 to index
        %swap3A_114 = arith.constant 48 : index
        %swap3A_115 = tpu.vector_load %arg10[%swap3A_113, %swap3A_114] {strides = array<i32>} : memref<128x128xf32, #tpu.memory_space<vmem>>, vector<1x16xf32>,
        %swap3A_116 = vector.shape_cast %swap3A_115 : vector<1x16xf32> to vector<16xf32>
        %swap3A_117 = vector.shape_cast %mul3A_112 : vector<16xf32> to vector<1x16xf32>
        tpu.vector_store %arg10[%swap3A_113, %swap3A_114], %swap3A_117 {strides = array<i32>} : memref<128x128xf32, #tpu.memory_space<vmem>>, vector<1x16xf32>,
        %get3A_118 = arith.index_cast %add3A_78 : i32 to index
        %get3A_119 = arith.constant 64 : index
        %get3A_120 = tpu.vector_load %arg10[%get3A_118, %get3A_119] {strides = array<i32>} : memref<128x128xf32, #tpu.memory_space<vmem>>, vector<1x16xf32>,
        %get3A_121 = vector.shape_cast %get3A_120 : vector<1x16xf32> to vector<16xf32>
        %mul3A_122 = arith.mulf %get3A_121, %broadcast_in_dim3A : vector<16xf32>
        %swap3A_123 = arith.index_cast %add3A_78 : i32 to index
        %swap3A_124 = arith.constant 64 : index
        %swap3A_125 = tpu.vector_load %arg10[%swap3A_123, %swap3A_124] {strides = array<i32>} : memref<128x128xf32, #tpu.memory_space<vmem>>, vector<1x16xf32>,
        %swap3A_126 = vector.shape_cast %swap3A_125 : vector<1x16xf32> to vector<16xf32>
        %swap3A_127 = vector.shape_cast %mul3A_122 : vector<16xf32> to vector<1x16xf32>
        tpu.vector_store %arg10[%swap3A_123, %swap3A_124], %swap3A_127 {strides = array<i32>} : memref<128x128xf32, #tpu.memory_space<vmem>>, vector<1x16xf32>,
        %get3A_128 = arith.index_cast %add3A_78 : i32 to index
        %get3A_129 = arith.constant 80 : index
        %get3A_130 = tpu.vector_load %arg10[%get3A_128, %get3A_129] {strides = array<i32>} : memref<128x128xf32, #tpu.memory_space<vmem>>, vector<1x16xf32>,
        %get3A_131 = vector.shape_cast %get3A_130 : vector<1x16xf32> to vector<16xf32>
        %mul3A_132 = arith.mulf %get3A_131, %broadcast_in_dim3A : vector<16xf32>
        %swap3A_133 = arith.index_cast %add3A_78 : i32 to index
        %swap3A_134 = arith.constant 80 : index
        %swap3A_135 = tpu.vector_load %arg10[%swap3A_133, %swap3A_134] {strides = array<i32>} : memref<128x128xf32, #tpu.memory_space<vmem>>, vector<1x16xf32>,
        %swap3A_136 = vector.shape_cast %swap3A_135 : vector<1x16xf32> to vector<16xf32>
        %swap3A_137 = vector.shape_cast %mul3A_132 : vector<16xf32> to vector<1x16xf32>
        tpu.vector_store %arg10[%swap3A_133, %swap3A_134], %swap3A_137 {strides = array<i32>} : memref<128x128xf32, #tpu.memory_space<vmem>>, vector<1x16xf32>,
        %get3A_138 = arith.index_cast %add3A_78 : i32 to index
        %get3A_139 = arith.constant 96 : index
        %get3A_140 = tpu.vector_load %arg10[%get3A_138, %get3A_139] {strides = array<i32>} : memref<128x128xf32, #tpu.memory_space<vmem>>, vector<1x16xf32>,
        %get3A_141 = vector.shape_cast %get3A_140 : vector<1x16xf32> to vector<16xf32>
        %mul3A_142 = arith.mulf %get3A_141, %broadcast_in_dim3A : vector<16xf32>
        %swap3A_143 = arith.index_cast %add3A_78 : i32 to index
        %swap3A_144 = arith.constant 96 : index
        %swap3A_145 = tpu.vector_load %arg10[%swap3A_143, %swap3A_144] {strides = array<i32>} : memref<128x128xf32, #tpu.memory_space<vmem>>, vector<1x16xf32>,
        %swap3A_146 = vector.shape_cast %swap3A_145 : vector<1x16xf32> to vector<16xf32>
        %swap3A_147 = vector.shape_cast %mul3A_142 : vector<16xf32> to vector<1x16xf32>
        tpu.vector_store %arg10[%swap3A_143, %swap3A_144], %swap3A_147 {strides = array<i32>} : memref<128x128xf32, #tpu.memory_space<vmem>>, vector<1x16xf32>,
        %get3A_148 = arith.index_cast %add3A_78 : i32 to index
        %get3A_149 = arith.constant 112 : index
        %get3A_150 = tpu.vector_load %arg10[%get3A_148, %get3A_149] {strides = array<i32>} : memref<128x128xf32, #tpu.memory_space<vmem>>, vector<1x16xf32>,
        %get3A_151 = vector.shape_cast %get3A_150 : vector<1x16xf32> to vector<16xf32>
        %mul3A_152 = arith.mulf %get3A_151, %broadcast_in_dim3A : vector<16xf32>
        %swap3A_153 = arith.index_cast %add3A_78 : i32 to index
        %swap3A_154 = arith.constant 112 : index
        %swap3A_155 = tpu.vector_load %arg10[%swap3A_153, %swap3A_154] {strides = array<i32>} : memref<128x128xf32, #tpu.memory_space<vmem>>, vector<1x16xf32>,
        %swap3A_156 = vector.shape_cast %swap3A_155 : vector<1x16xf32> to vector<16xf32>
        %swap3A_157 = vector.shape_cast %mul3A_152 : vector<16xf32> to vector<1x16xf32>
        tpu.vector_store %arg10[%swap3A_153, %swap3A_154], %swap3A_157 {strides = array<i32>} : memref<128x128xf32, #tpu.memory_space<vmem>>, vector<1x16xf32>,
        %slice3A_158 = vector.extract_strided_slice %get3A_74 {offsets = [1], sizes = [1], strides = [1]} : vector<16xf32> to vector<1xf32>
        %squeeze3A_159 = vector.extract %slice3A_158[0] : f32 from vector<1xf32>
        %broadcast_in_dim3A_160 = vector.broadcast %squeeze3A_159 : f32 to vector<16xf32>
        %mul3A_161 = arith.constant 16 : i32
        %mul3A_162 = arith.muli %scan3A_67, %mul3A_161 : i32
        %add3A_163 = arith.constant 1 : i32
        %add3A_164 = arith.addi %mul3A_162, %add3A_163 : i32
        %get3A_165 = arith.index_cast %add3A_164 : i32 to index
        %get3A_166 = arith.constant 0 : index
        %get3A_167 = tpu.vector_load %arg10[%get3A_165, %get3A_166] {strides = array<i32>} : memref<128x128xf32, #tpu.memory_space<vmem>>, vector<1x16xf32>,
        %get3A_168 = vector.shape_cast %get3A_167 : vector<1x16xf32> to vector<16xf32>
        %mul3A_169 = arith.mulf %get3A_168, %broadcast_in_dim3A_160 : vector<16xf32>
        %swap3A_170 = arith.index_cast %add3A_164 : i32 to index
        %swap3A_171 = arith.constant 0 : index
        %swap3A_172 = tpu.vector_load %arg10[%swap3A_170, %swap3A_171] {strides = array<i32>} : memref<128x128xf32, #tpu.memory_space<vmem>>, vector<1x16xf32>,
        %swap3A_173 = vector.shape_cast %swap3A_172 : vector<1x16xf32> to vector<16xf32>
        %swap3A_174 = vector.shape_cast %mul3A_169 : vector<16xf32> to vector<1x16xf32>
        tpu.vector_store %arg10[%swap3A_170, %swap3A_171], %swap3A_174 {strides = array<i32>} : memref<128x128xf32, #tpu.memory_space<vmem>>, vector<1x16xf32>,
        %get3A_175 = arith.index_cast %add3A_164 : i32 to index
        %get3A_176 = arith.constant 16 : index
        %get3A_177 = tpu.vector_load %arg10[%get3A_175, %get3A_176] {strides = array<i32>} : memref<128x128xf32, #tpu.memory_space<vmem>>, vector<1x16xf32>,
        %get3A_178 = vector.shape_cast %get3A_177 : vector<1x16xf32> to vector<16xf32>
        %mul3A_179 = arith.mulf %get3A_178, %broadcast_in_dim3A_160 : vector<16xf32>
        %swap3A_180 = arith.index_cast %add3A_164 : i32 to index
        %swap3A_181 = arith.constant 16 : index
        %swap3A_182 = tpu.vector_load %arg10[%swap3A_180, %swap3A_181] {strides = array<i32>} : memref<128x128xf32, #tpu.memory_space<vmem>>, vector<1x16xf32>,
        %swap3A_183 = vector.shape_cast %swap3A_182 : vector<1x16xf32> to vector<16xf32>
        %swap3A_184 = vector.shape_cast %mul3A_179 : vector<16xf32> to vector<1x16xf32>
        tpu.vector_store %arg10[%swap3A_180, %swap3A_181], %swap3A_184 {strides = array<i32>} : memref<128x128xf32, #tpu.memory_space<vmem>>, vector<1x16xf32>,
        %get3A_185 = arith.index_cast %add3A_164 : i32 to index
        %get3A_186 = arith.constant 32 : index
        %get3A_187 = tpu.vector_load %arg10[%get3A_185, %get3A_186] {strides = array<i32>} : memref<128x128xf32, #tpu.memory_space<vmem>>, vector<1x16xf32>,
        %get3A_188 = vector.shape_cast %get3A_187 : vector<1x16xf32> to vector<16xf32>
        %mul3A_189 = arith.mulf %get3A_188, %broadcast_in_dim3A_160 : vector<16xf32>
        %swap3A_190 = arith.index_cast %add3A_164 : i32 to index
        %swap3A_191 = arith.constant 32 : index
        %swap3A_192 = tpu.vector_load %arg10[%swap3A_190, %swap3A_191] {strides = array<i32>} : memref<128x128xf32, #tpu.memory_space<vmem>>, vector<1x16xf32>,
        %swap3A_193 = vector.shape_cast %swap3A_192 : vector<1x16xf32> to vector<16xf32>
        %swap3A_194 = vector.shape_cast %mul3A_189 : vector<16xf32> to vector<1x16xf32>
        tpu.vector_store %arg10[%swap3A_190, %swap3A_191], %swap3A_194 {strides = array<i32>} : memref<128x128xf32, #tpu.memory_space<vmem>>, vector<1x16xf32>,
        %get3A_195 = arith.index_cast %add3A_164 : i32 to index
        %get3A_196 = arith.constant 48 : index
        %get3A_197 = tpu.vector_load %arg10[%get3A_195, %get3A_196] {strides = array<i32>} : memref<128x128xf32, #tpu.memory_space<vmem>>, vector<1x16xf32>,
        %get3A_198 = vector.shape_cast %get3A_197 : vector<1x16xf32> to vector<16xf32>
        %mul3A_199 = arith.mulf %get3A_198, %broadcast_in_dim3A_160 : vector<16xf32>
        %swap3A_200 = arith.index_cast %add3A_164 : i32 to index
        %swap3A_201 = arith.constant 48 : index
        %swap3A_202 = tpu.vector_load %arg10[%swap3A_200, %swap3A_201] {strides = array<i32>} : memref<128x128xf32, #tpu.memory_space<vmem>>, vector<1x16xf32>,
        %swap3A_203 = vector.shape_cast %swap3A_202 : vector<1x16xf32> to vector<16xf32>
        %swap3A_204 = vector.shape_cast %mul3A_199 : vector<16xf32> to vector<1x16xf32>
        tpu.vector_store %arg10[%swap3A_200, %swap3A_201], %swap3A_204 {strides = array<i32>} : memref<128x128xf32, #tpu.memory_space<vmem>>, vector<1x16xf32>,
        %get3A_205 = arith.index_cast %add3A_164 : i32 to index
        %get3A_206 = arith.constant 64 : index
        %get3A_207 = tpu.vector_load %arg10[%get3A_205, %get3A_206] {strides = array<i32>} : memref<128x128xf32, #tpu.memory_space<vmem>>, vector<1x16xf32>,
        %get3A_208 = vector.shape_cast %get3A_207 : vector<1x16xf32> to vector<16xf32>
        %mul3A_209 = arith.mulf %get3A_208, %broadcast_in_dim3A_160 : vector<16xf32>
        %swap3A_210 = arith.index_cast %add3A_164 : i32 to index
        %swap3A_211 = arith.constant 64 : index
        %swap3A_212 = tpu.vector_load %arg10[%swap3A_210, %swap3A_211] {strides = array<i32>} : memref<128x128xf32, #tpu.memory_space<vmem>>, vector<1x16xf32>,
        %swap3A_213 = vector.shape_cast %swap3A_212 : vector<1x16xf32> to vector<16xf32>
        %swap3A_214 = vector.shape_cast %mul3A_209 : vector<16xf32> to vector<1x16xf32>
        tpu.vector_store %arg10[%swap3A_210, %swap3A_211], %swap3A_214 {strides = array<i32>} : memref<128x128xf32, #tpu.memory_space<vmem>>, vector<1x16xf32>,
        %get3A_215 = arith.index_cast %add3A_164 : i32 to index
        %get3A_216 = arith.constant 80 : index
        %get3A_217 = tpu.vector_load %arg10[%get3A_215, %get3A_216] {strides = array<i32>} : memref<128x128xf32, #tpu.memory_space<vmem>>, vector<1x16xf32>,
        %get3A_218 = vector.shape_cast %get3A_217 : vector<1x16xf32> to vector<16xf32>
        %mul3A_219 = arith.mulf %get3A_218, %broadcast_in_dim3A_160 : vector<16xf32>
        %swap3A_220 = arith.index_cast %add3A_164 : i32 to index
        %swap3A_221 = arith.constant 80 : index
        %swap3A_222 = tpu.vector_load %arg10[%swap3A_220, %swap3A_221] {strides = array<i32>} : memref<128x128xf32, #tpu.memory_space<vmem>>, vector<1x16xf32>,
        %swap3A_223 = vector.shape_cast %swap3A_222 : vector<1x16xf32> to vector<16xf32>
        %swap3A_224 = vector.shape_cast %mul3A_219 : vector<16xf32> to vector<1x16xf32>
        tpu.vector_store %arg10[%swap3A_220, %swap3A_221], %swap3A_224 {strides = array<i32>} : memref<128x128xf32, #tpu.memory_space<vmem>>, vector<1x16xf32>,
        %get3A_225 = arith.index_cast %add3A_164 : i32 to index
        %get3A_226 = arith.constant 96 : index
        %get3A_227 = tpu.vector_load %arg10[%get3A_225, %get3A_226] {strides = array<i32>} : memref<128x128xf32, #tpu.memory_space<vmem>>, vector<1x16xf32>,
        %get3A_228 = vector.shape_cast %get3A_227 : vector<1x16xf32> to vector<16xf32>
        %mul3A_229 = arith.mulf %get3A_228, %broadcast_in_dim3A_160 : vector<16xf32>
        %swap3A_230 = arith.index_cast %add3A_164 : i32 to index
        %swap3A_231 = arith.constant 96 : index
        %swap3A_232 = tpu.vector_load %arg10[%swap3A_230, %swap3A_231] {strides = array<i32>} : memref<128x128xf32, #tpu.memory_space<vmem>>, vector<1x16xf32>,
        %swap3A_233 = vector.shape_cast %swap3A_232 : vector<1x16xf32> to vector<16xf32>
        %swap3A_234 = vector.shape_cast %mul3A_229 : vector<16xf32> to vector<1x16xf32>
        tpu.vector_store %arg10[%swap3A_230, %swap3A_231], %swap3A_234 {strides = array<i32>} : memref<128x128xf32, #tpu.memory_space<vmem>>, vector<1x16xf32>,
        %get3A_235 = arith.index_cast %add3A_164 : i32 to index
        %get3A_236 = arith.constant 112 : index
        %get3A_237 = tpu.vector_load %arg10[%get3A_235, %get3A_236] {strides = array<i32>} : memref<128x128xf32, #tpu.memory_space<vmem>>, vector<1x16xf32>,
        %get3A_238 = vector.shape_cast %get3A_237 : vector<1x16xf32> to vector<16xf32>
        %mul3A_239 = arith.mulf %get3A_238, %broadcast_in_dim3A_160 : vector<16xf32>
        %swap3A_240 = arith.index_cast %add3A_164 : i32 to index
        %swap3A_241 = arith.constant 112 : index
        %swap3A_242 = tpu.vector_load %arg10[%swap3A_240, %swap3A_241] {strides = array<i32>} : memref<128x128xf32, #tpu.memory_space<vmem>>, vector<1x16xf32>,
        %swap3A_243 = vector.shape_cast %swap3A_242 : vector<1x16xf32> to vector<16xf32>
        %swap3A_244 = vector.shape_cast %mul3A_239 : vector<16xf32> to vector<1x16xf32>
        tpu.vector_store %arg10[%swap3A_240, %swap3A_241], %swap3A_244 {strides = array<i32>} : memref<128x128xf32, #tpu.memory_space<vmem>>, vector<1x16xf32>,
        %slice3A_245 = vector.extract_strided_slice %get3A_74 {offsets = [2], sizes = [1], strides = [1]} : vector<16xf32> to vector<1xf32>
        %squeeze3A_246 = vector.extract %slice3A_245[0] : f32 from vector<1xf32>
        %broadcast_in_dim3A_247 = vector.broadcast %squeeze3A_246 : f32 to vector<16xf32>
        %mul3A_248 = arith.constant 16 : i32
        %mul3A_249 = arith.muli %scan3A_67, %mul3A_248 : i32
        %add3A_250 = arith.constant 2 : i32
        %add3A_251 = arith.addi %mul3A_249, %add3A_250 : i32
        %get3A_252 = arith.index_cast %add3A_251 : i32 to index
        %get3A_253 = arith.constant 0 : index
        %get3A_254 = tpu.vector_load %arg10[%get3A_252, %get3A_253] {strides = array<i32>} : memref<128x128xf32, #tpu.memory_space<vmem>>, vector<1x16xf32>,
        %get3A_255 = vector.shape_cast %get3A_254 : vector<1x16xf32> to vector<16xf32>
        %mul3A_256 = arith.mulf %get3A_255, %broadcast_in_dim3A_247 : vector<16xf32>
        %swap3A_257 = arith.index_cast %add3A_251 : i32 to index
        %swap3A_258 = arith.constant 0 : index
        %swap3A_259 = tpu.vector_load %arg10[%swap3A_257, %swap3A_258] {strides = array<i32>} : memref<128x128xf32, #tpu.memory_space<vmem>>, vector<1x16xf32>,
        %swap3A_260 = vector.shape_cast %swap3A_259 : vector<1x16xf32> to vector<16xf32>
        %swap3A_261 = vector.shape_cast %mul3A_256 : vector<16xf32> to vector<1x16xf32>
        tpu.vector_store %arg10[%swap3A_257, %swap3A_258], %swap3A_261 {strides = array<i32>} : memref<128x128xf32, #tpu.memory_space<vmem>>, vector<1x16xf32>,
        %get3A_262 = arith.index_cast %add3A_251 : i32 to index
        %get3A_263 = arith.constant 16 : index
        %get3A_264 = tpu.vector_load %arg10[%get3A_262, %get3A_263] {strides = array<i32>} : memref<128x128xf32, #tpu.memory_space<vmem>>, vector<1x16xf32>,
        %get3A_265 = vector.shape_cast %get3A_264 : vector<1x16xf32> to vector<16xf32>
        %mul3A_266 = arith.mulf %get3A_265, %broadcast_in_dim3A_247 : vector<16xf32>
        %swap3A_267 = arith.index_cast %add3A_251 : i32 to index
        %swap3A_268 = arith.constant 16 : index
        %swap3A_269 = tpu.vector_load %arg10[%swap3A_267, %swap3A_268] {strides = array<i32>} : memref<128x128xf32, #tpu.memory_space<vmem>>, vector<1x16xf32>,
        %swap3A_270 = vector.shape_cast %swap3A_269 : vector<1x16xf32> to vector<16xf32>
        %swap3A_271 = vector.shape_cast %mul3A_266 : vector<16xf32> to vector<1x16xf32>
        tpu.vector_store %arg10[%swap3A_267, %swap3A_268], %swap3A_271 {strides = array<i32>} : memref<128x128xf32, #tpu.memory_space<vmem>>, vector<1x16xf32>,
        %get3A_272 = arith.index_cast %add3A_251 : i32 to index
        %get3A_273 = arith.constant 32 : index
        %get3A_274 = tpu.vector_load %arg10[%get3A_272, %get3A_273] {strides = array<i32>} : memref<128x128xf32, #tpu.memory_space<vmem>>, vector<1x16xf32>,
        %get3A_275 = vector.shape_cast %get3A_274 : vector<1x16xf32> to vector<16xf32>
        %mul3A_276 = arith.mulf %get3A_275, %broadcast_in_dim3A_247 : vector<16xf32>
        %swap3A_277 = arith.index_cast %add3A_251 : i32 to index
        %swap3A_278 = arith.constant 32 : index
        %swap3A_279 = tpu.vector_load %arg10[%swap3A_277, %swap3A_278] {strides = array<i32>} : memref<128x128xf32, #tpu.memory_space<vmem>>, vector<1x16xf32>,
        %swap3A_280 = vector.shape_cast %swap3A_279 : vector<1x16xf32> to vector<16xf32>
        %swap3A_281 = vector.shape_cast %mul3A_276 : vector<16xf32> to vector<1x16xf32>
        tpu.vector_store %arg10[%swap3A_277, %swap3A_278], %swap3A_281 {strides = array<i32>} : memref<128x128xf32, #tpu.memory_space<vmem>>, vector<1x16xf32>,
        %get3A_282 = arith.index_cast %add3A_251 : i32 to index
        %get3A_283 = arith.constant 48 : index
        %get3A_284 = tpu.vector_load %arg10[%get3A_282, %get3A_283] {strides = array<i32>} : memref<128x128xf32, #tpu.memory_space<vmem>>, vector<1x16xf32>,
        %get3A_285 = vector.shape_cast %get3A_284 : vector<1x16xf32> to vector<16xf32>
        %mul3A_286 = arith.mulf %get3A_285, %broadcast_in_dim3A_247 : vector<16xf32>
        %swap3A_287 = arith.index_cast %add3A_251 : i32 to index
        %swap3A_288 = arith.constant 48 : index
        %swap3A_289 = tpu.vector_load %arg10[%swap3A_287, %swap3A_288] {strides = array<i32>} : memref<128x128xf32, #tpu.memory_space<vmem>>, vector<1x16xf32>,
        %swap3A_290 = vector.shape_cast %swap3A_289 : vector<1x16xf32> to vector<16xf32>
        %swap3A_291 = vector.shape_cast %mul3A_286 : vector<16xf32> to vector<1x16xf32>
        tpu.vector_store %arg10[%swap3A_287, %swap3A_288], %swap3A_291 {strides = array<i32>} : memref<128x128xf32, #tpu.memory_space<vmem>>, vector<1x16xf32>,
        %get3A_292 = arith.index_cast %add3A_251 : i32 to index
        %get3A_293 = arith.constant 64 : index
        %get3A_294 = tpu.vector_load %arg10[%get3A_292, %get3A_293] {strides = array<i32>} : memref<128x128xf32, #tpu.memory_space<vmem>>, vector<1x16xf32>,
        %get3A_295 = vector.shape_cast %get3A_294 : vector<1x16xf32> to vector<16xf32>
        %mul3A_296 = arith.mulf %get3A_295, %broadcast_in_dim3A_247 : vector<16xf32>
        %swap3A_297 = arith.index_cast %add3A_251 : i32 to index
        %swap3A_298 = arith.constant 64 : index
        %swap3A_299 = tpu.vector_load %arg10[%swap3A_297, %swap3A_298] {strides = array<i32>} : memref<128x128xf32, #tpu.memory_space<vmem>>, vector<1x16xf32>,
        %swap3A_300 = vector.shape_cast %swap3A_299 : vector<1x16xf32> to vector<16xf32>
        %swap3A_301 = vector.shape_cast %mul3A_296 : vector<16xf32> to vector<1x16xf32>
        tpu.vector_store %arg10[%swap3A_297, %swap3A_298], %swap3A_301 {strides = array<i32>} : memref<128x128xf32, #tpu.memory_space<vmem>>, vector<1x16xf32>,
        %get3A_302 = arith.index_cast %add3A_251 : i32 to index
        %get3A_303 = arith.constant 80 : index
        %get3A_304 = tpu.vector_load %arg10[%get3A_302, %get3A_303] {strides = array<i32>} : memref<128x128xf32, #tpu.memory_space<vmem>>, vector<1x16xf32>,
        %get3A_305 = vector.shape_cast %get3A_304 : vector<1x16xf32> to vector<16xf32>
        %mul3A_306 = arith.mulf %get3A_305, %broadcast_in_dim3A_247 : vector<16xf32>
        %swap3A_307 = arith.index_cast %add3A_251 : i32 to index
        %swap3A_308 = arith.constant 80 : index
        %swap3A_309 = tpu.vector_load %arg10[%swap3A_307, %swap3A_308] {strides = array<i32>} : memref<128x128xf32, #tpu.memory_space<vmem>>, vector<1x16xf32>,
        %swap3A_310 = vector.shape_cast %swap3A_309 : vector<1x16xf32> to vector<16xf32>
        %swap3A_311 = vector.shape_cast %mul3A_306 : vector<16xf32> to vector<1x16xf32>
        tpu.vector_store %arg10[%swap3A_307, %swap3A_308], %swap3A_311 {strides = array<i32>} : memref<128x128xf32, #tpu.memory_space<vmem>>, vector<1x16xf32>,
        %get3A_312 = arith.index_cast %add3A_251 : i32 to index
        %get3A_313 = arith.constant 96 : index
        %get3A_314 = tpu.vector_load %arg10[%get3A_312, %get3A_313] {strides = array<i32>} : memref<128x128xf32, #tpu.memory_space<vmem>>, vector<1x16xf32>,
        %get3A_315 = vector.shape_cast %get3A_314 : vector<1x16xf32> to vector<16xf32>
        %mul3A_316 = arith.mulf %get3A_315, %broadcast_in_dim3A_247 : vector<16xf32>
        %swap3A_317 = arith.index_cast %add3A_251 : i32 to index
        %swap3A_318 = arith.constant 96 : index
        %swap3A_319 = tpu.vector_load %arg10[%swap3A_317, %swap3A_318] {strides = array<i32>} : memref<128x128xf32, #tpu.memory_space<vmem>>, vector<1x16xf32>,
        %swap3A_320 = vector.shape_cast %swap3A_319 : vector<1x16xf32> to vector<16xf32>
        %swap3A_321 = vector.shape_cast %mul3A_316 : vector<16xf32> to vector<1x16xf32>
        tpu.vector_store %arg10[%swap3A_317, %swap3A_318], %swap3A_321 {strides = array<i32>} : memref<128x128xf32, #tpu.memory_space<vmem>>, vector<1x16xf32>,
        %get3A_322 = arith.index_cast %add3A_251 : i32 to index
        %get3A_323 = arith.constant 112 : index
        %get3A_324 = tpu.vector_load %arg10[%get3A_322, %get3A_323] {strides = array<i32>} : memref<128x128xf32, #tpu.memory_space<vmem>>, vector<1x16xf32>,
        %get3A_325 = vector.shape_cast %get3A_324 : vector<1x16xf32> to vector<16xf32>
        %mul3A_326 = arith.mulf %get3A_325, %broadcast_in_dim3A_247 : vector<16xf32>
        %swap3A_327 = arith.index_cast %add3A_251 : i32 to index
        %swap3A_328 = arith.constant 112 : index
        %swap3A_329 = tpu.vector_load %arg10[%swap3A_327, %swap3A_328] {strides = array<i32>} : memref<128x128xf32, #tpu.memory_space<vmem>>, vector<1x16xf32>,
        %swap3A_330 = vector.shape_cast %swap3A_329 : vector<1x16xf32> to vector<16xf32>
        %swap3A_331 = vector.shape_cast %mul3A_326 : vector<16xf32> to vector<1x16xf32>
        tpu.vector_store %arg10[%swap3A_327, %swap3A_328], %swap3A_331 {strides = array<i32>} : memref<128x128xf32, #tpu.memory_space<vmem>>, vector<1x16xf32>,
        %slice3A_332 = vector.extract_strided_slice %get3A_74 {offsets = [3], sizes = [1], strides = [1]} : vector<16xf32> to vector<1xf32>
        %squeeze3A_333 = vector.extract %slice3A_332[0] : f32 from vector<1xf32>
        %broadcast_in_dim3A_334 = vector.broadcast %squeeze3A_333 : f32 to vector<16xf32>
        %mul3A_335 = arith.constant 16 : i32
        %mul3A_336 = arith.muli %scan3A_67, %mul3A_335 : i32
        %add3A_337 = arith.constant 3 : i32
        %add3A_338 = arith.addi %mul3A_336, %add3A_337 : i32
        %get3A_339 = arith.index_cast %add3A_338 : i32 to index
        %get3A_340 = arith.constant 0 : index
        %get3A_341 = tpu.vector_load %arg10[%get3A_339, %get3A_340] {strides = array<i32>} : memref<128x128xf32, #tpu.memory_space<vmem>>, vector<1x16xf32>,
        %get3A_342 = vector.shape_cast %get3A_341 : vector<1x16xf32> to vector<16xf32>
        %mul3A_343 = arith.mulf %get3A_342, %broadcast_in_dim3A_334 : vector<16xf32>
        %swap3A_344 = arith.index_cast %add3A_338 : i32 to index
        %swap3A_345 = arith.constant 0 : index
        %swap3A_346 = tpu.vector_load %arg10[%swap3A_344, %swap3A_345] {strides = array<i32>} : memref<128x128xf32, #tpu.memory_space<vmem>>, vector<1x16xf32>,
        %swap3A_347 = vector.shape_cast %swap3A_346 : vector<1x16xf32> to vector<16xf32>
        %swap3A_348 = vector.shape_cast %mul3A_343 : vector<16xf32> to vector<1x16xf32>
        tpu.vector_store %arg10[%swap3A_344, %swap3A_345], %swap3A_348 {strides = array<i32>} : memref<128x128xf32, #tpu.memory_space<vmem>>, vector<1x16xf32>,
        %get3A_349 = arith.index_cast %add3A_338 : i32 to index
        %get3A_350 = arith.constant 16 : index
        %get3A_351 = tpu.vector_load %arg10[%get3A_349, %get3A_350] {strides = array<i32>} : memref<128x128xf32, #tpu.memory_space<vmem>>, vector<1x16xf32>,
        %get3A_352 = vector.shape_cast %get3A_351 : vector<1x16xf32> to vector<16xf32>
        %mul3A_353 = arith.mulf %get3A_352, %broadcast_in_dim3A_334 : vector<16xf32>
        %swap3A_354 = arith.index_cast %add3A_338 : i32 to index
        %swap3A_355 = arith.constant 16 : index
        %swap3A_356 = tpu.vector_load %arg10[%swap3A_354, %swap3A_355] {strides = array<i32>} : memref<128x128xf32, #tpu.memory_space<vmem>>, vector<1x16xf32>,
        %swap3A_357 = vector.shape_cast %swap3A_356 : vector<1x16xf32> to vector<16xf32>
        %swap3A_358 = vector.shape_cast %mul3A_353 : vector<16xf32> to vector<1x16xf32>
        tpu.vector_store %arg10[%swap3A_354, %swap3A_355], %swap3A_358 {strides = array<i32>} : memref<128x128xf32, #tpu.memory_space<vmem>>, vector<1x16xf32>,
        %get3A_359 = arith.index_cast %add3A_338 : i32 to index
        %get3A_360 = arith.constant 32 : index
        %get3A_361 = tpu.vector_load %arg10[%get3A_359, %get3A_360] {strides = array<i32>} : memref<128x128xf32, #tpu.memory_space<vmem>>, vector<1x16xf32>,
        %get3A_362 = vector.shape_cast %get3A_361 : vector<1x16xf32> to vector<16xf32>
        %mul3A_363 = arith.mulf %get3A_362, %broadcast_in_dim3A_334 : vector<16xf32>
        %swap3A_364 = arith.index_cast %add3A_338 : i32 to index
        %swap3A_365 = arith.constant 32 : index
        %swap3A_366 = tpu.vector_load %arg10[%swap3A_364, %swap3A_365] {strides = array<i32>} : memref<128x128xf32, #tpu.memory_space<vmem>>, vector<1x16xf32>,
        %swap3A_367 = vector.shape_cast %swap3A_366 : vector<1x16xf32> to vector<16xf32>
        %swap3A_368 = vector.shape_cast %mul3A_363 : vector<16xf32> to vector<1x16xf32>
        tpu.vector_store %arg10[%swap3A_364, %swap3A_365], %swap3A_368 {strides = array<i32>} : memref<128x128xf32, #tpu.memory_space<vmem>>, vector<1x16xf32>,
        %get3A_369 = arith.index_cast %add3A_338 : i32 to index
        %get3A_370 = arith.constant 48 : index
        %get3A_371 = tpu.vector_load %arg10[%get3A_369, %get3A_370] {strides = array<i32>} : memref<128x128xf32, #tpu.memory_space<vmem>>, vector<1x16xf32>,
        %get3A_372 = vector.shape_cast %get3A_371 : vector<1x16xf32> to vector<16xf32>
        %mul3A_373 = arith.mulf %get3A_372, %broadcast_in_dim3A_334 : vector<16xf32>
        %swap3A_374 = arith.index_cast %add3A_338 : i32 to index
        %swap3A_375 = arith.constant 48 : index
        %swap3A_376 = tpu.vector_load %arg10[%swap3A_374, %swap3A_375] {strides = array<i32>} : memref<128x128xf32, #tpu.memory_space<vmem>>, vector<1x16xf32>,
        %swap3A_377 = vector.shape_cast %swap3A_376 : vector<1x16xf32> to vector<16xf32>
        %swap3A_378 = vector.shape_cast %mul3A_373 : vector<16xf32> to vector<1x16xf32>
        tpu.vector_store %arg10[%swap3A_374, %swap3A_375], %swap3A_378 {strides = array<i32>} : memref<128x128xf32, #tpu.memory_space<vmem>>, vector<1x16xf32>,
        %get3A_379 = arith.index_cast %add3A_338 : i32 to index
        %get3A_380 = arith.constant 64 : index
        %get3A_381 = tpu.vector_load %arg10[%get3A_379, %get3A_380] {strides = array<i32>} : memref<128x128xf32, #tpu.memory_space<vmem>>, vector<1x16xf32>,
        %get3A_382 = vector.shape_cast %get3A_381 : vector<1x16xf32> to vector<16xf32>
        %mul3A_383 = arith.mulf %get3A_382, %broadcast_in_dim3A_334 : vector<16xf32>
        %swap3A_384 = arith.index_cast %add3A_338 : i32 to index
        %swap3A_385 = arith.constant 64 : index
        %swap3A_386 = tpu.vector_load %arg10[%swap3A_384, %swap3A_385] {strides = array<i32>} : memref<128x128xf32, #tpu.memory_space<vmem>>, vector<1x16xf32>,
        %swap3A_387 = vector.shape_cast %swap3A_386 : vector<1x16xf32> to vector<16xf32>
        %swap3A_388 = vector.shape_cast %mul3A_383 : vector<16xf32> to vector<1x16xf32>
        tpu.vector_store %arg10[%swap3A_384, %swap3A_385], %swap3A_388 {strides = array<i32>} : memref<128x128xf32, #tpu.memory_space<vmem>>, vector<1x16xf32>,
        %get3A_389 = arith.index_cast %add3A_338 : i32 to index
        %get3A_390 = arith.constant 80 : index
        %get3A_391 = tpu.vector_load %arg10[%get3A_389, %get3A_390] {strides = array<i32>} : memref<128x128xf32, #tpu.memory_space<vmem>>, vector<1x16xf32>,
        %get3A_392 = vector.shape_cast %get3A_391 : vector<1x16xf32> to vector<16xf32>
        %mul3A_393 = arith.mulf %get3A_392, %broadcast_in_dim3A_334 : vector<16xf32>
        %swap3A_394 = arith.index_cast %add3A_338 : i32 to index
        %swap3A_395 = arith.constant 80 : index
        %swap3A_396 = tpu.vector_load %arg10[%swap3A_394, %swap3A_395] {strides = array<i32>} : memref<128x128xf32, #tpu.memory_space<vmem>>, vector<1x16xf32>,
        %swap3A_397 = vector.shape_cast %swap3A_396 : vector<1x16xf32> to vector<16xf32>
        %swap3A_398 = vector.shape_cast %mul3A_393 : vector<16xf32> to vector<1x16xf32>
        tpu.vector_store %arg10[%swap3A_394, %swap3A_395], %swap3A_398 {strides = array<i32>} : memref<128x128xf32, #tpu.memory_space<vmem>>, vector<1x16xf32>,
        %get3A_399 = arith.index_cast %add3A_338 : i32 to index
        %get3A_400 = arith.constant 96 : index
        %get3A_401 = tpu.vector_load %arg10[%get3A_399, %get3A_400] {strides = array<i32>} : memref<128x128xf32, #tpu.memory_space<vmem>>, vector<1x16xf32>,
        %get3A_402 = vector.shape_cast %get3A_401 : vector<1x16xf32> to vector<16xf32>
        %mul3A_403 = arith.mulf %get3A_402, %broadcast_in_dim3A_334 : vector<16xf32>
        %swap3A_404 = arith.index_cast %add3A_338 : i32 to index
        %swap3A_405 = arith.constant 96 : index
        %swap3A_406 = tpu.vector_load %arg10[%swap3A_404, %swap3A_405] {strides = array<i32>} : memref<128x128xf32, #tpu.memory_space<vmem>>, vector<1x16xf32>,
        %swap3A_407 = vector.shape_cast %swap3A_406 : vector<1x16xf32> to vector<16xf32>
        %swap3A_408 = vector.shape_cast %mul3A_403 : vector<16xf32> to vector<1x16xf32>
        tpu.vector_store %arg10[%swap3A_404, %swap3A_405], %swap3A_408 {strides = array<i32>} : memref<128x128xf32, #tpu.memory_space<vmem>>, vector<1x16xf32>,
        %get3A_409 = arith.index_cast %add3A_338 : i32 to index
        %get3A_410 = arith.constant 112 : index
        %get3A_411 = tpu.vector_load %arg10[%get3A_409, %get3A_410] {strides = array<i32>} : memref<128x128xf32, #tpu.memory_space<vmem>>, vector<1x16xf32>,
        %get3A_412 = vector.shape_cast %get3A_411 : vector<1x16xf32> to vector<16xf32>
        %mul3A_413 = arith.mulf %get3A_412, %broadcast_in_dim3A_334 : vector<16xf32>
        %swap3A_414 = arith.index_cast %add3A_338 : i32 to index
        %swap3A_415 = arith.constant 112 : index
        %swap3A_416 = tpu.vector_load %arg10[%swap3A_414, %swap3A_415] {strides = array<i32>} : memref<128x128xf32, #tpu.memory_space<vmem>>, vector<1x16xf32>,
        %swap3A_417 = vector.shape_cast %swap3A_416 : vector<1x16xf32> to vector<16xf32>
        %swap3A_418 = vector.shape_cast %mul3A_413 : vector<16xf32> to vector<1x16xf32>
        tpu.vector_store %arg10[%swap3A_414, %swap3A_415], %swap3A_418 {strides = array<i32>} : memref<128x128xf32, #tpu.memory_space<vmem>>, vector<1x16xf32>,
        %slice3A_419 = vector.extract_strided_slice %get3A_74 {offsets = [4], sizes = [1], strides = [1]} : vector<16xf32> to vector<1xf32>
        %squeeze3A_420 = vector.extract %slice3A_419[0] : f32 from vector<1xf32>
        %broadcast_in_dim3A_421 = vector.broadcast %squeeze3A_420 : f32 to vector<16xf32>
        %mul3A_422 = arith.constant 16 : i32
        %mul3A_423 = arith.muli %scan3A_67, %mul3A_422 : i32
        %add3A_424 = arith.constant 4 : i32
        %add3A_425 = arith.addi %mul3A_423, %add3A_424 : i32
        %get3A_426 = arith.index_cast %add3A_425 : i32 to index
        %get3A_427 = arith.constant 0 : index
        %get3A_428 = tpu.vector_load %arg10[%get3A_426, %get3A_427] {strides = array<i32>} : memref<128x128xf32, #tpu.memory_space<vmem>>, vector<1x16xf32>,
        %get3A_429 = vector.shape_cast %get3A_428 : vector<1x16xf32> to vector<16xf32>
        %mul3A_430 = arith.mulf %get3A_429, %broadcast_in_dim3A_421 : vector<16xf32>
        %swap3A_431 = arith.index_cast %add3A_425 : i32 to index
        %swap3A_432 = arith.constant 0 : index
        %swap3A_433 = tpu.vector_load %arg10[%swap3A_431, %swap3A_432] {strides = array<i32>} : memref<128x128xf32, #tpu.memory_space<vmem>>, vector<1x16xf32>,
        %swap3A_434 = vector.shape_cast %swap3A_433 : vector<1x16xf32> to vector<16xf32>
        %swap3A_435 = vector.shape_cast %mul3A_430 : vector<16xf32> to vector<1x16xf32>
        tpu.vector_store %arg10[%swap3A_431, %swap3A_432], %swap3A_435 {strides = array<i32>} : memref<128x128xf32, #tpu.memory_space<vmem>>, vector<1x16xf32>,
        %get3A_436 = arith.index_cast %add3A_425 : i32 to index
        %get3A_437 = arith.constant 16 : index
        %get3A_438 = tpu.vector_load %arg10[%get3A_436, %get3A_437] {strides = array<i32>} : memref<128x128xf32, #tpu.memory_space<vmem>>, vector<1x16xf32>,
        %get3A_439 = vector.shape_cast %get3A_438 : vector<1x16xf32> to vector<16xf32>
        %mul3A_440 = arith.mulf %get3A_439, %broadcast_in_dim3A_421 : vector<16xf32>
        %swap3A_441 = arith.index_cast %add3A_425 : i32 to index
        %swap3A_442 = arith.constant 16 : index
        %swap3A_443 = tpu.vector_load %arg10[%swap3A_441, %swap3A_442] {strides = array<i32>} : memref<128x128xf32, #tpu.memory_space<vmem>>, vector<1x16xf32>,
        %swap3A_444 = vector.shape_cast %swap3A_443 : vector<1x16xf32> to vector<16xf32>
        %swap3A_445 = vector.shape_cast %mul3A_440 : vector<16xf32> to vector<1x16xf32>
        tpu.vector_store %arg10[%swap3A_441, %swap3A_442], %swap3A_445 {strides = array<i32>} : memref<128x128xf32, #tpu.memory_space<vmem>>, vector<1x16xf32>,
        %get3A_446 = arith.index_cast %add3A_425 : i32 to index
        %get3A_447 = arith.constant 32 : index
        %get3A_448 = tpu.vector_load %arg10[%get3A_446, %get3A_447] {strides = array<i32>} : memref<128x128xf32, #tpu.memory_space<vmem>>, vector<1x16xf32>,
        %get3A_449 = vector.shape_cast %get3A_448 : vector<1x16xf32> to vector<16xf32>
        %mul3A_450 = arith.mulf %get3A_449, %broadcast_in_dim3A_421 : vector<16xf32>
        %swap3A_451 = arith.index_cast %add3A_425 : i32 to index
        %swap3A_452 = arith.constant 32 : index
        %swap3A_453 = tpu.vector_load %arg10[%swap3A_451, %swap3A_452] {strides = array<i32>} : memref<128x128xf32, #tpu.memory_space<vmem>>, vector<1x16xf32>,
        %swap3A_454 = vector.shape_cast %swap3A_453 : vector<1x16xf32> to vector<16xf32>
        %swap3A_455 = vector.shape_cast %mul3A_450 : vector<16xf32> to vector<1x16xf32>
        tpu.vector_store %arg10[%swap3A_451, %swap3A_452], %swap3A_455 {strides = array<i32>} : memref<128x128xf32, #tpu.memory_space<vmem>>, vector<1x16xf32>,
        %get3A_456 = arith.index_cast %add3A_425 : i32 to index
        %get3A_457 = arith.constant 48 : index
        %get3A_458 = tpu.vector_load %arg10[%get3A_456, %get3A_457] {strides = array<i32>} : memref<128x128xf32, #tpu.memory_space<vmem>>, vector<1x16xf32>,
        %get3A_459 = vector.shape_cast %get3A_458 : vector<1x16xf32> to vector<16xf32>
        %mul3A_460 = arith.mulf %get3A_459, %broadcast_in_dim3A_421 : vector<16xf32>
        %swap3A_461 = arith.index_cast %add3A_425 : i32 to index
        %swap3A_462 = arith.constant 48 : index
        %swap3A_463 = tpu.vector_load %arg10[%swap3A_461, %swap3A_462] {strides = array<i32>} : memref<128x128xf32, #tpu.memory_space<vmem>>, vector<1x16xf32>,
        %swap3A_464 = vector.shape_cast %swap3A_463 : vector<1x16xf32> to vector<16xf32>
        %swap3A_465 = vector.shape_cast %mul3A_460 : vector<16xf32> to vector<1x16xf32>
        tpu.vector_store %arg10[%swap3A_461, %swap3A_462], %swap3A_465 {strides = array<i32>} : memref<128x128xf32, #tpu.memory_space<vmem>>, vector<1x16xf32>,
        %get3A_466 = arith.index_cast %add3A_425 : i32 to index
        %get3A_467 = arith.constant 64 : index
        %get3A_468 = tpu.vector_load %arg10[%get3A_466, %get3A_467] {strides = array<i32>} : memref<128x128xf32, #tpu.memory_space<vmem>>, vector<1x16xf32>,
        %get3A_469 = vector.shape_cast %get3A_468 : vector<1x16xf32> to vector<16xf32>
        %mul3A_470 = arith.mulf %get3A_469, %broadcast_in_dim3A_421 : vector<16xf32>
        %swap3A_471 = arith.index_cast %add3A_425 : i32 to index
        %swap3A_472 = arith.constant 64 : index
        %swap3A_473 = tpu.vector_load %arg10[%swap3A_471, %swap3A_472] {strides = array<i32>} : memref<128x128xf32, #tpu.memory_space<vmem>>, vector<1x16xf32>,
        %swap3A_474 = vector.shape_cast %swap3A_473 : vector<1x16xf32> to vector<16xf32>
        %swap3A_475 = vector.shape_cast %mul3A_470 : vector<16xf32> to vector<1x16xf32>
        tpu.vector_store %arg10[%swap3A_471, %swap3A_472], %swap3A_475 {strides = array<i32>} : memref<128x128xf32, #tpu.memory_space<vmem>>, vector<1x16xf32>,
        %get3A_476 = arith.index_cast %add3A_425 : i32 to index
        %get3A_477 = arith.constant 80 : index
        %get3A_478 = tpu.vector_load %arg10[%get3A_476, %get3A_477] {strides = array<i32>} : memref<128x128xf32, #tpu.memory_space<vmem>>, vector<1x16xf32>,
        %get3A_479 = vector.shape_cast %get3A_478 : vector<1x16xf32> to vector<16xf32>
        %mul3A_480 = arith.mulf %get3A_479, %broadcast_in_dim3A_421 : vector<16xf32>
        %swap3A_481 = arith.index_cast %add3A_425 : i32 to index
        %swap3A_482 = arith.constant 80 : index
        %swap3A_483 = tpu.vector_load %arg10[%swap3A_481, %swap3A_482] {strides = array<i32>} : memref<128x128xf32, #tpu.memory_space<vmem>>, vector<1x16xf32>,
        %swap3A_484 = vector.shape_cast %swap3A_483 : vector<1x16xf32> to vector<16xf32>
        %swap3A_485 = vector.shape_cast %mul3A_480 : vector<16xf32> to vector<1x16xf32>
        tpu.vector_store %arg10[%swap3A_481, %swap3A_482], %swap3A_485 {strides = array<i32>} : memref<128x128xf32, #tpu.memory_space<vmem>>, vector<1x16xf32>,
        %get3A_486 = arith.index_cast %add3A_425 : i32 to index
        %get3A_487 = arith.constant 96 : index
        %get3A_488 = tpu.vector_load %arg10[%get3A_486, %get3A_487] {strides = array<i32>} : memref<128x128xf32, #tpu.memory_space<vmem>>, vector<1x16xf32>,
        %get3A_489 = vector.shape_cast %get3A_488 : vector<1x16xf32> to vector<16xf32>
        %mul3A_490 = arith.mulf %get3A_489, %broadcast_in_dim3A_421 : vector<16xf32>
        %swap3A_491 = arith.index_cast %add3A_425 : i32 to index
        %swap3A_492 = arith.constant 96 : index
        %swap3A_493 = tpu.vector_load %arg10[%swap3A_491, %swap3A_492] {strides = array<i32>} : memref<128x128xf32, #tpu.memory_space<vmem>>, vector<1x16xf32>,
        %swap3A_494 = vector.shape_cast %swap3A_493 : vector<1x16xf32> to vector<16xf32>
        %swap3A_495 = vector.shape_cast %mul3A_490 : vector<16xf32> to vector<1x16xf32>
        tpu.vector_store %arg10[%swap3A_491, %swap3A_492], %swap3A_495 {strides = array<i32>} : memref<128x128xf32, #tpu.memory_space<vmem>>, vector<1x16xf32>,
        %get3A_496 = arith.index_cast %add3A_425 : i32 to index
        %get3A_497 = arith.constant 112 : index
        %get3A_498 = tpu.vector_load %arg10[%get3A_496, %get3A_497] {strides = array<i32>} : memref<128x128xf32, #tpu.memory_space<vmem>>, vector<1x16xf32>,
        %get3A_499 = vector.shape_cast %get3A_498 : vector<1x16xf32> to vector<16xf32>
        %mul3A_500 = arith.mulf %get3A_499, %broadcast_in_dim3A_421 : vector<16xf32>
        %swap3A_501 = arith.index_cast %add3A_425 : i32 to index
        %swap3A_502 = arith.constant 112 : index
        %swap3A_503 = tpu.vector_load %arg10[%swap3A_501, %swap3A_502] {strides = array<i32>} : memref<128x128xf32, #tpu.memory_space<vmem>>, vector<1x16xf32>,
        %swap3A_504 = vector.shape_cast %swap3A_503 : vector<1x16xf32> to vector<16xf32>
        %swap3A_505 = vector.shape_cast %mul3A_500 : vector<16xf32> to vector<1x16xf32>
        tpu.vector_store %arg10[%swap3A_501, %swap3A_502], %swap3A_505 {strides = array<i32>} : memref<128x128xf32, #tpu.memory_space<vmem>>, vector<1x16xf32>,
        %slice3A_506 = vector.extract_strided_slice %get3A_74 {offsets = [5], sizes = [1], strides = [1]} : vector<16xf32> to vector<1xf32>
        %squeeze3A_507 = vector.extract %slice3A_506[0] : f32 from vector<1xf32>
        %broadcast_in_dim3A_508 = vector.broadcast %squeeze3A_507 : f32 to vector<16xf32>
        %mul3A_509 = arith.constant 16 : i32
        %mul3A_510 = arith.muli %scan3A_67, %mul3A_509 : i32
        %add3A_511 = arith.constant 5 : i32
        %add3A_512 = arith.addi %mul3A_510, %add3A_511 : i32
        %get3A_513 = arith.index_cast %add3A_512 : i32 to index
        %get3A_514 = arith.constant 0 : index
        %get3A_515 = tpu.vector_load %arg10[%get3A_513, %get3A_514] {strides = array<i32>} : memref<128x128xf32, #tpu.memory_space<vmem>>, vector<1x16xf32>,
        %get3A_516 = vector.shape_cast %get3A_515 : vector<1x16xf32> to vector<16xf32>
        %mul3A_517 = arith.mulf %get3A_516, %broadcast_in_dim3A_508 : vector<16xf32>
        %swap3A_518 = arith.index_cast %add3A_512 : i32 to index
        %swap3A_519 = arith.constant 0 : index
        %swap3A_520 = tpu.vector_load %arg10[%swap3A_518, %swap3A_519] {strides = array<i32>} : memref<128x128xf32, #tpu.memory_space<vmem>>, vector<1x16xf32>,
        %swap3A_521 = vector.shape_cast %swap3A_520 : vector<1x16xf32> to vector<16xf32>
        %swap3A_522 = vector.shape_cast %mul3A_517 : vector<16xf32> to vector<1x16xf32>
        tpu.vector_store %arg10[%swap3A_518, %swap3A_519], %swap3A_522 {strides = array<i32>} : memref<128x128xf32, #tpu.memory_space<vmem>>, vector<1x16xf32>,
        %get3A_523 = arith.index_cast %add3A_512 : i32 to index
        %get3A_524 = arith.constant 16 : index
        %get3A_525 = tpu.vector_load %arg10[%get3A_523, %get3A_524] {strides = array<i32>} : memref<128x128xf32, #tpu.memory_space<vmem>>, vector<1x16xf32>,
        %get3A_526 = vector.shape_cast %get3A_525 : vector<1x16xf32> to vector<16xf32>
        %mul3A_527 = arith.mulf %get3A_526, %broadcast_in_dim3A_508 : vector<16xf32>
        %swap3A_528 = arith.index_cast %add3A_512 : i32 to index
        %swap3A_529 = arith.constant 16 : index
        %swap3A_530 = tpu.vector_load %arg10[%swap3A_528, %swap3A_529] {strides = array<i32>} : memref<128x128xf32, #tpu.memory_space<vmem>>, vector<1x16xf32>,
        %swap3A_531 = vector.shape_cast %swap3A_530 : vector<1x16xf32> to vector<16xf32>
        %swap3A_532 = vector.shape_cast %mul3A_527 : vector<16xf32> to vector<1x16xf32>
        tpu.vector_store %arg10[%swap3A_528, %swap3A_529], %swap3A_532 {strides = array<i32>} : memref<128x128xf32, #tpu.memory_space<vmem>>, vector<1x16xf32>,
        %get3A_533 = arith.index_cast %add3A_512 : i32 to index
        %get3A_534 = arith.constant 32 : index
        %get3A_535 = tpu.vector_load %arg10[%get3A_533, %get3A_534] {strides = array<i32>} : memref<128x128xf32, #tpu.memory_space<vmem>>, vector<1x16xf32>,
        %get3A_536 = vector.shape_cast %get3A_535 : vector<1x16xf32> to vector<16xf32>
        %mul3A_537 = arith.mulf %get3A_536, %broadcast_in_dim3A_508 : vector<16xf32>
        %swap3A_538 = arith.index_cast %add3A_512 : i32 to index
        %swap3A_539 = arith.constant 32 : index
        %swap3A_540 = tpu.vector_load %arg10[%swap3A_538, %swap3A_539] {strides = array<i32>} : memref<128x128xf32, #tpu.memory_space<vmem>>, vector<1x16xf32>,
        %swap3A_541 = vector.shape_cast %swap3A_540 : vector<1x16xf32> to vector<16xf32>
        %swap3A_542 = vector.shape_cast %mul3A_537 : vector<16xf32> to vector<1x16xf32>
        tpu.vector_store %arg10[%swap3A_538, %swap3A_539], %swap3A_542 {strides = array<i32>} : memref<128x128xf32, #tpu.memory_space<vmem>>, vector<1x16xf32>,
        %get3A_543 = arith.index_cast %add3A_512 : i32 to index
        %get3A_544 = arith.constant 48 : index
        %get3A_545 = tpu.vector_load %arg10[%get3A_543, %get3A_544] {strides = array<i32>} : memref<128x128xf32, #tpu.memory_space<vmem>>, vector<1x16xf32>,
        %get3A_546 = vector.shape_cast %get3A_545 : vector<1x16xf32> to vector<16xf32>
        %mul3A_547 = arith.mulf %get3A_546, %broadcast_in_dim3A_508 : vector<16xf32>
        %swap3A_548 = arith.index_cast %add3A_512 : i32 to index
        %swap3A_549 = arith.constant 48 : index
        %swap3A_550 = tpu.vector_load %arg10[%swap3A_548, %swap3A_549] {strides = array<i32>} : memref<128x128xf32, #tpu.memory_space<vmem>>, vector<1x16xf32>,
        %swap3A_551 = vector.shape_cast %swap3A_550 : vector<1x16xf32> to vector<16xf32>
        %swap3A_552 = vector.shape_cast %mul3A_547 : vector<16xf32> to vector<1x16xf32>
        tpu.vector_store %arg10[%swap3A_548, %swap3A_549], %swap3A_552 {strides = array<i32>} : memref<128x128xf32, #tpu.memory_space<vmem>>, vector<1x16xf32>,
        %get3A_553 = arith.index_cast %add3A_512 : i32 to index
        %get3A_554 = arith.constant 64 : index
        %get3A_555 = tpu.vector_load %arg10[%get3A_553, %get3A_554] {strides = array<i32>} : memref<128x128xf32, #tpu.memory_space<vmem>>, vector<1x16xf32>,
        %get3A_556 = vector.shape_cast %get3A_555 : vector<1x16xf32> to vector<16xf32>
        %mul3A_557 = arith.mulf %get3A_556, %broadcast_in_dim3A_508 : vector<16xf32>
        %swap3A_558 = arith.index_cast %add3A_512 : i32 to index
        %swap3A_559 = arith.constant 64 : index
        %swap3A_560 = tpu.vector_load %arg10[%swap3A_558, %swap3A_559] {strides = array<i32>} : memref<128x128xf32, #tpu.memory_space<vmem>>, vector<1x16xf32>,
        %swap3A_561 = vector.shape_cast %swap3A_560 : vector<1x16xf32> to vector<16xf32>
        %swap3A_562 = vector.shape_cast %mul3A_557 : vector<16xf32> to vector<1x16xf32>
        tpu.vector_store %arg10[%swap3A_558, %swap3A_559], %swap3A_562 {strides = array<i32>} : memref<128x128xf32, #tpu.memory_space<vmem>>, vector<1x16xf32>,
        %get3A_563 = arith.index_cast %add3A_512 : i32 to index
        %get3A_564 = arith.constant 80 : index
        %get3A_565 = tpu.vector_load %arg10[%get3A_563, %get3A_564] {strides = array<i32>} : memref<128x128xf32, #tpu.memory_space<vmem>>, vector<1x16xf32>,
        %get3A_566 = vector.shape_cast %get3A_565 : vector<1x16xf32> to vector<16xf32>
        %mul3A_567 = arith.mulf %get3A_566, %broadcast_in_dim3A_508 : vector<16xf32>
        %swap3A_568 = arith.index_cast %add3A_512 : i32 to index
        %swap3A_569 = arith.constant 80 : index
        %swap3A_570 = tpu.vector_load %arg10[%swap3A_568, %swap3A_569] {strides = array<i32>} : memref<128x128xf32, #tpu.memory_space<vmem>>, vector<1x16xf32>,
        %swap3A_571 = vector.shape_cast %swap3A_570 : vector<1x16xf32> to vector<16xf32>
        %swap3A_572 = vector.shape_cast %mul3A_567 : vector<16xf32> to vector<1x16xf32>
        tpu.vector_store %arg10[%swap3A_568, %swap3A_569], %swap3A_572 {strides = array<i32>} : memref<128x128xf32, #tpu.memory_space<vmem>>, vector<1x16xf32>,
        %get3A_573 = arith.index_cast %add3A_512 : i32 to index
        %get3A_574 = arith.constant 96 : index
        %get3A_575 = tpu.vector_load %arg10[%get3A_573, %get3A_574] {strides = array<i32>} : memref<128x128xf32, #tpu.memory_space<vmem>>, vector<1x16xf32>,
        %get3A_576 = vector.shape_cast %get3A_575 : vector<1x16xf32> to vector<16xf32>
        %mul3A_577 = arith.mulf %get3A_576, %broadcast_in_dim3A_508 : vector<16xf32>
        %swap3A_578 = arith.index_cast %add3A_512 : i32 to index
        %swap3A_579 = arith.constant 96 : index
        %swap3A_580 = tpu.vector_load %arg10[%swap3A_578, %swap3A_579] {strides = array<i32>} : memref<128x128xf32, #tpu.memory_space<vmem>>, vector<1x16xf32>,
        %swap3A_581 = vector.shape_cast %swap3A_580 : vector<1x16xf32> to vector<16xf32>
        %swap3A_582 = vector.shape_cast %mul3A_577 : vector<16xf32> to vector<1x16xf32>
        tpu.vector_store %arg10[%swap3A_578, %swap3A_579], %swap3A_582 {strides = array<i32>} : memref<128x128xf32, #tpu.memory_space<vmem>>, vector<1x16xf32>,
        %get3A_583 = arith.index_cast %add3A_512 : i32 to index
        %get3A_584 = arith.constant 112 : index
        %get3A_585 = tpu.vector_load %arg10[%get3A_583, %get3A_584] {strides = array<i32>} : memref<128x128xf32, #tpu.memory_space<vmem>>, vector<1x16xf32>,
        %get3A_586 = vector.shape_cast %get3A_585 : vector<1x16xf32> to vector<16xf32>
        %mul3A_587 = arith.mulf %get3A_586, %broadcast_in_dim3A_508 : vector<16xf32>
        %swap3A_588 = arith.index_cast %add3A_512 : i32 to index
        %swap3A_589 = arith.constant 112 : index
        %swap3A_590 = tpu.vector_load %arg10[%swap3A_588, %swap3A_589] {strides = array<i32>} : memref<128x128xf32, #tpu.memory_space<vmem>>, vector<1x16xf32>,
        %swap3A_591 = vector.shape_cast %swap3A_590 : vector<1x16xf32> to vector<16xf32>
        %swap3A_592 = vector.shape_cast %mul3A_587 : vector<16xf32> to vector<1x16xf32>
        tpu.vector_store %arg10[%swap3A_588, %swap3A_589], %swap3A_592 {strides = array<i32>} : memref<128x128xf32, #tpu.memory_space<vmem>>, vector<1x16xf32>,
        %slice3A_593 = vector.extract_strided_slice %get3A_74 {offsets = [6], sizes = [1], strides = [1]} : vector<16xf32> to vector<1xf32>
        %squeeze3A_594 = vector.extract %slice3A_593[0] : f32 from vector<1xf32>
        %broadcast_in_dim3A_595 = vector.broadcast %squeeze3A_594 : f32 to vector<16xf32>
        %mul3A_596 = arith.constant 16 : i32
        %mul3A_597 = arith.muli %scan3A_67, %mul3A_596 : i32
        %add3A_598 = arith.constant 6 : i32
        %add3A_599 = arith.addi %mul3A_597, %add3A_598 : i32
        %get3A_600 = arith.index_cast %add3A_599 : i32 to index
        %get3A_601 = arith.constant 0 : index
        %get3A_602 = tpu.vector_load %arg10[%get3A_600, %get3A_601] {strides = array<i32>} : memref<128x128xf32, #tpu.memory_space<vmem>>, vector<1x16xf32>,
        %get3A_603 = vector.shape_cast %get3A_602 : vector<1x16xf32> to vector<16xf32>
        %mul3A_604 = arith.mulf %get3A_603, %broadcast_in_dim3A_595 : vector<16xf32>
        %swap3A_605 = arith.index_cast %add3A_599 : i32 to index
        %swap3A_606 = arith.constant 0 : index
        %swap3A_607 = tpu.vector_load %arg10[%swap3A_605, %swap3A_606] {strides = array<i32>} : memref<128x128xf32, #tpu.memory_space<vmem>>, vector<1x16xf32>,
        %swap3A_608 = vector.shape_cast %swap3A_607 : vector<1x16xf32> to vector<16xf32>
        %swap3A_609 = vector.shape_cast %mul3A_604 : vector<16xf32> to vector<1x16xf32>
        tpu.vector_store %arg10[%swap3A_605, %swap3A_606], %swap3A_609 {strides = array<i32>} : memref<128x128xf32, #tpu.memory_space<vmem>>, vector<1x16xf32>,
        %get3A_610 = arith.index_cast %add3A_599 : i32 to index
        %get3A_611 = arith.constant 16 : index
        %get3A_612 = tpu.vector_load %arg10[%get3A_610, %get3A_611] {strides = array<i32>} : memref<128x128xf32, #tpu.memory_space<vmem>>, vector<1x16xf32>,
        %get3A_613 = vector.shape_cast %get3A_612 : vector<1x16xf32> to vector<16xf32>
        %mul3A_614 = arith.mulf %get3A_613, %broadcast_in_dim3A_595 : vector<16xf32>
        %swap3A_615 = arith.index_cast %add3A_599 : i32 to index
        %swap3A_616 = arith.constant 16 : index
        %swap3A_617 = tpu.vector_load %arg10[%swap3A_615, %swap3A_616] {strides = array<i32>} : memref<128x128xf32, #tpu.memory_space<vmem>>, vector<1x16xf32>,
        %swap3A_618 = vector.shape_cast %swap3A_617 : vector<1x16xf32> to vector<16xf32>
        %swap3A_619 = vector.shape_cast %mul3A_614 : vector<16xf32> to vector<1x16xf32>
        tpu.vector_store %arg10[%swap3A_615, %swap3A_616], %swap3A_619 {strides = array<i32>} : memref<128x128xf32, #tpu.memory_space<vmem>>, vector<1x16xf32>,
        %get3A_620 = arith.index_cast %add3A_599 : i32 to index
        %get3A_621 = arith.constant 32 : index
        %get3A_622 = tpu.vector_load %arg10[%get3A_620, %get3A_621] {strides = array<i32>} : memref<128x128xf32, #tpu.memory_space<vmem>>, vector<1x16xf32>,
        %get3A_623 = vector.shape_cast %get3A_622 : vector<1x16xf32> to vector<16xf32>
        %mul3A_624 = arith.mulf %get3A_623, %broadcast_in_dim3A_595 : vector<16xf32>
        %swap3A_625 = arith.index_cast %add3A_599 : i32 to index
        %swap3A_626 = arith.constant 32 : index
        %swap3A_627 = tpu.vector_load %arg10[%swap3A_625, %swap3A_626] {strides = array<i32>} : memref<128x128xf32, #tpu.memory_space<vmem>>, vector<1x16xf32>,
        %swap3A_628 = vector.shape_cast %swap3A_627 : vector<1x16xf32> to vector<16xf32>
        %swap3A_629 = vector.shape_cast %mul3A_624 : vector<16xf32> to vector<1x16xf32>
        tpu.vector_store %arg10[%swap3A_625, %swap3A_626], %swap3A_629 {strides = array<i32>} : memref<128x128xf32, #tpu.memory_space<vmem>>, vector<1x16xf32>,
        %get3A_630 = arith.index_cast %add3A_599 : i32 to index
        %get3A_631 = arith.constant 48 : index
        %get3A_632 = tpu.vector_load %arg10[%get3A_630, %get3A_631] {strides = array<i32>} : memref<128x128xf32, #tpu.memory_space<vmem>>, vector<1x16xf32>,
        %get3A_633 = vector.shape_cast %get3A_632 : vector<1x16xf32> to vector<16xf32>
        %mul3A_634 = arith.mulf %get3A_633, %broadcast_in_dim3A_595 : vector<16xf32>
        %swap3A_635 = arith.index_cast %add3A_599 : i32 to index
        %swap3A_636 = arith.constant 48 : index
        %swap3A_637 = tpu.vector_load %arg10[%swap3A_635, %swap3A_636] {strides = array<i32>} : memref<128x128xf32, #tpu.memory_space<vmem>>, vector<1x16xf32>,
        %swap3A_638 = vector.shape_cast %swap3A_637 : vector<1x16xf32> to vector<16xf32>
        %swap3A_639 = vector.shape_cast %mul3A_634 : vector<16xf32> to vector<1x16xf32>
        tpu.vector_store %arg10[%swap3A_635, %swap3A_636], %swap3A_639 {strides = array<i32>} : memref<128x128xf32, #tpu.memory_space<vmem>>, vector<1x16xf32>,
        %get3A_640 = arith.index_cast %add3A_599 : i32 to index
        %get3A_641 = arith.constant 64 : index
        %get3A_642 = tpu.vector_load %arg10[%get3A_640, %get3A_641] {strides = array<i32>} : memref<128x128xf32, #tpu.memory_space<vmem>>, vector<1x16xf32>,
        %get3A_643 = vector.shape_cast %get3A_642 : vector<1x16xf32> to vector<16xf32>
        %mul3A_644 = arith.mulf %get3A_643, %broadcast_in_dim3A_595 : vector<16xf32>
        %swap3A_645 = arith.index_cast %add3A_599 : i32 to index
        %swap3A_646 = arith.constant 64 : index
        %swap3A_647 = tpu.vector_load %arg10[%swap3A_645, %swap3A_646] {strides = array<i32>} : memref<128x128xf32, #tpu.memory_space<vmem>>, vector<1x16xf32>,
        %swap3A_648 = vector.shape_cast %swap3A_647 : vector<1x16xf32> to vector<16xf32>
        %swap3A_649 = vector.shape_cast %mul3A_644 : vector<16xf32> to vector<1x16xf32>
        tpu.vector_store %arg10[%swap3A_645, %swap3A_646], %swap3A_649 {strides = array<i32>} : memref<128x128xf32, #tpu.memory_space<vmem>>, vector<1x16xf32>,
        %get3A_650 = arith.index_cast %add3A_599 : i32 to index
        %get3A_651 = arith.constant 80 : index
        %get3A_652 = tpu.vector_load %arg10[%get3A_650, %get3A_651] {strides = array<i32>} : memref<128x128xf32, #tpu.memory_space<vmem>>, vector<1x16xf32>,
        %get3A_653 = vector.shape_cast %get3A_652 : vector<1x16xf32> to vector<16xf32>
        %mul3A_654 = arith.mulf %get3A_653, %broadcast_in_dim3A_595 : vector<16xf32>
        %swap3A_655 = arith.index_cast %add3A_599 : i32 to index
        %swap3A_656 = arith.constant 80 : index
        %swap3A_657 = tpu.vector_load %arg10[%swap3A_655, %swap3A_656] {strides = array<i32>} : memref<128x128xf32, #tpu.memory_space<vmem>>, vector<1x16xf32>,
        %swap3A_658 = vector.shape_cast %swap3A_657 : vector<1x16xf32> to vector<16xf32>
        %swap3A_659 = vector.shape_cast %mul3A_654 : vector<16xf32> to vector<1x16xf32>
        tpu.vector_store %arg10[%swap3A_655, %swap3A_656], %swap3A_659 {strides = array<i32>} : memref<128x128xf32, #tpu.memory_space<vmem>>, vector<1x16xf32>,
        %get3A_660 = arith.index_cast %add3A_599 : i32 to index
        %get3A_661 = arith.constant 96 : index
        %get3A_662 = tpu.vector_load %arg10[%get3A_660, %get3A_661] {strides = array<i32>} : memref<128x128xf32, #tpu.memory_space<vmem>>, vector<1x16xf32>,
        %get3A_663 = vector.shape_cast %get3A_662 : vector<1x16xf32> to vector<16xf32>
        %mul3A_664 = arith.mulf %get3A_663, %broadcast_in_dim3A_595 : vector<16xf32>
        %swap3A_665 = arith.index_cast %add3A_599 : i32 to index
        %swap3A_666 = arith.constant 96 : index
        %swap3A_667 = tpu.vector_load %arg10[%swap3A_665, %swap3A_666] {strides = array<i32>} : memref<128x128xf32, #tpu.memory_space<vmem>>, vector<1x16xf32>,
        %swap3A_668 = vector.shape_cast %swap3A_667 : vector<1x16xf32> to vector<16xf32>
        %swap3A_669 = vector.shape_cast %mul3A_664 : vector<16xf32> to vector<1x16xf32>
        tpu.vector_store %arg10[%swap3A_665, %swap3A_666], %swap3A_669 {strides = array<i32>} : memref<128x128xf32, #tpu.memory_space<vmem>>, vector<1x16xf32>,
        %get3A_670 = arith.index_cast %add3A_599 : i32 to index
        %get3A_671 = arith.constant 112 : index
        %get3A_672 = tpu.vector_load %arg10[%get3A_670, %get3A_671] {strides = array<i32>} : memref<128x128xf32, #tpu.memory_space<vmem>>, vector<1x16xf32>,
        %get3A_673 = vector.shape_cast %get3A_672 : vector<1x16xf32> to vector<16xf32>
        %mul3A_674 = arith.mulf %get3A_673, %broadcast_in_dim3A_595 : vector<16xf32>
        %swap3A_675 = arith.index_cast %add3A_599 : i32 to index
        %swap3A_676 = arith.constant 112 : index
        %swap3A_677 = tpu.vector_load %arg10[%swap3A_675, %swap3A_676] {strides = array<i32>} : memref<128x128xf32, #tpu.memory_space<vmem>>, vector<1x16xf32>,
        %swap3A_678 = vector.shape_cast %swap3A_677 : vector<1x16xf32> to vector<16xf32>
        %swap3A_679 = vector.shape_cast %mul3A_674 : vector<16xf32> to vector<1x16xf32>
        tpu.vector_store %arg10[%swap3A_675, %swap3A_676], %swap3A_679 {strides = array<i32>} : memref<128x128xf32, #tpu.memory_space<vmem>>, vector<1x16xf32>,
        %slice3A_680 = vector.extract_strided_slice %get3A_74 {offsets = [7], sizes = [1], strides = [1]} : vector<16xf32> to vector<1xf32>
        %squeeze3A_681 = vector.extract %slice3A_680[0] : f32 from vector<1xf32>
        %broadcast_in_dim3A_682 = vector.broadcast %squeeze3A_681 : f32 to vector<16xf32>
        %mul3A_683 = arith.constant 16 : i32
        %mul3A_684 = arith.muli %scan3A_67, %mul3A_683 : i32
        %add3A_685 = arith.constant 7 : i32
        %add3A_686 = arith.addi %mul3A_684, %add3A_685 : i32
        %get3A_687 = arith.index_cast %add3A_686 : i32 to index
        %get3A_688 = arith.constant 0 : index
        %get3A_689 = tpu.vector_load %arg10[%get3A_687, %get3A_688] {strides = array<i32>} : memref<128x128xf32, #tpu.memory_space<vmem>>, vector<1x16xf32>,
        %get3A_690 = vector.shape_cast %get3A_689 : vector<1x16xf32> to vector<16xf32>
        %mul3A_691 = arith.mulf %get3A_690, %broadcast_in_dim3A_682 : vector<16xf32>
        %swap3A_692 = arith.index_cast %add3A_686 : i32 to index
        %swap3A_693 = arith.constant 0 : index
        %swap3A_694 = tpu.vector_load %arg10[%swap3A_692, %swap3A_693] {strides = array<i32>} : memref<128x128xf32, #tpu.memory_space<vmem>>, vector<1x16xf32>,
        %swap3A_695 = vector.shape_cast %swap3A_694 : vector<1x16xf32> to vector<16xf32>
        %swap3A_696 = vector.shape_cast %mul3A_691 : vector<16xf32> to vector<1x16xf32>
        tpu.vector_store %arg10[%swap3A_692, %swap3A_693], %swap3A_696 {strides = array<i32>} : memref<128x128xf32, #tpu.memory_space<vmem>>, vector<1x16xf32>,
        %get3A_697 = arith.index_cast %add3A_686 : i32 to index
        %get3A_698 = arith.constant 16 : index
        %get3A_699 = tpu.vector_load %arg10[%get3A_697, %get3A_698] {strides = array<i32>} : memref<128x128xf32, #tpu.memory_space<vmem>>, vector<1x16xf32>,
        %get3A_700 = vector.shape_cast %get3A_699 : vector<1x16xf32> to vector<16xf32>
        %mul3A_701 = arith.mulf %get3A_700, %broadcast_in_dim3A_682 : vector<16xf32>
        %swap3A_702 = arith.index_cast %add3A_686 : i32 to index
        %swap3A_703 = arith.constant 16 : index
        %swap3A_704 = tpu.vector_load %arg10[%swap3A_702, %swap3A_703] {strides = array<i32>} : memref<128x128xf32, #tpu.memory_space<vmem>>, vector<1x16xf32>,
        %swap3A_705 = vector.shape_cast %swap3A_704 : vector<1x16xf32> to vector<16xf32>
        %swap3A_706 = vector.shape_cast %mul3A_701 : vector<16xf32> to vector<1x16xf32>
        tpu.vector_store %arg10[%swap3A_702, %swap3A_703], %swap3A_706 {strides = array<i32>} : memref<128x128xf32, #tpu.memory_space<vmem>>, vector<1x16xf32>,
        %get3A_707 = arith.index_cast %add3A_686 : i32 to index
        %get3A_708 = arith.constant 32 : index
        %get3A_709 = tpu.vector_load %arg10[%get3A_707, %get3A_708] {strides = array<i32>} : memref<128x128xf32, #tpu.memory_space<vmem>>, vector<1x16xf32>,
        %get3A_710 = vector.shape_cast %get3A_709 : vector<1x16xf32> to vector<16xf32>
        %mul3A_711 = arith.mulf %get3A_710, %broadcast_in_dim3A_682 : vector<16xf32>
        %swap3A_712 = arith.index_cast %add3A_686 : i32 to index
        %swap3A_713 = arith.constant 32 : index
        %swap3A_714 = tpu.vector_load %arg10[%swap3A_712, %swap3A_713] {strides = array<i32>} : memref<128x128xf32, #tpu.memory_space<vmem>>, vector<1x16xf32>,
        %swap3A_715 = vector.shape_cast %swap3A_714 : vector<1x16xf32> to vector<16xf32>
        %swap3A_716 = vector.shape_cast %mul3A_711 : vector<16xf32> to vector<1x16xf32>
        tpu.vector_store %arg10[%swap3A_712, %swap3A_713], %swap3A_716 {strides = array<i32>} : memref<128x128xf32, #tpu.memory_space<vmem>>, vector<1x16xf32>,
        %get3A_717 = arith.index_cast %add3A_686 : i32 to index
        %get3A_718 = arith.constant 48 : index
        %get3A_719 = tpu.vector_load %arg10[%get3A_717, %get3A_718] {strides = array<i32>} : memref<128x128xf32, #tpu.memory_space<vmem>>, vector<1x16xf32>,
        %get3A_720 = vector.shape_cast %get3A_719 : vector<1x16xf32> to vector<16xf32>
        %mul3A_721 = arith.mulf %get3A_720, %broadcast_in_dim3A_682 : vector<16xf32>
        %swap3A_722 = arith.index_cast %add3A_686 : i32 to index
        %swap3A_723 = arith.constant 48 : index
        %swap3A_724 = tpu.vector_load %arg10[%swap3A_722, %swap3A_723] {strides = array<i32>} : memref<128x128xf32, #tpu.memory_space<vmem>>, vector<1x16xf32>,
        %swap3A_725 = vector.shape_cast %swap3A_724 : vector<1x16xf32> to vector<16xf32>
        %swap3A_726 = vector.shape_cast %mul3A_721 : vector<16xf32> to vector<1x16xf32>
        tpu.vector_store %arg10[%swap3A_722, %swap3A_723], %swap3A_726 {strides = array<i32>} : memref<128x128xf32, #tpu.memory_space<vmem>>, vector<1x16xf32>,
        %get3A_727 = arith.index_cast %add3A_686 : i32 to index
        %get3A_728 = arith.constant 64 : index
        %get3A_729 = tpu.vector_load %arg10[%get3A_727, %get3A_728] {strides = array<i32>} : memref<128x128xf32, #tpu.memory_space<vmem>>, vector<1x16xf32>,
        %get3A_730 = vector.shape_cast %get3A_729 : vector<1x16xf32> to vector<16xf32>
        %mul3A_731 = arith.mulf %get3A_730, %broadcast_in_dim3A_682 : vector<16xf32>
        %swap3A_732 = arith.index_cast %add3A_686 : i32 to index
        %swap3A_733 = arith.constant 64 : index
        %swap3A_734 = tpu.vector_load %arg10[%swap3A_732, %swap3A_733] {strides = array<i32>} : memref<128x128xf32, #tpu.memory_space<vmem>>, vector<1x16xf32>,
        %swap3A_735 = vector.shape_cast %swap3A_734 : vector<1x16xf32> to vector<16xf32>
        %swap3A_736 = vector.shape_cast %mul3A_731 : vector<16xf32> to vector<1x16xf32>
        tpu.vector_store %arg10[%swap3A_732, %swap3A_733], %swap3A_736 {strides = array<i32>} : memref<128x128xf32, #tpu.memory_space<vmem>>, vector<1x16xf32>,
        %get3A_737 = arith.index_cast %add3A_686 : i32 to index
        %get3A_738 = arith.constant 80 : index
        %get3A_739 = tpu.vector_load %arg10[%get3A_737, %get3A_738] {strides = array<i32>} : memref<128x128xf32, #tpu.memory_space<vmem>>, vector<1x16xf32>,
        %get3A_740 = vector.shape_cast %get3A_739 : vector<1x16xf32> to vector<16xf32>
        %mul3A_741 = arith.mulf %get3A_740, %broadcast_in_dim3A_682 : vector<16xf32>
        %swap3A_742 = arith.index_cast %add3A_686 : i32 to index
        %swap3A_743 = arith.constant 80 : index
        %swap3A_744 = tpu.vector_load %arg10[%swap3A_742, %swap3A_743] {strides = array<i32>} : memref<128x128xf32, #tpu.memory_space<vmem>>, vector<1x16xf32>,
        %swap3A_745 = vector.shape_cast %swap3A_744 : vector<1x16xf32> to vector<16xf32>
        %swap3A_746 = vector.shape_cast %mul3A_741 : vector<16xf32> to vector<1x16xf32>
        tpu.vector_store %arg10[%swap3A_742, %swap3A_743], %swap3A_746 {strides = array<i32>} : memref<128x128xf32, #tpu.memory_space<vmem>>, vector<1x16xf32>,
        %get3A_747 = arith.index_cast %add3A_686 : i32 to index
        %get3A_748 = arith.constant 96 : index
        %get3A_749 = tpu.vector_load %arg10[%get3A_747, %get3A_748] {strides = array<i32>} : memref<128x128xf32, #tpu.memory_space<vmem>>, vector<1x16xf32>,
        %get3A_750 = vector.shape_cast %get3A_749 : vector<1x16xf32> to vector<16xf32>
        %mul3A_751 = arith.mulf %get3A_750, %broadcast_in_dim3A_682 : vector<16xf32>
        %swap3A_752 = arith.index_cast %add3A_686 : i32 to index
        %swap3A_753 = arith.constant 96 : index
        %swap3A_754 = tpu.vector_load %arg10[%swap3A_752, %swap3A_753] {strides = array<i32>} : memref<128x128xf32, #tpu.memory_space<vmem>>, vector<1x16xf32>,
        %swap3A_755 = vector.shape_cast %swap3A_754 : vector<1x16xf32> to vector<16xf32>
        %swap3A_756 = vector.shape_cast %mul3A_751 : vector<16xf32> to vector<1x16xf32>
        tpu.vector_store %arg10[%swap3A_752, %swap3A_753], %swap3A_756 {strides = array<i32>} : memref<128x128xf32, #tpu.memory_space<vmem>>, vector<1x16xf32>,
        %get3A_757 = arith.index_cast %add3A_686 : i32 to index
        %get3A_758 = arith.constant 112 : index
        %get3A_759 = tpu.vector_load %arg10[%get3A_757, %get3A_758] {strides = array<i32>} : memref<128x128xf32, #tpu.memory_space<vmem>>, vector<1x16xf32>,
        %get3A_760 = vector.shape_cast %get3A_759 : vector<1x16xf32> to vector<16xf32>
        %mul3A_761 = arith.mulf %get3A_760, %broadcast_in_dim3A_682 : vector<16xf32>
        %swap3A_762 = arith.index_cast %add3A_686 : i32 to index
        %swap3A_763 = arith.constant 112 : index
        %swap3A_764 = tpu.vector_load %arg10[%swap3A_762, %swap3A_763] {strides = array<i32>} : memref<128x128xf32, #tpu.memory_space<vmem>>, vector<1x16xf32>,
        %swap3A_765 = vector.shape_cast %swap3A_764 : vector<1x16xf32> to vector<16xf32>
        %swap3A_766 = vector.shape_cast %mul3A_761 : vector<16xf32> to vector<1x16xf32>
        tpu.vector_store %arg10[%swap3A_762, %swap3A_763], %swap3A_766 {strides = array<i32>} : memref<128x128xf32, #tpu.memory_space<vmem>>, vector<1x16xf32>,
        %slice3A_767 = vector.extract_strided_slice %get3A_74 {offsets = [8], sizes = [1], strides = [1]} : vector<16xf32> to vector<1xf32>
        %squeeze3A_768 = vector.extract %slice3A_767[0] : f32 from vector<1xf32>
        %broadcast_in_dim3A_769 = vector.broadcast %squeeze3A_768 : f32 to vector<16xf32>
        %mul3A_770 = arith.constant 16 : i32
        %mul3A_771 = arith.muli %scan3A_67, %mul3A_770 : i32
        %add3A_772 = arith.constant 8 : i32
        %add3A_773 = arith.addi %mul3A_771, %add3A_772 : i32
        %get3A_774 = arith.index_cast %add3A_773 : i32 to index
        %get3A_775 = arith.constant 0 : index
        %get3A_776 = tpu.vector_load %arg10[%get3A_774, %get3A_775] {strides = array<i32>} : memref<128x128xf32, #tpu.memory_space<vmem>>, vector<1x16xf32>,
        %get3A_777 = vector.shape_cast %get3A_776 : vector<1x16xf32> to vector<16xf32>
        %mul3A_778 = arith.mulf %get3A_777, %broadcast_in_dim3A_769 : vector<16xf32>
        %swap3A_779 = arith.index_cast %add3A_773 : i32 to index
        %swap3A_780 = arith.constant 0 : index
        %swap3A_781 = tpu.vector_load %arg10[%swap3A_779, %swap3A_780] {strides = array<i32>} : memref<128x128xf32, #tpu.memory_space<vmem>>, vector<1x16xf32>,
        %swap3A_782 = vector.shape_cast %swap3A_781 : vector<1x16xf32> to vector<16xf32>
        %swap3A_783 = vector.shape_cast %mul3A_778 : vector<16xf32> to vector<1x16xf32>
        tpu.vector_store %arg10[%swap3A_779, %swap3A_780], %swap3A_783 {strides = array<i32>} : memref<128x128xf32, #tpu.memory_space<vmem>>, vector<1x16xf32>,
        %get3A_784 = arith.index_cast %add3A_773 : i32 to index
        %get3A_785 = arith.constant 16 : index
        %get3A_786 = tpu.vector_load %arg10[%get3A_784, %get3A_785] {strides = array<i32>} : memref<128x128xf32, #tpu.memory_space<vmem>>, vector<1x16xf32>,
        %get3A_787 = vector.shape_cast %get3A_786 : vector<1x16xf32> to vector<16xf32>
        %mul3A_788 = arith.mulf %get3A_787, %broadcast_in_dim3A_769 : vector<16xf32>
        %swap3A_789 = arith.index_cast %add3A_773 : i32 to index
        %swap3A_790 = arith.constant 16 : index
        %swap3A_791 = tpu.vector_load %arg10[%swap3A_789, %swap3A_790] {strides = array<i32>} : memref<128x128xf32, #tpu.memory_space<vmem>>, vector<1x16xf32>,
        %swap3A_792 = vector.shape_cast %swap3A_791 : vector<1x16xf32> to vector<16xf32>
        %swap3A_793 = vector.shape_cast %mul3A_788 : vector<16xf32> to vector<1x16xf32>
        tpu.vector_store %arg10[%swap3A_789, %swap3A_790], %swap3A_793 {strides = array<i32>} : memref<128x128xf32, #tpu.memory_space<vmem>>, vector<1x16xf32>,
        %get3A_794 = arith.index_cast %add3A_773 : i32 to index
        %get3A_795 = arith.constant 32 : index
        %get3A_796 = tpu.vector_load %arg10[%get3A_794, %get3A_795] {strides = array<i32>} : memref<128x128xf32, #tpu.memory_space<vmem>>, vector<1x16xf32>,
        %get3A_797 = vector.shape_cast %get3A_796 : vector<1x16xf32> to vector<16xf32>
        %mul3A_798 = arith.mulf %get3A_797, %broadcast_in_dim3A_769 : vector<16xf32>
        %swap3A_799 = arith.index_cast %add3A_773 : i32 to index
        %swap3A_800 = arith.constant 32 : index
        %swap3A_801 = tpu.vector_load %arg10[%swap3A_799, %swap3A_800] {strides = array<i32>} : memref<128x128xf32, #tpu.memory_space<vmem>>, vector<1x16xf32>,
        %swap3A_802 = vector.shape_cast %swap3A_801 : vector<1x16xf32> to vector<16xf32>
        %swap3A_803 = vector.shape_cast %mul3A_798 : vector<16xf32> to vector<1x16xf32>
        tpu.vector_store %arg10[%swap3A_799, %swap3A_800], %swap3A_803 {strides = array<i32>} : memref<128x128xf32, #tpu.memory_space<vmem>>, vector<1x16xf32>,
        %get3A_804 = arith.index_cast %add3A_773 : i32 to index
        %get3A_805 = arith.constant 48 : index
        %get3A_806 = tpu.vector_load %arg10[%get3A_804, %get3A_805] {strides = array<i32>} : memref<128x128xf32, #tpu.memory_space<vmem>>, vector<1x16xf32>,
        %get3A_807 = vector.shape_cast %get3A_806 : vector<1x16xf32> to vector<16xf32>
        %mul3A_808 = arith.mulf %get3A_807, %broadcast_in_dim3A_769 : vector<16xf32>
        %swap3A_809 = arith.index_cast %add3A_773 : i32 to index
        %swap3A_810 = arith.constant 48 : index
        %swap3A_811 = tpu.vector_load %arg10[%swap3A_809, %swap3A_810] {strides = array<i32>} : memref<128x128xf32, #tpu.memory_space<vmem>>, vector<1x16xf32>,
        %swap3A_812 = vector.shape_cast %swap3A_811 : vector<1x16xf32> to vector<16xf32>
        %swap3A_813 = vector.shape_cast %mul3A_808 : vector<16xf32> to vector<1x16xf32>
        tpu.vector_store %arg10[%swap3A_809, %swap3A_810], %swap3A_813 {strides = array<i32>} : memref<128x128xf32, #tpu.memory_space<vmem>>, vector<1x16xf32>,
        %get3A_814 = arith.index_cast %add3A_773 : i32 to index
        %get3A_815 = arith.constant 64 : index
        %get3A_816 = tpu.vector_load %arg10[%get3A_814, %get3A_815] {strides = array<i32>} : memref<128x128xf32, #tpu.memory_space<vmem>>, vector<1x16xf32>,
        %get3A_817 = vector.shape_cast %get3A_816 : vector<1x16xf32> to vector<16xf32>
        %mul3A_818 = arith.mulf %get3A_817, %broadcast_in_dim3A_769 : vector<16xf32>
        %swap3A_819 = arith.index_cast %add3A_773 : i32 to index
        %swap3A_820 = arith.constant 64 : index
        %swap3A_821 = tpu.vector_load %arg10[%swap3A_819, %swap3A_820] {strides = array<i32>} : memref<128x128xf32, #tpu.memory_space<vmem>>, vector<1x16xf32>,
        %swap3A_822 = vector.shape_cast %swap3A_821 : vector<1x16xf32> to vector<16xf32>
        %swap3A_823 = vector.shape_cast %mul3A_818 : vector<16xf32> to vector<1x16xf32>
        tpu.vector_store %arg10[%swap3A_819, %swap3A_820], %swap3A_823 {strides = array<i32>} : memref<128x128xf32, #tpu.memory_space<vmem>>, vector<1x16xf32>,
        %get3A_824 = arith.index_cast %add3A_773 : i32 to index
        %get3A_825 = arith.constant 80 : index
        %get3A_826 = tpu.vector_load %arg10[%get3A_824, %get3A_825] {strides = array<i32>} : memref<128x128xf32, #tpu.memory_space<vmem>>, vector<1x16xf32>,
        %get3A_827 = vector.shape_cast %get3A_826 : vector<1x16xf32> to vector<16xf32>
        %mul3A_828 = arith.mulf %get3A_827, %broadcast_in_dim3A_769 : vector<16xf32>
        %swap3A_829 = arith.index_cast %add3A_773 : i32 to index
        %swap3A_830 = arith.constant 80 : index
        %swap3A_831 = tpu.vector_load %arg10[%swap3A_829, %swap3A_830] {strides = array<i32>} : memref<128x128xf32, #tpu.memory_space<vmem>>, vector<1x16xf32>,
        %swap3A_832 = vector.shape_cast %swap3A_831 : vector<1x16xf32> to vector<16xf32>
        %swap3A_833 = vector.shape_cast %mul3A_828 : vector<16xf32> to vector<1x16xf32>
        tpu.vector_store %arg10[%swap3A_829, %swap3A_830], %swap3A_833 {strides = array<i32>} : memref<128x128xf32, #tpu.memory_space<vmem>>, vector<1x16xf32>,
        %get3A_834 = arith.index_cast %add3A_773 : i32 to index
        %get3A_835 = arith.constant 96 : index
        %get3A_836 = tpu.vector_load %arg10[%get3A_834, %get3A_835] {strides = array<i32>} : memref<128x128xf32, #tpu.memory_space<vmem>>, vector<1x16xf32>,
        %get3A_837 = vector.shape_cast %get3A_836 : vector<1x16xf32> to vector<16xf32>
        %mul3A_838 = arith.mulf %get3A_837, %broadcast_in_dim3A_769 : vector<16xf32>
        %swap3A_839 = arith.index_cast %add3A_773 : i32 to index
        %swap3A_840 = arith.constant 96 : index
        %swap3A_841 = tpu.vector_load %arg10[%swap3A_839, %swap3A_840] {strides = array<i32>} : memref<128x128xf32, #tpu.memory_space<vmem>>, vector<1x16xf32>,
        %swap3A_842 = vector.shape_cast %swap3A_841 : vector<1x16xf32> to vector<16xf32>
        %swap3A_843 = vector.shape_cast %mul3A_838 : vector<16xf32> to vector<1x16xf32>
        tpu.vector_store %arg10[%swap3A_839, %swap3A_840], %swap3A_843 {strides = array<i32>} : memref<128x128xf32, #tpu.memory_space<vmem>>, vector<1x16xf32>,
        %get3A_844 = arith.index_cast %add3A_773 : i32 to index
        %get3A_845 = arith.constant 112 : index
        %get3A_846 = tpu.vector_load %arg10[%get3A_844, %get3A_845] {strides = array<i32>} : memref<128x128xf32, #tpu.memory_space<vmem>>, vector<1x16xf32>,
        %get3A_847 = vector.shape_cast %get3A_846 : vector<1x16xf32> to vector<16xf32>
        %mul3A_848 = arith.mulf %get3A_847, %broadcast_in_dim3A_769 : vector<16xf32>
        %swap3A_849 = arith.index_cast %add3A_773 : i32 to index
        %swap3A_850 = arith.constant 112 : index
        %swap3A_851 = tpu.vector_load %arg10[%swap3A_849, %swap3A_850] {strides = array<i32>} : memref<128x128xf32, #tpu.memory_space<vmem>>, vector<1x16xf32>,
        %swap3A_852 = vector.shape_cast %swap3A_851 : vector<1x16xf32> to vector<16xf32>
        %swap3A_853 = vector.shape_cast %mul3A_848 : vector<16xf32> to vector<1x16xf32>
        tpu.vector_store %arg10[%swap3A_849, %swap3A_850], %swap3A_853 {strides = array<i32>} : memref<128x128xf32, #tpu.memory_space<vmem>>, vector<1x16xf32>,
        %slice3A_854 = vector.extract_strided_slice %get3A_74 {offsets = [9], sizes = [1], strides = [1]} : vector<16xf32> to vector<1xf32>
        %squeeze3A_855 = vector.extract %slice3A_854[0] : f32 from vector<1xf32>
        %broadcast_in_dim3A_856 = vector.broadcast %squeeze3A_855 : f32 to vector<16xf32>
        %mul3A_857 = arith.constant 16 : i32
        %mul3A_858 = arith.muli %scan3A_67, %mul3A_857 : i32
        %add3A_859 = arith.constant 9 : i32
        %add3A_860 = arith.addi %mul3A_858, %add3A_859 : i32
        %get3A_861 = arith.index_cast %add3A_860 : i32 to index
        %get3A_862 = arith.constant 0 : index
        %get3A_863 = tpu.vector_load %arg10[%get3A_861, %get3A_862] {strides = array<i32>} : memref<128x128xf32, #tpu.memory_space<vmem>>, vector<1x16xf32>,
        %get3A_864 = vector.shape_cast %get3A_863 : vector<1x16xf32> to vector<16xf32>
        %mul3A_865 = arith.mulf %get3A_864, %broadcast_in_dim3A_856 : vector<16xf32>
        %swap3A_866 = arith.index_cast %add3A_860 : i32 to index
        %swap3A_867 = arith.constant 0 : index
        %swap3A_868 = tpu.vector_load %arg10[%swap3A_866, %swap3A_867] {strides = array<i32>} : memref<128x128xf32, #tpu.memory_space<vmem>>, vector<1x16xf32>,
        %swap3A_869 = vector.shape_cast %swap3A_868 : vector<1x16xf32> to vector<16xf32>
        %swap3A_870 = vector.shape_cast %mul3A_865 : vector<16xf32> to vector<1x16xf32>
        tpu.vector_store %arg10[%swap3A_866, %swap3A_867], %swap3A_870 {strides = array<i32>} : memref<128x128xf32, #tpu.memory_space<vmem>>, vector<1x16xf32>,
        %get3A_871 = arith.index_cast %add3A_860 : i32 to index
        %get3A_872 = arith.constant 16 : index
        %get3A_873 = tpu.vector_load %arg10[%get3A_871, %get3A_872] {strides = array<i32>} : memref<128x128xf32, #tpu.memory_space<vmem>>, vector<1x16xf32>,
        %get3A_874 = vector.shape_cast %get3A_873 : vector<1x16xf32> to vector<16xf32>
        %mul3A_875 = arith.mulf %get3A_874, %broadcast_in_dim3A_856 : vector<16xf32>
        %swap3A_876 = arith.index_cast %add3A_860 : i32 to index
        %swap3A_877 = arith.constant 16 : index
        %swap3A_878 = tpu.vector_load %arg10[%swap3A_876, %swap3A_877] {strides = array<i32>} : memref<128x128xf32, #tpu.memory_space<vmem>>, vector<1x16xf32>,
        %swap3A_879 = vector.shape_cast %swap3A_878 : vector<1x16xf32> to vector<16xf32>
        %swap3A_880 = vector.shape_cast %mul3A_875 : vector<16xf32> to vector<1x16xf32>
        tpu.vector_store %arg10[%swap3A_876, %swap3A_877], %swap3A_880 {strides = array<i32>} : memref<128x128xf32, #tpu.memory_space<vmem>>, vector<1x16xf32>,
        %get3A_881 = arith.index_cast %add3A_860 : i32 to index
        %get3A_882 = arith.constant 32 : index
        %get3A_883 = tpu.vector_load %arg10[%get3A_881, %get3A_882] {strides = array<i32>} : memref<128x128xf32, #tpu.memory_space<vmem>>, vector<1x16xf32>,
        %get3A_884 = vector.shape_cast %get3A_883 : vector<1x16xf32> to vector<16xf32>
        %mul3A_885 = arith.mulf %get3A_884, %broadcast_in_dim3A_856 : vector<16xf32>
        %swap3A_886 = arith.index_cast %add3A_860 : i32 to index
        %swap3A_887 = arith.constant 32 : index
        %swap3A_888 = tpu.vector_load %arg10[%swap3A_886, %swap3A_887] {strides = array<i32>} : memref<128x128xf32, #tpu.memory_space<vmem>>, vector<1x16xf32>,
        %swap3A_889 = vector.shape_cast %swap3A_888 : vector<1x16xf32> to vector<16xf32>
        %swap3A_890 = vector.shape_cast %mul3A_885 : vector<16xf32> to vector<1x16xf32>
        tpu.vector_store %arg10[%swap3A_886, %swap3A_887], %swap3A_890 {strides = array<i32>} : memref<128x128xf32, #tpu.memory_space<vmem>>, vector<1x16xf32>,
        %get3A_891 = arith.index_cast %add3A_860 : i32 to index
        %get3A_892 = arith.constant 48 : index
        %get3A_893 = tpu.vector_load %arg10[%get3A_891, %get3A_892] {strides = array<i32>} : memref<128x128xf32, #tpu.memory_space<vmem>>, vector<1x16xf32>,
        %get3A_894 = vector.shape_cast %get3A_893 : vector<1x16xf32> to vector<16xf32>
        %mul3A_895 = arith.mulf %get3A_894, %broadcast_in_dim3A_856 : vector<16xf32>
        %swap3A_896 = arith.index_cast %add3A_860 : i32 to index
        %swap3A_897 = arith.constant 48 : index
        %swap3A_898 = tpu.vector_load %arg10[%swap3A_896, %swap3A_897] {strides = array<i32>} : memref<128x128xf32, #tpu.memory_space<vmem>>, vector<1x16xf32>,
        %swap3A_899 = vector.shape_cast %swap3A_898 : vector<1x16xf32> to vector<16xf32>
        %swap3A_900 = vector.shape_cast %mul3A_895 : vector<16xf32> to vector<1x16xf32>
        tpu.vector_store %arg10[%swap3A_896, %swap3A_897], %swap3A_900 {strides = array<i32>} : memref<128x128xf32, #tpu.memory_space<vmem>>, vector<1x16xf32>,
        %get3A_901 = arith.index_cast %add3A_860 : i32 to index
        %get3A_902 = arith.constant 64 : index
        %get3A_903 = tpu.vector_load %arg10[%get3A_901, %get3A_902] {strides = array<i32>} : memref<128x128xf32, #tpu.memory_space<vmem>>, vector<1x16xf32>,
        %get3A_904 = vector.shape_cast %get3A_903 : vector<1x16xf32> to vector<16xf32>
        %mul3A_905 = arith.mulf %get3A_904, %broadcast_in_dim3A_856 : vector<16xf32>
        %swap3A_906 = arith.index_cast %add3A_860 : i32 to index
        %swap3A_907 = arith.constant 64 : index
        %swap3A_908 = tpu.vector_load %arg10[%swap3A_906, %swap3A_907] {strides = array<i32>} : memref<128x128xf32, #tpu.memory_space<vmem>>, vector<1x16xf32>,
        %swap3A_909 = vector.shape_cast %swap3A_908 : vector<1x16xf32> to vector<16xf32>
        %swap3A_910 = vector.shape_cast %mul3A_905 : vector<16xf32> to vector<1x16xf32>
        tpu.vector_store %arg10[%swap3A_906, %swap3A_907], %swap3A_910 {strides = array<i32>} : memref<128x128xf32, #tpu.memory_space<vmem>>, vector<1x16xf32>,
        %get3A_911 = arith.index_cast %add3A_860 : i32 to index
        %get3A_912 = arith.constant 80 : index
        %get3A_913 = tpu.vector_load %arg10[%get3A_911, %get3A_912] {strides = array<i32>} : memref<128x128xf32, #tpu.memory_space<vmem>>, vector<1x16xf32>,
        %get3A_914 = vector.shape_cast %get3A_913 : vector<1x16xf32> to vector<16xf32>
        %mul3A_915 = arith.mulf %get3A_914, %broadcast_in_dim3A_856 : vector<16xf32>
        %swap3A_916 = arith.index_cast %add3A_860 : i32 to index
        %swap3A_917 = arith.constant 80 : index
        %swap3A_918 = tpu.vector_load %arg10[%swap3A_916, %swap3A_917] {strides = array<i32>} : memref<128x128xf32, #tpu.memory_space<vmem>>, vector<1x16xf32>,
        %swap3A_919 = vector.shape_cast %swap3A_918 : vector<1x16xf32> to vector<16xf32>
        %swap3A_920 = vector.shape_cast %mul3A_915 : vector<16xf32> to vector<1x16xf32>
        tpu.vector_store %arg10[%swap3A_916, %swap3A_917], %swap3A_920 {strides = array<i32>} : memref<128x128xf32, #tpu.memory_space<vmem>>, vector<1x16xf32>,
        %get3A_921 = arith.index_cast %add3A_860 : i32 to index
        %get3A_922 = arith.constant 96 : index
        %get3A_923 = tpu.vector_load %arg10[%get3A_921, %get3A_922] {strides = array<i32>} : memref<128x128xf32, #tpu.memory_space<vmem>>, vector<1x16xf32>,
        %get3A_924 = vector.shape_cast %get3A_923 : vector<1x16xf32> to vector<16xf32>
        %mul3A_925 = arith.mulf %get3A_924, %broadcast_in_dim3A_856 : vector<16xf32>
        %swap3A_926 = arith.index_cast %add3A_860 : i32 to index
        %swap3A_927 = arith.constant 96 : index
        %swap3A_928 = tpu.vector_load %arg10[%swap3A_926, %swap3A_927] {strides = array<i32>} : memref<128x128xf32, #tpu.memory_space<vmem>>, vector<1x16xf32>,
        %swap3A_929 = vector.shape_cast %swap3A_928 : vector<1x16xf32> to vector<16xf32>
        %swap3A_930 = vector.shape_cast %mul3A_925 : vector<16xf32> to vector<1x16xf32>
        tpu.vector_store %arg10[%swap3A_926, %swap3A_927], %swap3A_930 {strides = array<i32>} : memref<128x128xf32, #tpu.memory_space<vmem>>, vector<1x16xf32>,
        %get3A_931 = arith.index_cast %add3A_860 : i32 to index
        %get3A_932 = arith.constant 112 : index
        %get3A_933 = tpu.vector_load %arg10[%get3A_931, %get3A_932] {strides = array<i32>} : memref<128x128xf32, #tpu.memory_space<vmem>>, vector<1x16xf32>,
        %get3A_934 = vector.shape_cast %get3A_933 : vector<1x16xf32> to vector<16xf32>
        %mul3A_935 = arith.mulf %get3A_934, %broadcast_in_dim3A_856 : vector<16xf32>
        %swap3A_936 = arith.index_cast %add3A_860 : i32 to index
        %swap3A_937 = arith.constant 112 : index
        %swap3A_938 = tpu.vector_load %arg10[%swap3A_936, %swap3A_937] {strides = array<i32>} : memref<128x128xf32, #tpu.memory_space<vmem>>, vector<1x16xf32>,
        %swap3A_939 = vector.shape_cast %swap3A_938 : vector<1x16xf32> to vector<16xf32>
        %swap3A_940 = vector.shape_cast %mul3A_935 : vector<16xf32> to vector<1x16xf32>
        tpu.vector_store %arg10[%swap3A_936, %swap3A_937], %swap3A_940 {strides = array<i32>} : memref<128x128xf32, #tpu.memory_space<vmem>>, vector<1x16xf32>,
        %slice3A_941 = vector.extract_strided_slice %get3A_74 {offsets = [10], sizes = [1], strides = [1]} : vector<16xf32> to vector<1xf32>
        %squeeze3A_942 = vector.extract %slice3A_941[0] : f32 from vector<1xf32>
        %broadcast_in_dim3A_943 = vector.broadcast %squeeze3A_942 : f32 to vector<16xf32>
        %mul3A_944 = arith.constant 16 : i32
        %mul3A_945 = arith.muli %scan3A_67, %mul3A_944 : i32
        %add3A_946 = arith.constant 10 : i32
        %add3A_947 = arith.addi %mul3A_945, %add3A_946 : i32
        %get3A_948 = arith.index_cast %add3A_947 : i32 to index
        %get3A_949 = arith.constant 0 : index
        %get3A_950 = tpu.vector_load %arg10[%get3A_948, %get3A_949] {strides = array<i32>} : memref<128x128xf32, #tpu.memory_space<vmem>>, vector<1x16xf32>,
        %get3A_951 = vector.shape_cast %get3A_950 : vector<1x16xf32> to vector<16xf32>
        %mul3A_952 = arith.mulf %get3A_951, %broadcast_in_dim3A_943 : vector<16xf32>
        %swap3A_953 = arith.index_cast %add3A_947 : i32 to index
        %swap3A_954 = arith.constant 0 : index
        %swap3A_955 = tpu.vector_load %arg10[%swap3A_953, %swap3A_954] {strides = array<i32>} : memref<128x128xf32, #tpu.memory_space<vmem>>, vector<1x16xf32>,
        %swap3A_956 = vector.shape_cast %swap3A_955 : vector<1x16xf32> to vector<16xf32>
        %swap3A_957 = vector.shape_cast %mul3A_952 : vector<16xf32> to vector<1x16xf32>
        tpu.vector_store %arg10[%swap3A_953, %swap3A_954], %swap3A_957 {strides = array<i32>} : memref<128x128xf32, #tpu.memory_space<vmem>>, vector<1x16xf32>,
        %get3A_958 = arith.index_cast %add3A_947 : i32 to index
        %get3A_959 = arith.constant 16 : index
        %get3A_960 = tpu.vector_load %arg10[%get3A_958, %get3A_959] {strides = array<i32>} : memref<128x128xf32, #tpu.memory_space<vmem>>, vector<1x16xf32>,
        %get3A_961 = vector.shape_cast %get3A_960 : vector<1x16xf32> to vector<16xf32>
        %mul3A_962 = arith.mulf %get3A_961, %broadcast_in_dim3A_943 : vector<16xf32>
        %swap3A_963 = arith.index_cast %add3A_947 : i32 to index
        %swap3A_964 = arith.constant 16 : index
        %swap3A_965 = tpu.vector_load %arg10[%swap3A_963, %swap3A_964] {strides = array<i32>} : memref<128x128xf32, #tpu.memory_space<vmem>>, vector<1x16xf32>,
        %swap3A_966 = vector.shape_cast %swap3A_965 : vector<1x16xf32> to vector<16xf32>
        %swap3A_967 = vector.shape_cast %mul3A_962 : vector<16xf32> to vector<1x16xf32>
        tpu.vector_store %arg10[%swap3A_963, %swap3A_964], %swap3A_967 {strides = array<i32>} : memref<128x128xf32, #tpu.memory_space<vmem>>, vector<1x16xf32>,
        %get3A_968 = arith.index_cast %add3A_947 : i32 to index
        %get3A_969 = arith.constant 32 : index
        %get3A_970 = tpu.vector_load %arg10[%get3A_968, %get3A_969] {strides = array<i32>} : memref<128x128xf32, #tpu.memory_space<vmem>>, vector<1x16xf32>,
        %get3A_971 = vector.shape_cast %get3A_970 : vector<1x16xf32> to vector<16xf32>
        %mul3A_972 = arith.mulf %get3A_971, %broadcast_in_dim3A_943 : vector<16xf32>
        %swap3A_973 = arith.index_cast %add3A_947 : i32 to index
        %swap3A_974 = arith.constant 32 : index
        %swap3A_975 = tpu.vector_load %arg10[%swap3A_973, %swap3A_974] {strides = array<i32>} : memref<128x128xf32, #tpu.memory_space<vmem>>, vector<1x16xf32>,
        %swap3A_976 = vector.shape_cast %swap3A_975 : vector<1x16xf32> to vector<16xf32>
        %swap3A_977 = vector.shape_cast %mul3A_972 : vector<16xf32> to vector<1x16xf32>
        tpu.vector_store %arg10[%swap3A_973, %swap3A_974], %swap3A_977 {strides = array<i32>} : memref<128x128xf32, #tpu.memory_space<vmem>>, vector<1x16xf32>,
        %get3A_978 = arith.index_cast %add3A_947 : i32 to index
        %get3A_979 = arith.constant 48 : index
        %get3A_980 = tpu.vector_load %arg10[%get3A_978, %get3A_979] {strides = array<i32>} : memref<128x128xf32, #tpu.memory_space<vmem>>, vector<1x16xf32>,
        %get3A_981 = vector.shape_cast %get3A_980 : vector<1x16xf32> to vector<16xf32>
        %mul3A_982 = arith.mulf %get3A_981, %broadcast_in_dim3A_943 : vector<16xf32>
        %swap3A_983 = arith.index_cast %add3A_947 : i32 to index
        %swap3A_984 = arith.constant 48 : index
        %swap3A_985 = tpu.vector_load %arg10[%swap3A_983, %swap3A_984] {strides = array<i32>} : memref<128x128xf32, #tpu.memory_space<vmem>>, vector<1x16xf32>,
        %swap3A_986 = vector.shape_cast %swap3A_985 : vector<1x16xf32> to vector<16xf32>
        %swap3A_987 = vector.shape_cast %mul3A_982 : vector<16xf32> to vector<1x16xf32>
        tpu.vector_store %arg10[%swap3A_983, %swap3A_984], %swap3A_987 {strides = array<i32>} : memref<128x128xf32, #tpu.memory_space<vmem>>, vector<1x16xf32>,
        %get3A_988 = arith.index_cast %add3A_947 : i32 to index
        %get3A_989 = arith.constant 64 : index
        %get3A_990 = tpu.vector_load %arg10[%get3A_988, %get3A_989] {strides = array<i32>} : memref<128x128xf32, #tpu.memory_space<vmem>>, vector<1x16xf32>,
        %get3A_991 = vector.shape_cast %get3A_990 : vector<1x16xf32> to vector<16xf32>
        %mul3A_992 = arith.mulf %get3A_991, %broadcast_in_dim3A_943 : vector<16xf32>
        %swap3A_993 = arith.index_cast %add3A_947 : i32 to index
        %swap3A_994 = arith.constant 64 : index
        %swap3A_995 = tpu.vector_load %arg10[%swap3A_993, %swap3A_994] {strides = array<i32>} : memref<128x128xf32, #tpu.memory_space<vmem>>, vector<1x16xf32>,
        %swap3A_996 = vector.shape_cast %swap3A_995 : vector<1x16xf32> to vector<16xf32>
        %swap3A_997 = vector.shape_cast %mul3A_992 : vector<16xf32> to vector<1x16xf32>
        tpu.vector_store %arg10[%swap3A_993, %swap3A_994], %swap3A_997 {strides = array<i32>} : memref<128x128xf32, #tpu.memory_space<vmem>>, vector<1x16xf32>,
        %get3A_998 = arith.index_cast %add3A_947 : i32 to index
        %get3A_999 = arith.constant 80 : index
        %get3A_1000 = tpu.vector_load %arg10[%get3A_998, %get3A_999] {strides = array<i32>} : memref<128x128xf32, #tpu.memory_space<vmem>>, vector<1x16xf32>,
        %get3A_1001 = vector.shape_cast %get3A_1000 : vector<1x16xf32> to vector<16xf32>
        %mul3A_1002 = arith.mulf %get3A_1001, %broadcast_in_dim3A_943 : vector<16xf32>
        %swap3A_1003 = arith.index_cast %add3A_947 : i32 to index
        %swap3A_1004 = arith.constant 80 : index
        %swap3A_1005 = tpu.vector_load %arg10[%swap3A_1003, %swap3A_1004] {strides = array<i32>} : memref<128x128xf32, #tpu.memory_space<vmem>>, vector<1x16xf32>,
        %swap3A_1006 = vector.shape_cast %swap3A_1005 : vector<1x16xf32> to vector<16xf32>
        %swap3A_1007 = vector.shape_cast %mul3A_1002 : vector<16xf32> to vector<1x16xf32>
        tpu.vector_store %arg10[%swap3A_1003, %swap3A_1004], %swap3A_1007 {strides = array<i32>} : memref<128x128xf32, #tpu.memory_space<vmem>>, vector<1x16xf32>,
        %get3A_1008 = arith.index_cast %add3A_947 : i32 to index
        %get3A_1009 = arith.constant 96 : index
        %get3A_1010 = tpu.vector_load %arg10[%get3A_1008, %get3A_1009] {strides = array<i32>} : memref<128x128xf32, #tpu.memory_space<vmem>>, vector<1x16xf32>,
        %get3A_1011 = vector.shape_cast %get3A_1010 : vector<1x16xf32> to vector<16xf32>
        %mul3A_1012 = arith.mulf %get3A_1011, %broadcast_in_dim3A_943 : vector<16xf32>
        %swap3A_1013 = arith.index_cast %add3A_947 : i32 to index
        %swap3A_1014 = arith.constant 96 : index
        %swap3A_1015 = tpu.vector_load %arg10[%swap3A_1013, %swap3A_1014] {strides = array<i32>} : memref<128x128xf32, #tpu.memory_space<vmem>>, vector<1x16xf32>,
        %swap3A_1016 = vector.shape_cast %swap3A_1015 : vector<1x16xf32> to vector<16xf32>
        %swap3A_1017 = vector.shape_cast %mul3A_1012 : vector<16xf32> to vector<1x16xf32>
        tpu.vector_store %arg10[%swap3A_1013, %swap3A_1014], %swap3A_1017 {strides = array<i32>} : memref<128x128xf32, #tpu.memory_space<vmem>>, vector<1x16xf32>,
        %get3A_1018 = arith.index_cast %add3A_947 : i32 to index
        %get3A_1019 = arith.constant 112 : index
        %get3A_1020 = tpu.vector_load %arg10[%get3A_1018, %get3A_1019] {strides = array<i32>} : memref<128x128xf32, #tpu.memory_space<vmem>>, vector<1x16xf32>,
        %get3A_1021 = vector.shape_cast %get3A_1020 : vector<1x16xf32> to vector<16xf32>
        %mul3A_1022 = arith.mulf %get3A_1021, %broadcast_in_dim3A_943 : vector<16xf32>
        %swap3A_1023 = arith.index_cast %add3A_947 : i32 to index
        %swap3A_1024 = arith.constant 112 : index
        %swap3A_1025 = tpu.vector_load %arg10[%swap3A_1023, %swap3A_1024] {strides = array<i32>} : memref<128x128xf32, #tpu.memory_space<vmem>>, vector<1x16xf32>,
        %swap3A_1026 = vector.shape_cast %swap3A_1025 : vector<1x16xf32> to vector<16xf32>
        %swap3A_1027 = vector.shape_cast %mul3A_1022 : vector<16xf32> to vector<1x16xf32>
        tpu.vector_store %arg10[%swap3A_1023, %swap3A_1024], %swap3A_1027 {strides = array<i32>} : memref<128x128xf32, #tpu.memory_space<vmem>>, vector<1x16xf32>,
        %slice3A_1028 = vector.extract_strided_slice %get3A_74 {offsets = [11], sizes = [1], strides = [1]} : vector<16xf32> to vector<1xf32>
        %squeeze3A_1029 = vector.extract %slice3A_1028[0] : f32 from vector<1xf32>
        %broadcast_in_dim3A_1030 = vector.broadcast %squeeze3A_1029 : f32 to vector<16xf32>
        %mul3A_1031 = arith.constant 16 : i32
        %mul3A_1032 = arith.muli %scan3A_67, %mul3A_1031 : i32
        %add3A_1033 = arith.constant 11 : i32
        %add3A_1034 = arith.addi %mul3A_1032, %add3A_1033 : i32
        %get3A_1035 = arith.index_cast %add3A_1034 : i32 to index
        %get3A_1036 = arith.constant 0 : index
        %get3A_1037 = tpu.vector_load %arg10[%get3A_1035, %get3A_1036] {strides = array<i32>} : memref<128x128xf32, #tpu.memory_space<vmem>>, vector<1x16xf32>,
        %get3A_1038 = vector.shape_cast %get3A_1037 : vector<1x16xf32> to vector<16xf32>
        %mul3A_1039 = arith.mulf %get3A_1038, %broadcast_in_dim3A_1030 : vector<16xf32>
        %swap3A_1040 = arith.index_cast %add3A_1034 : i32 to index
        %swap3A_1041 = arith.constant 0 : index
        %swap3A_1042 = tpu.vector_load %arg10[%swap3A_1040, %swap3A_1041] {strides = array<i32>} : memref<128x128xf32, #tpu.memory_space<vmem>>, vector<1x16xf32>,
        %swap3A_1043 = vector.shape_cast %swap3A_1042 : vector<1x16xf32> to vector<16xf32>
        %swap3A_1044 = vector.shape_cast %mul3A_1039 : vector<16xf32> to vector<1x16xf32>
        tpu.vector_store %arg10[%swap3A_1040, %swap3A_1041], %swap3A_1044 {strides = array<i32>} : memref<128x128xf32, #tpu.memory_space<vmem>>, vector<1x16xf32>,
        %get3A_1045 = arith.index_cast %add3A_1034 : i32 to index
        %get3A_1046 = arith.constant 16 : index
        %get3A_1047 = tpu.vector_load %arg10[%get3A_1045, %get3A_1046] {strides = array<i32>} : memref<128x128xf32, #tpu.memory_space<vmem>>, vector<1x16xf32>,
        %get3A_1048 = vector.shape_cast %get3A_1047 : vector<1x16xf32> to vector<16xf32>
        %mul3A_1049 = arith.mulf %get3A_1048, %broadcast_in_dim3A_1030 : vector<16xf32>
        %swap3A_1050 = arith.index_cast %add3A_1034 : i32 to index
        %swap3A_1051 = arith.constant 16 : index
        %swap3A_1052 = tpu.vector_load %arg10[%swap3A_1050, %swap3A_1051] {strides = array<i32>} : memref<128x128xf32, #tpu.memory_space<vmem>>, vector<1x16xf32>,
        %swap3A_1053 = vector.shape_cast %swap3A_1052 : vector<1x16xf32> to vector<16xf32>
        %swap3A_1054 = vector.shape_cast %mul3A_1049 : vector<16xf32> to vector<1x16xf32>
        tpu.vector_store %arg10[%swap3A_1050, %swap3A_1051], %swap3A_1054 {strides = array<i32>} : memref<128x128xf32, #tpu.memory_space<vmem>>, vector<1x16xf32>,
        %get3A_1055 = arith.index_cast %add3A_1034 : i32 to index
        %get3A_1056 = arith.constant 32 : index
        %get3A_1057 = tpu.vector_load %arg10[%get3A_1055, %get3A_1056] {strides = array<i32>} : memref<128x128xf32, #tpu.memory_space<vmem>>, vector<1x16xf32>,
        %get3A_1058 = vector.shape_cast %get3A_1057 : vector<1x16xf32> to vector<16xf32>
        %mul3A_1059 = arith.mulf %get3A_1058, %broadcast_in_dim3A_1030 : vector<16xf32>
        %swap3A_1060 = arith.index_cast %add3A_1034 : i32 to index
        %swap3A_1061 = arith.constant 32 : index
        %swap3A_1062 = tpu.vector_load %arg10[%swap3A_1060, %swap3A_1061] {strides = array<i32>} : memref<128x128xf32, #tpu.memory_space<vmem>>, vector<1x16xf32>,
        %swap3A_1063 = vector.shape_cast %swap3A_1062 : vector<1x16xf32> to vector<16xf32>
        %swap3A_1064 = vector.shape_cast %mul3A_1059 : vector<16xf32> to vector<1x16xf32>
        tpu.vector_store %arg10[%swap3A_1060, %swap3A_1061], %swap3A_1064 {strides = array<i32>} : memref<128x128xf32, #tpu.memory_space<vmem>>, vector<1x16xf32>,
        %get3A_1065 = arith.index_cast %add3A_1034 : i32 to index
        %get3A_1066 = arith.constant 48 : index
        %get3A_1067 = tpu.vector_load %arg10[%get3A_1065, %get3A_1066] {strides = array<i32>} : memref<128x128xf32, #tpu.memory_space<vmem>>, vector<1x16xf32>,
        %get3A_1068 = vector.shape_cast %get3A_1067 : vector<1x16xf32> to vector<16xf32>
        %mul3A_1069 = arith.mulf %get3A_1068, %broadcast_in_dim3A_1030 : vector<16xf32>
        %swap3A_1070 = arith.index_cast %add3A_1034 : i32 to index
        %swap3A_1071 = arith.constant 48 : index
        %swap3A_1072 = tpu.vector_load %arg10[%swap3A_1070, %swap3A_1071] {strides = array<i32>} : memref<128x128xf32, #tpu.memory_space<vmem>>, vector<1x16xf32>,
        %swap3A_1073 = vector.shape_cast %swap3A_1072 : vector<1x16xf32> to vector<16xf32>
        %swap3A_1074 = vector.shape_cast %mul3A_1069 : vector<16xf32> to vector<1x16xf32>
        tpu.vector_store %arg10[%swap3A_1070, %swap3A_1071], %swap3A_1074 {strides = array<i32>} : memref<128x128xf32, #tpu.memory_space<vmem>>, vector<1x16xf32>,
        %get3A_1075 = arith.index_cast %add3A_1034 : i32 to index
        %get3A_1076 = arith.constant 64 : index
        %get3A_1077 = tpu.vector_load %arg10[%get3A_1075, %get3A_1076] {strides = array<i32>} : memref<128x128xf32, #tpu.memory_space<vmem>>, vector<1x16xf32>,
        %get3A_1078 = vector.shape_cast %get3A_1077 : vector<1x16xf32> to vector<16xf32>
        %mul3A_1079 = arith.mulf %get3A_1078, %broadcast_in_dim3A_1030 : vector<16xf32>
        %swap3A_1080 = arith.index_cast %add3A_1034 : i32 to index
        %swap3A_1081 = arith.constant 64 : index
        %swap3A_1082 = tpu.vector_load %arg10[%swap3A_1080, %swap3A_1081] {strides = array<i32>} : memref<128x128xf32, #tpu.memory_space<vmem>>, vector<1x16xf32>,
        %swap3A_1083 = vector.shape_cast %swap3A_1082 : vector<1x16xf32> to vector<16xf32>
        %swap3A_1084 = vector.shape_cast %mul3A_1079 : vector<16xf32> to vector<1x16xf32>
        tpu.vector_store %arg10[%swap3A_1080, %swap3A_1081], %swap3A_1084 {strides = array<i32>} : memref<128x128xf32, #tpu.memory_space<vmem>>, vector<1x16xf32>,
        %get3A_1085 = arith.index_cast %add3A_1034 : i32 to index
        %get3A_1086 = arith.constant 80 : index
        %get3A_1087 = tpu.vector_load %arg10[%get3A_1085, %get3A_1086] {strides = array<i32>} : memref<128x128xf32, #tpu.memory_space<vmem>>, vector<1x16xf32>,
        %get3A_1088 = vector.shape_cast %get3A_1087 : vector<1x16xf32> to vector<16xf32>
        %mul3A_1089 = arith.mulf %get3A_1088, %broadcast_in_dim3A_1030 : vector<16xf32>
        %swap3A_1090 = arith.index_cast %add3A_1034 : i32 to index
        %swap3A_1091 = arith.constant 80 : index
        %swap3A_1092 = tpu.vector_load %arg10[%swap3A_1090, %swap3A_1091] {strides = array<i32>} : memref<128x128xf32, #tpu.memory_space<vmem>>, vector<1x16xf32>,
        %swap3A_1093 = vector.shape_cast %swap3A_1092 : vector<1x16xf32> to vector<16xf32>
        %swap3A_1094 = vector.shape_cast %mul3A_1089 : vector<16xf32> to vector<1x16xf32>
        tpu.vector_store %arg10[%swap3A_1090, %swap3A_1091], %swap3A_1094 {strides = array<i32>} : memref<128x128xf32, #tpu.memory_space<vmem>>, vector<1x16xf32>,
        %get3A_1095 = arith.index_cast %add3A_1034 : i32 to index
        %get3A_1096 = arith.constant 96 : index
        %get3A_1097 = tpu.vector_load %arg10[%get3A_1095, %get3A_1096] {strides = array<i32>} : memref<128x128xf32, #tpu.memory_space<vmem>>, vector<1x16xf32>,
        %get3A_1098 = vector.shape_cast %get3A_1097 : vector<1x16xf32> to vector<16xf32>
        %mul3A_1099 = arith.mulf %get3A_1098, %broadcast_in_dim3A_1030 : vector<16xf32>
        %swap3A_1100 = arith.index_cast %add3A_1034 : i32 to index
        %swap3A_1101 = arith.constant 96 : index
        %swap3A_1102 = tpu.vector_load %arg10[%swap3A_1100, %swap3A_1101] {strides = array<i32>} : memref<128x128xf32, #tpu.memory_space<vmem>>, vector<1x16xf32>,
        %swap3A_1103 = vector.shape_cast %swap3A_1102 : vector<1x16xf32> to vector<16xf32>
        %swap3A_1104 = vector.shape_cast %mul3A_1099 : vector<16xf32> to vector<1x16xf32>
        tpu.vector_store %arg10[%swap3A_1100, %swap3A_1101], %swap3A_1104 {strides = array<i32>} : memref<128x128xf32, #tpu.memory_space<vmem>>, vector<1x16xf32>,
        %get3A_1105 = arith.index_cast %add3A_1034 : i32 to index
        %get3A_1106 = arith.constant 112 : index
        %get3A_1107 = tpu.vector_load %arg10[%get3A_1105, %get3A_1106] {strides = array<i32>} : memref<128x128xf32, #tpu.memory_space<vmem>>, vector<1x16xf32>,
        %get3A_1108 = vector.shape_cast %get3A_1107 : vector<1x16xf32> to vector<16xf32>
        %mul3A_1109 = arith.mulf %get3A_1108, %broadcast_in_dim3A_1030 : vector<16xf32>
        %swap3A_1110 = arith.index_cast %add3A_1034 : i32 to index
        %swap3A_1111 = arith.constant 112 : index
        %swap3A_1112 = tpu.vector_load %arg10[%swap3A_1110, %swap3A_1111] {strides = array<i32>} : memref<128x128xf32, #tpu.memory_space<vmem>>, vector<1x16xf32>,
        %swap3A_1113 = vector.shape_cast %swap3A_1112 : vector<1x16xf32> to vector<16xf32>
        %swap3A_1114 = vector.shape_cast %mul3A_1109 : vector<16xf32> to vector<1x16xf32>
        tpu.vector_store %arg10[%swap3A_1110, %swap3A_1111], %swap3A_1114 {strides = array<i32>} : memref<128x128xf32, #tpu.memory_space<vmem>>, vector<1x16xf32>,
        %slice3A_1115 = vector.extract_strided_slice %get3A_74 {offsets = [12], sizes = [1], strides = [1]} : vector<16xf32> to vector<1xf32>
        %squeeze3A_1116 = vector.extract %slice3A_1115[0] : f32 from vector<1xf32>
        %broadcast_in_dim3A_1117 = vector.broadcast %squeeze3A_1116 : f32 to vector<16xf32>
        %mul3A_1118 = arith.constant 16 : i32
        %mul3A_1119 = arith.muli %scan3A_67, %mul3A_1118 : i32
        %add3A_1120 = arith.constant 12 : i32
        %add3A_1121 = arith.addi %mul3A_1119, %add3A_1120 : i32
        %get3A_1122 = arith.index_cast %add3A_1121 : i32 to index
        %get3A_1123 = arith.constant 0 : index
        %get3A_1124 = tpu.vector_load %arg10[%get3A_1122, %get3A_1123] {strides = array<i32>} : memref<128x128xf32, #tpu.memory_space<vmem>>, vector<1x16xf32>,
        %get3A_1125 = vector.shape_cast %get3A_1124 : vector<1x16xf32> to vector<16xf32>
        %mul3A_1126 = arith.mulf %get3A_1125, %broadcast_in_dim3A_1117 : vector<16xf32>
        %swap3A_1127 = arith.index_cast %add3A_1121 : i32 to index
        %swap3A_1128 = arith.constant 0 : index
        %swap3A_1129 = tpu.vector_load %arg10[%swap3A_1127, %swap3A_1128] {strides = array<i32>} : memref<128x128xf32, #tpu.memory_space<vmem>>, vector<1x16xf32>,
        %swap3A_1130 = vector.shape_cast %swap3A_1129 : vector<1x16xf32> to vector<16xf32>
        %swap3A_1131 = vector.shape_cast %mul3A_1126 : vector<16xf32> to vector<1x16xf32>
        tpu.vector_store %arg10[%swap3A_1127, %swap3A_1128], %swap3A_1131 {strides = array<i32>} : memref<128x128xf32, #tpu.memory_space<vmem>>, vector<1x16xf32>,
        %get3A_1132 = arith.index_cast %add3A_1121 : i32 to index
        %get3A_1133 = arith.constant 16 : index
        %get3A_1134 = tpu.vector_load %arg10[%get3A_1132, %get3A_1133] {strides = array<i32>} : memref<128x128xf32, #tpu.memory_space<vmem>>, vector<1x16xf32>,
        %get3A_1135 = vector.shape_cast %get3A_1134 : vector<1x16xf32> to vector<16xf32>
        %mul3A_1136 = arith.mulf %get3A_1135, %broadcast_in_dim3A_1117 : vector<16xf32>
        %swap3A_1137 = arith.index_cast %add3A_1121 : i32 to index
        %swap3A_1138 = arith.constant 16 : index
        %swap3A_1139 = tpu.vector_load %arg10[%swap3A_1137, %swap3A_1138] {strides = array<i32>} : memref<128x128xf32, #tpu.memory_space<vmem>>, vector<1x16xf32>,
        %swap3A_1140 = vector.shape_cast %swap3A_1139 : vector<1x16xf32> to vector<16xf32>
        %swap3A_1141 = vector.shape_cast %mul3A_1136 : vector<16xf32> to vector<1x16xf32>
        tpu.vector_store %arg10[%swap3A_1137, %swap3A_1138], %swap3A_1141 {strides = array<i32>} : memref<128x128xf32, #tpu.memory_space<vmem>>, vector<1x16xf32>,
        %get3A_1142 = arith.index_cast %add3A_1121 : i32 to index
        %get3A_1143 = arith.constant 32 : index
        %get3A_1144 = tpu.vector_load %arg10[%get3A_1142, %get3A_1143] {strides = array<i32>} : memref<128x128xf32, #tpu.memory_space<vmem>>, vector<1x16xf32>,
        %get3A_1145 = vector.shape_cast %get3A_1144 : vector<1x16xf32> to vector<16xf32>
        %mul3A_1146 = arith.mulf %get3A_1145, %broadcast_in_dim3A_1117 : vector<16xf32>
        %swap3A_1147 = arith.index_cast %add3A_1121 : i32 to index
        %swap3A_1148 = arith.constant 32 : index
        %swap3A_1149 = tpu.vector_load %arg10[%swap3A_1147, %swap3A_1148] {strides = array<i32>} : memref<128x128xf32, #tpu.memory_space<vmem>>, vector<1x16xf32>,
        %swap3A_1150 = vector.shape_cast %swap3A_1149 : vector<1x16xf32> to vector<16xf32>
        %swap3A_1151 = vector.shape_cast %mul3A_1146 : vector<16xf32> to vector<1x16xf32>
        tpu.vector_store %arg10[%swap3A_1147, %swap3A_1148], %swap3A_1151 {strides = array<i32>} : memref<128x128xf32, #tpu.memory_space<vmem>>, vector<1x16xf32>,
        %get3A_1152 = arith.index_cast %add3A_1121 : i32 to index
        %get3A_1153 = arith.constant 48 : index
        %get3A_1154 = tpu.vector_load %arg10[%get3A_1152, %get3A_1153] {strides = array<i32>} : memref<128x128xf32, #tpu.memory_space<vmem>>, vector<1x16xf32>,
        %get3A_1155 = vector.shape_cast %get3A_1154 : vector<1x16xf32> to vector<16xf32>
        %mul3A_1156 = arith.mulf %get3A_1155, %broadcast_in_dim3A_1117 : vector<16xf32>
        %swap3A_1157 = arith.index_cast %add3A_1121 : i32 to index
        %swap3A_1158 = arith.constant 48 : index
        %swap3A_1159 = tpu.vector_load %arg10[%swap3A_1157, %swap3A_1158] {strides = array<i32>} : memref<128x128xf32, #tpu.memory_space<vmem>>, vector<1x16xf32>,
        %swap3A_1160 = vector.shape_cast %swap3A_1159 : vector<1x16xf32> to vector<16xf32>
        %swap3A_1161 = vector.shape_cast %mul3A_1156 : vector<16xf32> to vector<1x16xf32>
        tpu.vector_store %arg10[%swap3A_1157, %swap3A_1158], %swap3A_1161 {strides = array<i32>} : memref<128x128xf32, #tpu.memory_space<vmem>>, vector<1x16xf32>,
        %get3A_1162 = arith.index_cast %add3A_1121 : i32 to index
        %get3A_1163 = arith.constant 64 : index
        %get3A_1164 = tpu.vector_load %arg10[%get3A_1162, %get3A_1163] {strides = array<i32>} : memref<128x128xf32, #tpu.memory_space<vmem>>, vector<1x16xf32>,
        %get3A_1165 = vector.shape_cast %get3A_1164 : vector<1x16xf32> to vector<16xf32>
        %mul3A_1166 = arith.mulf %get3A_1165, %broadcast_in_dim3A_1117 : vector<16xf32>
        %swap3A_1167 = arith.index_cast %add3A_1121 : i32 to index
        %swap3A_1168 = arith.constant 64 : index
        %swap3A_1169 = tpu.vector_load %arg10[%swap3A_1167, %swap3A_1168] {strides = array<i32>} : memref<128x128xf32, #tpu.memory_space<vmem>>, vector<1x16xf32>,
        %swap3A_1170 = vector.shape_cast %swap3A_1169 : vector<1x16xf32> to vector<16xf32>
        %swap3A_1171 = vector.shape_cast %mul3A_1166 : vector<16xf32> to vector<1x16xf32>
        tpu.vector_store %arg10[%swap3A_1167, %swap3A_1168], %swap3A_1171 {strides = array<i32>} : memref<128x128xf32, #tpu.memory_space<vmem>>, vector<1x16xf32>,
        %get3A_1172 = arith.index_cast %add3A_1121 : i32 to index
        %get3A_1173 = arith.constant 80 : index
        %get3A_1174 = tpu.vector_load %arg10[%get3A_1172, %get3A_1173] {strides = array<i32>} : memref<128x128xf32, #tpu.memory_space<vmem>>, vector<1x16xf32>,
        %get3A_1175 = vector.shape_cast %get3A_1174 : vector<1x16xf32> to vector<16xf32>
        %mul3A_1176 = arith.mulf %get3A_1175, %broadcast_in_dim3A_1117 : vector<16xf32>
        %swap3A_1177 = arith.index_cast %add3A_1121 : i32 to index
        %swap3A_1178 = arith.constant 80 : index
        %swap3A_1179 = tpu.vector_load %arg10[%swap3A_1177, %swap3A_1178] {strides = array<i32>} : memref<128x128xf32, #tpu.memory_space<vmem>>, vector<1x16xf32>,
        %swap3A_1180 = vector.shape_cast %swap3A_1179 : vector<1x16xf32> to vector<16xf32>
        %swap3A_1181 = vector.shape_cast %mul3A_1176 : vector<16xf32> to vector<1x16xf32>
        tpu.vector_store %arg10[%swap3A_1177, %swap3A_1178], %swap3A_1181 {strides = array<i32>} : memref<128x128xf32, #tpu.memory_space<vmem>>, vector<1x16xf32>,
        %get3A_1182 = arith.index_cast %add3A_1121 : i32 to index
        %get3A_1183 = arith.constant 96 : index
        %get3A_1184 = tpu.vector_load %arg10[%get3A_1182, %get3A_1183] {strides = array<i32>} : memref<128x128xf32, #tpu.memory_space<vmem>>, vector<1x16xf32>,
        %get3A_1185 = vector.shape_cast %get3A_1184 : vector<1x16xf32> to vector<16xf32>
        %mul3A_1186 = arith.mulf %get3A_1185, %broadcast_in_dim3A_1117 : vector<16xf32>
        %swap3A_1187 = arith.index_cast %add3A_1121 : i32 to index
        %swap3A_1188 = arith.constant 96 : index
        %swap3A_1189 = tpu.vector_load %arg10[%swap3A_1187, %swap3A_1188] {strides = array<i32>} : memref<128x128xf32, #tpu.memory_space<vmem>>, vector<1x16xf32>,
        %swap3A_1190 = vector.shape_cast %swap3A_1189 : vector<1x16xf32> to vector<16xf32>
        %swap3A_1191 = vector.shape_cast %mul3A_1186 : vector<16xf32> to vector<1x16xf32>
        tpu.vector_store %arg10[%swap3A_1187, %swap3A_1188], %swap3A_1191 {strides = array<i32>} : memref<128x128xf32, #tpu.memory_space<vmem>>, vector<1x16xf32>,
        %get3A_1192 = arith.index_cast %add3A_1121 : i32 to index
        %get3A_1193 = arith.constant 112 : index
        %get3A_1194 = tpu.vector_load %arg10[%get3A_1192, %get3A_1193] {strides = array<i32>} : memref<128x128xf32, #tpu.memory_space<vmem>>, vector<1x16xf32>,
        %get3A_1195 = vector.shape_cast %get3A_1194 : vector<1x16xf32> to vector<16xf32>
        %mul3A_1196 = arith.mulf %get3A_1195, %broadcast_in_dim3A_1117 : vector<16xf32>
        %swap3A_1197 = arith.index_cast %add3A_1121 : i32 to index
        %swap3A_1198 = arith.constant 112 : index
        %swap3A_1199 = tpu.vector_load %arg10[%swap3A_1197, %swap3A_1198] {strides = array<i32>} : memref<128x128xf32, #tpu.memory_space<vmem>>, vector<1x16xf32>,
        %swap3A_1200 = vector.shape_cast %swap3A_1199 : vector<1x16xf32> to vector<16xf32>
        %swap3A_1201 = vector.shape_cast %mul3A_1196 : vector<16xf32> to vector<1x16xf32>
        tpu.vector_store %arg10[%swap3A_1197, %swap3A_1198], %swap3A_1201 {strides = array<i32>} : memref<128x128xf32, #tpu.memory_space<vmem>>, vector<1x16xf32>,
        %slice3A_1202 = vector.extract_strided_slice %get3A_74 {offsets = [13], sizes = [1], strides = [1]} : vector<16xf32> to vector<1xf32>
        %squeeze3A_1203 = vector.extract %slice3A_1202[0] : f32 from vector<1xf32>
        %broadcast_in_dim3A_1204 = vector.broadcast %squeeze3A_1203 : f32 to vector<16xf32>
        %mul3A_1205 = arith.constant 16 : i32
        %mul3A_1206 = arith.muli %scan3A_67, %mul3A_1205 : i32
        %add3A_1207 = arith.constant 13 : i32
        %add3A_1208 = arith.addi %mul3A_1206, %add3A_1207 : i32
        %get3A_1209 = arith.index_cast %add3A_1208 : i32 to index
        %get3A_1210 = arith.constant 0 : index
        %get3A_1211 = tpu.vector_load %arg10[%get3A_1209, %get3A_1210] {strides = array<i32>} : memref<128x128xf32, #tpu.memory_space<vmem>>, vector<1x16xf32>,
        %get3A_1212 = vector.shape_cast %get3A_1211 : vector<1x16xf32> to vector<16xf32>
        %mul3A_1213 = arith.mulf %get3A_1212, %broadcast_in_dim3A_1204 : vector<16xf32>
        %swap3A_1214 = arith.index_cast %add3A_1208 : i32 to index
        %swap3A_1215 = arith.constant 0 : index
        %swap3A_1216 = tpu.vector_load %arg10[%swap3A_1214, %swap3A_1215] {strides = array<i32>} : memref<128x128xf32, #tpu.memory_space<vmem>>, vector<1x16xf32>,
        %swap3A_1217 = vector.shape_cast %swap3A_1216 : vector<1x16xf32> to vector<16xf32>
        %swap3A_1218 = vector.shape_cast %mul3A_1213 : vector<16xf32> to vector<1x16xf32>
        tpu.vector_store %arg10[%swap3A_1214, %swap3A_1215], %swap3A_1218 {strides = array<i32>} : memref<128x128xf32, #tpu.memory_space<vmem>>, vector<1x16xf32>,
        %get3A_1219 = arith.index_cast %add3A_1208 : i32 to index
        %get3A_1220 = arith.constant 16 : index
        %get3A_1221 = tpu.vector_load %arg10[%get3A_1219, %get3A_1220] {strides = array<i32>} : memref<128x128xf32, #tpu.memory_space<vmem>>, vector<1x16xf32>,
        %get3A_1222 = vector.shape_cast %get3A_1221 : vector<1x16xf32> to vector<16xf32>
        %mul3A_1223 = arith.mulf %get3A_1222, %broadcast_in_dim3A_1204 : vector<16xf32>
        %swap3A_1224 = arith.index_cast %add3A_1208 : i32 to index
        %swap3A_1225 = arith.constant 16 : index
        %swap3A_1226 = tpu.vector_load %arg10[%swap3A_1224, %swap3A_1225] {strides = array<i32>} : memref<128x128xf32, #tpu.memory_space<vmem>>, vector<1x16xf32>,
        %swap3A_1227 = vector.shape_cast %swap3A_1226 : vector<1x16xf32> to vector<16xf32>
        %swap3A_1228 = vector.shape_cast %mul3A_1223 : vector<16xf32> to vector<1x16xf32>
        tpu.vector_store %arg10[%swap3A_1224, %swap3A_1225], %swap3A_1228 {strides = array<i32>} : memref<128x128xf32, #tpu.memory_space<vmem>>, vector<1x16xf32>,
        %get3A_1229 = arith.index_cast %add3A_1208 : i32 to index
        %get3A_1230 = arith.constant 32 : index
        %get3A_1231 = tpu.vector_load %arg10[%get3A_1229, %get3A_1230] {strides = array<i32>} : memref<128x128xf32, #tpu.memory_space<vmem>>, vector<1x16xf32>,
        %get3A_1232 = vector.shape_cast %get3A_1231 : vector<1x16xf32> to vector<16xf32>
        %mul3A_1233 = arith.mulf %get3A_1232, %broadcast_in_dim3A_1204 : vector<16xf32>
        %swap3A_1234 = arith.index_cast %add3A_1208 : i32 to index
        %swap3A_1235 = arith.constant 32 : index
        %swap3A_1236 = tpu.vector_load %arg10[%swap3A_1234, %swap3A_1235] {strides = array<i32>} : memref<128x128xf32, #tpu.memory_space<vmem>>, vector<1x16xf32>,
        %swap3A_1237 = vector.shape_cast %swap3A_1236 : vector<1x16xf32> to vector<16xf32>
        %swap3A_1238 = vector.shape_cast %mul3A_1233 : vector<16xf32> to vector<1x16xf32>
        tpu.vector_store %arg10[%swap3A_1234, %swap3A_1235], %swap3A_1238 {strides = array<i32>} : memref<128x128xf32, #tpu.memory_space<vmem>>, vector<1x16xf32>,
        %get3A_1239 = arith.index_cast %add3A_1208 : i32 to index
        %get3A_1240 = arith.constant 48 : index
        %get3A_1241 = tpu.vector_load %arg10[%get3A_1239, %get3A_1240] {strides = array<i32>} : memref<128x128xf32, #tpu.memory_space<vmem>>, vector<1x16xf32>,
        %get3A_1242 = vector.shape_cast %get3A_1241 : vector<1x16xf32> to vector<16xf32>
        %mul3A_1243 = arith.mulf %get3A_1242, %broadcast_in_dim3A_1204 : vector<16xf32>
        %swap3A_1244 = arith.index_cast %add3A_1208 : i32 to index
        %swap3A_1245 = arith.constant 48 : index
        %swap3A_1246 = tpu.vector_load %arg10[%swap3A_1244, %swap3A_1245] {strides = array<i32>} : memref<128x128xf32, #tpu.memory_space<vmem>>, vector<1x16xf32>,
        %swap3A_1247 = vector.shape_cast %swap3A_1246 : vector<1x16xf32> to vector<16xf32>
        %swap3A_1248 = vector.shape_cast %mul3A_1243 : vector<16xf32> to vector<1x16xf32>
        tpu.vector_store %arg10[%swap3A_1244, %swap3A_1245], %swap3A_1248 {strides = array<i32>} : memref<128x128xf32, #tpu.memory_space<vmem>>, vector<1x16xf32>,
        %get3A_1249 = arith.index_cast %add3A_1208 : i32 to index
        %get3A_1250 = arith.constant 64 : index
        %get3A_1251 = tpu.vector_load %arg10[%get3A_1249, %get3A_1250] {strides = array<i32>} : memref<128x128xf32, #tpu.memory_space<vmem>>, vector<1x16xf32>,
        %get3A_1252 = vector.shape_cast %get3A_1251 : vector<1x16xf32> to vector<16xf32>
        %mul3A_1253 = arith.mulf %get3A_1252, %broadcast_in_dim3A_1204 : vector<16xf32>
        %swap3A_1254 = arith.index_cast %add3A_1208 : i32 to index
        %swap3A_1255 = arith.constant 64 : index
        %swap3A_1256 = tpu.vector_load %arg10[%swap3A_1254, %swap3A_1255] {strides = array<i32>} : memref<128x128xf32, #tpu.memory_space<vmem>>, vector<1x16xf32>,
        %swap3A_1257 = vector.shape_cast %swap3A_1256 : vector<1x16xf32> to vector<16xf32>
        %swap3A_1258 = vector.shape_cast %mul3A_1253 : vector<16xf32> to vector<1x16xf32>
        tpu.vector_store %arg10[%swap3A_1254, %swap3A_1255], %swap3A_1258 {strides = array<i32>} : memref<128x128xf32, #tpu.memory_space<vmem>>, vector<1x16xf32>,
        %get3A_1259 = arith.index_cast %add3A_1208 : i32 to index
        %get3A_1260 = arith.constant 80 : index
        %get3A_1261 = tpu.vector_load %arg10[%get3A_1259, %get3A_1260] {strides = array<i32>} : memref<128x128xf32, #tpu.memory_space<vmem>>, vector<1x16xf32>,
        %get3A_1262 = vector.shape_cast %get3A_1261 : vector<1x16xf32> to vector<16xf32>
        %mul3A_1263 = arith.mulf %get3A_1262, %broadcast_in_dim3A_1204 : vector<16xf32>
        %swap3A_1264 = arith.index_cast %add3A_1208 : i32 to index
        %swap3A_1265 = arith.constant 80 : index
        %swap3A_1266 = tpu.vector_load %arg10[%swap3A_1264, %swap3A_1265] {strides = array<i32>} : memref<128x128xf32, #tpu.memory_space<vmem>>, vector<1x16xf32>,
        %swap3A_1267 = vector.shape_cast %swap3A_1266 : vector<1x16xf32> to vector<16xf32>
        %swap3A_1268 = vector.shape_cast %mul3A_1263 : vector<16xf32> to vector<1x16xf32>
        tpu.vector_store %arg10[%swap3A_1264, %swap3A_1265], %swap3A_1268 {strides = array<i32>} : memref<128x128xf32, #tpu.memory_space<vmem>>, vector<1x16xf32>,
        %get3A_1269 = arith.index_cast %add3A_1208 : i32 to index
        %get3A_1270 = arith.constant 96 : index
        %get3A_1271 = tpu.vector_load %arg10[%get3A_1269, %get3A_1270] {strides = array<i32>} : memref<128x128xf32, #tpu.memory_space<vmem>>, vector<1x16xf32>,
        %get3A_1272 = vector.shape_cast %get3A_1271 : vector<1x16xf32> to vector<16xf32>
        %mul3A_1273 = arith.mulf %get3A_1272, %broadcast_in_dim3A_1204 : vector<16xf32>
        %swap3A_1274 = arith.index_cast %add3A_1208 : i32 to index
        %swap3A_1275 = arith.constant 96 : index
        %swap3A_1276 = tpu.vector_load %arg10[%swap3A_1274, %swap3A_1275] {strides = array<i32>} : memref<128x128xf32, #tpu.memory_space<vmem>>, vector<1x16xf32>,
        %swap3A_1277 = vector.shape_cast %swap3A_1276 : vector<1x16xf32> to vector<16xf32>
        %swap3A_1278 = vector.shape_cast %mul3A_1273 : vector<16xf32> to vector<1x16xf32>
        tpu.vector_store %arg10[%swap3A_1274, %swap3A_1275], %swap3A_1278 {strides = array<i32>} : memref<128x128xf32, #tpu.memory_space<vmem>>, vector<1x16xf32>,
        %get3A_1279 = arith.index_cast %add3A_1208 : i32 to index
        %get3A_1280 = arith.constant 112 : index
        %get3A_1281 = tpu.vector_load %arg10[%get3A_1279, %get3A_1280] {strides = array<i32>} : memref<128x128xf32, #tpu.memory_space<vmem>>, vector<1x16xf32>,
        %get3A_1282 = vector.shape_cast %get3A_1281 : vector<1x16xf32> to vector<16xf32>
        %mul3A_1283 = arith.mulf %get3A_1282, %broadcast_in_dim3A_1204 : vector<16xf32>
        %swap3A_1284 = arith.index_cast %add3A_1208 : i32 to index
        %swap3A_1285 = arith.constant 112 : index
        %swap3A_1286 = tpu.vector_load %arg10[%swap3A_1284, %swap3A_1285] {strides = array<i32>} : memref<128x128xf32, #tpu.memory_space<vmem>>, vector<1x16xf32>,
        %swap3A_1287 = vector.shape_cast %swap3A_1286 : vector<1x16xf32> to vector<16xf32>
        %swap3A_1288 = vector.shape_cast %mul3A_1283 : vector<16xf32> to vector<1x16xf32>
        tpu.vector_store %arg10[%swap3A_1284, %swap3A_1285], %swap3A_1288 {strides = array<i32>} : memref<128x128xf32, #tpu.memory_space<vmem>>, vector<1x16xf32>,
        %slice3A_1289 = vector.extract_strided_slice %get3A_74 {offsets = [14], sizes = [1], strides = [1]} : vector<16xf32> to vector<1xf32>
        %squeeze3A_1290 = vector.extract %slice3A_1289[0] : f32 from vector<1xf32>
        %broadcast_in_dim3A_1291 = vector.broadcast %squeeze3A_1290 : f32 to vector<16xf32>
        %mul3A_1292 = arith.constant 16 : i32
        %mul3A_1293 = arith.muli %scan3A_67, %mul3A_1292 : i32
        %add3A_1294 = arith.constant 14 : i32
        %add3A_1295 = arith.addi %mul3A_1293, %add3A_1294 : i32
        %get3A_1296 = arith.index_cast %add3A_1295 : i32 to index
        %get3A_1297 = arith.constant 0 : index
        %get3A_1298 = tpu.vector_load %arg10[%get3A_1296, %get3A_1297] {strides = array<i32>} : memref<128x128xf32, #tpu.memory_space<vmem>>, vector<1x16xf32>,
        %get3A_1299 = vector.shape_cast %get3A_1298 : vector<1x16xf32> to vector<16xf32>
        %mul3A_1300 = arith.mulf %get3A_1299, %broadcast_in_dim3A_1291 : vector<16xf32>
        %swap3A_1301 = arith.index_cast %add3A_1295 : i32 to index
        %swap3A_1302 = arith.constant 0 : index
        %swap3A_1303 = tpu.vector_load %arg10[%swap3A_1301, %swap3A_1302] {strides = array<i32>} : memref<128x128xf32, #tpu.memory_space<vmem>>, vector<1x16xf32>,
        %swap3A_1304 = vector.shape_cast %swap3A_1303 : vector<1x16xf32> to vector<16xf32>
        %swap3A_1305 = vector.shape_cast %mul3A_1300 : vector<16xf32> to vector<1x16xf32>
        tpu.vector_store %arg10[%swap3A_1301, %swap3A_1302], %swap3A_1305 {strides = array<i32>} : memref<128x128xf32, #tpu.memory_space<vmem>>, vector<1x16xf32>,
        %get3A_1306 = arith.index_cast %add3A_1295 : i32 to index
        %get3A_1307 = arith.constant 16 : index
        %get3A_1308 = tpu.vector_load %arg10[%get3A_1306, %get3A_1307] {strides = array<i32>} : memref<128x128xf32, #tpu.memory_space<vmem>>, vector<1x16xf32>,
        %get3A_1309 = vector.shape_cast %get3A_1308 : vector<1x16xf32> to vector<16xf32>
        %mul3A_1310 = arith.mulf %get3A_1309, %broadcast_in_dim3A_1291 : vector<16xf32>
        %swap3A_1311 = arith.index_cast %add3A_1295 : i32 to index
        %swap3A_1312 = arith.constant 16 : index
        %swap3A_1313 = tpu.vector_load %arg10[%swap3A_1311, %swap3A_1312] {strides = array<i32>} : memref<128x128xf32, #tpu.memory_space<vmem>>, vector<1x16xf32>,
        %swap3A_1314 = vector.shape_cast %swap3A_1313 : vector<1x16xf32> to vector<16xf32>
        %swap3A_1315 = vector.shape_cast %mul3A_1310 : vector<16xf32> to vector<1x16xf32>
        tpu.vector_store %arg10[%swap3A_1311, %swap3A_1312], %swap3A_1315 {strides = array<i32>} : memref<128x128xf32, #tpu.memory_space<vmem>>, vector<1x16xf32>,
        %get3A_1316 = arith.index_cast %add3A_1295 : i32 to index
        %get3A_1317 = arith.constant 32 : index
        %get3A_1318 = tpu.vector_load %arg10[%get3A_1316, %get3A_1317] {strides = array<i32>} : memref<128x128xf32, #tpu.memory_space<vmem>>, vector<1x16xf32>,
        %get3A_1319 = vector.shape_cast %get3A_1318 : vector<1x16xf32> to vector<16xf32>
        %mul3A_1320 = arith.mulf %get3A_1319, %broadcast_in_dim3A_1291 : vector<16xf32>
        %swap3A_1321 = arith.index_cast %add3A_1295 : i32 to index
        %swap3A_1322 = arith.constant 32 : index
        %swap3A_1323 = tpu.vector_load %arg10[%swap3A_1321, %swap3A_1322] {strides = array<i32>} : memref<128x128xf32, #tpu.memory_space<vmem>>, vector<1x16xf32>,
        %swap3A_1324 = vector.shape_cast %swap3A_1323 : vector<1x16xf32> to vector<16xf32>
        %swap3A_1325 = vector.shape_cast %mul3A_1320 : vector<16xf32> to vector<1x16xf32>
        tpu.vector_store %arg10[%swap3A_1321, %swap3A_1322], %swap3A_1325 {strides = array<i32>} : memref<128x128xf32, #tpu.memory_space<vmem>>, vector<1x16xf32>,
        %get3A_1326 = arith.index_cast %add3A_1295 : i32 to index
        %get3A_1327 = arith.constant 48 : index
        %get3A_1328 = tpu.vector_load %arg10[%get3A_1326, %get3A_1327] {strides = array<i32>} : memref<128x128xf32, #tpu.memory_space<vmem>>, vector<1x16xf32>,
        %get3A_1329 = vector.shape_cast %get3A_1328 : vector<1x16xf32> to vector<16xf32>
        %mul3A_1330 = arith.mulf %get3A_1329, %broadcast_in_dim3A_1291 : vector<16xf32>
        %swap3A_1331 = arith.index_cast %add3A_1295 : i32 to index
        %swap3A_1332 = arith.constant 48 : index
        %swap3A_1333 = tpu.vector_load %arg10[%swap3A_1331, %swap3A_1332] {strides = array<i32>} : memref<128x128xf32, #tpu.memory_space<vmem>>, vector<1x16xf32>,
        %swap3A_1334 = vector.shape_cast %swap3A_1333 : vector<1x16xf32> to vector<16xf32>
        %swap3A_1335 = vector.shape_cast %mul3A_1330 : vector<16xf32> to vector<1x16xf32>
        tpu.vector_store %arg10[%swap3A_1331, %swap3A_1332], %swap3A_1335 {strides = array<i32>} : memref<128x128xf32, #tpu.memory_space<vmem>>, vector<1x16xf32>,
        %get3A_1336 = arith.index_cast %add3A_1295 : i32 to index
        %get3A_1337 = arith.constant 64 : index
        %get3A_1338 = tpu.vector_load %arg10[%get3A_1336, %get3A_1337] {strides = array<i32>} : memref<128x128xf32, #tpu.memory_space<vmem>>, vector<1x16xf32>,
        %get3A_1339 = vector.shape_cast %get3A_1338 : vector<1x16xf32> to vector<16xf32>
        %mul3A_1340 = arith.mulf %get3A_1339, %broadcast_in_dim3A_1291 : vector<16xf32>
        %swap3A_1341 = arith.index_cast %add3A_1295 : i32 to index
        %swap3A_1342 = arith.constant 64 : index
        %swap3A_1343 = tpu.vector_load %arg10[%swap3A_1341, %swap3A_1342] {strides = array<i32>} : memref<128x128xf32, #tpu.memory_space<vmem>>, vector<1x16xf32>,
        %swap3A_1344 = vector.shape_cast %swap3A_1343 : vector<1x16xf32> to vector<16xf32>
        %swap3A_1345 = vector.shape_cast %mul3A_1340 : vector<16xf32> to vector<1x16xf32>
        tpu.vector_store %arg10[%swap3A_1341, %swap3A_1342], %swap3A_1345 {strides = array<i32>} : memref<128x128xf32, #tpu.memory_space<vmem>>, vector<1x16xf32>,
        %get3A_1346 = arith.index_cast %add3A_1295 : i32 to index
        %get3A_1347 = arith.constant 80 : index
        %get3A_1348 = tpu.vector_load %arg10[%get3A_1346, %get3A_1347] {strides = array<i32>} : memref<128x128xf32, #tpu.memory_space<vmem>>, vector<1x16xf32>,
        %get3A_1349 = vector.shape_cast %get3A_1348 : vector<1x16xf32> to vector<16xf32>
        %mul3A_1350 = arith.mulf %get3A_1349, %broadcast_in_dim3A_1291 : vector<16xf32>
        %swap3A_1351 = arith.index_cast %add3A_1295 : i32 to index
        %swap3A_1352 = arith.constant 80 : index
        %swap3A_1353 = tpu.vector_load %arg10[%swap3A_1351, %swap3A_1352] {strides = array<i32>} : memref<128x128xf32, #tpu.memory_space<vmem>>, vector<1x16xf32>,
        %swap3A_1354 = vector.shape_cast %swap3A_1353 : vector<1x16xf32> to vector<16xf32>
        %swap3A_1355 = vector.shape_cast %mul3A_1350 : vector<16xf32> to vector<1x16xf32>
        tpu.vector_store %arg10[%swap3A_1351, %swap3A_1352], %swap3A_1355 {strides = array<i32>} : memref<128x128xf32, #tpu.memory_space<vmem>>, vector<1x16xf32>,
        %get3A_1356 = arith.index_cast %add3A_1295 : i32 to index
        %get3A_1357 = arith.constant 96 : index
        %get3A_1358 = tpu.vector_load %arg10[%get3A_1356, %get3A_1357] {strides = array<i32>} : memref<128x128xf32, #tpu.memory_space<vmem>>, vector<1x16xf32>,
        %get3A_1359 = vector.shape_cast %get3A_1358 : vector<1x16xf32> to vector<16xf32>
        %mul3A_1360 = arith.mulf %get3A_1359, %broadcast_in_dim3A_1291 : vector<16xf32>
        %swap3A_1361 = arith.index_cast %add3A_1295 : i32 to index
        %swap3A_1362 = arith.constant 96 : index
        %swap3A_1363 = tpu.vector_load %arg10[%swap3A_1361, %swap3A_1362] {strides = array<i32>} : memref<128x128xf32, #tpu.memory_space<vmem>>, vector<1x16xf32>,
        %swap3A_1364 = vector.shape_cast %swap3A_1363 : vector<1x16xf32> to vector<16xf32>
        %swap3A_1365 = vector.shape_cast %mul3A_1360 : vector<16xf32> to vector<1x16xf32>
        tpu.vector_store %arg10[%swap3A_1361, %swap3A_1362], %swap3A_1365 {strides = array<i32>} : memref<128x128xf32, #tpu.memory_space<vmem>>, vector<1x16xf32>,
        %get3A_1366 = arith.index_cast %add3A_1295 : i32 to index
        %get3A_1367 = arith.constant 112 : index
        %get3A_1368 = tpu.vector_load %arg10[%get3A_1366, %get3A_1367] {strides = array<i32>} : memref<128x128xf32, #tpu.memory_space<vmem>>, vector<1x16xf32>,
        %get3A_1369 = vector.shape_cast %get3A_1368 : vector<1x16xf32> to vector<16xf32>
        %mul3A_1370 = arith.mulf %get3A_1369, %broadcast_in_dim3A_1291 : vector<16xf32>
        %swap3A_1371 = arith.index_cast %add3A_1295 : i32 to index
        %swap3A_1372 = arith.constant 112 : index
        %swap3A_1373 = tpu.vector_load %arg10[%swap3A_1371, %swap3A_1372] {strides = array<i32>} : memref<128x128xf32, #tpu.memory_space<vmem>>, vector<1x16xf32>,
        %swap3A_1374 = vector.shape_cast %swap3A_1373 : vector<1x16xf32> to vector<16xf32>
        %swap3A_1375 = vector.shape_cast %mul3A_1370 : vector<16xf32> to vector<1x16xf32>
        tpu.vector_store %arg10[%swap3A_1371, %swap3A_1372], %swap3A_1375 {strides = array<i32>} : memref<128x128xf32, #tpu.memory_space<vmem>>, vector<1x16xf32>,
        %slice3A_1376 = vector.extract_strided_slice %get3A_74 {offsets = [15], sizes = [1], strides = [1]} : vector<16xf32> to vector<1xf32>
        %squeeze3A_1377 = vector.extract %slice3A_1376[0] : f32 from vector<1xf32>
        %broadcast_in_dim3A_1378 = vector.broadcast %squeeze3A_1377 : f32 to vector<16xf32>
        %mul3A_1379 = arith.constant 16 : i32
        %mul3A_1380 = arith.muli %scan3A_67, %mul3A_1379 : i32
        %add3A_1381 = arith.constant 15 : i32
        %add3A_1382 = arith.addi %mul3A_1380, %add3A_1381 : i32
        %get3A_1383 = arith.index_cast %add3A_1382 : i32 to index
        %get3A_1384 = arith.constant 0 : index
        %get3A_1385 = tpu.vector_load %arg10[%get3A_1383, %get3A_1384] {strides = array<i32>} : memref<128x128xf32, #tpu.memory_space<vmem>>, vector<1x16xf32>,
        %get3A_1386 = vector.shape_cast %get3A_1385 : vector<1x16xf32> to vector<16xf32>
        %mul3A_1387 = arith.mulf %get3A_1386, %broadcast_in_dim3A_1378 : vector<16xf32>
        %swap3A_1388 = arith.index_cast %add3A_1382 : i32 to index
        %swap3A_1389 = arith.constant 0 : index
        %swap3A_1390 = tpu.vector_load %arg10[%swap3A_1388, %swap3A_1389] {strides = array<i32>} : memref<128x128xf32, #tpu.memory_space<vmem>>, vector<1x16xf32>,
        %swap3A_1391 = vector.shape_cast %swap3A_1390 : vector<1x16xf32> to vector<16xf32>
        %swap3A_1392 = vector.shape_cast %mul3A_1387 : vector<16xf32> to vector<1x16xf32>
        tpu.vector_store %arg10[%swap3A_1388, %swap3A_1389], %swap3A_1392 {strides = array<i32>} : memref<128x128xf32, #tpu.memory_space<vmem>>, vector<1x16xf32>,
        %get3A_1393 = arith.index_cast %add3A_1382 : i32 to index
        %get3A_1394 = arith.constant 16 : index
        %get3A_1395 = tpu.vector_load %arg10[%get3A_1393, %get3A_1394] {strides = array<i32>} : memref<128x128xf32, #tpu.memory_space<vmem>>, vector<1x16xf32>,
        %get3A_1396 = vector.shape_cast %get3A_1395 : vector<1x16xf32> to vector<16xf32>
        %mul3A_1397 = arith.mulf %get3A_1396, %broadcast_in_dim3A_1378 : vector<16xf32>
        %swap3A_1398 = arith.index_cast %add3A_1382 : i32 to index
        %swap3A_1399 = arith.constant 16 : index
        %swap3A_1400 = tpu.vector_load %arg10[%swap3A_1398, %swap3A_1399] {strides = array<i32>} : memref<128x128xf32, #tpu.memory_space<vmem>>, vector<1x16xf32>,
        %swap3A_1401 = vector.shape_cast %swap3A_1400 : vector<1x16xf32> to vector<16xf32>
        %swap3A_1402 = vector.shape_cast %mul3A_1397 : vector<16xf32> to vector<1x16xf32>
        tpu.vector_store %arg10[%swap3A_1398, %swap3A_1399], %swap3A_1402 {strides = array<i32>} : memref<128x128xf32, #tpu.memory_space<vmem>>, vector<1x16xf32>,
        %get3A_1403 = arith.index_cast %add3A_1382 : i32 to index
        %get3A_1404 = arith.constant 32 : index
        %get3A_1405 = tpu.vector_load %arg10[%get3A_1403, %get3A_1404] {strides = array<i32>} : memref<128x128xf32, #tpu.memory_space<vmem>>, vector<1x16xf32>,
        %get3A_1406 = vector.shape_cast %get3A_1405 : vector<1x16xf32> to vector<16xf32>
        %mul3A_1407 = arith.mulf %get3A_1406, %broadcast_in_dim3A_1378 : vector<16xf32>
        %swap3A_1408 = arith.index_cast %add3A_1382 : i32 to index
        %swap3A_1409 = arith.constant 32 : index
        %swap3A_1410 = tpu.vector_load %arg10[%swap3A_1408, %swap3A_1409] {strides = array<i32>} : memref<128x128xf32, #tpu.memory_space<vmem>>, vector<1x16xf32>,
        %swap3A_1411 = vector.shape_cast %swap3A_1410 : vector<1x16xf32> to vector<16xf32>
        %swap3A_1412 = vector.shape_cast %mul3A_1407 : vector<16xf32> to vector<1x16xf32>
        tpu.vector_store %arg10[%swap3A_1408, %swap3A_1409], %swap3A_1412 {strides = array<i32>} : memref<128x128xf32, #tpu.memory_space<vmem>>, vector<1x16xf32>,
        %get3A_1413 = arith.index_cast %add3A_1382 : i32 to index
        %get3A_1414 = arith.constant 48 : index
        %get3A_1415 = tpu.vector_load %arg10[%get3A_1413, %get3A_1414] {strides = array<i32>} : memref<128x128xf32, #tpu.memory_space<vmem>>, vector<1x16xf32>,
        %get3A_1416 = vector.shape_cast %get3A_1415 : vector<1x16xf32> to vector<16xf32>
        %mul3A_1417 = arith.mulf %get3A_1416, %broadcast_in_dim3A_1378 : vector<16xf32>
        %swap3A_1418 = arith.index_cast %add3A_1382 : i32 to index
        %swap3A_1419 = arith.constant 48 : index
        %swap3A_1420 = tpu.vector_load %arg10[%swap3A_1418, %swap3A_1419] {strides = array<i32>} : memref<128x128xf32, #tpu.memory_space<vmem>>, vector<1x16xf32>,
        %swap3A_1421 = vector.shape_cast %swap3A_1420 : vector<1x16xf32> to vector<16xf32>
        %swap3A_1422 = vector.shape_cast %mul3A_1417 : vector<16xf32> to vector<1x16xf32>
        tpu.vector_store %arg10[%swap3A_1418, %swap3A_1419], %swap3A_1422 {strides = array<i32>} : memref<128x128xf32, #tpu.memory_space<vmem>>, vector<1x16xf32>,
        %get3A_1423 = arith.index_cast %add3A_1382 : i32 to index
        %get3A_1424 = arith.constant 64 : index
        %get3A_1425 = tpu.vector_load %arg10[%get3A_1423, %get3A_1424] {strides = array<i32>} : memref<128x128xf32, #tpu.memory_space<vmem>>, vector<1x16xf32>,
        %get3A_1426 = vector.shape_cast %get3A_1425 : vector<1x16xf32> to vector<16xf32>
        %mul3A_1427 = arith.mulf %get3A_1426, %broadcast_in_dim3A_1378 : vector<16xf32>
        %swap3A_1428 = arith.index_cast %add3A_1382 : i32 to index
        %swap3A_1429 = arith.constant 64 : index
        %swap3A_1430 = tpu.vector_load %arg10[%swap3A_1428, %swap3A_1429] {strides = array<i32>} : memref<128x128xf32, #tpu.memory_space<vmem>>, vector<1x16xf32>,
        %swap3A_1431 = vector.shape_cast %swap3A_1430 : vector<1x16xf32> to vector<16xf32>
        %swap3A_1432 = vector.shape_cast %mul3A_1427 : vector<16xf32> to vector<1x16xf32>
        tpu.vector_store %arg10[%swap3A_1428, %swap3A_1429], %swap3A_1432 {strides = array<i32>} : memref<128x128xf32, #tpu.memory_space<vmem>>, vector<1x16xf32>,
        %get3A_1433 = arith.index_cast %add3A_1382 : i32 to index
        %get3A_1434 = arith.constant 80 : index
        %get3A_1435 = tpu.vector_load %arg10[%get3A_1433, %get3A_1434] {strides = array<i32>} : memref<128x128xf32, #tpu.memory_space<vmem>>, vector<1x16xf32>,
        %get3A_1436 = vector.shape_cast %get3A_1435 : vector<1x16xf32> to vector<16xf32>
        %mul3A_1437 = arith.mulf %get3A_1436, %broadcast_in_dim3A_1378 : vector<16xf32>
        %swap3A_1438 = arith.index_cast %add3A_1382 : i32 to index
        %swap3A_1439 = arith.constant 80 : index
        %swap3A_1440 = tpu.vector_load %arg10[%swap3A_1438, %swap3A_1439] {strides = array<i32>} : memref<128x128xf32, #tpu.memory_space<vmem>>, vector<1x16xf32>,
        %swap3A_1441 = vector.shape_cast %swap3A_1440 : vector<1x16xf32> to vector<16xf32>
        %swap3A_1442 = vector.shape_cast %mul3A_1437 : vector<16xf32> to vector<1x16xf32>
        tpu.vector_store %arg10[%swap3A_1438, %swap3A_1439], %swap3A_1442 {strides = array<i32>} : memref<128x128xf32, #tpu.memory_space<vmem>>, vector<1x16xf32>,
        %get3A_1443 = arith.index_cast %add3A_1382 : i32 to index
        %get3A_1444 = arith.constant 96 : index
        %get3A_1445 = tpu.vector_load %arg10[%get3A_1443, %get3A_1444] {strides = array<i32>} : memref<128x128xf32, #tpu.memory_space<vmem>>, vector<1x16xf32>,
        %get3A_1446 = vector.shape_cast %get3A_1445 : vector<1x16xf32> to vector<16xf32>
        %mul3A_1447 = arith.mulf %get3A_1446, %broadcast_in_dim3A_1378 : vector<16xf32>
        %swap3A_1448 = arith.index_cast %add3A_1382 : i32 to index
        %swap3A_1449 = arith.constant 96 : index
        %swap3A_1450 = tpu.vector_load %arg10[%swap3A_1448, %swap3A_1449] {strides = array<i32>} : memref<128x128xf32, #tpu.memory_space<vmem>>, vector<1x16xf32>,
        %swap3A_1451 = vector.shape_cast %swap3A_1450 : vector<1x16xf32> to vector<16xf32>
        %swap3A_1452 = vector.shape_cast %mul3A_1447 : vector<16xf32> to vector<1x16xf32>
        tpu.vector_store %arg10[%swap3A_1448, %swap3A_1449], %swap3A_1452 {strides = array<i32>} : memref<128x128xf32, #tpu.memory_space<vmem>>, vector<1x16xf32>,
        %get3A_1453 = arith.index_cast %add3A_1382 : i32 to index
        %get3A_1454 = arith.constant 112 : index
        %get3A_1455 = tpu.vector_load %arg10[%get3A_1453, %get3A_1454] {strides = array<i32>} : memref<128x128xf32, #tpu.memory_space<vmem>>, vector<1x16xf32>,
        %get3A_1456 = vector.shape_cast %get3A_1455 : vector<1x16xf32> to vector<16xf32>
        %mul3A_1457 = arith.mulf %get3A_1456, %broadcast_in_dim3A_1378 : vector<16xf32>
        %swap3A_1458 = arith.index_cast %add3A_1382 : i32 to index
        %swap3A_1459 = arith.constant 112 : index
        %swap3A_1460 = tpu.vector_load %arg10[%swap3A_1458, %swap3A_1459] {strides = array<i32>} : memref<128x128xf32, #tpu.memory_space<vmem>>, vector<1x16xf32>,
        %swap3A_1461 = vector.shape_cast %swap3A_1460 : vector<1x16xf32> to vector<16xf32>
        %swap3A_1462 = vector.shape_cast %mul3A_1457 : vector<16xf32> to vector<1x16xf32>
        tpu.vector_store %arg10[%swap3A_1458, %swap3A_1459], %swap3A_1462 {strides = array<i32>} : memref<128x128xf32, #tpu.memory_space<vmem>>, vector<1x16xf32>,
      }
      %scan3A_66 = arith.constant 8 : i32
      "tpu.region"() ({
        %run_scoped3A = tpu.sem_alloc : memref<!tpu.dma_semaphore, #tpu.memory_space<semaphore_mem>>
        %dma_start3A_67 = arith.constant 0 : i32
        %dma_start3A_68 = tpu.memref_slice %arg8[%scan3A_26, %dma_start3A_67] : memref<79x128xi32, #tpu.memory_space<vmem>> -> memref<1x128xi32, #tpu.memory_space<vmem>>
        %dma_start3A_69 = tpu.memref_squeeze %dma_start3A_68 : memref<1x128xi32, #tpu.memory_space<vmem>> -> memref<128xi32, #tpu.memory_space<vmem>>
        %dma_start3A_70 = arith.constant 0 : i32
        %dma_start3A_71 = arith.constant 0 : i32
        %dma_start3A_72 = tpu.memref_slice %arg11[%dma_start3A_70, %dma_start3A_71] : memref<10000x128xf32, #tpu.memory_space<vmem_shared>> -> memref<10000x128xf32, #tpu.memory_space<vmem_shared>>
        tpu.enqueue_indirect_dma source(%arg10 : memref<128x128xf32, #tpu.memory_space<vmem>>) target(%dma_start3A_72 : memref<10000x128xf32, #tpu.memory_space<vmem_shared>>) offsets(%dma_start3A_69 : memref<128xi32, #tpu.memory_space<vmem>>) semaphore(%run_scoped3A : memref<!tpu.dma_semaphore, #tpu.memory_space<semaphore_mem>>) {add = true}
        %dma_wait3A_73 = arith.constant 0 : i32
        %dma_wait3A_74 = tpu.memref_slice %arg8[%scan3A_26, %dma_wait3A_73] : memref<79x128xi32, #tpu.memory_space<vmem>> -> memref<1x128xi32, #tpu.memory_space<vmem>>
        %dma_wait3A_75 = tpu.memref_squeeze %dma_wait3A_74 : memref<1x128xi32, #tpu.memory_space<vmem>> -> memref<128xi32, #tpu.memory_space<vmem>>
        %dma_wait3A_76 = arith.constant 0 : i32
        %dma_wait3A_77 = arith.constant 0 : i32
        %dma_wait3A_78 = tpu.memref_slice %arg11[%dma_wait3A_76, %dma_wait3A_77] : memref<10000x128xf32, #tpu.memory_space<vmem_shared>> -> memref<10000x128xf32, #tpu.memory_space<vmem_shared>>
        tpu.wait_indirect_dma semaphore(%run_scoped3A : memref<!tpu.dma_semaphore, #tpu.memory_space<semaphore_mem>>) src(%arg10 : memref<128x128xf32, #tpu.memory_space<vmem>>) dst(%dma_wait3A_78 : memref<10000x128xf32, #tpu.memory_space<vmem_shared>>)
        tpu.yield
      }) : () -> ()
    }
    %scan3A_24 = arith.constant 79 : i32
    %barrier3A_25 = arith.constant 0 : index
    tpu.barrier barrier_id(%barrier3A_25)
    "tpu.region"() ({
      %run_scoped3A = tpu.sem_alloc : memref<!tpu.dma_semaphore, #tpu.memory_space<semaphore_mem>>
      %dma_start3A = arith.constant 0 : i32
      %dma_start3A_26 = tpu.memref_slice %arg6[%arg0, %min3A_8, %dma_start3A] : memref<2x10000x128xf32, #tpu.memory_space<hbm>> -> memref<1x632x128xf32, #tpu.memory_space<hbm>>
      %dma_start3A_27 = tpu.memref_squeeze %dma_start3A_26 : memref<1x632x128xf32, #tpu.memory_space<hbm>> -> memref<632x128xf32, #tpu.memory_space<hbm>>
      %dma_start3A_28 = arith.constant 0 : i32
      %dma_start3A_29 = tpu.memref_slice %arg11[%min3A_8, %dma_start3A_28] : memref<10000x128xf32, #tpu.memory_space<vmem_shared>> -> memref<632x128xf32, #tpu.memory_space<vmem_shared>>
      tpu.enqueue_dma source(%dma_start3A_29 : memref<632x128xf32, #tpu.memory_space<vmem_shared>>) target(%dma_start3A_27 : memref<632x128xf32, #tpu.memory_space<hbm>>) target_semaphore(%run_scoped3A : memref<!tpu.dma_semaphore, #tpu.memory_space<semaphore_mem>>)
      %dma_wait3A = arith.constant 0 : i32
      %dma_wait3A_30 = tpu.memref_slice %arg6[%arg0, %min3A_8, %dma_wait3A] : memref<2x10000x128xf32, #tpu.memory_space<hbm>> -> memref<1x632x128xf32, #tpu.memory_space<hbm>>
      %dma_wait3A_31 = tpu.memref_squeeze %dma_wait3A_30 : memref<1x632x128xf32, #tpu.memory_space<hbm>> -> memref<632x128xf32, #tpu.memory_space<hbm>>
      %dma_wait3A_32 = arith.constant 0 : i32
      %dma_wait3A_33 = tpu.memref_slice %arg11[%min3A_8, %dma_wait3A_32] : memref<10000x128xf32, #tpu.memory_space<vmem_shared>> -> memref<632x128xf32, #tpu.memory_space<vmem_shared>>
      tpu.wait_dma2 semaphore(%run_scoped3A : memref<!tpu.dma_semaphore, #tpu.memory_space<semaphore_mem>>) src(%dma_wait3A_33 : memref<632x128xf32, #tpu.memory_space<vmem_shared>>) dst(%dma_wait3A_31 : memref<632x128xf32, #tpu.memory_space<hbm>>)
      tpu.yield
    }) : () -> ()
    return
  }
}

module attributes {stable_mosaic.version = 14 : i64} {
  func.func @body(%arg0: i32, %arg1: memref<2000x128xf32, #tpu.memory_space<vmem>>, %arg2: memref<2000x128xf32, #tpu.memory_space<vmem>>, %arg3: memref<2000x128xf32, #tpu.memory_space<vmem>>) attributes {dimension_semantics = [#tpu.dimension_semantics<arbitrary>], iteration_bounds = array<i64: 5>, scalar_prefetch = 0 : i64, scratch_operands = 0 : i64, tpu.core_type = #tpu.core_type<tc>, window_params = [{transform_indices = @transform_0, window_bounds = array<i64: 2000, 128>}, {transform_indices = @transform_1, window_bounds = array<i64: 2000, 128>}, {transform_indices = @transform_2, window_bounds = array<i64: 2000, 128>}]} {
    %get3A = arith.constant 0 : index
    %get3A_0 = arith.constant 0 : index
    %get3A_1 = vector.load %arg1[%get3A, %get3A_0] : memref<2000x128xf32, #tpu.memory_space<vmem>>, vector<2000x128xf32>
    %get3A_2 = arith.constant 0 : index
    %get3A_3 = arith.constant 0 : index
    %get3A_4 = vector.load %arg2[%get3A_2, %get3A_3] : memref<2000x128xf32, #tpu.memory_space<vmem>>, vector<2000x128xf32>
    %add3A = arith.addf %get3A_1, %get3A_4 : vector<2000x128xf32>
    %swap3A = arith.constant 0 : index
    %swap3A_5 = arith.constant 0 : index
    %swap3A_6 = vector.load %arg3[%swap3A, %swap3A_5] : memref<2000x128xf32, #tpu.memory_space<vmem>>, vector<2000x128xf32>
    tpu.vector_store %arg3[%swap3A, %swap3A_5], %add3A {strides = array<i32>} : memref<2000x128xf32, #tpu.memory_space<vmem>>, vector<2000x128xf32>,
    return
  }
  func.func @transform_0(%arg0: i32) -> (i32, i32) {
    %c0_i32 = arith.constant 0 : i32
    %c0_i32_0 = arith.constant 0 : i32
    return %arg0, %c0_i32 : i32, i32
  }
  func.func @transform_1(%arg0: i32) -> (i32, i32) {
    %c0_i32 = arith.constant 0 : i32
    %c0_i32_0 = arith.constant 0 : i32
    return %arg0, %c0_i32 : i32, i32
  }
  func.func @transform_2(%arg0: i32) -> (i32, i32) {
    %c0_i32 = arith.constant 0 : i32
    %c0_i32_0 = arith.constant 0 : i32
    return %arg0, %c0_i32 : i32, i32
  }
}

module attributes {stable_mosaic.version = 14 : i64} {
  func.func @body(%arg0: i32, %arg1: memref<2000x128xf32, #tpu.memory_space<vmem>>, %arg2: memref<2000x128xf32, #tpu.memory_space<vmem>>, %arg3: memref<2000x128xf32, #tpu.memory_space<vmem>>) attributes {dimension_semantics = [#tpu.dimension_semantics<arbitrary>], iteration_bounds = array<i64: 5>, scalar_prefetch = 0 : i64, scratch_operands = 0 : i64, tpu.core_type = #tpu.core_type<tc>, window_params = [{transform_indices = @transform_0, window_bounds = array<i64: 2000, 128>}, {transform_indices = @transform_1, window_bounds = array<i64: 2000, 128>}, {transform_indices = @transform_2, window_bounds = array<i64: 2000, 128>}]} {
    %get3A = arith.constant 0 : index
    %get3A_0 = arith.constant 0 : index
    %get3A_1 = vector.load %arg1[%get3A, %get3A_0] : memref<2000x128xf32, #tpu.memory_space<vmem>>, vector<2000x128xf32>
    %get3A_2 = arith.constant 0 : index
    %get3A_3 = arith.constant 0 : index
    %get3A_4 = vector.load %arg2[%get3A_2, %get3A_3] : memref<2000x128xf32, #tpu.memory_space<vmem>>, vector<2000x128xf32>
    %add3A = arith.addf %get3A_1, %get3A_4 : vector<2000x128xf32>
    %swap3A = arith.constant 0 : index
    %swap3A_5 = arith.constant 0 : index
    %swap3A_6 = vector.load %arg3[%swap3A, %swap3A_5] : memref<2000x128xf32, #tpu.memory_space<vmem>>, vector<2000x128xf32>
    tpu.vector_store %arg3[%swap3A, %swap3A_5], %add3A {strides = array<i32>} : memref<2000x128xf32, #tpu.memory_space<vmem>>, vector<2000x128xf32>,
    return
  }
  func.func @transform_0(%arg0: i32) -> (i32, i32) {
    %c0_i32 = arith.constant 0 : i32
    %c0_i32_0 = arith.constant 0 : i32
    return %arg0, %c0_i32 : i32, i32
  }
  func.func @transform_1(%arg0: i32) -> (i32, i32) {
    %c0_i32 = arith.constant 0 : i32
    %c0_i32_0 = arith.constant 0 : i32
    return %arg0, %c0_i32 : i32, i32
  }
  func.func @transform_2(%arg0: i32) -> (i32, i32) {
    %c0_i32 = arith.constant 0 : i32
    %c0_i32_0 = arith.constant 0 : i32
    return %arg0, %c0_i32 : i32, i32
  }
}

</mosaic_0001>

<sc_bundles>
// kernel: kernel.6.cloned.1.call-start
scs
__scs_entry_jumppad:
0x0: {  	(pc) =	sbr.rel $0x88, $3  }
0x1: {  	(tag) =	ssettag $0x0;
	lr =	simm.s32 $0x1  }
0x2: {  	[smem:$0x3F9E] =	sst lr;
	_ =	strace $0xD0000000  }
0x3: {  	_ = 	snop  }
0x4: {  	_ = 	snop  }
0x5: {  	_ = 	snop  }
0x6: {  	_ = 	snop  }
0x7: {  	_ = 	snop  }
__scs_overlays_trampoline_lowered:
0x8: {  	[smem:$0x3FAD] =	sst s0  }
0x9: {  	[smem:$0x3FAE] =	sst s1  }
0xa: {  	[smem:$0x3FAF] =	sst s2  }
0xb: {  	[smem:$0x3FB0] =	sst s3  }
0xc: {  	[smem:$0x3FB1] =	sst s4  }
0xd: {  	[smem:$0x3FB2] =	sst s5  }
0xe: {  	[smem:$0x3FB3] =	sst s6  }
0xf: {  	[smem:$0x3FB4] =	sst s7  }
0x10: {  	[smem:$0x3FB5] =	sst s8  }
0x11: {  	[smem:$0x3FB6] =	sst s9;
	s0 =	simm.s32 @!p0 $0x0  }
0x12: {  	s1 =	sld [smem:$0x3F9C];
	s0 =	simm.s32 @p0 $0x1  }
0x13: {  	[smem:$0x3FB7] =	sst s0;
	s0 =	simm.s32 @!p1 $0x0  }
0x14: {  	s2 =	sld [smem:$0x3F9B];
	s0 =	simm.s32 @p1 $0x1  }
0x15: {  	[smem:$0x3FB8] =	sst s0;
	s0 =	simm.s32 @!p2 $0x0  }
0x16: {  	s3 =	sld [smem:$0x3FDB];
	s0 =	simm.s32 @p2 $0x1  }
0x17: {  	s4 =	simm.s32 $0x1BF5;
	[smem:$0x3FBA] =	sst s0  }
0x18: {  	s0 =	sld [smem:$0x3F9D];
	_ =	swait.ge [sflag:s4], $0x0  }
0x19: {  	s7 =	sld [smem:$0x3F9E]  }
0x1a: {  	s8 =	sadd.s32 $0xFFFFE003, lr  }
0x1b: {  	s9 =	sadd.s32 $0xFFFFFEF7, lr;
	s5 =	simm.s32 $0xFFFFFFFF;
	p2 =	slt.u32 s8, $0xFFFFF086  }
0x1c: {  	p1 =	slt.u32 s9, $0xF7A;
	s5 =	simm.s32 @!p2 $0x0  }
0x1d: {  	s5 =	simm.s32 @p1 $0x1;
	p0 =	seq.s32 s7, s2  }
0x1e: {  	s7 =	smul.u32 @!p0 $0xF7A, s2;
	p2 =	seq.s32 @!p0 s5, $0x0  }
0x1f: {  	s9 =	smul.u32 $0xF7A, s1;
	s8 =	simm.s32 @!p0 $0x1BF5;
	p2 =	por !p2, p0  }
0x20: {  	[sflag:s8] =	ssyncset.s32 @!p0 $0xFFFFF086;
	s6 =	sadd.s32 @!p0 s3, s7;
	s7 =	simm.s32 @!p0 $0x108  }
0x21: {  	s3 =	sadd.s32 s3, s9;
	s6 =	sadd.s32 @!p0 $0x88, s6;
	s7 =	simm.s32 @p2 $0x1082  }
0x22: {  	[simem:s7], [sflag:s8] =	dma.local @!p0 [hbm:s6], $0xF7A  }
0x23: {  	s9 =	sor.u32 $0xD0000000, s2;
	s6 =	simm.s32 $0x108;
	_ =	swait.ge @!p0 [sflag:s8], $0x0  }
0x24: {  	s3 =	sadd.s32 $0x88, s3;
	s6 =	simm.s32 @!p1 $0x1082;
	[sflag:s4] =	ssyncset.s32 $0xFFFFF086  }
0x25: {  	[simem:s6], [sflag:s4] =	dma.local [hbm:s3], $0xF7A  }
0x26: {  	[smem:$0x3F9E] =	sst s1;
	(tag) =	ssettag s2;
	_ =	strace s9  }
0x27: {  	s1 =	sld [smem:$0x3FAE]  }
0x28: {  	s2 =	sld [smem:$0x3FAF]  }
0x29: {  	s4 =	sld [smem:$0x3FB1]  }
0x2a: {  	p0 =	seq.s32 s5, $0x0;
	s5 =	sld [smem:$0x3FB2]  }
0x2b: {  	s6 =	sld [smem:$0x3FB3]  }
0x2c: {  	s7 =	sld [smem:$0x3FB4]  }
0x2d: {  	s3 =	simm.s32 $0x108;
	s8 =	sld [smem:$0x3FB5]  }
0x2e: {  	s3 =	simm.s32 @!p0 $0x1082;
	s9 =	sld [smem:$0x3FB6]  }
0x2f: {  	lr =	sadd.s32 s0, s3;
	s0 =	sld [smem:$0x3FAD]  }
0x30: {  	s3 =	sld [smem:$0x3FB0]  }
0x31: {  	[smem:$0x3FB9] =	sst s10  }
0x32: {  	s10 =	sld [smem:$0x3FB7];
	_ =	sdelay $0x3  }
0x33: {  	p0 =	seq.s32 s10, $0x1;
	s10 =	sld [smem:$0x3FB9];
	_ =	sdelay $0x3  }
0x34: {  	[smem:$0x3FB9] =	sst s10  }
0x35: {  	s10 =	sld [smem:$0x3FB8];
	_ =	sdelay $0x3  }
0x36: {  	p1 =	seq.s32 s10, $0x1;
	s10 =	sld [smem:$0x3FB9];
	_ =	sdelay $0x3  }
0x37: {  	[smem:$0x3FB9] =	sst s10  }
0x38: {  	s10 =	sld [smem:$0x3FBA]  }
0x39: {  	_ = 	snop;
	(pc) =	sbr.ind lr, $3  }
0x3a: {  	_ = 	snop  }
0x3b: {  	_ = 	snop  }
0x3c: {  	p2 =	seq.s32 s10, $0x1;
	s10 =	sld [smem:$0x3FB9]  }
0x3d: {  	_ =	shalt  }
0x3e: {  	_ =	shalt  }
0x3f: {  	_ =	shalt  }
0x40: {  	_ =	shalt  }
0x41: {  	_ =	shalt  }
0x42: {  	_ =	shalt  }
0x43: {  	_ =	shalt  }
0x44: {  	_ =	shalt  }
0x45: {  	_ =	shalt  }
0x46: {  	_ =	shalt  }
0x47: {  	_ =	shalt  }
0x48: {  	_ =	shalt  }
0x49: {  	_ =	shalt  }
0x4a: {  	_ =	shalt  }
0x4b: {  	_ =	shalt  }
0x4c: {  	_ =	shalt  }
0x4d: {  	_ =	shalt  }
0x4e: {  	_ =	shalt  }
0x4f: {  	_ =	shalt  }
0x50: {  	_ =	shalt  }
0x51: {  	_ =	shalt  }
0x52: {  	_ =	shalt  }
0x53: {  	_ =	shalt  }
0x54: {  	_ =	shalt  }
0x55: {  	_ =	shalt  }
0x56: {  	_ =	shalt  }
0x57: {  	_ =	shalt  }
0x58: {  	_ =	shalt  }
0x59: {  	_ =	shalt  }
0x5a: {  	_ =	shalt  }
0x5b: {  	_ =	shalt  }
0x5c: {  	_ =	shalt  }
0x5d: {  	_ =	shalt  }
0x5e: {  	_ =	shalt  }
0x5f: {  	_ =	shalt  }
0x60: {  	_ =	shalt  }
0x61: {  	_ =	shalt  }
0x62: {  	_ =	shalt  }
0x63: {  	_ =	shalt  }
0x64: {  	_ =	shalt  }
0x65: {  	_ =	shalt  }
0x66: {  	_ =	shalt  }
0x67: {  	_ =	shalt  }
0x68: {  	_ =	shalt  }
0x69: {  	_ =	shalt  }
0x6a: {  	_ =	shalt  }
0x6b: {  	_ =	shalt  }
0x6c: {  	_ =	shalt  }
0x6d: {  	_ =	shalt  }
0x6e: {  	_ =	shalt  }
0x6f: {  	_ =	shalt  }
0x70: {  	_ =	shalt  }
0x71: {  	_ =	shalt  }
0x72: {  	_ =	shalt  }
0x73: {  	_ =	shalt  }
0x74: {  	_ =	shalt  }
0x75: {  	_ =	shalt  }
0x76: {  	_ =	shalt  }
0x77: {  	_ =	shalt  }
0x78: {  	_ =	shalt  }
0x79: {  	_ =	shalt  }
0x7a: {  	_ =	shalt  }
0x7b: {  	_ =	shalt  }
0x7c: {  	_ =	shalt  }
0x7d: {  	_ =	shalt  }
0x7e: {  	_ =	shalt  }
0x7f: {  	_ =	shalt  }
0x80: {  	_ =	shalt  }
0x81: {  	_ =	shalt  }
0x82: {  	_ =	shalt  }
0x83: {  	_ =	shalt  }
0x84: {  	_ =	shalt  }
0x85: {  	_ =	shalt  }
0x86: {  	_ =	shalt  }
0x87: {  	_ =	shalt  }
.Lfunc_end0:
.L_simem_size_0:
called_computation_lowered:
.L_overlay_start_0:
0x88: {  	s2 =	sld [smem:$0x3FD9]  }
0x89: {  	s3 =	sld [smem:$0x3FFE];
	_ =	sdelay $0x1  }
0x8a: {  	s1 =	srdreg.scid  }
0x8b: {  	s0 =	sand.u32 $0x1, s1  }
0x8c: {  	s17 =	sshll.u32 s0, $0xA;
	s2 =	sadd.s32 s3, s2  }
0x8d: {  	s2 =	sadd.s32 s2, s17  }
0x8e: {  	[smem:$0x3FC5] =	sst s2  }
0x8f: {  	_ = 	snop  }
0x90: {  	s2 =	sld [smem:$0x3FC9];
	(tm) =	ssettm $0x1  }
0x91: {  	s18 =	sld [smem:$0x3FFB];
	_ =	sdelay $0x3  }
0x92: {  	_ =	strace s18  }
0x93: {  	s3 =	sld [smem:$0x3FFC];
	_ =	sdelay $0x3  }
0x94: {  	_ =	strace s3  }
0x95: {  	s3 =	sld [smem:$0x3FFD];
	_ =	sdelay $0x3  }
0x96: {  	_ =	strace s3  }
0x97: {  	_ =	strace $0x8FFFFFFF  }
0x98: {  	s19 =	sld [smem:$0x3FDB];
	_ =	sdelay $0x1  }
0x99: {  	s4 =	simm.s32 $_scs_section_size  }
0x9a: {  	s5 =	simm.s32 $_size__tile_overlayer_lowered;
	s6 =	simm.s32 $_tile_overlayer_lowered  }
0x9b: {  	s22 =	simm.s32 $0x1BFF;
	s21 =	sshll.u32 s6, $0x1;
	s3 =	sadd.s32 s4, s19  }
0x9c: {  	s7 =	simm.s32 $0x0;
	s20 =	sshll.u32 s5, $0x1;
	s5 =	sadd.s32 s21, s3  }
0x9d: {  	[timem:s7], [sflag:s22] =	dma.local [hbm:s5], s20  }
0x9e: {  	_ =	swait.ge [sflag:s22], s20  }
0x9f: {  	s4 =	ssub.s32 $0x0, s20;
	[sflag:s22] =	ssyncset.done $0x0  }
0xa0: {  	[sflag:s22] =	ssyncadd.s32 s4;
	_ =	sdelay $0x1  }
0xa1: {  	s23 =	simm.s32 $0x1B8B  }
0xa2: {  	_ =	swait.ge [sflag:s23], $0x1  }
0xa3: {  	[sflag:s23] =	ssyncset.done $0x0  }
0xa4: {  	s25 =	simm.s32 $0x1B8E;
	s24 =	sld [smem:$0x3FFE];
	[sflag:s23] =	ssyncadd.s32 $0xFFFFFFFF  }
0xa5: {  	s26 =	simm.s32 $execute0_lowered;
	[smem:$0x3FD2] =	sst s25  }
0xa6: {  	s5 =	sshll.u32 s26, $0x1;
	_ =	strace $0x80000046;
	[dreg:$0x1] =	wrdreg $0xFFFFFFFF  }
0xa7: {  	s28 =	simm.s32 $_size_execute0_lowered;
	s3 =	sadd.s32 s3, s5;
	[dreg:$0x0] =	wrdreg $0x0  }
0xa8: {  	s5 =	sshll.u32 s28, $0x1;
	[dreg:$0x2] =	wrdreg s3  }
0xa9: {  	[dreg:$0x3] =	wrdreg s5  }
0xaa: {  	[dreg:$0x4] =	wrdreg $0xC0  }
0xab: {  	_ =	task [dreg:s7], $0x5FFFF  }
0xac: {  	[dreg:$0x1] =	wrdreg $0xFFFFFFFF  }
0xad: {  	[dreg:$0x0] =	wrdreg $0x60  }
0xae: {  	[dreg:$0x2] =	wrdreg s2  }
0xaf: {  	[dreg:$0x3] =	wrdreg s24  }
0xb0: {  	[dreg:$0x4] =	wrdreg $0xB7800  }
0xb1: {  	[dreg:$0x5] =	wrdreg $0x9  }
0xb2: {  	_ =	task.clear_ibuf [dreg:s7], $0x6FFFF;
	_ =	strace $0x90000046  }
0xb3: {  	s29 =	simm.s32 $0x9;
	_ =	strace $0x80000048  }
0xb4: {  	_ =	swait.ge [sflag:s29], $0x1  }
0xb5: {  	[sflag:s29] =	ssyncadd.s32 $0xFFFFFFFF  }
0xb6: {  	_ =	strace $0x90000048  }
0xb7: {  	_ =	sfence  }
0xb8: {  	s30 =	sld [smem:$0x0];
	_ =	sdelay $0x2  }
0xb9: {  	s31 =	sshll.u32 s1, $0xD;
	s1 =	sshrl.u32 s1, $0x2  }
0xba: {  	s3 =	sand.u32 $0x4000, s31;
	s1 =	sadd.s32 s1, s30  }
0xbb: {  	s0 =	sor.u32 s3, s0;
	s1 =	sshll.u32 s1, $0x11  }
0xbc: {  	s0 =	sor.u32 s1, s0  }
0xbd: {  	s0 =	sadd.s32 $0x8F2B, s0  }
0xbe: {  	[sflag:s0] =	ssyncadd.remote.s32 $0x1  }
0xbf: {  	_ =	sfence.sel $0xFFFF  }
0xc0: {  	[dreg:$0x0] =	wrdreg $0xFFFFFFFF;
	(pc) =	sbr.abs _section_cstart, $3  }
0xc1: {  	[dreg:$0x1] =	wrdreg $0xFFFFFFFF  }
0xc2: {  	_ =	task.clear_ibuf [dreg:s7], $0x2FFFF;
	_ =	strace $0x9FFFFFFF  }
0xc3: {  	(tm) =	ssettm $0x7FFFFFFF  }
tec
execute0_lowered:
.L_overlay_start_1:
0x0: {  	(tag) =	ssettag $0x1  }
0x1: {  	s1 =	rddreg [dreg:$0x0]  }
0x2: {  	s6 =	rddreg [dreg:$0x1]  }
0x3: {  	s3 =	rddreg [dreg:$0x2]  }
0x4: {  	s0 =	rddreg [dreg:$0x3]  }
0x5: {  	s4 =	srdreg.scid;
	s2 =	stileid.u32  }
0x6: {  	s15 =	simm.s32 $0x7780;
	s16 =	simm.s32 $0x3;
	s17 =	simm.s32 $0x2800  }
0x7: {  	s18 =	simm.s32 $0x80;
	s19 =	simm.s32 $0x400;
	s20 =	simm.s32 $0x5000  }
0x8: {  	s21 =	simm.s32 $0x40;
	s22 =	simm.s32 $0x9780;
	s23 =	simm.s32 $0x1  }
0x9: {  	s5 =	sand.u32 $0x1, s4;
	s8 =	sshrl.u32 s2, $0x2;
	s10 =	smul.u32 $0x278, s2  }
0xa: {  	s7 =	sshll.u32 s2, $0x1;
	s4 =	simm.s32 $0x0;
	s8 =	smul.u32 $0x13C00, s8  }
0xb: {  	s7 =	sor.u32 s5, s7;
	[smem:$0x7FF] =	sst s4;
	s25 =	smul.u32 $0x138800, s5  }
0xc: {  	s30 =	ssub.s32 $0x2, s5;
	s9 =	sshll.u32 s7, $0x7;
	_ =	strace $0x80000047  }
0xd: {  	s7 =	smul.u32 $0x500, s7;
	s24 =	smin.u32 s10, $0x2498;
	s31 =	sshrl.u32 s30, $0x1  }
0xe: {  	s9 =	sand.u32 $0x380, s9;
	s28 =	sshll.u32 s24, $0x7;
	s14 =	ssub.s32 s30, s31  }
0xf: {  	s24 =	simm.s32 $0x2;
	s8 =	sor.u32 s8, s9;
	s11 =	sadd.s32 s7, s6  }
0x10: {  	s29 =	sadd.s32 s25, s28;
	s5 =	sadd.s32 s28, s3;
	s14 =	smax.u32 s14, $0x1  }
0x11: {  	s26 =	sshrl.u32 s8, $0x3;
	s7 =	sshrl.u32 s29, $0x3;
	s8 =	sadd.s32 $0xC000, s5  }
0x12: {  	s9 =	sadd.s32 $0x10000, s5;
	s10 =	sadd.s32 $0xA600, s11;
	s11 =	sadd.s32 $0x14600, s11  }
0x13: {  	s12 =	sadd.s32 s26, s6;
	s13 =	sadd.s32 s7, s6;
	s6 =	sadd.s32 $0x4000, s5  }
0x14: {  	v0 =	vimm.f32 $0.0e+00;
	s7 =	sadd.s32 $0x8000, s5;
	s12 =	sadd.s32 $0x800, s12;
	s13 =	sadd.s32 $0x1E600, s13  }
.LBB2_1:
0x15: {  	s25 =	simm.s32 $0x0;
	s26 =	simm.s32 $0x200  }
.LBB2_2:
0x16: {  	p0 =	sne.s32 s26, $0xFE00;
	[tilespmem:s25+$0x77F0] =	vst v0  }
0x17: {  	[tilespmem:s25+$0x7780] =	vst v0  }
0x18: {  	[tilespmem:s25+$0x7790] =	vst v0  }
.Ltmp0:
0x19: {  	[tilespmem:s25+$0x77A0] =	vst v0;
	(pc) =	sbr.rel @p0 .LBB2_2-.Ltmp0, $4  }
0x1a: {  	[tilespmem:s25+$0x77B0] =	vst v0  }
0x1b: {  	[tilespmem:s25+$0x77C0] =	vst v0  }
0x1c: {  	[tilespmem:s25+$0x77D0] =	vst v0  }
0x1d: {  	[tilespmem:s25+$0x77E0] =	vst v0;
	s25 =	sshra.s32 s26, $0x2;
	s26 =	sadd.s32 $0x200, s26  }
0x1e: {  	[tilespmem:s25+$0x77F0] =	vst v0  }
0x1f: {  	[tilespmem:s25+$0x7780] =	vst v0  }
0x20: {  	[tilespmem:s25+$0x7790] =	vst v0  }
0x21: {  	[tilespmem:s25+$0x77A0] =	vst v0  }
0x22: {  	[tilespmem:s25+$0x77B0] =	vst v0  }
0x23: {  	[tilespmem:s25+$0x77C0] =	vst v0  }
0x24: {  	[tilespmem:s25+$0x77D0] =	vst v0  }
0x25: {  	[tilespmem:s25+$0x77E0] =	vst v0  }
0x26: {  	[spmem:s5] =	stream.linear.scatter [tilespmem:s15], [sflag:$0x3], $0x4000, $0x38;
	[tilespmem:$0x1F000] =	vst v63  }
0x27: {  	_ =	swait.ge [sflag:s16], $0x4000  }
0x28: {  	[sflag:s16] =	ssyncset.done $0x0  }
0x29: {  	[sflag:s16] =	ssyncadd.s32 $0xFFFFC000  }
0x2a: {  	[spmem:s6] =	stream.linear.scatter [tilespmem:s15], [sflag:$0x3], $0x4000, $0x38;
	[tilespmem:$0x1F000] =	vst v63  }
0x2b: {  	_ =	swait.ge [sflag:s16], $0x4000  }
0x2c: {  	[sflag:s16] =	ssyncset.done $0x0  }
0x2d: {  	[sflag:s16] =	ssyncadd.s32 $0xFFFFC000  }
0x2e: {  	[spmem:s7] =	stream.linear.scatter [tilespmem:s15], [sflag:$0x3], $0x4000, $0x38;
	[tilespmem:$0x1F000] =	vst v63  }
0x2f: {  	_ =	swait.ge [sflag:s16], $0x4000  }
0x30: {  	[sflag:s16] =	ssyncset.done $0x0  }
0x31: {  	[sflag:s16] =	ssyncadd.s32 $0xFFFFC000  }
0x32: {  	[spmem:s8] =	stream.linear.scatter [tilespmem:s15], [sflag:$0x3], $0x4000, $0x38;
	[tilespmem:$0x1F000] =	vst v63  }
0x33: {  	_ =	swait.ge [sflag:s16], $0x4000  }
0x34: {  	[sflag:s16] =	ssyncset.done $0x0  }
0x35: {  	[sflag:s16] =	ssyncadd.s32 $0xFFFFC000  }
0x36: {  	[spmem:s9] =	stream.linear.scatter [tilespmem:s15], [sflag:$0x3], $0x3C00, $0x38;
	[tilespmem:$0x1F000] =	vst v63  }
0x37: {  	_ =	swait.ge [sflag:s16], $0x3C00  }
0x38: {  	[sflag:s16] =	ssyncset.done $0x0  }
0x39: {  	[sflag:s16] =	ssyncadd.s32 $0xFFFFC400  }
0x3a: {  	s25 =	simm.s32 $0x0;
	[bflag:$0x0] =	sbarrier.arrive $0xFFFF  }
0x3b: {  	[tilespmem:s25], [sflag:$0x3] =	stream.linear.gather [hbm4b:s10+s25], $0x2780, $0x38;
	[tilespmem:$0x1F000] =	vst v63  }
0x3c: {  	_ =	swait.ge [sflag:s16], $0x2780  }
0x3d: {  	[sflag:s16] =	ssyncset.done $0x0  }
0x3e: {  	[sflag:s16] =	ssyncadd.s32 $0xFFFFD880  }
0x3f: {  	[tilespmem:s17], [sflag:$0x3] =	stream.linear.gather [hbm4b:s11+s25], $0x2780, $0x38;
	[tilespmem:$0x1F000] =	vst v63  }
0x40: {  	_ =	swait.ge [sflag:s16], $0x2780  }
0x41: {  	[sflag:s16] =	ssyncset.done $0x0  }
0x42: {  	[sflag:s16] =	ssyncadd.s32 $0xFFFFD880  }
0x43: {  	[tilespmem:s20], [sflag:$0x3] =	stream.strided.gather [hbm4b:s12+s18], $0x2780, s19, s18, $0x38;
	[tilespmem:$0x1F000] =	vst v63  }
0x44: {  	_ =	swait.ge [sflag:s16], $0x2780  }
0x45: {  	[sflag:s16] =	ssyncset.done $0x0  }
0x46: {  	[sflag:s16] =	ssyncadd.s32 $0xFFFFD880  }
.LBB2_4:
0x47: {  	s26 =	sshll.u32 s25, $0x7  }
0x48: {  	[tilespmem:s15], [sflag:$0x1] =	stream.indirect.gather [hbm4b:s1+s21], $0x80, s26, s21, $0xb8;
	[tilespmem:$0x1F000] =	vst v63  }
0x49: {  	s28 =	sor.u32 $0x40, s26  }
0x4a: {  	[tilespmem:s22], [sflag:$0x2] =	stream.indirect.gather [hbm4b:s1+s21], $0x80, s28, s21, $0xb8;
	[tilespmem:$0x1F000] =	vst v63  }
0x4b: {  	_ =	swait.ge [sflag:s23], $0x2000  }
0x4c: {  	[sflag:s23] =	ssyncset.done $0x0  }
0x4d: {  	s28 =	sadd.s32 $0x5000, s26;
	[sflag:s23] =	ssyncadd.s32 $0xFFFFE000  }
0x4e: {  	v1 =	vmov s28;
	_ =	swait.ge [sflag:s24], $0x2000  }
0x4f: {  	[sflag:s24] =	ssyncset.done $0x0  }
0x50: {  	s28 =	simm.s32 $0x0;
	[sflag:s24] =	ssyncadd.s32 $0xFFFFE000  }
.LBB2_5:
0x51: {  	s29 =	sshll.u32 s28, $0x4  }
0x52: {  	s29 =	sand.u32 $0x3FFFFFF0, s29  }
0x53: {  	s31 =	sshll.u32 s28, $0xB;
	v2 =	vld.idx.msk [tilespmem:v1+s29+$0x0 ss:$0x1], $0xffff  }
0x54: {  	s29 =	sand.u32 $0x3FFFF800, s31  }
0x55: {  	v3 =	vld [tilespmem:s29+$0x7780]  }
0x56: {  	v4 =	vld [tilespmem:s29+$0x7790]  }
0x57: {  	v5 =	vld [tilespmem:s29+$0x77A0]  }
0x58: {  	v7 =	vld [tilespmem:s29+$0x77B0];
	v6 =	vbroadcast v2, $0x0  }
0x59: {  	v8 =	vld [tilespmem:s29+$0x77C0]  }
0x5a: {  	v9 =	vld [tilespmem:s29+$0x77D0];
	v3 =	vmul.f32 v6, v3  }
0x5b: {  	v10 =	vld [tilespmem:s29+$0x77E0];
	v4 =	vmul.f32 v4, v6  }
0x5c: {  	v24 =	vld [tilespmem:s29+$0x77F0];
	[tilespmem:s29+$0x7780] =	vst v3;
	v3 =	vmul.f32 v5, v6  }
0x5d: {  	v26 =	vld [tilespmem:s29+$0x7800];
	v25 =	vmul.f32 v7, v6;
	[tilespmem:s29+$0x7790] =	vst v4  }
0x5e: {  	v27 =	vld [tilespmem:s29+$0x7810];
	[tilespmem:s29+$0x77A0] =	vst v3;
	v3 =	vmul.f32 v8, v6  }
0x5f: {  	v29 =	vld [tilespmem:s29+$0x7820];
	v28 =	vmul.f32 v9, v6;
	[tilespmem:s29+$0x77B0] =	vst v25  }
0x60: {  	v11 =	vld [tilespmem:s29+$0x7830];
	v30 =	vbroadcast v2, $0x1;
	[tilespmem:s29+$0x77C0] =	vst v3;
	v3 =	vmul.f32 v10, v6  }
0x61: {  	v32 =	vld [tilespmem:s29+$0x7840];
	v31 =	vmul.f32 v24, v6;
	[tilespmem:s29+$0x77D0] =	vst v28  }
0x62: {  	v33 =	vld [tilespmem:s29+$0x7850];
	[tilespmem:s29+$0x77E0] =	vst v3;
	v3 =	vmul.f32 v26, v30  }
0x63: {  	v35 =	vld [tilespmem:s29+$0x7860];
	v34 =	vmul.f32 v27, v30;
	[tilespmem:s29+$0x77F0] =	vst v31  }
0x64: {  	v36 =	vld [tilespmem:s29+$0x7870];
	[tilespmem:s29+$0x7800] =	vst v3;
	v3 =	vmul.f32 v29, v30  }
0x65: {  	v38 =	vld [tilespmem:s29+$0x7880];
	v37 =	vmul.f32 v11, v30;
	[tilespmem:s29+$0x7810] =	vst v34  }
0x66: {  	v39 =	vld [tilespmem:s29+$0x7890];
	[tilespmem:s29+$0x7820] =	vst v3;
	v3 =	vmul.f32 v32, v30  }
0x67: {  	v41 =	vld [tilespmem:s29+$0x78A0];
	v40 =	vmul.f32 v33, v30;
	[tilespmem:s29+$0x7830] =	vst v37  }
0x68: {  	v43 =	vld [tilespmem:s29+$0x78B0];
	v42 =	vbroadcast v2, $0x2;
	[tilespmem:s29+$0x7840] =	vst v3;
	v3 =	vmul.f32 v35, v30  }
0x69: {  	v45 =	vld [tilespmem:s29+$0x78C0];
	v44 =	vmul.f32 v36, v30;
	[tilespmem:s29+$0x7850] =	vst v40  }
0x6a: {  	v46 =	vld [tilespmem:s29+$0x78D0];
	[tilespmem:s29+$0x7860] =	vst v3;
	v3 =	vmul.f32 v38, v42  }
0x6b: {  	v48 =	vld [tilespmem:s29+$0x78E0];
	v47 =	vmul.f32 v39, v42;
	[tilespmem:s29+$0x7870] =	vst v44  }
0x6c: {  	v49 =	vld [tilespmem:s29+$0x78F0];
	[tilespmem:s29+$0x7880] =	vst v3;
	v3 =	vmul.f32 v41, v42  }
0x6d: {  	v51 =	vld [tilespmem:s29+$0x7900];
	v50 =	vmul.f32 v43, v42;
	[tilespmem:s29+$0x7890] =	vst v47  }
0x6e: {  	v52 =	vld [tilespmem:s29+$0x7910];
	[tilespmem:s29+$0x78A0] =	vst v3;
	v3 =	vmul.f32 v45, v42  }
0x6f: {  	v54 =	vld [tilespmem:s29+$0x7920];
	v53 =	vmul.f32 v46, v42;
	[tilespmem:s29+$0x78B0] =	vst v50  }
0x70: {  	v56 =	vld [tilespmem:s29+$0x7930];
	v55 =	vbroadcast v2, $0x3;
	[tilespmem:s29+$0x78C0] =	vst v3;
	v3 =	vmul.f32 v48, v42  }
0x71: {  	v58 =	vld [tilespmem:s29+$0x7940];
	v57 =	vmul.f32 v49, v42;
	[tilespmem:s29+$0x78D0] =	vst v53  }
0x72: {  	v59 =	vld [tilespmem:s29+$0x7950];
	[tilespmem:s29+$0x78E0] =	vst v3;
	v3 =	vmul.f32 v51, v55  }
0x73: {  	v61 =	vld [tilespmem:s29+$0x7960];
	v60 =	vmul.f32 v52, v55;
	[tilespmem:s29+$0x78F0] =	vst v57  }
0x74: {  	v62 =	vld [tilespmem:s29+$0x7970];
	[tilespmem:s29+$0x7900] =	vst v3;
	v3 =	vmul.f32 v54, v55  }
0x75: {  	v12 =	vld [tilespmem:s29+$0x7980];
	v63 =	vmul.f32 v56, v55;
	[tilespmem:s29+$0x7910] =	vst v60  }
0x76: {  	v13 =	vld [tilespmem:s29+$0x7990];
	[tilespmem:s29+$0x7920] =	vst v3;
	v3 =	vmul.f32 v58, v55  }
0x77: {  	v15 =	vld [tilespmem:s29+$0x79A0];
	v14 =	vmul.f32 v59, v55;
	[tilespmem:s29+$0x7930] =	vst v63  }
0x78: {  	v17 =	vld [tilespmem:s29+$0x79B0];
	v16 =	vbroadcast v2, $0x4;
	[tilespmem:s29+$0x7940] =	vst v3;
	v3 =	vmul.f32 v61, v55  }
0x79: {  	v19 =	vld [tilespmem:s29+$0x79C0];
	v18 =	vmul.f32 v62, v55;
	[tilespmem:s29+$0x7950] =	vst v14  }
0x7a: {  	v20 =	vld [tilespmem:s29+$0x79D0];
	[tilespmem:s29+$0x7960] =	vst v3;
	v3 =	vmul.f32 v12, v16  }
0x7b: {  	v22 =	vld [tilespmem:s29+$0x79E0];
	v21 =	vmul.f32 v13, v16;
	[tilespmem:s29+$0x7970] =	vst v18  }
0x7c: {  	v23 =	vld [tilespmem:s29+$0x79F0];
	[tilespmem:s29+$0x7980] =	vst v3;
	v3 =	vmul.f32 v15, v16  }
0x7d: {  	v24 =	vmul.f32 v17, v16;
	[tilespmem:s29+$0x7990] =	vst v21;
	v25 =	vld [tilespmem:s29+$0x7A00]  }
0x7e: {  	v33 =	vld [tilespmem:s29+$0x7A50];
	[tilespmem:s29+$0x79A0] =	vst v3;
	v3 =	vmul.f32 v19, v16  }
0x7f: {  	v27 =	vmul.f32 v20, v16;
	[tilespmem:s29+$0x79B0] =	vst v24;
	v28 =	vld [tilespmem:s29+$0x7A20]  }
0x80: {  	v36 =	vld [tilespmem:s29+$0x7A70];
	v29 =	vbroadcast v2, $0x5;
	[tilespmem:s29+$0x79C0] =	vst v3;
	v3 =	vmul.f32 v22, v16  }
0x81: {  	[tilespmem:s29+$0x79D0] =	vst v27;
	v31 =	vmul.f32 v23, v16;
	v32 =	vld [tilespmem:s29+$0x7A40]  }
0x82: {  	v26 =	vld [tilespmem:s29+$0x7A10];
	[tilespmem:s29+$0x79E0] =	vst v3;
	v3 =	vmul.f32 v25, v29  }
0x83: {  	[tilespmem:s29+$0x79F0] =	vst v31;
	v40 =	vmul.f32 v33, v29;
	v35 =	vld [tilespmem:s29+$0x7A60]  }
0x84: {  	v30 =	vld [tilespmem:s29+$0x7A30];
	[tilespmem:s29+$0x7A00] =	vst v3;
	v3 =	vmul.f32 v28, v29  }
0x85: {  	v44 =	vmul.f32 v36, v29;
	[tilespmem:s29+$0x7A50] =	vst v40;
	v38 =	vld [tilespmem:s29+$0x7A80]  }
0x86: {  	v39 =	vld [tilespmem:s29+$0x7A90];
	[tilespmem:s29+$0x7A20] =	vst v3;
	v3 =	vmul.f32 v32, v29  }
0x87: {  	v34 =	vmul.f32 v26, v29;
	[tilespmem:s29+$0x7A70] =	vst v44;
	v41 =	vld [tilespmem:s29+$0x7AA0]  }
0x88: {  	v43 =	vld [tilespmem:s29+$0x7AB0];
	v42 =	vbroadcast v2, $0x6;
	[tilespmem:s29+$0x7A40] =	vst v3;
	v3 =	vmul.f32 v35, v29  }
0x89: {  	[tilespmem:s29+$0x7A10] =	vst v34;
	v37 =	vmul.f32 v30, v29;
	v45 =	vld [tilespmem:s29+$0x7AC0]  }
0x8a: {  	v46 =	vld [tilespmem:s29+$0x7AD0];
	[tilespmem:s29+$0x7A60] =	vst v3;
	v3 =	vmul.f32 v38, v42  }
0x8b: {  	[tilespmem:s29+$0x7A30] =	vst v37;
	v48 =	vld [tilespmem:s29+$0x7AE0];
	v47 =	vmul.f32 v39, v42  }
0x8c: {  	v49 =	vld [tilespmem:s29+$0x7AF0];
	[tilespmem:s29+$0x7A80] =	vst v3;
	v3 =	vmul.f32 v41, v42  }
0x8d: {  	v50 =	vmul.f32 v43, v42;
	v51 =	vld [tilespmem:s29+$0x7B00];
	[tilespmem:s29+$0x7A90] =	vst v47  }
0x8e: {  	v52 =	vld [tilespmem:s29+$0x7B10];
	[tilespmem:s29+$0x7AA0] =	vst v3;
	v3 =	vmul.f32 v45, v42  }
0x8f: {  	v53 =	vmul.f32 v46, v42;
	[tilespmem:s29+$0x7AB0] =	vst v50;
	v54 =	vld [tilespmem:s29+$0x7B20]  }
0x90: {  	v56 =	vld [tilespmem:s29+$0x7B30];
	v55 =	vbroadcast v2, $0x7;
	[tilespmem:s29+$0x7AC0] =	vst v3;
	v3 =	vmul.f32 v48, v42  }
0x91: {  	v57 =	vmul.f32 v49, v42;
	[tilespmem:s29+$0x7AD0] =	vst v53;
	v58 =	vld [tilespmem:s29+$0x7B40]  }
0x92: {  	v59 =	vld [tilespmem:s29+$0x7B50];
	[tilespmem:s29+$0x7AE0] =	vst v3;
	v3 =	vmul.f32 v51, v55  }
0x93: {  	[tilespmem:s29+$0x7AF0] =	vst v57;
	v61 =	vld [tilespmem:s29+$0x7B60];
	v60 =	vmul.f32 v52, v55  }
0x94: {  	v62 =	vld [tilespmem:s29+$0x7B70];
	[tilespmem:s29+$0x7B00] =	vst v3;
	v3 =	vmul.f32 v54, v55  }
0x95: {  	v63 =	vmul.f32 v56, v55;
	v12 =	vld [tilespmem:s29+$0x7B80];
	[tilespmem:s29+$0x7B10] =	vst v60  }
0x96: {  	v13 =	vld [tilespmem:s29+$0x7B90];
	[tilespmem:s29+$0x7B20] =	vst v3;
	v3 =	vmul.f32 v58, v55  }
0x97: {  	v14 =	vmul.f32 v59, v55;
	[tilespmem:s29+$0x7B30] =	vst v63;
	v15 =	vld [tilespmem:s29+$0x7BA0]  }
0x98: {  	v17 =	vld [tilespmem:s29+$0x7BB0];
	v16 =	vbroadcast v2, $0x8;
	[tilespmem:s29+$0x7B40] =	vst v3;
	v3 =	vmul.f32 v61, v55  }
0x99: {  	v18 =	vmul.f32 v62, v55;
	[tilespmem:s29+$0x7B50] =	vst v14;
	v19 =	vld [tilespmem:s29+$0x7BC0]  }
0x9a: {  	v20 =	vld [tilespmem:s29+$0x7BD0];
	[tilespmem:s29+$0x7B60] =	vst v3;
	v3 =	vmul.f32 v12, v16  }
0x9b: {  	[tilespmem:s29+$0x7B70] =	vst v18;
	v22 =	vld [tilespmem:s29+$0x7BE0];
	v21 =	vmul.f32 v13, v16  }
0x9c: {  	v23 =	vld [tilespmem:s29+$0x7BF0];
	[tilespmem:s29+$0x7B80] =	vst v3;
	v3 =	vmul.f32 v15, v16  }
0x9d: {  	v24 =	vmul.f32 v17, v16;
	v25 =	vld [tilespmem:s29+$0x7C00];
	[tilespmem:s29+$0x7B90] =	vst v21  }
0x9e: {  	v26 =	vld [tilespmem:s29+$0x7C10];
	[tilespmem:s29+$0x7BA0] =	vst v3;
	v3 =	vmul.f32 v19, v16  }
0x9f: {  	v27 =	vmul.f32 v20, v16;
	[tilespmem:s29+$0x7BB0] =	vst v24;
	v28 =	vld [tilespmem:s29+$0x7C20]  }
0xa0: {  	v30 =	vld [tilespmem:s29+$0x7C30];
	v29 =	vbroadcast v2, $0x9;
	[tilespmem:s29+$0x7BC0] =	vst v3;
	v3 =	vmul.f32 v22, v16  }
0xa1: {  	v31 =	vmul.f32 v23, v16;
	[tilespmem:s29+$0x7BD0] =	vst v27;
	v32 =	vld [tilespmem:s29+$0x7C40]  }
0xa2: {  	v33 =	vld [tilespmem:s29+$0x7C50];
	[tilespmem:s29+$0x7BE0] =	vst v3;
	v3 =	vmul.f32 v25, v29  }
0xa3: {  	[tilespmem:s29+$0x7BF0] =	vst v31;
	v35 =	vld [tilespmem:s29+$0x7C60];
	v34 =	vmul.f32 v26, v29  }
0xa4: {  	v36 =	vld [tilespmem:s29+$0x7C70];
	[tilespmem:s29+$0x7C00] =	vst v3;
	v3 =	vmul.f32 v28, v29  }
0xa5: {  	v37 =	vmul.f32 v30, v29;
	v38 =	vld [tilespmem:s29+$0x7C80];
	[tilespmem:s29+$0x7C10] =	vst v34  }
0xa6: {  	v39 =	vld [tilespmem:s29+$0x7C90];
	[tilespmem:s29+$0x7C20] =	vst v3;
	v3 =	vmul.f32 v32, v29  }
0xa7: {  	v40 =	vmul.f32 v33, v29;
	[tilespmem:s29+$0x7C30] =	vst v37;
	v41 =	vld [tilespmem:s29+$0x7CA0]  }
0xa8: {  	v43 =	vld [tilespmem:s29+$0x7CB0];
	v42 =	vbroadcast v2, $0xA;
	[tilespmem:s29+$0x7C40] =	vst v3;
	v3 =	vmul.f32 v35, v29  }
0xa9: {  	v44 =	vmul.f32 v36, v29;
	[tilespmem:s29+$0x7C50] =	vst v40;
	v45 =	vld [tilespmem:s29+$0x7CC0]  }
0xaa: {  	v46 =	vld [tilespmem:s29+$0x7CD0];
	[tilespmem:s29+$0x7C60] =	vst v3;
	v3 =	vmul.f32 v38, v42  }
0xab: {  	[tilespmem:s29+$0x7C70] =	vst v44;
	v48 =	vld [tilespmem:s29+$0x7CE0];
	v47 =	vmul.f32 v39, v42  }
0xac: {  	v49 =	vld [tilespmem:s29+$0x7CF0];
	[tilespmem:s29+$0x7C80] =	vst v3;
	v3 =	vmul.f32 v41, v42  }
0xad: {  	v50 =	vmul.f32 v43, v42;
	v51 =	vld [tilespmem:s29+$0x7D00];
	[tilespmem:s29+$0x7C90] =	vst v47  }
0xae: {  	v52 =	vld [tilespmem:s29+$0x7D10];
	[tilespmem:s29+$0x7CA0] =	vst v3;
	v3 =	vmul.f32 v45, v42  }
0xaf: {  	v53 =	vmul.f32 v46, v42;
	[tilespmem:s29+$0x7CB0] =	vst v50;
	v54 =	vld [tilespmem:s29+$0x7D20]  }
0xb0: {  	v56 =	vld [tilespmem:s29+$0x7D30];
	v55 =	vbroadcast v2, $0xB;
	[tilespmem:s29+$0x7CC0] =	vst v3;
	v3 =	vmul.f32 v48, v42  }
0xb1: {  	v57 =	vmul.f32 v49, v42;
	[tilespmem:s29+$0x7CD0] =	vst v53;
	v58 =	vld [tilespmem:s29+$0x7D40]  }
0xb2: {  	v59 =	vld [tilespmem:s29+$0x7D50];
	[tilespmem:s29+$0x7CE0] =	vst v3;
	v3 =	vmul.f32 v51, v55  }
0xb3: {  	[tilespmem:s29+$0x7CF0] =	vst v57;
	v61 =	vld [tilespmem:s29+$0x7D60];
	v60 =	vmul.f32 v52, v55  }
0xb4: {  	v62 =	vld [tilespmem:s29+$0x7D70];
	[tilespmem:s29+$0x7D00] =	vst v3;
	v3 =	vmul.f32 v54, v55  }
0xb5: {  	v63 =	vmul.f32 v56, v55;
	v12 =	vld [tilespmem:s29+$0x7D80];
	[tilespmem:s29+$0x7D10] =	vst v60  }
0xb6: {  	v13 =	vld [tilespmem:s29+$0x7D90];
	[tilespmem:s29+$0x7D20] =	vst v3;
	v3 =	vmul.f32 v58, v55  }
0xb7: {  	v14 =	vmul.f32 v59, v55;
	[tilespmem:s29+$0x7D30] =	vst v63;
	v15 =	vld [tilespmem:s29+$0x7DA0]  }
0xb8: {  	v17 =	vld [tilespmem:s29+$0x7DB0];
	v16 =	vbroadcast v2, $0xC;
	[tilespmem:s29+$0x7D40] =	vst v3;
	v3 =	vmul.f32 v61, v55  }
0xb9: {  	v18 =	vmul.f32 v62, v55;
	[tilespmem:s29+$0x7D50] =	vst v14;
	v19 =	vld [tilespmem:s29+$0x7DC0]  }
0xba: {  	v20 =	vld [tilespmem:s29+$0x7DD0];
	[tilespmem:s29+$0x7D60] =	vst v3;
	v3 =	vmul.f32 v12, v16  }
0xbb: {  	[tilespmem:s29+$0x7D70] =	vst v18;
	v22 =	vld [tilespmem:s29+$0x7DE0];
	v21 =	vmul.f32 v13, v16  }
0xbc: {  	v23 =	vld [tilespmem:s29+$0x7DF0];
	[tilespmem:s29+$0x7D80] =	vst v3;
	v3 =	vmul.f32 v15, v16  }
0xbd: {  	v24 =	vmul.f32 v17, v16;
	v25 =	vld [tilespmem:s29+$0x7E00];
	[tilespmem:s29+$0x7D90] =	vst v21  }
0xbe: {  	v26 =	vld [tilespmem:s29+$0x7E10];
	[tilespmem:s29+$0x7DA0] =	vst v3;
	v3 =	vmul.f32 v19, v16  }
0xbf: {  	v27 =	vmul.f32 v20, v16;
	[tilespmem:s29+$0x7DB0] =	vst v24;
	v28 =	vld [tilespmem:s29+$0x7E20]  }
0xc0: {  	v30 =	vld [tilespmem:s29+$0x7E30];
	v29 =	vbroadcast v2, $0xD;
	[tilespmem:s29+$0x7DC0] =	vst v3;
	v3 =	vmul.f32 v22, v16  }
0xc1: {  	v31 =	vmul.f32 v23, v16;
	[tilespmem:s29+$0x7DD0] =	vst v27;
	v32 =	vld [tilespmem:s29+$0x7E40]  }
0xc2: {  	v33 =	vld [tilespmem:s29+$0x7E50];
	[tilespmem:s29+$0x7DE0] =	vst v3;
	v3 =	vmul.f32 v25, v29  }
0xc3: {  	[tilespmem:s29+$0x7DF0] =	vst v31;
	v35 =	vld [tilespmem:s29+$0x7E60];
	v34 =	vmul.f32 v26, v29  }
0xc4: {  	v36 =	vld [tilespmem:s29+$0x7E70];
	[tilespmem:s29+$0x7E00] =	vst v3;
	v3 =	vmul.f32 v28, v29  }
0xc5: {  	v37 =	vmul.f32 v30, v29;
	v38 =	vld [tilespmem:s29+$0x7E80];
	[tilespmem:s29+$0x7E10] =	vst v34  }
0xc6: {  	v39 =	vld [tilespmem:s29+$0x7E90];
	[tilespmem:s29+$0x7E20] =	vst v3;
	v3 =	vmul.f32 v32, v29  }
0xc7: {  	v40 =	vmul.f32 v33, v29;
	[tilespmem:s29+$0x7E30] =	vst v37;
	v41 =	vld [tilespmem:s29+$0x7EA0]  }
0xc8: {  	v43 =	vld [tilespmem:s29+$0x7EB0];
	v42 =	vbroadcast v2, $0xE;
	[tilespmem:s29+$0x7E40] =	vst v3;
	v3 =	vmul.f32 v35, v29  }
0xc9: {  	v44 =	vmul.f32 v36, v29;
	[tilespmem:s29+$0x7E50] =	vst v40;
	v45 =	vld [tilespmem:s29+$0x7EC0]  }
0xca: {  	v46 =	vld [tilespmem:s29+$0x7ED0];
	[tilespmem:s29+$0x7E60] =	vst v3;
	v3 =	vmul.f32 v38, v42  }
0xcb: {  	[tilespmem:s29+$0x7E70] =	vst v44;
	v48 =	vld [tilespmem:s29+$0x7EE0];
	v47 =	vmul.f32 v39, v42  }
0xcc: {  	v49 =	vld [tilespmem:s29+$0x7EF0];
	[tilespmem:s29+$0x7E80] =	vst v3;
	v3 =	vmul.f32 v41, v42  }
0xcd: {  	v50 =	vmul.f32 v43, v42;
	v51 =	vld [tilespmem:s29+$0x7F00];
	[tilespmem:s29+$0x7E90] =	vst v47  }
0xce: {  	v52 =	vld [tilespmem:s29+$0x7F10];
	[tilespmem:s29+$0x7EA0] =	vst v3;
	v3 =	vmul.f32 v45, v42  }
0xcf: {  	v53 =	vmul.f32 v46, v42;
	[tilespmem:s29+$0x7EB0] =	vst v50;
	v54 =	vld [tilespmem:s29+$0x7F20]  }
0xd0: {  	v2 =	vbroadcast v2, $0xF;
	v58 =	vld [tilespmem:s29+$0x7F50];
	[tilespmem:s29+$0x7EC0] =	vst v3;
	v3 =	vmul.f32 v48, v42  }
0xd1: {  	v57 =	vld [tilespmem:s29+$0x7F40];
	v56 =	vmul.f32 v49, v42;
	[tilespmem:s29+$0x7ED0] =	vst v53  }
0xd2: {  	v55 =	vld [tilespmem:s29+$0x7F30];
	[tilespmem:s29+$0x7EE0] =	vst v3;
	v3 =	vmul.f32 v51, v2  }
0xd3: {  	v60 =	vld [tilespmem:s29+$0x7F60];
	v59 =	vmul.f32 v52, v2;
	[tilespmem:s29+$0x7EF0] =	vst v56  }
0xd4: {  	v61 =	vld [tilespmem:s29+$0x7F70];
	[tilespmem:s29+$0x7F00] =	vst v3;
	v3 =	vmul.f32 v54, v2  }
0xd5: {  	[tilespmem:s29+$0x7F10] =	vst v59;
	v63 =	vmul.f32 v58, v2  }
0xd6: {  	p0 =	sne.s32 s28, $0x7;
	[tilespmem:s29+$0x7F20] =	vst v3;
	v3 =	vmul.f32 v57, v2  }
.Ltmp1:
0xd7: {  	v62 =	vmul.f32 v55, v2;
	[tilespmem:s29+$0x7F50] =	vst v63;
	(pc) =	sbr.rel @p0 .LBB2_5-.Ltmp1, $4  }
0xd8: {  	[tilespmem:s29+$0x7F40] =	vst v3;
	v3 =	vmul.f32 v60, v2  }
0xd9: {  	[tilespmem:s29+$0x7F30] =	vst v62;
	v2 =	vmul.f32 v61, v2  }
0xda: {  	[tilespmem:s29+$0x7F60] =	vst v3  }
0xdb: {  	s28 =	sadd.s32 $0x1, s28;
	[tilespmem:s29+$0x7F70] =	vst v2  }
0xdc: {  	s25 =	sadd.s32 $0x1, s25  }
0xdd: {  	p0 =	sne.s32 s25, $0x4F  }
.Ltmp2:
0xde: {  	s26 =	sadd.s32 $0x2800, s26;
	(pc) =	sbr.rel @p0 .LBB2_4-.Ltmp2, $4  }
0xdf: {  	[spmem:s3] =	stream.indirect.scatter.add.f32 [tilespmem:s15], [sflag:$0x3], $0x80, s26, s18, $0xb8;
	[tilespmem:$0x1F000] =	vst v63  }
0xe0: {  	_ =	swait.ge [sflag:s16], $0x4000  }
0xe1: {  	[sflag:s16] =	ssyncset.done $0x0  }
0xe2: {  	[sflag:s16] =	ssyncadd.s32 $0xFFFFC000  }
0xe3: {  	s4 =	sadd.s32 $0x1, s4  }
0xe4: {  	s25 =	sshll.u32 s2, $0x6;
	[bflag:$0x0] =	sbarrier.arrive $0xFFFF;
	p0 =	sne.s32 s4, s14  }
.Ltmp3:
0xe5: {  	s26 =	sshrl.u32 s5, $0x3;
	s25 =	sor.u32 $0x1C03, s25;
	(pc) =	sbr.rel @p0 .LBB2_1-.Ltmp3, $4  }
0xe6: {  	[hbm:s13], [sflag:s25] =	dma.local [spmem:s26], $0x2780  }
0xe7: {  	_ =	swait.ge [sflag:s16], $0x2780  }
0xe8: {  	[sflag:s16] =	ssyncset.done $0x0  }
0xe9: {  	[sflag:s16] =	ssyncadd.s32 $0xFFFFD880  }
0xea: {  	_ =	sfence.sel $0x180000  }
0xeb: {  	[bflag:$0x0] =	sbarrier.arrive $0xFFFF  }
0xec: {  	p0 =	sne.s32 s2, $0x0;
	_ =	strace $0x90000047  }
0xed: {  	s0 =	sadd.s32 @!p0 $0x100000, s0;
	[bflag:$0x2] =	sbarrier.arrive $0xFFFF  }
0xee: {  	[sflag:s0] =	ssyncadd.tile.s32 @!p0 $0x1;
	_ =	shalt  }
.Lfunc_end2:
_tile_overlayer_lowered:
.L_overlay_start_2:
0xef: {  	(tag) =	ssettag $0x2  }
0xf0: {  	s0 =	rddreg [dreg:$0x0];
	s2 =	stileid.u32  }
0xf1: {  	s1 =	rddreg [dreg:$0x1];
	p0 =	sne.s32 s2, $0x0  }
0xf2: {  	s3 =	rddreg [dreg:$0x2];
	[bflag:$0x3] =	sbarrier.arrive $0xFFFF;
	s2 =	simm.s32 @!p0 $0x1C03  }
0xf3: {  	[timem:s3], [sflag:s2] =	dma.local @!p0 [hbm:s0], s1  }
0xf4: {  	s0 =	simm.s32 @!p0 $0x3  }
0xf5: {  	_ =	swait.ge @!p0 [sflag:s0], s1  }
0xf6: {  	s1 =	ssub.s32 @!p0 $0x0, s1;
	[sflag:s0] =	ssyncset.done @!p0 $0x0  }
0xf7: {  	[sflag:s0] =	ssyncadd.s32 @!p0 s1  }
0xf8: {  	[bflag:$0x3] =	sbarrier.arrive $0xFFFF  }
0xf9: {  	_ =	shalt  }

// kernel: kernel.9.cloned.1.call-start
scs
__scs_entry_jumppad:
0x0: {  	(pc) =	sbr.rel $0x88, $3  }
0x1: {  	(tag) =	ssettag $0x0;
	lr =	simm.s32 $0x1  }
0x2: {  	[smem:$0x3F9E] =	sst lr;
	_ =	strace $0xD0000000  }
0x3: {  	_ = 	snop  }
0x4: {  	_ = 	snop  }
0x5: {  	_ = 	snop  }
0x6: {  	_ = 	snop  }
0x7: {  	_ = 	snop  }
__scs_overlays_trampoline_lowered:
0x8: {  	[smem:$0x3FAD] =	sst s0  }
0x9: {  	[smem:$0x3FAE] =	sst s1  }
0xa: {  	[smem:$0x3FAF] =	sst s2  }
0xb: {  	[smem:$0x3FB0] =	sst s3  }
0xc: {  	[smem:$0x3FB1] =	sst s4  }
0xd: {  	[smem:$0x3FB2] =	sst s5  }
0xe: {  	[smem:$0x3FB3] =	sst s6  }
0xf: {  	[smem:$0x3FB4] =	sst s7  }
0x10: {  	[smem:$0x3FB5] =	sst s8  }
0x11: {  	[smem:$0x3FB6] =	sst s9;
	s0 =	simm.s32 @!p0 $0x0  }
0x12: {  	s1 =	sld [smem:$0x3F9C];
	s0 =	simm.s32 @p0 $0x1  }
0x13: {  	[smem:$0x3FB7] =	sst s0;
	s0 =	simm.s32 @!p1 $0x0  }
0x14: {  	s2 =	sld [smem:$0x3F9B];
	s0 =	simm.s32 @p1 $0x1  }
0x15: {  	[smem:$0x3FB8] =	sst s0;
	s0 =	simm.s32 @!p2 $0x0  }
0x16: {  	s3 =	sld [smem:$0x3FDB];
	s0 =	simm.s32 @p2 $0x1  }
0x17: {  	s4 =	simm.s32 $0x1BF5;
	[smem:$0x3FBA] =	sst s0  }
0x18: {  	s0 =	sld [smem:$0x3F9D];
	_ =	swait.ge [sflag:s4], $0x0  }
0x19: {  	s7 =	sld [smem:$0x3F9E]  }
0x1a: {  	s8 =	sadd.s32 $0xFFFFE003, lr  }
0x1b: {  	s9 =	sadd.s32 $0xFFFFFEF7, lr;
	s5 =	simm.s32 $0xFFFFFFFF;
	p2 =	slt.u32 s8, $0xFFFFF086  }
0x1c: {  	p1 =	slt.u32 s9, $0xF7A;
	s5 =	simm.s32 @!p2 $0x0  }
0x1d: {  	s5 =	simm.s32 @p1 $0x1;
	p0 =	seq.s32 s7, s2  }
0x1e: {  	s7 =	smul.u32 @!p0 $0xF7A, s2;
	p2 =	seq.s32 @!p0 s5, $0x0  }
0x1f: {  	s9 =	smul.u32 $0xF7A, s1;
	s8 =	simm.s32 @!p0 $0x1BF5;
	p2 =	por !p2, p0  }
0x20: {  	[sflag:s8] =	ssyncset.s32 @!p0 $0xFFFFF086;
	s6 =	sadd.s32 @!p0 s3, s7;
	s7 =	simm.s32 @!p0 $0x108  }
0x21: {  	s3 =	sadd.s32 s3, s9;
	s6 =	sadd.s32 @!p0 $0x88, s6;
	s7 =	simm.s32 @p2 $0x1082  }
0x22: {  	[simem:s7], [sflag:s8] =	dma.local @!p0 [hbm:s6], $0xF7A  }
0x23: {  	s9 =	sor.u32 $0xD0000000, s2;
	s6 =	simm.s32 $0x108;
	_ =	swait.ge @!p0 [sflag:s8], $0x0  }
0x24: {  	s3 =	sadd.s32 $0x88, s3;
	s6 =	simm.s32 @!p1 $0x1082;
	[sflag:s4] =	ssyncset.s32 $0xFFFFF086  }
0x25: {  	[simem:s6], [sflag:s4] =	dma.local [hbm:s3], $0xF7A  }
0x26: {  	[smem:$0x3F9E] =	sst s1;
	(tag) =	ssettag s2;
	_ =	strace s9  }
0x27: {  	s1 =	sld [smem:$0x3FAE]  }
0x28: {  	s2 =	sld [smem:$0x3FAF]  }
0x29: {  	s4 =	sld [smem:$0x3FB1]  }
0x2a: {  	p0 =	seq.s32 s5, $0x0;
	s5 =	sld [smem:$0x3FB2]  }
0x2b: {  	s6 =	sld [smem:$0x3FB3]  }
0x2c: {  	s7 =	sld [smem:$0x3FB4]  }
0x2d: {  	s3 =	simm.s32 $0x108;
	s8 =	sld [smem:$0x3FB5]  }
0x2e: {  	s3 =	simm.s32 @!p0 $0x1082;
	s9 =	sld [smem:$0x3FB6]  }
0x2f: {  	lr =	sadd.s32 s0, s3;
	s0 =	sld [smem:$0x3FAD]  }
0x30: {  	s3 =	sld [smem:$0x3FB0]  }
0x31: {  	[smem:$0x3FB9] =	sst s10  }
0x32: {  	s10 =	sld [smem:$0x3FB7];
	_ =	sdelay $0x3  }
0x33: {  	p0 =	seq.s32 s10, $0x1;
	s10 =	sld [smem:$0x3FB9];
	_ =	sdelay $0x3  }
0x34: {  	[smem:$0x3FB9] =	sst s10  }
0x35: {  	s10 =	sld [smem:$0x3FB8];
	_ =	sdelay $0x3  }
0x36: {  	p1 =	seq.s32 s10, $0x1;
	s10 =	sld [smem:$0x3FB9];
	_ =	sdelay $0x3  }
0x37: {  	[smem:$0x3FB9] =	sst s10  }
0x38: {  	s10 =	sld [smem:$0x3FBA]  }
0x39: {  	_ = 	snop;
	(pc) =	sbr.ind lr, $3  }
0x3a: {  	_ = 	snop  }
0x3b: {  	_ = 	snop  }
0x3c: {  	p2 =	seq.s32 s10, $0x1;
	s10 =	sld [smem:$0x3FB9]  }
0x3d: {  	_ =	shalt  }
0x3e: {  	_ =	shalt  }
0x3f: {  	_ =	shalt  }
0x40: {  	_ =	shalt  }
0x41: {  	_ =	shalt  }
0x42: {  	_ =	shalt  }
0x43: {  	_ =	shalt  }
0x44: {  	_ =	shalt  }
0x45: {  	_ =	shalt  }
0x46: {  	_ =	shalt  }
0x47: {  	_ =	shalt  }
0x48: {  	_ =	shalt  }
0x49: {  	_ =	shalt  }
0x4a: {  	_ =	shalt  }
0x4b: {  	_ =	shalt  }
0x4c: {  	_ =	shalt  }
0x4d: {  	_ =	shalt  }
0x4e: {  	_ =	shalt  }
0x4f: {  	_ =	shalt  }
0x50: {  	_ =	shalt  }
0x51: {  	_ =	shalt  }
0x52: {  	_ =	shalt  }
0x53: {  	_ =	shalt  }
0x54: {  	_ =	shalt  }
0x55: {  	_ =	shalt  }
0x56: {  	_ =	shalt  }
0x57: {  	_ =	shalt  }
0x58: {  	_ =	shalt  }
0x59: {  	_ =	shalt  }
0x5a: {  	_ =	shalt  }
0x5b: {  	_ =	shalt  }
0x5c: {  	_ =	shalt  }
0x5d: {  	_ =	shalt  }
0x5e: {  	_ =	shalt  }
0x5f: {  	_ =	shalt  }
0x60: {  	_ =	shalt  }
0x61: {  	_ =	shalt  }
0x62: {  	_ =	shalt  }
0x63: {  	_ =	shalt  }
0x64: {  	_ =	shalt  }
0x65: {  	_ =	shalt  }
0x66: {  	_ =	shalt  }
0x67: {  	_ =	shalt  }
0x68: {  	_ =	shalt  }
0x69: {  	_ =	shalt  }
0x6a: {  	_ =	shalt  }
0x6b: {  	_ =	shalt  }
0x6c: {  	_ =	shalt  }
0x6d: {  	_ =	shalt  }
0x6e: {  	_ =	shalt  }
0x6f: {  	_ =	shalt  }
0x70: {  	_ =	shalt  }
0x71: {  	_ =	shalt  }
0x72: {  	_ =	shalt  }
0x73: {  	_ =	shalt  }
0x74: {  	_ =	shalt  }
0x75: {  	_ =	shalt  }
0x76: {  	_ =	shalt  }
0x77: {  	_ =	shalt  }
0x78: {  	_ =	shalt  }
0x79: {  	_ =	shalt  }
0x7a: {  	_ =	shalt  }
0x7b: {  	_ =	shalt  }
0x7c: {  	_ =	shalt  }
0x7d: {  	_ =	shalt  }
0x7e: {  	_ =	shalt  }
0x7f: {  	_ =	shalt  }
0x80: {  	_ =	shalt  }
0x81: {  	_ =	shalt  }
0x82: {  	_ =	shalt  }
0x83: {  	_ =	shalt  }
0x84: {  	_ =	shalt  }
0x85: {  	_ =	shalt  }
0x86: {  	_ =	shalt  }
0x87: {  	_ =	shalt  }
.Lfunc_end0:
.L_simem_size_0:
called_computation.1_lowered:
.L_overlay_start_0:
0x88: {  	s2 =	sld [smem:$0x3FD9]  }
0x89: {  	s3 =	sld [smem:$0x3FFE];
	_ =	sdelay $0x1  }
0x8a: {  	s1 =	srdreg.scid  }
0x8b: {  	s0 =	sand.u32 $0x1, s1  }
0x8c: {  	s17 =	sshll.u32 s0, $0xA;
	s2 =	sadd.s32 s3, s2  }
0x8d: {  	s2 =	sadd.s32 s2, s17  }
0x8e: {  	[smem:$0x3FC5] =	sst s2  }
0x8f: {  	_ = 	snop  }
0x90: {  	s2 =	sld [smem:$0x3FD0];
	(tm) =	ssettm $0x1  }
0x91: {  	s18 =	sld [smem:$0x3FFB];
	_ =	sdelay $0x3  }
0x92: {  	_ =	strace s18  }
0x93: {  	s3 =	sld [smem:$0x3FFC];
	_ =	sdelay $0x3  }
0x94: {  	_ =	strace s3  }
0x95: {  	s3 =	sld [smem:$0x3FFD];
	_ =	sdelay $0x3  }
0x96: {  	_ =	strace s3  }
0x97: {  	_ =	strace $0x8FFFFFFF  }
0x98: {  	s19 =	sld [smem:$0x3FDB];
	_ =	sdelay $0x1  }
0x99: {  	s4 =	simm.s32 $_scs_section_size  }
0x9a: {  	s5 =	simm.s32 $_size__tile_overlayer_lowered;
	s6 =	simm.s32 $_tile_overlayer_lowered  }
0x9b: {  	s22 =	simm.s32 $0x1BFF;
	s21 =	sshll.u32 s6, $0x1;
	s3 =	sadd.s32 s4, s19  }
0x9c: {  	s7 =	simm.s32 $0x0;
	s20 =	sshll.u32 s5, $0x1;
	s5 =	sadd.s32 s21, s3  }
0x9d: {  	[timem:s7], [sflag:s22] =	dma.local [hbm:s5], s20  }
0x9e: {  	_ =	swait.ge [sflag:s22], s20  }
0x9f: {  	s4 =	ssub.s32 $0x0, s20;
	[sflag:s22] =	ssyncset.done $0x0  }
0xa0: {  	[sflag:s22] =	ssyncadd.s32 s4;
	_ =	sdelay $0x1  }
0xa1: {  	s23 =	simm.s32 $0x1B8B  }
0xa2: {  	_ =	swait.ge [sflag:s23], $0x1  }
0xa3: {  	[sflag:s23] =	ssyncset.done $0x0  }
0xa4: {  	s25 =	simm.s32 $0x1B8E;
	s24 =	sld [smem:$0x3FFE];
	[sflag:s23] =	ssyncadd.s32 $0xFFFFFFFF  }
0xa5: {  	s26 =	simm.s32 $execute0_lowered;
	[smem:$0x3FD2] =	sst s25  }
0xa6: {  	s5 =	sshll.u32 s26, $0x1;
	_ =	strace $0x80000049;
	[dreg:$0x1] =	wrdreg $0xFFFFFFFF  }
0xa7: {  	s28 =	simm.s32 $_size_execute0_lowered;
	s3 =	sadd.s32 s3, s5;
	[dreg:$0x0] =	wrdreg $0x0  }
0xa8: {  	s5 =	sshll.u32 s28, $0x1;
	[dreg:$0x2] =	wrdreg s3  }
0xa9: {  	[dreg:$0x3] =	wrdreg s5  }
0xaa: {  	[dreg:$0x4] =	wrdreg $0xC0  }
0xab: {  	_ =	task [dreg:s7], $0x5FFFF  }
0xac: {  	[dreg:$0x1] =	wrdreg $0xFFFFFFFF  }
0xad: {  	[dreg:$0x0] =	wrdreg $0x60  }
0xae: {  	[dreg:$0x2] =	wrdreg s2  }
0xaf: {  	[dreg:$0x3] =	wrdreg s24  }
0xb0: {  	[dreg:$0x4] =	wrdreg $0xB7800  }
0xb1: {  	[dreg:$0x5] =	wrdreg $0x9  }
0xb2: {  	_ =	task.clear_ibuf [dreg:s7], $0x6FFFF;
	_ =	strace $0x90000049  }
0xb3: {  	s29 =	simm.s32 $0x9;
	_ =	strace $0x8000004B  }
0xb4: {  	_ =	swait.ge [sflag:s29], $0x1  }
0xb5: {  	[sflag:s29] =	ssyncadd.s32 $0xFFFFFFFF  }
0xb6: {  	_ =	strace $0x9000004B  }
0xb7: {  	_ =	sfence  }
0xb8: {  	s30 =	sld [smem:$0x0];
	_ =	sdelay $0x2  }
0xb9: {  	s31 =	sshll.u32 s1, $0xD;
	s1 =	sshrl.u32 s1, $0x2  }
0xba: {  	s3 =	sand.u32 $0x4000, s31;
	s1 =	sadd.s32 s1, s30  }
0xbb: {  	s0 =	sor.u32 s3, s0;
	s1 =	sshll.u32 s1, $0x11  }
0xbc: {  	s0 =	sor.u32 s1, s0  }
0xbd: {  	s0 =	sadd.s32 $0x8F2B, s0  }
0xbe: {  	[sflag:s0] =	ssyncadd.remote.s32 $0x1  }
0xbf: {  	_ =	sfence.sel $0xFFFF  }
0xc0: {  	[dreg:$0x0] =	wrdreg $0xFFFFFFFF;
	(pc) =	sbr.abs _section_cstart, $3  }
0xc1: {  	[dreg:$0x1] =	wrdreg $0xFFFFFFFF  }
0xc2: {  	_ =	task.clear_ibuf [dreg:s7], $0x2FFFF;
	_ =	strace $0x9FFFFFFF  }
0xc3: {  	(tm) =	ssettm $0x7FFFFFFF  }
tec
execute0_lowered:
.L_overlay_start_1:
0x0: {  	(tag) =	ssettag $0x1  }
0x1: {  	s1 =	rddreg [dreg:$0x0]  }
0x2: {  	s6 =	rddreg [dreg:$0x1]  }
0x3: {  	s3 =	rddreg [dreg:$0x2]  }
0x4: {  	s0 =	rddreg [dreg:$0x3]  }
0x5: {  	s4 =	srdreg.scid;
	s2 =	stileid.u32  }
0x6: {  	s15 =	simm.s32 $0x7780;
	s16 =	simm.s32 $0x3;
	s17 =	simm.s32 $0x2800  }
0x7: {  	s18 =	simm.s32 $0x80;
	s19 =	simm.s32 $0x400;
	s20 =	simm.s32 $0x5000  }
0x8: {  	s21 =	simm.s32 $0x40;
	s22 =	simm.s32 $0x9780;
	s23 =	simm.s32 $0x1  }
0x9: {  	s5 =	sand.u32 $0x1, s4;
	s8 =	sshrl.u32 s2, $0x2;
	s10 =	smul.u32 $0x278, s2  }
0xa: {  	s7 =	sshll.u32 s2, $0x1;
	s4 =	simm.s32 $0x0;
	s8 =	smul.u32 $0x13C00, s8  }
0xb: {  	s7 =	sor.u32 s5, s7;
	[smem:$0x7FF] =	sst s4;
	s25 =	smul.u32 $0x138800, s5  }
0xc: {  	s30 =	ssub.s32 $0x2, s5;
	s9 =	sshll.u32 s7, $0x7;
	_ =	strace $0x8000004A  }
0xd: {  	s7 =	smul.u32 $0x500, s7;
	s24 =	smin.u32 s10, $0x2498;
	s31 =	sshrl.u32 s30, $0x1  }
0xe: {  	s9 =	sand.u32 $0x380, s9;
	s28 =	sshll.u32 s24, $0x7;
	s14 =	ssub.s32 s30, s31  }
0xf: {  	s24 =	simm.s32 $0x2;
	s8 =	sor.u32 s8, s9;
	s11 =	sadd.s32 s7, s6  }
0x10: {  	s29 =	sadd.s32 s25, s28;
	s5 =	sadd.s32 s28, s3;
	s14 =	smax.u32 s14, $0x1  }
0x11: {  	s26 =	sshrl.u32 s8, $0x3;
	s7 =	sshrl.u32 s29, $0x3;
	s8 =	sadd.s32 $0xC000, s5  }
0x12: {  	s9 =	sadd.s32 $0x10000, s5;
	s10 =	sadd.s32 $0xA600, s11;
	s11 =	sadd.s32 $0x14600, s11  }
0x13: {  	s12 =	sadd.s32 s26, s6;
	s13 =	sadd.s32 s7, s6;
	s6 =	sadd.s32 $0x4000, s5  }
0x14: {  	v0 =	vimm.f32 $0.0e+00;
	s7 =	sadd.s32 $0x8000, s5;
	s12 =	sadd.s32 $0x800, s12;
	s13 =	sadd.s32 $0x1E600, s13  }
.LBB2_1:
0x15: {  	s25 =	simm.s32 $0x0;
	s26 =	simm.s32 $0x200  }
.LBB2_2:
0x16: {  	p0 =	sne.s32 s26, $0xFE00;
	[tilespmem:s25+$0x77F0] =	vst v0  }
0x17: {  	[tilespmem:s25+$0x7780] =	vst v0  }
0x18: {  	[tilespmem:s25+$0x7790] =	vst v0  }
.Ltmp0:
0x19: {  	[tilespmem:s25+$0x77A0] =	vst v0;
	(pc) =	sbr.rel @p0 .LBB2_2-.Ltmp0, $4  }
0x1a: {  	[tilespmem:s25+$0x77B0] =	vst v0  }
0x1b: {  	[tilespmem:s25+$0x77C0] =	vst v0  }
0x1c: {  	[tilespmem:s25+$0x77D0] =	vst v0  }
0x1d: {  	[tilespmem:s25+$0x77E0] =	vst v0;
	s25 =	sshra.s32 s26, $0x2;
	s26 =	sadd.s32 $0x200, s26  }
0x1e: {  	[tilespmem:s25+$0x77F0] =	vst v0  }
0x1f: {  	[tilespmem:s25+$0x7780] =	vst v0  }
0x20: {  	[tilespmem:s25+$0x7790] =	vst v0  }
0x21: {  	[tilespmem:s25+$0x77A0] =	vst v0  }
0x22: {  	[tilespmem:s25+$0x77B0] =	vst v0  }
0x23: {  	[tilespmem:s25+$0x77C0] =	vst v0  }
0x24: {  	[tilespmem:s25+$0x77D0] =	vst v0  }
0x25: {  	[tilespmem:s25+$0x77E0] =	vst v0  }
0x26: {  	[spmem:s5] =	stream.linear.scatter [tilespmem:s15], [sflag:$0x3], $0x4000, $0x38;
	[tilespmem:$0x1F000] =	vst v63  }
0x27: {  	_ =	swait.ge [sflag:s16], $0x4000  }
0x28: {  	[sflag:s16] =	ssyncset.done $0x0  }
0x29: {  	[sflag:s16] =	ssyncadd.s32 $0xFFFFC000  }
0x2a: {  	[spmem:s6] =	stream.linear.scatter [tilespmem:s15], [sflag:$0x3], $0x4000, $0x38;
	[tilespmem:$0x1F000] =	vst v63  }
0x2b: {  	_ =	swait.ge [sflag:s16], $0x4000  }
0x2c: {  	[sflag:s16] =	ssyncset.done $0x0  }
0x2d: {  	[sflag:s16] =	ssyncadd.s32 $0xFFFFC000  }
0x2e: {  	[spmem:s7] =	stream.linear.scatter [tilespmem:s15], [sflag:$0x3], $0x4000, $0x38;
	[tilespmem:$0x1F000] =	vst v63  }
0x2f: {  	_ =	swait.ge [sflag:s16], $0x4000  }
0x30: {  	[sflag:s16] =	ssyncset.done $0x0  }
0x31: {  	[sflag:s16] =	ssyncadd.s32 $0xFFFFC000  }
0x32: {  	[spmem:s8] =	stream.linear.scatter [tilespmem:s15], [sflag:$0x3], $0x4000, $0x38;
	[tilespmem:$0x1F000] =	vst v63  }
0x33: {  	_ =	swait.ge [sflag:s16], $0x4000  }
0x34: {  	[sflag:s16] =	ssyncset.done $0x0  }
0x35: {  	[sflag:s16] =	ssyncadd.s32 $0xFFFFC000  }
0x36: {  	[spmem:s9] =	stream.linear.scatter [tilespmem:s15], [sflag:$0x3], $0x3C00, $0x38;
	[tilespmem:$0x1F000] =	vst v63  }
0x37: {  	_ =	swait.ge [sflag:s16], $0x3C00  }
0x38: {  	[sflag:s16] =	ssyncset.done $0x0  }
0x39: {  	[sflag:s16] =	ssyncadd.s32 $0xFFFFC400  }
0x3a: {  	s25 =	simm.s32 $0x0;
	[bflag:$0x0] =	sbarrier.arrive $0xFFFF  }
0x3b: {  	[tilespmem:s25], [sflag:$0x3] =	stream.linear.gather [hbm4b:s10+s25], $0x2780, $0x38;
	[tilespmem:$0x1F000] =	vst v63  }
0x3c: {  	_ =	swait.ge [sflag:s16], $0x2780  }
0x3d: {  	[sflag:s16] =	ssyncset.done $0x0  }
0x3e: {  	[sflag:s16] =	ssyncadd.s32 $0xFFFFD880  }
0x3f: {  	[tilespmem:s17], [sflag:$0x3] =	stream.linear.gather [hbm4b:s11+s25], $0x2780, $0x38;
	[tilespmem:$0x1F000] =	vst v63  }
0x40: {  	_ =	swait.ge [sflag:s16], $0x2780  }
0x41: {  	[sflag:s16] =	ssyncset.done $0x0  }
0x42: {  	[sflag:s16] =	ssyncadd.s32 $0xFFFFD880  }
0x43: {  	[tilespmem:s20], [sflag:$0x3] =	stream.strided.gather [hbm4b:s12+s18], $0x2780, s19, s18, $0x38;
	[tilespmem:$0x1F000] =	vst v63  }
0x44: {  	_ =	swait.ge [sflag:s16], $0x2780  }
0x45: {  	[sflag:s16] =	ssyncset.done $0x0  }
0x46: {  	[sflag:s16] =	ssyncadd.s32 $0xFFFFD880  }
.LBB2_4:
0x47: {  	s26 =	sshll.u32 s25, $0x7  }
0x48: {  	[tilespmem:s15], [sflag:$0x1] =	stream.indirect.gather [hbm4b:s1+s21], $0x80, s26, s21, $0xb8;
	[tilespmem:$0x1F000] =	vst v63  }
0x49: {  	s28 =	sor.u32 $0x40, s26  }
0x4a: {  	[tilespmem:s22], [sflag:$0x2] =	stream.indirect.gather [hbm4b:s1+s21], $0x80, s28, s21, $0xb8;
	[tilespmem:$0x1F000] =	vst v63  }
0x4b: {  	_ =	swait.ge [sflag:s23], $0x2000  }
0x4c: {  	[sflag:s23] =	ssyncset.done $0x0  }
0x4d: {  	s28 =	sadd.s32 $0x5000, s26;
	[sflag:s23] =	ssyncadd.s32 $0xFFFFE000  }
0x4e: {  	v1 =	vmov s28;
	_ =	swait.ge [sflag:s24], $0x2000  }
0x4f: {  	[sflag:s24] =	ssyncset.done $0x0  }
0x50: {  	s28 =	simm.s32 $0x0;
	[sflag:s24] =	ssyncadd.s32 $0xFFFFE000  }
.LBB2_5:
0x51: {  	s29 =	sshll.u32 s28, $0x4  }
0x52: {  	s29 =	sand.u32 $0x3FFFFFF0, s29  }
0x53: {  	s31 =	sshll.u32 s28, $0xB;
	v2 =	vld.idx.msk [tilespmem:v1+s29+$0x0 ss:$0x1], $0xffff  }
0x54: {  	s29 =	sand.u32 $0x3FFFF800, s31  }
0x55: {  	v3 =	vld [tilespmem:s29+$0x7780]  }
0x56: {  	v4 =	vld [tilespmem:s29+$0x7790]  }
0x57: {  	v5 =	vld [tilespmem:s29+$0x77A0]  }
0x58: {  	v7 =	vld [tilespmem:s29+$0x77B0];
	v6 =	vbroadcast v2, $0x0  }
0x59: {  	v8 =	vld [tilespmem:s29+$0x77C0]  }
0x5a: {  	v9 =	vld [tilespmem:s29+$0x77D0];
	v3 =	vmul.f32 v6, v3  }
0x5b: {  	v10 =	vld [tilespmem:s29+$0x77E0];
	v4 =	vmul.f32 v4, v6  }
0x5c: {  	v24 =	vld [tilespmem:s29+$0x77F0];
	[tilespmem:s29+$0x7780] =	vst v3;
	v3 =	vmul.f32 v5, v6  }
0x5d: {  	v26 =	vld [tilespmem:s29+$0x7800];
	v25 =	vmul.f32 v7, v6;
	[tilespmem:s29+$0x7790] =	vst v4  }
0x5e: {  	v27 =	vld [tilespmem:s29+$0x7810];
	[tilespmem:s29+$0x77A0] =	vst v3;
	v3 =	vmul.f32 v8, v6  }
0x5f: {  	v29 =	vld [tilespmem:s29+$0x7820];
	v28 =	vmul.f32 v9, v6;
	[tilespmem:s29+$0x77B0] =	vst v25  }
0x60: {  	v11 =	vld [tilespmem:s29+$0x7830];
	v30 =	vbroadcast v2, $0x1;
	[tilespmem:s29+$0x77C0] =	vst v3;
	v3 =	vmul.f32 v10, v6  }
0x61: {  	v32 =	vld [tilespmem:s29+$0x7840];
	v31 =	vmul.f32 v24, v6;
	[tilespmem:s29+$0x77D0] =	vst v28  }
0x62: {  	v33 =	vld [tilespmem:s29+$0x7850];
	[tilespmem:s29+$0x77E0] =	vst v3;
	v3 =	vmul.f32 v26, v30  }
0x63: {  	v35 =	vld [tilespmem:s29+$0x7860];
	v34 =	vmul.f32 v27, v30;
	[tilespmem:s29+$0x77F0] =	vst v31  }
0x64: {  	v36 =	vld [tilespmem:s29+$0x7870];
	[tilespmem:s29+$0x7800] =	vst v3;
	v3 =	vmul.f32 v29, v30  }
0x65: {  	v38 =	vld [tilespmem:s29+$0x7880];
	v37 =	vmul.f32 v11, v30;
	[tilespmem:s29+$0x7810] =	vst v34  }
0x66: {  	v39 =	vld [tilespmem:s29+$0x7890];
	[tilespmem:s29+$0x7820] =	vst v3;
	v3 =	vmul.f32 v32, v30  }
0x67: {  	v41 =	vld [tilespmem:s29+$0x78A0];
	v40 =	vmul.f32 v33, v30;
	[tilespmem:s29+$0x7830] =	vst v37  }
0x68: {  	v43 =	vld [tilespmem:s29+$0x78B0];
	v42 =	vbroadcast v2, $0x2;
	[tilespmem:s29+$0x7840] =	vst v3;
	v3 =	vmul.f32 v35, v30  }
0x69: {  	v45 =	vld [tilespmem:s29+$0x78C0];
	v44 =	vmul.f32 v36, v30;
	[tilespmem:s29+$0x7850] =	vst v40  }
0x6a: {  	v46 =	vld [tilespmem:s29+$0x78D0];
	[tilespmem:s29+$0x7860] =	vst v3;
	v3 =	vmul.f32 v38, v42  }
0x6b: {  	v48 =	vld [tilespmem:s29+$0x78E0];
	v47 =	vmul.f32 v39, v42;
	[tilespmem:s29+$0x7870] =	vst v44  }
0x6c: {  	v49 =	vld [tilespmem:s29+$0x78F0];
	[tilespmem:s29+$0x7880] =	vst v3;
	v3 =	vmul.f32 v41, v42  }
0x6d: {  	v51 =	vld [tilespmem:s29+$0x7900];
	v50 =	vmul.f32 v43, v42;
	[tilespmem:s29+$0x7890] =	vst v47  }
0x6e: {  	v52 =	vld [tilespmem:s29+$0x7910];
	[tilespmem:s29+$0x78A0] =	vst v3;
	v3 =	vmul.f32 v45, v42  }
0x6f: {  	v54 =	vld [tilespmem:s29+$0x7920];
	v53 =	vmul.f32 v46, v42;
	[tilespmem:s29+$0x78B0] =	vst v50  }
0x70: {  	v56 =	vld [tilespmem:s29+$0x7930];
	v55 =	vbroadcast v2, $0x3;
	[tilespmem:s29+$0x78C0] =	vst v3;
	v3 =	vmul.f32 v48, v42  }
0x71: {  	v58 =	vld [tilespmem:s29+$0x7940];
	v57 =	vmul.f32 v49, v42;
	[tilespmem:s29+$0x78D0] =	vst v53  }
0x72: {  	v59 =	vld [tilespmem:s29+$0x7950];
	[tilespmem:s29+$0x78E0] =	vst v3;
	v3 =	vmul.f32 v51, v55  }
0x73: {  	v61 =	vld [tilespmem:s29+$0x7960];
	v60 =	vmul.f32 v52, v55;
	[tilespmem:s29+$0x78F0] =	vst v57  }
0x74: {  	v62 =	vld [tilespmem:s29+$0x7970];
	[tilespmem:s29+$0x7900] =	vst v3;
	v3 =	vmul.f32 v54, v55  }
0x75: {  	v12 =	vld [tilespmem:s29+$0x7980];
	v63 =	vmul.f32 v56, v55;
	[tilespmem:s29+$0x7910] =	vst v60  }
0x76: {  	v13 =	vld [tilespmem:s29+$0x7990];
	[tilespmem:s29+$0x7920] =	vst v3;
	v3 =	vmul.f32 v58, v55  }
0x77: {  	v15 =	vld [tilespmem:s29+$0x79A0];
	v14 =	vmul.f32 v59, v55;
	[tilespmem:s29+$0x7930] =	vst v63  }
0x78: {  	v17 =	vld [tilespmem:s29+$0x79B0];
	v16 =	vbroadcast v2, $0x4;
	[tilespmem:s29+$0x7940] =	vst v3;
	v3 =	vmul.f32 v61, v55  }
0x79: {  	v19 =	vld [tilespmem:s29+$0x79C0];
	v18 =	vmul.f32 v62, v55;
	[tilespmem:s29+$0x7950] =	vst v14  }
0x7a: {  	v20 =	vld [tilespmem:s29+$0x79D0];
	[tilespmem:s29+$0x7960] =	vst v3;
	v3 =	vmul.f32 v12, v16  }
0x7b: {  	v22 =	vld [tilespmem:s29+$0x79E0];
	v21 =	vmul.f32 v13, v16;
	[tilespmem:s29+$0x7970] =	vst v18  }
0x7c: {  	v23 =	vld [tilespmem:s29+$0x79F0];
	[tilespmem:s29+$0x7980] =	vst v3;
	v3 =	vmul.f32 v15, v16  }
0x7d: {  	v24 =	vmul.f32 v17, v16;
	[tilespmem:s29+$0x7990] =	vst v21;
	v25 =	vld [tilespmem:s29+$0x7A00]  }
0x7e: {  	v33 =	vld [tilespmem:s29+$0x7A50];
	[tilespmem:s29+$0x79A0] =	vst v3;
	v3 =	vmul.f32 v19, v16  }
0x7f: {  	v27 =	vmul.f32 v20, v16;
	[tilespmem:s29+$0x79B0] =	vst v24;
	v28 =	vld [tilespmem:s29+$0x7A20]  }
0x80: {  	v36 =	vld [tilespmem:s29+$0x7A70];
	v29 =	vbroadcast v2, $0x5;
	[tilespmem:s29+$0x79C0] =	vst v3;
	v3 =	vmul.f32 v22, v16  }
0x81: {  	[tilespmem:s29+$0x79D0] =	vst v27;
	v31 =	vmul.f32 v23, v16;
	v32 =	vld [tilespmem:s29+$0x7A40]  }
0x82: {  	v26 =	vld [tilespmem:s29+$0x7A10];
	[tilespmem:s29+$0x79E0] =	vst v3;
	v3 =	vmul.f32 v25, v29  }
0x83: {  	[tilespmem:s29+$0x79F0] =	vst v31;
	v40 =	vmul.f32 v33, v29;
	v35 =	vld [tilespmem:s29+$0x7A60]  }
0x84: {  	v30 =	vld [tilespmem:s29+$0x7A30];
	[tilespmem:s29+$0x7A00] =	vst v3;
	v3 =	vmul.f32 v28, v29  }
0x85: {  	v44 =	vmul.f32 v36, v29;
	[tilespmem:s29+$0x7A50] =	vst v40;
	v38 =	vld [tilespmem:s29+$0x7A80]  }
0x86: {  	v39 =	vld [tilespmem:s29+$0x7A90];
	[tilespmem:s29+$0x7A20] =	vst v3;
	v3 =	vmul.f32 v32, v29  }
0x87: {  	v34 =	vmul.f32 v26, v29;
	[tilespmem:s29+$0x7A70] =	vst v44;
	v41 =	vld [tilespmem:s29+$0x7AA0]  }
0x88: {  	v43 =	vld [tilespmem:s29+$0x7AB0];
	v42 =	vbroadcast v2, $0x6;
	[tilespmem:s29+$0x7A40] =	vst v3;
	v3 =	vmul.f32 v35, v29  }
0x89: {  	[tilespmem:s29+$0x7A10] =	vst v34;
	v37 =	vmul.f32 v30, v29;
	v45 =	vld [tilespmem:s29+$0x7AC0]  }
0x8a: {  	v46 =	vld [tilespmem:s29+$0x7AD0];
	[tilespmem:s29+$0x7A60] =	vst v3;
	v3 =	vmul.f32 v38, v42  }
0x8b: {  	[tilespmem:s29+$0x7A30] =	vst v37;
	v48 =	vld [tilespmem:s29+$0x7AE0];
	v47 =	vmul.f32 v39, v42  }
0x8c: {  	v49 =	vld [tilespmem:s29+$0x7AF0];
	[tilespmem:s29+$0x7A80] =	vst v3;
	v3 =	vmul.f32 v41, v42  }
0x8d: {  	v50 =	vmul.f32 v43, v42;
	v51 =	vld [tilespmem:s29+$0x7B00];
	[tilespmem:s29+$0x7A90] =	vst v47  }
0x8e: {  	v52 =	vld [tilespmem:s29+$0x7B10];
	[tilespmem:s29+$0x7AA0] =	vst v3;
	v3 =	vmul.f32 v45, v42  }
0x8f: {  	v53 =	vmul.f32 v46, v42;
	[tilespmem:s29+$0x7AB0] =	vst v50;
	v54 =	vld [tilespmem:s29+$0x7B20]  }
0x90: {  	v56 =	vld [tilespmem:s29+$0x7B30];
	v55 =	vbroadcast v2, $0x7;
	[tilespmem:s29+$0x7AC0] =	vst v3;
	v3 =	vmul.f32 v48, v42  }
0x91: {  	v57 =	vmul.f32 v49, v42;
	[tilespmem:s29+$0x7AD0] =	vst v53;
	v58 =	vld [tilespmem:s29+$0x7B40]  }
0x92: {  	v59 =	vld [tilespmem:s29+$0x7B50];
	[tilespmem:s29+$0x7AE0] =	vst v3;
	v3 =	vmul.f32 v51, v55  }
0x93: {  	[tilespmem:s29+$0x7AF0] =	vst v57;
	v61 =	vld [tilespmem:s29+$0x7B60];
	v60 =	vmul.f32 v52, v55  }
0x94: {  	v62 =	vld [tilespmem:s29+$0x7B70];
	[tilespmem:s29+$0x7B00] =	vst v3;
	v3 =	vmul.f32 v54, v55  }
0x95: {  	v63 =	vmul.f32 v56, v55;
	v12 =	vld [tilespmem:s29+$0x7B80];
	[tilespmem:s29+$0x7B10] =	vst v60  }
0x96: {  	v13 =	vld [tilespmem:s29+$0x7B90];
	[tilespmem:s29+$0x7B20] =	vst v3;
	v3 =	vmul.f32 v58, v55  }
0x97: {  	v14 =	vmul.f32 v59, v55;
	[tilespmem:s29+$0x7B30] =	vst v63;
	v15 =	vld [tilespmem:s29+$0x7BA0]  }
0x98: {  	v17 =	vld [tilespmem:s29+$0x7BB0];
	v16 =	vbroadcast v2, $0x8;
	[tilespmem:s29+$0x7B40] =	vst v3;
	v3 =	vmul.f32 v61, v55  }
0x99: {  	v18 =	vmul.f32 v62, v55;
	[tilespmem:s29+$0x7B50] =	vst v14;
	v19 =	vld [tilespmem:s29+$0x7BC0]  }
0x9a: {  	v20 =	vld [tilespmem:s29+$0x7BD0];
	[tilespmem:s29+$0x7B60] =	vst v3;
	v3 =	vmul.f32 v12, v16  }
0x9b: {  	[tilespmem:s29+$0x7B70] =	vst v18;
	v22 =	vld [tilespmem:s29+$0x7BE0];
	v21 =	vmul.f32 v13, v16  }
0x9c: {  	v23 =	vld [tilespmem:s29+$0x7BF0];
	[tilespmem:s29+$0x7B80] =	vst v3;
	v3 =	vmul.f32 v15, v16  }
0x9d: {  	v24 =	vmul.f32 v17, v16;
	v25 =	vld [tilespmem:s29+$0x7C00];
	[tilespmem:s29+$0x7B90] =	vst v21  }
0x9e: {  	v26 =	vld [tilespmem:s29+$0x7C10];
	[tilespmem:s29+$0x7BA0] =	vst v3;
	v3 =	vmul.f32 v19, v16  }
0x9f: {  	v27 =	vmul.f32 v20, v16;
	[tilespmem:s29+$0x7BB0] =	vst v24;
	v28 =	vld [tilespmem:s29+$0x7C20]  }
0xa0: {  	v30 =	vld [tilespmem:s29+$0x7C30];
	v29 =	vbroadcast v2, $0x9;
	[tilespmem:s29+$0x7BC0] =	vst v3;
	v3 =	vmul.f32 v22, v16  }
0xa1: {  	v31 =	vmul.f32 v23, v16;
	[tilespmem:s29+$0x7BD0] =	vst v27;
	v32 =	vld [tilespmem:s29+$0x7C40]  }
0xa2: {  	v33 =	vld [tilespmem:s29+$0x7C50];
	[tilespmem:s29+$0x7BE0] =	vst v3;
	v3 =	vmul.f32 v25, v29  }
0xa3: {  	[tilespmem:s29+$0x7BF0] =	vst v31;
	v35 =	vld [tilespmem:s29+$0x7C60];
	v34 =	vmul.f32 v26, v29  }
0xa4: {  	v36 =	vld [tilespmem:s29+$0x7C70];
	[tilespmem:s29+$0x7C00] =	vst v3;
	v3 =	vmul.f32 v28, v29  }
0xa5: {  	v37 =	vmul.f32 v30, v29;
	v38 =	vld [tilespmem:s29+$0x7C80];
	[tilespmem:s29+$0x7C10] =	vst v34  }
0xa6: {  	v39 =	vld [tilespmem:s29+$0x7C90];
	[tilespmem:s29+$0x7C20] =	vst v3;
	v3 =	vmul.f32 v32, v29  }
0xa7: {  	v40 =	vmul.f32 v33, v29;
	[tilespmem:s29+$0x7C30] =	vst v37;
	v41 =	vld [tilespmem:s29+$0x7CA0]  }
0xa8: {  	v43 =	vld [tilespmem:s29+$0x7CB0];
	v42 =	vbroadcast v2, $0xA;
	[tilespmem:s29+$0x7C40] =	vst v3;
	v3 =	vmul.f32 v35, v29  }
0xa9: {  	v44 =	vmul.f32 v36, v29;
	[tilespmem:s29+$0x7C50] =	vst v40;
	v45 =	vld [tilespmem:s29+$0x7CC0]  }
0xaa: {  	v46 =	vld [tilespmem:s29+$0x7CD0];
	[tilespmem:s29+$0x7C60] =	vst v3;
	v3 =	vmul.f32 v38, v42  }
0xab: {  	[tilespmem:s29+$0x7C70] =	vst v44;
	v48 =	vld [tilespmem:s29+$0x7CE0];
	v47 =	vmul.f32 v39, v42  }
0xac: {  	v49 =	vld [tilespmem:s29+$0x7CF0];
	[tilespmem:s29+$0x7C80] =	vst v3;
	v3 =	vmul.f32 v41, v42  }
0xad: {  	v50 =	vmul.f32 v43, v42;
	v51 =	vld [tilespmem:s29+$0x7D00];
	[tilespmem:s29+$0x7C90] =	vst v47  }
0xae: {  	v52 =	vld [tilespmem:s29+$0x7D10];
	[tilespmem:s29+$0x7CA0] =	vst v3;
	v3 =	vmul.f32 v45, v42  }
0xaf: {  	v53 =	vmul.f32 v46, v42;
	[tilespmem:s29+$0x7CB0] =	vst v50;
	v54 =	vld [tilespmem:s29+$0x7D20]  }
0xb0: {  	v56 =	vld [tilespmem:s29+$0x7D30];
	v55 =	vbroadcast v2, $0xB;
	[tilespmem:s29+$0x7CC0] =	vst v3;
	v3 =	vmul.f32 v48, v42  }
0xb1: {  	v57 =	vmul.f32 v49, v42;
	[tilespmem:s29+$0x7CD0] =	vst v53;
	v58 =	vld [tilespmem:s29+$0x7D40]  }
0xb2: {  	v59 =	vld [tilespmem:s29+$0x7D50];
	[tilespmem:s29+$0x7CE0] =	vst v3;
	v3 =	vmul.f32 v51, v55  }
0xb3: {  	[tilespmem:s29+$0x7CF0] =	vst v57;
	v61 =	vld [tilespmem:s29+$0x7D60];
	v60 =	vmul.f32 v52, v55  }
0xb4: {  	v62 =	vld [tilespmem:s29+$0x7D70];
	[tilespmem:s29+$0x7D00] =	vst v3;
	v3 =	vmul.f32 v54, v55  }
0xb5: {  	v63 =	vmul.f32 v56, v55;
	v12 =	vld [tilespmem:s29+$0x7D80];
	[tilespmem:s29+$0x7D10] =	vst v60  }
0xb6: {  	v13 =	vld [tilespmem:s29+$0x7D90];
	[tilespmem:s29+$0x7D20] =	vst v3;
	v3 =	vmul.f32 v58, v55  }
0xb7: {  	v14 =	vmul.f32 v59, v55;
	[tilespmem:s29+$0x7D30] =	vst v63;
	v15 =	vld [tilespmem:s29+$0x7DA0]  }
0xb8: {  	v17 =	vld [tilespmem:s29+$0x7DB0];
	v16 =	vbroadcast v2, $0xC;
	[tilespmem:s29+$0x7D40] =	vst v3;
	v3 =	vmul.f32 v61, v55  }
0xb9: {  	v18 =	vmul.f32 v62, v55;
	[tilespmem:s29+$0x7D50] =	vst v14;
	v19 =	vld [tilespmem:s29+$0x7DC0]  }
0xba: {  	v20 =	vld [tilespmem:s29+$0x7DD0];
	[tilespmem:s29+$0x7D60] =	vst v3;
	v3 =	vmul.f32 v12, v16  }
0xbb: {  	[tilespmem:s29+$0x7D70] =	vst v18;
	v22 =	vld [tilespmem:s29+$0x7DE0];
	v21 =	vmul.f32 v13, v16  }
0xbc: {  	v23 =	vld [tilespmem:s29+$0x7DF0];
	[tilespmem:s29+$0x7D80] =	vst v3;
	v3 =	vmul.f32 v15, v16  }
0xbd: {  	v24 =	vmul.f32 v17, v16;
	v25 =	vld [tilespmem:s29+$0x7E00];
	[tilespmem:s29+$0x7D90] =	vst v21  }
0xbe: {  	v26 =	vld [tilespmem:s29+$0x7E10];
	[tilespmem:s29+$0x7DA0] =	vst v3;
	v3 =	vmul.f32 v19, v16  }
0xbf: {  	v27 =	vmul.f32 v20, v16;
	[tilespmem:s29+$0x7DB0] =	vst v24;
	v28 =	vld [tilespmem:s29+$0x7E20]  }
0xc0: {  	v30 =	vld [tilespmem:s29+$0x7E30];
	v29 =	vbroadcast v2, $0xD;
	[tilespmem:s29+$0x7DC0] =	vst v3;
	v3 =	vmul.f32 v22, v16  }
0xc1: {  	v31 =	vmul.f32 v23, v16;
	[tilespmem:s29+$0x7DD0] =	vst v27;
	v32 =	vld [tilespmem:s29+$0x7E40]  }
0xc2: {  	v33 =	vld [tilespmem:s29+$0x7E50];
	[tilespmem:s29+$0x7DE0] =	vst v3;
	v3 =	vmul.f32 v25, v29  }
0xc3: {  	[tilespmem:s29+$0x7DF0] =	vst v31;
	v35 =	vld [tilespmem:s29+$0x7E60];
	v34 =	vmul.f32 v26, v29  }
0xc4: {  	v36 =	vld [tilespmem:s29+$0x7E70];
	[tilespmem:s29+$0x7E00] =	vst v3;
	v3 =	vmul.f32 v28, v29  }
0xc5: {  	v37 =	vmul.f32 v30, v29;
	v38 =	vld [tilespmem:s29+$0x7E80];
	[tilespmem:s29+$0x7E10] =	vst v34  }
0xc6: {  	v39 =	vld [tilespmem:s29+$0x7E90];
	[tilespmem:s29+$0x7E20] =	vst v3;
	v3 =	vmul.f32 v32, v29  }
0xc7: {  	v40 =	vmul.f32 v33, v29;
	[tilespmem:s29+$0x7E30] =	vst v37;
	v41 =	vld [tilespmem:s29+$0x7EA0]  }
0xc8: {  	v43 =	vld [tilespmem:s29+$0x7EB0];
	v42 =	vbroadcast v2, $0xE;
	[tilespmem:s29+$0x7E40] =	vst v3;
	v3 =	vmul.f32 v35, v29  }
0xc9: {  	v44 =	vmul.f32 v36, v29;
	[tilespmem:s29+$0x7E50] =	vst v40;
	v45 =	vld [tilespmem:s29+$0x7EC0]  }
0xca: {  	v46 =	vld [tilespmem:s29+$0x7ED0];
	[tilespmem:s29+$0x7E60] =	vst v3;
	v3 =	vmul.f32 v38, v42  }
0xcb: {  	[tilespmem:s29+$0x7E70] =	vst v44;
	v48 =	vld [tilespmem:s29+$0x7EE0];
	v47 =	vmul.f32 v39, v42  }
0xcc: {  	v49 =	vld [tilespmem:s29+$0x7EF0];
	[tilespmem:s29+$0x7E80] =	vst v3;
	v3 =	vmul.f32 v41, v42  }
0xcd: {  	v50 =	vmul.f32 v43, v42;
	v51 =	vld [tilespmem:s29+$0x7F00];
	[tilespmem:s29+$0x7E90] =	vst v47  }
0xce: {  	v52 =	vld [tilespmem:s29+$0x7F10];
	[tilespmem:s29+$0x7EA0] =	vst v3;
	v3 =	vmul.f32 v45, v42  }
0xcf: {  	v53 =	vmul.f32 v46, v42;
	[tilespmem:s29+$0x7EB0] =	vst v50;
	v54 =	vld [tilespmem:s29+$0x7F20]  }
0xd0: {  	v2 =	vbroadcast v2, $0xF;
	v58 =	vld [tilespmem:s29+$0x7F50];
	[tilespmem:s29+$0x7EC0] =	vst v3;
	v3 =	vmul.f32 v48, v42  }
0xd1: {  	v57 =	vld [tilespmem:s29+$0x7F40];
	v56 =	vmul.f32 v49, v42;
	[tilespmem:s29+$0x7ED0] =	vst v53  }
0xd2: {  	v55 =	vld [tilespmem:s29+$0x7F30];
	[tilespmem:s29+$0x7EE0] =	vst v3;
	v3 =	vmul.f32 v51, v2  }
0xd3: {  	v60 =	vld [tilespmem:s29+$0x7F60];
	v59 =	vmul.f32 v52, v2;
	[tilespmem:s29+$0x7EF0] =	vst v56  }
0xd4: {  	v61 =	vld [tilespmem:s29+$0x7F70];
	[tilespmem:s29+$0x7F00] =	vst v3;
	v3 =	vmul.f32 v54, v2  }
0xd5: {  	[tilespmem:s29+$0x7F10] =	vst v59;
	v63 =	vmul.f32 v58, v2  }
0xd6: {  	p0 =	sne.s32 s28, $0x7;
	[tilespmem:s29+$0x7F20] =	vst v3;
	v3 =	vmul.f32 v57, v2  }
.Ltmp1:
0xd7: {  	v62 =	vmul.f32 v55, v2;
	[tilespmem:s29+$0x7F50] =	vst v63;
	(pc) =	sbr.rel @p0 .LBB2_5-.Ltmp1, $4  }
0xd8: {  	[tilespmem:s29+$0x7F40] =	vst v3;
	v3 =	vmul.f32 v60, v2  }
0xd9: {  	[tilespmem:s29+$0x7F30] =	vst v62;
	v2 =	vmul.f32 v61, v2  }
0xda: {  	[tilespmem:s29+$0x7F60] =	vst v3  }
0xdb: {  	s28 =	sadd.s32 $0x1, s28;
	[tilespmem:s29+$0x7F70] =	vst v2  }
0xdc: {  	s25 =	sadd.s32 $0x1, s25  }
0xdd: {  	p0 =	sne.s32 s25, $0x4F  }
.Ltmp2:
0xde: {  	s26 =	sadd.s32 $0x2800, s26;
	(pc) =	sbr.rel @p0 .LBB2_4-.Ltmp2, $4  }
0xdf: {  	[spmem:s3] =	stream.indirect.scatter.add.f32 [tilespmem:s15], [sflag:$0x3], $0x80, s26, s18, $0xb8;
	[tilespmem:$0x1F000] =	vst v63  }
0xe0: {  	_ =	swait.ge [sflag:s16], $0x4000  }
0xe1: {  	[sflag:s16] =	ssyncset.done $0x0  }
0xe2: {  	[sflag:s16] =	ssyncadd.s32 $0xFFFFC000  }
0xe3: {  	s4 =	sadd.s32 $0x1, s4  }
0xe4: {  	s25 =	sshll.u32 s2, $0x6;
	[bflag:$0x0] =	sbarrier.arrive $0xFFFF;
	p0 =	sne.s32 s4, s14  }
.Ltmp3:
0xe5: {  	s26 =	sshrl.u32 s5, $0x3;
	s25 =	sor.u32 $0x1C03, s25;
	(pc) =	sbr.rel @p0 .LBB2_1-.Ltmp3, $4  }
0xe6: {  	[hbm:s13], [sflag:s25] =	dma.local [spmem:s26], $0x2780  }
0xe7: {  	_ =	swait.ge [sflag:s16], $0x2780  }
0xe8: {  	[sflag:s16] =	ssyncset.done $0x0  }
0xe9: {  	[sflag:s16] =	ssyncadd.s32 $0xFFFFD880  }
0xea: {  	_ =	sfence.sel $0x180000  }
0xeb: {  	[bflag:$0x0] =	sbarrier.arrive $0xFFFF  }
0xec: {  	p0 =	sne.s32 s2, $0x0;
	_ =	strace $0x9000004A  }
0xed: {  	s0 =	sadd.s32 @!p0 $0x100000, s0;
	[bflag:$0x2] =	sbarrier.arrive $0xFFFF  }
0xee: {  	[sflag:s0] =	ssyncadd.tile.s32 @!p0 $0x1;
	_ =	shalt  }
.Lfunc_end2:
_tile_overlayer_lowered:
.L_overlay_start_2:
0xef: {  	(tag) =	ssettag $0x2  }
0xf0: {  	s0 =	rddreg [dreg:$0x0];
	s2 =	stileid.u32  }
0xf1: {  	s1 =	rddreg [dreg:$0x1];
	p0 =	sne.s32 s2, $0x0  }
0xf2: {  	s3 =	rddreg [dreg:$0x2];
	[bflag:$0x3] =	sbarrier.arrive $0xFFFF;
	s2 =	simm.s32 @!p0 $0x1C03  }
0xf3: {  	[timem:s3], [sflag:s2] =	dma.local @!p0 [hbm:s0], s1  }
0xf4: {  	s0 =	simm.s32 @!p0 $0x3  }
0xf5: {  	_ =	swait.ge @!p0 [sflag:s0], s1  }
0xf6: {  	s1 =	ssub.s32 @!p0 $0x0, s1;
	[sflag:s0] =	ssyncset.done @!p0 $0x0  }
0xf7: {  	[sflag:s0] =	ssyncadd.s32 @!p0 s1  }
0xf8: {  	[bflag:$0x3] =	sbarrier.arrive $0xFFFF  }
0xf9: {  	_ =	shalt  }

</sc_bundles>
